<compile_context>
chip_gen: v7x
topology: tpu7x:2x2x1
jax: 0.10.2.dev20260603
libtpu: 0.0.44.dev20260713+nightly
codegen_flags: <defaults>
</compile_context>

<pallas_src>
import functools

import jax
import jax.numpy as jnp
from jax import lax
from jax.experimental import pallas as pl
from jax.experimental.pallas import tpu as pltpu
from jax.experimental.pallas import tpu_sc as plsc

_B, _N, _H = 128, 128, 32
_MAX_DIST, _MAX_BOND = 37, 4
_NCLS = _MAX_DIST * _MAX_BOND
_NC, _NS = 2, 16
_NW = _NC * _NS
_B_PER_W = _B // _NW
_NPACK = _NCLS * _H // 2
_ROWS = 4
_GROUPS = _ROWS * _N // 16
_PAIRS_PER_B = _N // (2 * _ROWS)


def _build_table(ew_v, dw_v, tab_v):
    iota16 = lax.iota(jnp.int32, 16)
    iota_e = iota16 * 2
    ew_e = [plsc.load_gather(ew_v, [a * _H + iota_e])
            for a in range(1, _MAX_BOND)]
    ew_o = [plsc.load_gather(ew_v, [a * _H + iota_e + 1])
            for a in range(1, _MAX_BOND)]

    def body(d, carry):
        d_e = plsc.load_gather(dw_v, [d * _H + iota_e])
        d_o = plsc.load_gather(dw_v, [d * _H + iota_e + 1])
        for a in range(_MAX_BOND):
            if a == 0:
                v_e, v_o = d_e, d_o
            else:
                v_e, v_o = d_e + ew_e[a - 1], d_o + ew_o[a - 1]
            packed = plsc.pack(v_e, v_o, format=plsc.PackFormat.INTERLEAVED)
            word = plsc.bitcast(packed, jnp.int32)
            plsc.store_scatter(
                tab_v, [iota16 * _NCLS + (d * _MAX_BOND + a)], word)
        return carry

    lax.fori_loop(0, _MAX_DIST, body, 0)


@functools.partial(
    pl.kernel,
    mesh=plsc.VectorSubcoreMesh(core_axis_name="c", subcore_axis_name="s"),
    compiler_params=pltpu.CompilerParams(needs_layout_passes=False),
    out_type=jax.ShapeDtypeStruct((_B, _H, _N, _N), jnp.float32),
    scratch_types=[
        pltpu.VMEM((_MAX_BOND * _H,), jnp.float32),
        pltpu.VMEM((_MAX_DIST * _H,), jnp.float32),
        pltpu.VMEM((_NPACK,), jnp.int32),
        pltpu.VMEM((_N, _N), jnp.int32),
        pltpu.VMEM((_N, _N), jnp.int32),
        pltpu.VMEM((_N, _N), jnp.int32),
        pltpu.VMEM((_N, _N), jnp.int32),
        pltpu.VMEM((_H, _ROWS, _N), jnp.float32),
        pltpu.VMEM((_H, _ROWS, _N), jnp.float32),
        pltpu.SemaphoreType.DMA,
        pltpu.SemaphoreType.DMA,
        pltpu.SemaphoreType.DMA,
    ],
)
def _sc_bias(ew_hbm, dw_hbm, dist_hbm, adj_hbm, out_hbm,
             ew_v, dw_v, tab_v, dist_0, adj_0, dist_1, adj_1, out_a, out_b,
             sem_a, sem_b, sem_in):
    wid = lax.axis_index("s") * _NC + lax.axis_index("c")

    pltpu.sync_copy(ew_hbm, ew_v)
    pltpu.sync_copy(dw_hbm, dw_v)
    _build_table(ew_v, dw_v, tab_v)

    def fill(out_v, row0, dist_v, adj_v):
        def group_body(g, carry):
            rr = g >> 3
            c0 = (g & 7) << 4
            d = dist_v[row0 + rr, pl.ds(c0, 16)]
            a = adj_v[row0 + rr, pl.ds(c0, 16)]
            cidx = d * _MAX_BOND + a
            vals = []
            for h2 in range(_H // 2):
                idx = cidx + h2 * _NCLS if h2 else cidx
                word = plsc.load_gather(tab_v, [idx])
                v_e, v_o = plsc.unpack(
                    plsc.bitcast(word, jnp.bfloat16),
                    format=plsc.PackFormat.INTERLEAVED,
                    preferred_element_type=jnp.float32)
                vals.append(v_e)
                vals.append(v_o)
            for h in range(_H):
                out_v[h, rr, pl.ds(c0, 16)] = vals[h]
            return carry

        lax.fori_loop(0, _GROUPS, group_body, 0)

    def drain(out_v, sem):
        pltpu.make_async_copy(
            out_v, out_hbm.at[0, :, pl.ds(0, _ROWS), :], sem).wait()

    def drain_plane(hbm, plane_v):
        pltpu.make_async_copy(hbm.at[0], plane_v, sem_in).wait()

    b0 = wid * _B_PER_W
    pltpu.async_copy(dist_hbm.at[b0], dist_0, sem_in)
    pltpu.async_copy(adj_hbm.at[b0], adj_0, sem_in)

    for bi in range(_B_PER_W):
        b = b0 + bi
        dist_v, adj_v = (dist_0, adj_0) if bi % 2 == 0 else (dist_1, adj_1)
        drain_plane(dist_hbm, dist_v)
        drain_plane(adj_hbm, adj_v)
        if bi + 1 < _B_PER_W:
            nd, na = (dist_1, adj_1) if bi % 2 == 0 else (dist_0, adj_0)
            pltpu.async_copy(dist_hbm.at[b + 1], nd, sem_in)
            pltpu.async_copy(adj_hbm.at[b + 1], na, sem_in)

        def pair_body(p, carry):
            row0 = p * (2 * _ROWS)

            if bi == 0:
                @pl.when(p > 0)
                def _():
                    drain(out_a, sem_a)
            else:
                drain(out_a, sem_a)

            fill(out_a, row0, dist_v, adj_v)
            pltpu.async_copy(
                out_a, out_hbm.at[b, :, pl.ds(row0, _ROWS), :], sem_a)

            if bi == 0:
                @pl.when(p > 0)
                def _():
                    drain(out_b, sem_b)
            else:
                drain(out_b, sem_b)

            fill(out_b, row0 + _ROWS, dist_v, adj_v)
            pltpu.async_copy(
                out_b, out_hbm.at[b, :, pl.ds(row0 + _ROWS, _ROWS), :], sem_b)
            return carry

        lax.fori_loop(0, _PAIRS_PER_B, pair_body, 0)

    drain(out_a, sem_a)
    drain(out_b, sem_b)


def kernel(distance, adj, edge_weight, distance_weight):
    out = _sc_bias(edge_weight.reshape(-1), distance_weight.reshape(-1),
                   distance.astype(jnp.int32), adj)
    return out

# --- scband reference (transcript-rebuilt; emitter-appended) ---
"""Pipeline reference for scband-attention-bias-1065151889809 (READ-ONLY COPY).

The authoritative reference and input builder live on the scoring server;
editing this copy changes nothing except your own understanding.
"""

import jax, jax.numpy as jnp
import numpy as np

B, N, H = 128, 128, 32
MAX_DIST, MAX_BOND = 37, 4

def setup_inputs(seed: int = 0) -> dict:
    key = jax.random.key(seed)
    k1, k2, k3, k4 = jax.random.split(key, 4)
    distance = jax.random.randint(k1, (B, N, N), 0, MAX_DIST, dtype=jnp.int64) if jax.config.jax_enable_x64 else jax.random.randint(k1, (B, N, N), 0, MAX_DIST, dtype=jnp.int32)
    adj = jax.random.randint(k2, (B, N, N), 0, MAX_BOND, dtype=jnp.int32)
    edge_weight = jax.random.normal(k3, (MAX_BOND, H), dtype=jnp.float32)
    distance_weight = jax.random.normal(k4, (MAX_DIST, H), dtype=jnp.float32)
    return {"distance": distance, "adj": adj, "edge_weight": edge_weight, "distance_weight": distance_weight}

def reference(distance, adj, edge_weight, distance_weight):
    # nn.Embedding(padding_idx=0): row 0 of edge table is zeros
    ew = edge_weight.at[0].set(0.0)
    x1 = jnp.take(ew, adj, axis=0)                 # [B, N, N, H]
    x2 = jnp.take(distance_weight, distance, axis=0)  # [B, N, N, H]
    x1 = jnp.transpose(x1, (0, 3, 1, 2))           # [B, H, N, N]
    x2 = jnp.transpose(x2, (0, 3, 1, 2))
    return x1 + x2

if __name__ == "__main__":
    import jax
    _d = setup_inputs()
    print(jax.jit(kernel)(*tuple(_d.values())))

</pallas_src>

<mosaic_0001>
#map = affine_map<(d0, d1) -> (0)>
#map1 = affine_map<(d0, d1) -> (0, 0, 0)>
#map2 = affine_map<(d0, d1) -> (0, 0, 0, 0)>
module attributes {stable_mosaic.version = 14 : i64} {
  func.func @_sc_bias(%arg0: i32, %arg1: i32, %arg2: memref<128xf32, #tpu.memory_space<hbm>>, %arg3: memref<1184xf32, #tpu.memory_space<hbm>>, %arg4: memref<128x128x128xi32, #tpu.memory_space<hbm>>, %arg5: memref<128x128x128xi32, #tpu.memory_space<hbm>>, %arg6: memref<128x32x128x128xf32, #tpu.memory_space<hbm>>, %arg7: memref<128xf32, #tpu.memory_space<vmem>>, %arg8: memref<1184xf32, #tpu.memory_space<vmem>>, %arg9: memref<2368xi32, #tpu.memory_space<vmem>>, %arg10: memref<128x128xi32, #tpu.memory_space<vmem>>, %arg11: memref<128x128xi32, #tpu.memory_space<vmem>>, %arg12: memref<128x128xi32, #tpu.memory_space<vmem>>, %arg13: memref<128x128xi32, #tpu.memory_space<vmem>>, %arg14: memref<32x4x128xf32, #tpu.memory_space<vmem>>, %arg15: memref<32x4x128xf32, #tpu.memory_space<vmem>>, %arg16: memref<!tpu.dma_semaphore, #tpu.memory_space<semaphore_mem>>, %arg17: memref<!tpu.dma_semaphore, #tpu.memory_space<semaphore_mem>>, %arg18: memref<!tpu.dma_semaphore, #tpu.memory_space<semaphore_mem>>) attributes {dimension_semantics = [#tpu.dimension_semantics<core_parallel>, #tpu.dimension_semantics<subcore_parallel>], iteration_bounds = array<i64: 2, 16>, scalar_prefetch = 0 : i64, scratch_operands = 12 : i64, tpu.core_type = #tpu.core_type<sc_vector_subcore>, window_params = [{transform_indices = #map}, {transform_indices = #map}, {transform_indices = #map1}, {transform_indices = #map1}, {transform_indices = #map2}]} {
    %mul3A = arith.constant 2 : i32
    %mul3A_0 = arith.muli %arg1, %mul3A : i32
    %add3A = arith.addi %mul3A_0, %arg0 : i32
    "tpu.region"() ({
      %run_scoped3A = tpu.sem_alloc : memref<!tpu.dma_semaphore, #tpu.memory_space<semaphore_mem>>
      tpu.enqueue_dma source(%arg2 : memref<128xf32, #tpu.memory_space<hbm>>) target(%arg7 : memref<128xf32, #tpu.memory_space<vmem>>) target_semaphore(%run_scoped3A : memref<!tpu.dma_semaphore, #tpu.memory_space<semaphore_mem>>)
      tpu.wait_dma2 semaphore(%run_scoped3A : memref<!tpu.dma_semaphore, #tpu.memory_space<semaphore_mem>>) src(%arg2 : memref<128xf32, #tpu.memory_space<hbm>>) dst(%arg7 : memref<128xf32, #tpu.memory_space<vmem>>)
      tpu.yield
    }) : () -> ()
    "tpu.region"() ({
      %run_scoped3A = tpu.sem_alloc : memref<!tpu.dma_semaphore, #tpu.memory_space<semaphore_mem>>
      tpu.enqueue_dma source(%arg3 : memref<1184xf32, #tpu.memory_space<hbm>>) target(%arg8 : memref<1184xf32, #tpu.memory_space<vmem>>) target_semaphore(%run_scoped3A : memref<!tpu.dma_semaphore, #tpu.memory_space<semaphore_mem>>)
      tpu.wait_dma2 semaphore(%run_scoped3A : memref<!tpu.dma_semaphore, #tpu.memory_space<semaphore_mem>>) src(%arg3 : memref<1184xf32, #tpu.memory_space<hbm>>) dst(%arg8 : memref<1184xf32, #tpu.memory_space<vmem>>)
      tpu.yield
    }) : () -> ()
    %iota3A = tpu.iota {dimensions = array<i32: 0>} : vector<16xi32>
    %mul3A_1 = arith.constant 2 : i32
    %mul3A_2 = vector.broadcast %mul3A_1 : i32 to vector<16xi32>
    %mul3A_3 = arith.muli %iota3A, %mul3A_2 : vector<16xi32>
    %add3A_4 = arith.constant 32 : i32
    %add3A_5 = vector.broadcast %add3A_4 : i32 to vector<16xi32>
    %add3A_6 = arith.addi %add3A_5, %mul3A_3 : vector<16xi32>
    %gather3A = tpu.vector_load_idx %arg7[%add3A_6] : memref<128xf32, #tpu.memory_space<vmem>>[vector<16xi32>], vector<16xf32>,
    %add3A_7 = arith.constant 64 : i32
    %add3A_8 = vector.broadcast %add3A_7 : i32 to vector<16xi32>
    %add3A_9 = arith.addi %add3A_8, %mul3A_3 : vector<16xi32>
    %gather3A_10 = tpu.vector_load_idx %arg7[%add3A_9] : memref<128xf32, #tpu.memory_space<vmem>>[vector<16xi32>], vector<16xf32>,
    %add3A_11 = arith.constant 96 : i32
    %add3A_12 = vector.broadcast %add3A_11 : i32 to vector<16xi32>
    %add3A_13 = arith.addi %add3A_12, %mul3A_3 : vector<16xi32>
    %gather3A_14 = tpu.vector_load_idx %arg7[%add3A_13] : memref<128xf32, #tpu.memory_space<vmem>>[vector<16xi32>], vector<16xf32>,
    %add3A_15 = arith.constant 32 : i32
    %add3A_16 = vector.broadcast %add3A_15 : i32 to vector<16xi32>
    %add3A_17 = arith.addi %add3A_16, %mul3A_3 : vector<16xi32>
    %add3A_18 = arith.constant 1 : i32
    %add3A_19 = vector.broadcast %add3A_18 : i32 to vector<16xi32>
    %add3A_20 = arith.addi %add3A_17, %add3A_19 : vector<16xi32>
    %gather3A_21 = tpu.vector_load_idx %arg7[%add3A_20] : memref<128xf32, #tpu.memory_space<vmem>>[vector<16xi32>], vector<16xf32>,
    %add3A_22 = arith.constant 64 : i32
    %add3A_23 = vector.broadcast %add3A_22 : i32 to vector<16xi32>
    %add3A_24 = arith.addi %add3A_23, %mul3A_3 : vector<16xi32>
    %add3A_25 = arith.constant 1 : i32
    %add3A_26 = vector.broadcast %add3A_25 : i32 to vector<16xi32>
    %add3A_27 = arith.addi %add3A_24, %add3A_26 : vector<16xi32>
    %gather3A_28 = tpu.vector_load_idx %arg7[%add3A_27] : memref<128xf32, #tpu.memory_space<vmem>>[vector<16xi32>], vector<16xf32>,
    %add3A_29 = arith.constant 96 : i32
    %add3A_30 = vector.broadcast %add3A_29 : i32 to vector<16xi32>
    %add3A_31 = arith.addi %add3A_30, %mul3A_3 : vector<16xi32>
    %add3A_32 = arith.constant 1 : i32
    %add3A_33 = vector.broadcast %add3A_32 : i32 to vector<16xi32>
    %add3A_34 = arith.addi %add3A_31, %add3A_33 : vector<16xi32>
    %gather3A_35 = tpu.vector_load_idx %arg7[%add3A_34] : memref<128xf32, #tpu.memory_space<vmem>>[vector<16xi32>], vector<16xf32>,
    %scan3A = arith.constant 0 : i32
    %scan3A_36 = arith.constant 0 : i32
    %scan3A_37 = arith.constant 37 : i32
    %scan3A_38 = arith.addi %scan3A_36, %scan3A_37 : i32
    %scan3A_39 = arith.constant 1 : i32
    scf.for %scan3A_243 = %scan3A_36 to %scan3A_38 step %scan3A_39  : i32 {
      %mul3A_244 = arith.constant 32 : i32
      %mul3A_245 = arith.muli %scan3A_243, %mul3A_244 : i32
      %add3A_246 = vector.broadcast %mul3A_245 : i32 to vector<16xi32>
      %add3A_247 = arith.addi %add3A_246, %mul3A_3 : vector<16xi32>
      %gather3A_248 = tpu.vector_load_idx %arg8[%add3A_247] : memref<1184xf32, #tpu.memory_space<vmem>>[vector<16xi32>], vector<16xf32>,
      %mul3A_249 = arith.constant 32 : i32
      %mul3A_250 = arith.muli %scan3A_243, %mul3A_249 : i32
      %add3A_251 = vector.broadcast %mul3A_250 : i32 to vector<16xi32>
      %add3A_252 = arith.addi %add3A_251, %mul3A_3 : vector<16xi32>
      %add3A_253 = arith.constant 1 : i32
      %add3A_254 = vector.broadcast %add3A_253 : i32 to vector<16xi32>
      %add3A_255 = arith.addi %add3A_252, %add3A_254 : vector<16xi32>
      %gather3A_256 = tpu.vector_load_idx %arg8[%add3A_255] : memref<1184xf32, #tpu.memory_space<vmem>>[vector<16xi32>], vector<16xf32>,
      %pack3A = tpu.pack_subelements %gather3A_248, %gather3A_256 {pack_format = #tpu.pack_format<interleaved>, positions = array<i32: 0, 1>} : vector<16xf32>, vector<16xf32> -> vector<32xbf16>
      %bitcast3A = vector.bitcast %pack3A : vector<32xbf16> to vector<16xi32>
      %mul3A_257 = arith.constant 148 : i32
      %mul3A_258 = vector.broadcast %mul3A_257 : i32 to vector<16xi32>
      %mul3A_259 = arith.muli %iota3A, %mul3A_258 : vector<16xi32>
      %mul3A_260 = arith.constant 4 : i32
      %mul3A_261 = arith.muli %scan3A_243, %mul3A_260 : i32
      %add3A_262 = arith.constant 0 : i32
      %add3A_263 = arith.addi %mul3A_261, %add3A_262 : i32
      %add3A_264 = vector.broadcast %add3A_263 : i32 to vector<16xi32>
      %add3A_265 = arith.addi %mul3A_259, %add3A_264 : vector<16xi32>
      tpu.vector_store_idx %arg9[%add3A_265], %bitcast3A : memref<2368xi32, #tpu.memory_space<vmem>>[vector<16xi32>], vector<16xi32>,
      %add3A_266 = arith.addf %gather3A_248, %gather3A : vector<16xf32>
      %add3A_267 = arith.addf %gather3A_256, %gather3A_21 : vector<16xf32>
      %pack3A_268 = tpu.pack_subelements %add3A_266, %add3A_267 {pack_format = #tpu.pack_format<interleaved>, positions = array<i32: 0, 1>} : vector<16xf32>, vector<16xf32> -> vector<32xbf16>
      %bitcast3A_269 = vector.bitcast %pack3A_268 : vector<32xbf16> to vector<16xi32>
      %mul3A_270 = arith.constant 148 : i32
      %mul3A_271 = vector.broadcast %mul3A_270 : i32 to vector<16xi32>
      %mul3A_272 = arith.muli %iota3A, %mul3A_271 : vector<16xi32>
      %mul3A_273 = arith.constant 4 : i32
      %mul3A_274 = arith.muli %scan3A_243, %mul3A_273 : i32
      %add3A_275 = arith.constant 1 : i32
      %add3A_276 = arith.addi %mul3A_274, %add3A_275 : i32
      %add3A_277 = vector.broadcast %add3A_276 : i32 to vector<16xi32>
      %add3A_278 = arith.addi %mul3A_272, %add3A_277 : vector<16xi32>
      tpu.vector_store_idx %arg9[%add3A_278], %bitcast3A_269 : memref<2368xi32, #tpu.memory_space<vmem>>[vector<16xi32>], vector<16xi32>,
      %add3A_279 = arith.addf %gather3A_248, %gather3A_10 : vector<16xf32>
      %add3A_280 = arith.addf %gather3A_256, %gather3A_28 : vector<16xf32>
      %pack3A_281 = tpu.pack_subelements %add3A_279, %add3A_280 {pack_format = #tpu.pack_format<interleaved>, positions = array<i32: 0, 1>} : vector<16xf32>, vector<16xf32> -> vector<32xbf16>
      %bitcast3A_282 = vector.bitcast %pack3A_281 : vector<32xbf16> to vector<16xi32>
      %mul3A_283 = arith.constant 148 : i32
      %mul3A_284 = vector.broadcast %mul3A_283 : i32 to vector<16xi32>
      %mul3A_285 = arith.muli %iota3A, %mul3A_284 : vector<16xi32>
      %mul3A_286 = arith.constant 4 : i32
      %mul3A_287 = arith.muli %scan3A_243, %mul3A_286 : i32
      %add3A_288 = arith.constant 2 : i32
      %add3A_289 = arith.addi %mul3A_287, %add3A_288 : i32
      %add3A_290 = vector.broadcast %add3A_289 : i32 to vector<16xi32>
      %add3A_291 = arith.addi %mul3A_285, %add3A_290 : vector<16xi32>
      tpu.vector_store_idx %arg9[%add3A_291], %bitcast3A_282 : memref<2368xi32, #tpu.memory_space<vmem>>[vector<16xi32>], vector<16xi32>,
      %add3A_292 = arith.addf %gather3A_248, %gather3A_14 : vector<16xf32>
      %add3A_293 = arith.addf %gather3A_256, %gather3A_35 : vector<16xf32>
      %pack3A_294 = tpu.pack_subelements %add3A_292, %add3A_293 {pack_format = #tpu.pack_format<interleaved>, positions = array<i32: 0, 1>} : vector<16xf32>, vector<16xf32> -> vector<32xbf16>
      %bitcast3A_295 = vector.bitcast %pack3A_294 : vector<32xbf16> to vector<16xi32>
      %mul3A_296 = arith.constant 148 : i32
      %mul3A_297 = vector.broadcast %mul3A_296 : i32 to vector<16xi32>
      %mul3A_298 = arith.muli %iota3A, %mul3A_297 : vector<16xi32>
      %mul3A_299 = arith.constant 4 : i32
      %mul3A_300 = arith.muli %scan3A_243, %mul3A_299 : i32
      %add3A_301 = arith.constant 3 : i32
      %add3A_302 = arith.addi %mul3A_300, %add3A_301 : i32
      %add3A_303 = vector.broadcast %add3A_302 : i32 to vector<16xi32>
      %add3A_304 = arith.addi %mul3A_298, %add3A_303 : vector<16xi32>
      tpu.vector_store_idx %arg9[%add3A_304], %bitcast3A_295 : memref<2368xi32, #tpu.memory_space<vmem>>[vector<16xi32>], vector<16xi32>,
    }
    %scan3A_40 = arith.constant 37 : i32
    %mul3A_41 = arith.constant 4 : i32
    %mul3A_42 = arith.muli %add3A, %mul3A_41 : i32
    %dma_start3A = arith.constant 0 : i32
    %dma_start3A_43 = arith.constant 0 : i32
    %dma_start3A_44 = tpu.memref_slice %arg4[%mul3A_42, %dma_start3A, %dma_start3A_43] : memref<128x128x128xi32, #tpu.memory_space<hbm>> -> memref<1x128x128xi32, #tpu.memory_space<hbm>>
    %dma_start3A_45 = tpu.memref_squeeze %dma_start3A_44 : memref<1x128x128xi32, #tpu.memory_space<hbm>> -> memref<128x128xi32, #tpu.memory_space<hbm>>
    %dma_start3A_46 = arith.constant 0 : i32
    %dma_start3A_47 = arith.constant 0 : i32
    %dma_start3A_48 = tpu.memref_slice %arg4[%mul3A_42, %dma_start3A_46, %dma_start3A_47] : memref<128x128x128xi32, #tpu.memory_space<hbm>> -> memref<1x128x128xi32, #tpu.memory_space<hbm>>
    %dma_start3A_49 = tpu.memref_squeeze %dma_start3A_48 : memref<1x128x128xi32, #tpu.memory_space<hbm>> -> memref<128x128xi32, #tpu.memory_space<hbm>>
    tpu.enqueue_dma source(%dma_start3A_49 : memref<128x128xi32, #tpu.memory_space<hbm>>) target(%arg10 : memref<128x128xi32, #tpu.memory_space<vmem>>) target_semaphore(%arg18 : memref<!tpu.dma_semaphore, #tpu.memory_space<semaphore_mem>>)
    %dma_start3A_50 = arith.constant 0 : i32
    %dma_start3A_51 = arith.constant 0 : i32
    %dma_start3A_52 = tpu.memref_slice %arg5[%mul3A_42, %dma_start3A_50, %dma_start3A_51] : memref<128x128x128xi32, #tpu.memory_space<hbm>> -> memref<1x128x128xi32, #tpu.memory_space<hbm>>
    %dma_start3A_53 = tpu.memref_squeeze %dma_start3A_52 : memref<1x128x128xi32, #tpu.memory_space<hbm>> -> memref<128x128xi32, #tpu.memory_space<hbm>>
    %dma_start3A_54 = arith.constant 0 : i32
    %dma_start3A_55 = arith.constant 0 : i32
    %dma_start3A_56 = tpu.memref_slice %arg5[%mul3A_42, %dma_start3A_54, %dma_start3A_55] : memref<128x128x128xi32, #tpu.memory_space<hbm>> -> memref<1x128x128xi32, #tpu.memory_space<hbm>>
    %dma_start3A_57 = tpu.memref_squeeze %dma_start3A_56 : memref<1x128x128xi32, #tpu.memory_space<hbm>> -> memref<128x128xi32, #tpu.memory_space<hbm>>
    tpu.enqueue_dma source(%dma_start3A_57 : memref<128x128xi32, #tpu.memory_space<hbm>>) target(%arg11 : memref<128x128xi32, #tpu.memory_space<vmem>>) target_semaphore(%arg18 : memref<!tpu.dma_semaphore, #tpu.memory_space<semaphore_mem>>)
    %add3A_58 = arith.constant 0 : i32
    %add3A_59 = arith.addi %mul3A_42, %add3A_58 : i32
    %dma_wait3A = arith.constant 0 : i32
    %dma_wait3A_60 = arith.constant 0 : i32
    %dma_wait3A_61 = arith.constant 0 : i32
    %dma_wait3A_62 = tpu.memref_slice %arg4[%dma_wait3A, %dma_wait3A_60, %dma_wait3A_61] : memref<128x128x128xi32, #tpu.memory_space<hbm>> -> memref<1x128x128xi32, #tpu.memory_space<hbm>>
    %dma_wait3A_63 = tpu.memref_squeeze %dma_wait3A_62 : memref<1x128x128xi32, #tpu.memory_space<hbm>> -> memref<128x128xi32, #tpu.memory_space<hbm>>
    %dma_wait3A_64 = arith.constant 0 : i32
    %dma_wait3A_65 = arith.constant 0 : i32
    %dma_wait3A_66 = tpu.memref_slice %arg4[%dma_wait3A, %dma_wait3A_64, %dma_wait3A_65] : memref<128x128x128xi32, #tpu.memory_space<hbm>> -> memref<1x128x128xi32, #tpu.memory_space<hbm>>
    %dma_wait3A_67 = tpu.memref_squeeze %dma_wait3A_66 : memref<1x128x128xi32, #tpu.memory_space<hbm>> -> memref<128x128xi32, #tpu.memory_space<hbm>>
    tpu.wait_dma2 semaphore(%arg18 : memref<!tpu.dma_semaphore, #tpu.memory_space<semaphore_mem>>) src(%dma_wait3A_67 : memref<128x128xi32, #tpu.memory_space<hbm>>) dst(%arg10 : memref<128x128xi32, #tpu.memory_space<vmem>>)
    %dma_wait3A_68 = arith.constant 0 : i32
    %dma_wait3A_69 = arith.constant 0 : i32
    %dma_wait3A_70 = arith.constant 0 : i32
    %dma_wait3A_71 = tpu.memref_slice %arg5[%dma_wait3A_68, %dma_wait3A_69, %dma_wait3A_70] : memref<128x128x128xi32, #tpu.memory_space<hbm>> -> memref<1x128x128xi32, #tpu.memory_space<hbm>>
    %dma_wait3A_72 = tpu.memref_squeeze %dma_wait3A_71 : memref<1x128x128xi32, #tpu.memory_space<hbm>> -> memref<128x128xi32, #tpu.memory_space<hbm>>
    %dma_wait3A_73 = arith.constant 0 : i32
    %dma_wait3A_74 = arith.constant 0 : i32
    %dma_wait3A_75 = tpu.memref_slice %arg5[%dma_wait3A_68, %dma_wait3A_73, %dma_wait3A_74] : memref<128x128x128xi32, #tpu.memory_space<hbm>> -> memref<1x128x128xi32, #tpu.memory_space<hbm>>
    %dma_wait3A_76 = tpu.memref_squeeze %dma_wait3A_75 : memref<1x128x128xi32, #tpu.memory_space<hbm>> -> memref<128x128xi32, #tpu.memory_space<hbm>>
    tpu.wait_dma2 semaphore(%arg18 : memref<!tpu.dma_semaphore, #tpu.memory_space<semaphore_mem>>) src(%dma_wait3A_76 : memref<128x128xi32, #tpu.memory_space<hbm>>) dst(%arg11 : memref<128x128xi32, #tpu.memory_space<vmem>>)
    %add3A_77 = arith.constant 1 : i32
    %add3A_78 = arith.addi %add3A_59, %add3A_77 : i32
    %dma_start3A_79 = arith.constant 0 : i32
    %dma_start3A_80 = arith.constant 0 : i32
    %dma_start3A_81 = tpu.memref_slice %arg4[%add3A_78, %dma_start3A_79, %dma_start3A_80] : memref<128x128x128xi32, #tpu.memory_space<hbm>> -> memref<1x128x128xi32, #tpu.memory_space<hbm>>
    %dma_start3A_82 = tpu.memref_squeeze %dma_start3A_81 : memref<1x128x128xi32, #tpu.memory_space<hbm>> -> memref<128x128xi32, #tpu.memory_space<hbm>>
    %dma_start3A_83 = arith.constant 0 : i32
    %dma_start3A_84 = arith.constant 0 : i32
    %dma_start3A_85 = tpu.memref_slice %arg4[%add3A_78, %dma_start3A_83, %dma_start3A_84] : memref<128x128x128xi32, #tpu.memory_space<hbm>> -> memref<1x128x128xi32, #tpu.memory_space<hbm>>
    %dma_start3A_86 = tpu.memref_squeeze %dma_start3A_85 : memref<1x128x128xi32, #tpu.memory_space<hbm>> -> memref<128x128xi32, #tpu.memory_space<hbm>>
    tpu.enqueue_dma source(%dma_start3A_86 : memref<128x128xi32, #tpu.memory_space<hbm>>) target(%arg12 : memref<128x128xi32, #tpu.memory_space<vmem>>) target_semaphore(%arg18 : memref<!tpu.dma_semaphore, #tpu.memory_space<semaphore_mem>>)
    %add3A_87 = arith.constant 1 : i32
    %add3A_88 = arith.addi %add3A_59, %add3A_87 : i32
    %dma_start3A_89 = arith.constant 0 : i32
    %dma_start3A_90 = arith.constant 0 : i32
    %dma_start3A_91 = tpu.memref_slice %arg5[%add3A_88, %dma_start3A_89, %dma_start3A_90] : memref<128x128x128xi32, #tpu.memory_space<hbm>> -> memref<1x128x128xi32, #tpu.memory_space<hbm>>
    %dma_start3A_92 = tpu.memref_squeeze %dma_start3A_91 : memref<1x128x128xi32, #tpu.memory_space<hbm>> -> memref<128x128xi32, #tpu.memory_space<hbm>>
    %dma_start3A_93 = arith.constant 0 : i32
    %dma_start3A_94 = arith.constant 0 : i32
    %dma_start3A_95 = tpu.memref_slice %arg5[%add3A_88, %dma_start3A_93, %dma_start3A_94] : memref<128x128x128xi32, #tpu.memory_space<hbm>> -> memref<1x128x128xi32, #tpu.memory_space<hbm>>
    %dma_start3A_96 = tpu.memref_squeeze %dma_start3A_95 : memref<1x128x128xi32, #tpu.memory_space<hbm>> -> memref<128x128xi32, #tpu.memory_space<hbm>>
    tpu.enqueue_dma source(%dma_start3A_96 : memref<128x128xi32, #tpu.memory_space<hbm>>) target(%arg13 : memref<128x128xi32, #tpu.memory_space<vmem>>) target_semaphore(%arg18 : memref<!tpu.dma_semaphore, #tpu.memory_space<semaphore_mem>>)
    %scan3A_97 = arith.constant 0 : i32
    %scan3A_98 = arith.constant 0 : i32
    %scan3A_99 = arith.constant 16 : i32
    %scan3A_100 = arith.addi %scan3A_98, %scan3A_99 : i32
    %scan3A_101 = arith.constant 1 : i32
    scf.for %scan3A_243 = %scan3A_98 to %scan3A_100 step %scan3A_101  : i32 {
      %mul3A_244 = arith.constant 8 : i32
      %mul3A_245 = arith.muli %scan3A_243, %mul3A_244 : i32
      %gt3A = arith.constant 0 : i32
      %gt3A_246 = arith.cmpi sgt, %scan3A_243, %gt3A : i32
      %convert_element_type3A = arith.extui %gt3A_246 : i1 to i32
      %cond3A = arith.constant 0 : i32
      %cond3A_247 = arith.cmpi ne, %convert_element_type3A, %cond3A : i32
      scf.if %cond3A_247 {
        %dma_wait3A_285 = arith.constant 0 : i32
        %dma_wait3A_286 = arith.constant 0 : i32
        %dma_wait3A_287 = arith.constant 0 : i32
        %dma_wait3A_288 = arith.constant 0 : i32
        %dma_wait3A_289 = tpu.memref_slice %arg6[%dma_wait3A_285, %dma_wait3A_286, %dma_wait3A_287, %dma_wait3A_288] : memref<128x32x128x128xf32, #tpu.memory_space<hbm>> -> memref<1x32x4x128xf32, #tpu.memory_space<hbm>>
        %dma_wait3A_290 = tpu.memref_squeeze %dma_wait3A_289 : memref<1x32x4x128xf32, #tpu.memory_space<hbm>> -> memref<32x4x128xf32, #tpu.memory_space<hbm>>
        %dma_wait3A_291 = arith.constant 0 : i32
        %dma_wait3A_292 = arith.constant 0 : i32
        %dma_wait3A_293 = arith.constant 0 : i32
        %dma_wait3A_294 = tpu.memref_slice %arg6[%dma_wait3A_285, %dma_wait3A_291, %dma_wait3A_292, %dma_wait3A_293] : memref<128x32x128x128xf32, #tpu.memory_space<hbm>> -> memref<1x32x4x128xf32, #tpu.memory_space<hbm>>
        %dma_wait3A_295 = tpu.memref_squeeze %dma_wait3A_294 : memref<1x32x4x128xf32, #tpu.memory_space<hbm>> -> memref<32x4x128xf32, #tpu.memory_space<hbm>>
        tpu.wait_dma2 semaphore(%arg16 : memref<!tpu.dma_semaphore, #tpu.memory_space<semaphore_mem>>) src(%arg14 : memref<32x4x128xf32, #tpu.memory_space<vmem>>) dst(%dma_wait3A_295 : memref<32x4x128xf32, #tpu.memory_space<hbm>>)
      } else {
      }
      %scan3A_248 = arith.constant 0 : i32
      %scan3A_249 = arith.constant 0 : i32
      %scan3A_250 = arith.constant 32 : i32
      %scan3A_251 = arith.addi %scan3A_249, %scan3A_250 : i32
      %scan3A_252 = arith.constant 1 : i32
      scf.for %scan3A_285 = %scan3A_249 to %scan3A_251 step %scan3A_252  : i32 {
        %shift_right_arithmetic3A = arith.constant 3 : i32
        %shift_right_arithmetic3A_286 = arith.shrsi %scan3A_285, %shift_right_arithmetic3A : i32
        %and3A = arith.constant 7 : i32
        %and3A_287 = arith.andi %scan3A_285, %and3A : i32
        %shift_left3A = arith.constant 4 : i32
        %shift_left3A_288 = arith.shli %and3A_287, %shift_left3A : i32
        %add3A_289 = arith.addi %mul3A_245, %shift_right_arithmetic3A_286 : i32
        %get3A = arith.index_cast %add3A_289 : i32 to index
        %get3A_290 = arith.index_cast %shift_left3A_288 : i32 to index
        %get3A_291 = tpu.vector_load %arg10[%get3A, %get3A_290] {strides = array<i32>} : memref<128x128xi32, #tpu.memory_space<vmem>>, vector<16xi32>,
        %add3A_292 = arith.addi %mul3A_245, %shift_right_arithmetic3A_286 : i32
        %get3A_293 = arith.index_cast %add3A_292 : i32 to index
        %get3A_294 = arith.index_cast %shift_left3A_288 : i32 to index
        %get3A_295 = tpu.vector_load %arg11[%get3A_293, %get3A_294] {strides = array<i32>} : memref<128x128xi32, #tpu.memory_space<vmem>>, vector<16xi32>,
        %mul3A_296 = arith.constant 4 : i32
        %mul3A_297 = vector.broadcast %mul3A_296 : i32 to vector<16xi32>
        %mul3A_298 = arith.muli %get3A_291, %mul3A_297 : vector<16xi32>
        %add3A_299 = arith.addi %mul3A_298, %get3A_295 : vector<16xi32>
        %gather3A_300 = tpu.vector_load_idx %arg9[%add3A_299] : memref<2368xi32, #tpu.memory_space<vmem>>[vector<16xi32>], vector<16xi32>,
        %bitcast3A = vector.bitcast %gather3A_300 : vector<16xi32> to vector<32xbf16>
        %unpack3A = tpu.unpack_subelements %bitcast3A, 0 {pack_format = #tpu.pack_format<interleaved>} : vector<32xbf16> -> vector<16xf32>
        %unpack3A_301 = tpu.unpack_subelements %bitcast3A, 1 {pack_format = #tpu.pack_format<interleaved>} : vector<32xbf16> -> vector<16xf32>
        %add3A_302 = arith.constant 148 : i32
        %add3A_303 = vector.broadcast %add3A_302 : i32 to vector<16xi32>
        %add3A_304 = arith.addi %add3A_299, %add3A_303 : vector<16xi32>
        %gather3A_305 = tpu.vector_load_idx %arg9[%add3A_304] : memref<2368xi32, #tpu.memory_space<vmem>>[vector<16xi32>], vector<16xi32>,
        %bitcast3A_306 = vector.bitcast %gather3A_305 : vector<16xi32> to vector<32xbf16>
        %unpack3A_307 = tpu.unpack_subelements %bitcast3A_306, 0 {pack_format = #tpu.pack_format<interleaved>} : vector<32xbf16> -> vector<16xf32>
        %unpack3A_308 = tpu.unpack_subelements %bitcast3A_306, 1 {pack_format = #tpu.pack_format<interleaved>} : vector<32xbf16> -> vector<16xf32>
        %add3A_309 = arith.constant 296 : i32
        %add3A_310 = vector.broadcast %add3A_309 : i32 to vector<16xi32>
        %add3A_311 = arith.addi %add3A_299, %add3A_310 : vector<16xi32>
        %gather3A_312 = tpu.vector_load_idx %arg9[%add3A_311] : memref<2368xi32, #tpu.memory_space<vmem>>[vector<16xi32>], vector<16xi32>,
        %bitcast3A_313 = vector.bitcast %gather3A_312 : vector<16xi32> to vector<32xbf16>
        %unpack3A_314 = tpu.unpack_subelements %bitcast3A_313, 0 {pack_format = #tpu.pack_format<interleaved>} : vector<32xbf16> -> vector<16xf32>
        %unpack3A_315 = tpu.unpack_subelements %bitcast3A_313, 1 {pack_format = #tpu.pack_format<interleaved>} : vector<32xbf16> -> vector<16xf32>
        %add3A_316 = arith.constant 444 : i32
        %add3A_317 = vector.broadcast %add3A_316 : i32 to vector<16xi32>
        %add3A_318 = arith.addi %add3A_299, %add3A_317 : vector<16xi32>
        %gather3A_319 = tpu.vector_load_idx %arg9[%add3A_318] : memref<2368xi32, #tpu.memory_space<vmem>>[vector<16xi32>], vector<16xi32>,
        %bitcast3A_320 = vector.bitcast %gather3A_319 : vector<16xi32> to vector<32xbf16>
        %unpack3A_321 = tpu.unpack_subelements %bitcast3A_320, 0 {pack_format = #tpu.pack_format<interleaved>} : vector<32xbf16> -> vector<16xf32>
        %unpack3A_322 = tpu.unpack_subelements %bitcast3A_320, 1 {pack_format = #tpu.pack_format<interleaved>} : vector<32xbf16> -> vector<16xf32>
        %add3A_323 = arith.constant 592 : i32
        %add3A_324 = vector.broadcast %add3A_323 : i32 to vector<16xi32>
        %add3A_325 = arith.addi %add3A_299, %add3A_324 : vector<16xi32>
        %gather3A_326 = tpu.vector_load_idx %arg9[%add3A_325] : memref<2368xi32, #tpu.memory_space<vmem>>[vector<16xi32>], vector<16xi32>,
        %bitcast3A_327 = vector.bitcast %gather3A_326 : vector<16xi32> to vector<32xbf16>
        %unpack3A_328 = tpu.unpack_subelements %bitcast3A_327, 0 {pack_format = #tpu.pack_format<interleaved>} : vector<32xbf16> -> vector<16xf32>
        %unpack3A_329 = tpu.unpack_subelements %bitcast3A_327, 1 {pack_format = #tpu.pack_format<interleaved>} : vector<32xbf16> -> vector<16xf32>
        %add3A_330 = arith.constant 740 : i32
        %add3A_331 = vector.broadcast %add3A_330 : i32 to vector<16xi32>
        %add3A_332 = arith.addi %add3A_299, %add3A_331 : vector<16xi32>
        %gather3A_333 = tpu.vector_load_idx %arg9[%add3A_332] : memref<2368xi32, #tpu.memory_space<vmem>>[vector<16xi32>], vector<16xi32>,
        %bitcast3A_334 = vector.bitcast %gather3A_333 : vector<16xi32> to vector<32xbf16>
        %unpack3A_335 = tpu.unpack_subelements %bitcast3A_334, 0 {pack_format = #tpu.pack_format<interleaved>} : vector<32xbf16> -> vector<16xf32>
        %unpack3A_336 = tpu.unpack_subelements %bitcast3A_334, 1 {pack_format = #tpu.pack_format<interleaved>} : vector<32xbf16> -> vector<16xf32>
        %add3A_337 = arith.constant 888 : i32
        %add3A_338 = vector.broadcast %add3A_337 : i32 to vector<16xi32>
        %add3A_339 = arith.addi %add3A_299, %add3A_338 : vector<16xi32>
        %gather3A_340 = tpu.vector_load_idx %arg9[%add3A_339] : memref<2368xi32, #tpu.memory_space<vmem>>[vector<16xi32>], vector<16xi32>,
        %bitcast3A_341 = vector.bitcast %gather3A_340 : vector<16xi32> to vector<32xbf16>
        %unpack3A_342 = tpu.unpack_subelements %bitcast3A_341, 0 {pack_format = #tpu.pack_format<interleaved>} : vector<32xbf16> -> vector<16xf32>
        %unpack3A_343 = tpu.unpack_subelements %bitcast3A_341, 1 {pack_format = #tpu.pack_format<interleaved>} : vector<32xbf16> -> vector<16xf32>
        %add3A_344 = arith.constant 1036 : i32
        %add3A_345 = vector.broadcast %add3A_344 : i32 to vector<16xi32>
        %add3A_346 = arith.addi %add3A_299, %add3A_345 : vector<16xi32>
        %gather3A_347 = tpu.vector_load_idx %arg9[%add3A_346] : memref<2368xi32, #tpu.memory_space<vmem>>[vector<16xi32>], vector<16xi32>,
        %bitcast3A_348 = vector.bitcast %gather3A_347 : vector<16xi32> to vector<32xbf16>
        %unpack3A_349 = tpu.unpack_subelements %bitcast3A_348, 0 {pack_format = #tpu.pack_format<interleaved>} : vector<32xbf16> -> vector<16xf32>
        %unpack3A_350 = tpu.unpack_subelements %bitcast3A_348, 1 {pack_format = #tpu.pack_format<interleaved>} : vector<32xbf16> -> vector<16xf32>
        %add3A_351 = arith.constant 1184 : i32
        %add3A_352 = vector.broadcast %add3A_351 : i32 to vector<16xi32>
        %add3A_353 = arith.addi %add3A_299, %add3A_352 : vector<16xi32>
        %gather3A_354 = tpu.vector_load_idx %arg9[%add3A_353] : memref<2368xi32, #tpu.memory_space<vmem>>[vector<16xi32>], vector<16xi32>,
        %bitcast3A_355 = vector.bitcast %gather3A_354 : vector<16xi32> to vector<32xbf16>
        %unpack3A_356 = tpu.unpack_subelements %bitcast3A_355, 0 {pack_format = #tpu.pack_format<interleaved>} : vector<32xbf16> -> vector<16xf32>
        %unpack3A_357 = tpu.unpack_subelements %bitcast3A_355, 1 {pack_format = #tpu.pack_format<interleaved>} : vector<32xbf16> -> vector<16xf32>
        %add3A_358 = arith.constant 1332 : i32
        %add3A_359 = vector.broadcast %add3A_358 : i32 to vector<16xi32>
        %add3A_360 = arith.addi %add3A_299, %add3A_359 : vector<16xi32>
        %gather3A_361 = tpu.vector_load_idx %arg9[%add3A_360] : memref<2368xi32, #tpu.memory_space<vmem>>[vector<16xi32>], vector<16xi32>,
        %bitcast3A_362 = vector.bitcast %gather3A_361 : vector<16xi32> to vector<32xbf16>
        %unpack3A_363 = tpu.unpack_subelements %bitcast3A_362, 0 {pack_format = #tpu.pack_format<interleaved>} : vector<32xbf16> -> vector<16xf32>
        %unpack3A_364 = tpu.unpack_subelements %bitcast3A_362, 1 {pack_format = #tpu.pack_format<interleaved>} : vector<32xbf16> -> vector<16xf32>
        %add3A_365 = arith.constant 1480 : i32
        %add3A_366 = vector.broadcast %add3A_365 : i32 to vector<16xi32>
        %add3A_367 = arith.addi %add3A_299, %add3A_366 : vector<16xi32>
        %gather3A_368 = tpu.vector_load_idx %arg9[%add3A_367] : memref<2368xi32, #tpu.memory_space<vmem>>[vector<16xi32>], vector<16xi32>,
        %bitcast3A_369 = vector.bitcast %gather3A_368 : vector<16xi32> to vector<32xbf16>
        %unpack3A_370 = tpu.unpack_subelements %bitcast3A_369, 0 {pack_format = #tpu.pack_format<interleaved>} : vector<32xbf16> -> vector<16xf32>
        %unpack3A_371 = tpu.unpack_subelements %bitcast3A_369, 1 {pack_format = #tpu.pack_format<interleaved>} : vector<32xbf16> -> vector<16xf32>
        %add3A_372 = arith.constant 1628 : i32
        %add3A_373 = vector.broadcast %add3A_372 : i32 to vector<16xi32>
        %add3A_374 = arith.addi %add3A_299, %add3A_373 : vector<16xi32>
        %gather3A_375 = tpu.vector_load_idx %arg9[%add3A_374] : memref<2368xi32, #tpu.memory_space<vmem>>[vector<16xi32>], vector<16xi32>,
        %bitcast3A_376 = vector.bitcast %gather3A_375 : vector<16xi32> to vector<32xbf16>
        %unpack3A_377 = tpu.unpack_subelements %bitcast3A_376, 0 {pack_format = #tpu.pack_format<interleaved>} : vector<32xbf16> -> vector<16xf32>
        %unpack3A_378 = tpu.unpack_subelements %bitcast3A_376, 1 {pack_format = #tpu.pack_format<interleaved>} : vector<32xbf16> -> vector<16xf32>
        %add3A_379 = arith.constant 1776 : i32
        %add3A_380 = vector.broadcast %add3A_379 : i32 to vector<16xi32>
        %add3A_381 = arith.addi %add3A_299, %add3A_380 : vector<16xi32>
        %gather3A_382 = tpu.vector_load_idx %arg9[%add3A_381] : memref<2368xi32, #tpu.memory_space<vmem>>[vector<16xi32>], vector<16xi32>,
        %bitcast3A_383 = vector.bitcast %gather3A_382 : vector<16xi32> to vector<32xbf16>
        %unpack3A_384 = tpu.unpack_subelements %bitcast3A_383, 0 {pack_format = #tpu.pack_format<interleaved>} : vector<32xbf16> -> vector<16xf32>
        %unpack3A_385 = tpu.unpack_subelements %bitcast3A_383, 1 {pack_format = #tpu.pack_format<interleaved>} : vector<32xbf16> -> vector<16xf32>
        %add3A_386 = arith.constant 1924 : i32
        %add3A_387 = vector.broadcast %add3A_386 : i32 to vector<16xi32>
        %add3A_388 = arith.addi %add3A_299, %add3A_387 : vector<16xi32>
        %gather3A_389 = tpu.vector_load_idx %arg9[%add3A_388] : memref<2368xi32, #tpu.memory_space<vmem>>[vector<16xi32>], vector<16xi32>,
        %bitcast3A_390 = vector.bitcast %gather3A_389 : vector<16xi32> to vector<32xbf16>
        %unpack3A_391 = tpu.unpack_subelements %bitcast3A_390, 0 {pack_format = #tpu.pack_format<interleaved>} : vector<32xbf16> -> vector<16xf32>
        %unpack3A_392 = tpu.unpack_subelements %bitcast3A_390, 1 {pack_format = #tpu.pack_format<interleaved>} : vector<32xbf16> -> vector<16xf32>
        %add3A_393 = arith.constant 2072 : i32
        %add3A_394 = vector.broadcast %add3A_393 : i32 to vector<16xi32>
        %add3A_395 = arith.addi %add3A_299, %add3A_394 : vector<16xi32>
        %gather3A_396 = tpu.vector_load_idx %arg9[%add3A_395] : memref<2368xi32, #tpu.memory_space<vmem>>[vector<16xi32>], vector<16xi32>,
        %bitcast3A_397 = vector.bitcast %gather3A_396 : vector<16xi32> to vector<32xbf16>
        %unpack3A_398 = tpu.unpack_subelements %bitcast3A_397, 0 {pack_format = #tpu.pack_format<interleaved>} : vector<32xbf16> -> vector<16xf32>
        %unpack3A_399 = tpu.unpack_subelements %bitcast3A_397, 1 {pack_format = #tpu.pack_format<interleaved>} : vector<32xbf16> -> vector<16xf32>
        %add3A_400 = arith.constant 2220 : i32
        %add3A_401 = vector.broadcast %add3A_400 : i32 to vector<16xi32>
        %add3A_402 = arith.addi %add3A_299, %add3A_401 : vector<16xi32>
        %gather3A_403 = tpu.vector_load_idx %arg9[%add3A_402] : memref<2368xi32, #tpu.memory_space<vmem>>[vector<16xi32>], vector<16xi32>,
        %bitcast3A_404 = vector.bitcast %gather3A_403 : vector<16xi32> to vector<32xbf16>
        %unpack3A_405 = tpu.unpack_subelements %bitcast3A_404, 0 {pack_format = #tpu.pack_format<interleaved>} : vector<32xbf16> -> vector<16xf32>
        %unpack3A_406 = tpu.unpack_subelements %bitcast3A_404, 1 {pack_format = #tpu.pack_format<interleaved>} : vector<32xbf16> -> vector<16xf32>
        %swap3A = arith.constant 0 : i32
        %swap3A_407 = arith.index_cast %swap3A : i32 to index
        %swap3A_408 = arith.index_cast %shift_right_arithmetic3A_286 : i32 to index
        %swap3A_409 = arith.index_cast %shift_left3A_288 : i32 to index
        %swap3A_410 = tpu.vector_load %arg14[%swap3A_407, %swap3A_408, %swap3A_409] {strides = array<i32>} : memref<32x4x128xf32, #tpu.memory_space<vmem>>, vector<16xf32>,
        tpu.vector_store %arg14[%swap3A_407, %swap3A_408, %swap3A_409], %unpack3A {strides = array<i32>} : memref<32x4x128xf32, #tpu.memory_space<vmem>>, vector<16xf32>,
        %swap3A_411 = arith.constant 1 : i32
        %swap3A_412 = arith.index_cast %swap3A_411 : i32 to index
        %swap3A_413 = arith.index_cast %shift_right_arithmetic3A_286 : i32 to index
        %swap3A_414 = arith.index_cast %shift_left3A_288 : i32 to index
        %swap3A_415 = tpu.vector_load %arg14[%swap3A_412, %swap3A_413, %swap3A_414] {strides = array<i32>} : memref<32x4x128xf32, #tpu.memory_space<vmem>>, vector<16xf32>,
        tpu.vector_store %arg14[%swap3A_412, %swap3A_413, %swap3A_414], %unpack3A_301 {strides = array<i32>} : memref<32x4x128xf32, #tpu.memory_space<vmem>>, vector<16xf32>,
        %swap3A_416 = arith.constant 2 : i32
        %swap3A_417 = arith.index_cast %swap3A_416 : i32 to index
        %swap3A_418 = arith.index_cast %shift_right_arithmetic3A_286 : i32 to index
        %swap3A_419 = arith.index_cast %shift_left3A_288 : i32 to index
        %swap3A_420 = tpu.vector_load %arg14[%swap3A_417, %swap3A_418, %swap3A_419] {strides = array<i32>} : memref<32x4x128xf32, #tpu.memory_space<vmem>>, vector<16xf32>,
        tpu.vector_store %arg14[%swap3A_417, %swap3A_418, %swap3A_419], %unpack3A_307 {strides = array<i32>} : memref<32x4x128xf32, #tpu.memory_space<vmem>>, vector<16xf32>,
        %swap3A_421 = arith.constant 3 : i32
        %swap3A_422 = arith.index_cast %swap3A_421 : i32 to index
        %swap3A_423 = arith.index_cast %shift_right_arithmetic3A_286 : i32 to index
        %swap3A_424 = arith.index_cast %shift_left3A_288 : i32 to index
        %swap3A_425 = tpu.vector_load %arg14[%swap3A_422, %swap3A_423, %swap3A_424] {strides = array<i32>} : memref<32x4x128xf32, #tpu.memory_space<vmem>>, vector<16xf32>,
        tpu.vector_store %arg14[%swap3A_422, %swap3A_423, %swap3A_424], %unpack3A_308 {strides = array<i32>} : memref<32x4x128xf32, #tpu.memory_space<vmem>>, vector<16xf32>,
        %swap3A_426 = arith.constant 4 : i32
        %swap3A_427 = arith.index_cast %swap3A_426 : i32 to index
        %swap3A_428 = arith.index_cast %shift_right_arithmetic3A_286 : i32 to index
        %swap3A_429 = arith.index_cast %shift_left3A_288 : i32 to index
        %swap3A_430 = tpu.vector_load %arg14[%swap3A_427, %swap3A_428, %swap3A_429] {strides = array<i32>} : memref<32x4x128xf32, #tpu.memory_space<vmem>>, vector<16xf32>,
        tpu.vector_store %arg14[%swap3A_427, %swap3A_428, %swap3A_429], %unpack3A_314 {strides = array<i32>} : memref<32x4x128xf32, #tpu.memory_space<vmem>>, vector<16xf32>,
        %swap3A_431 = arith.constant 5 : i32
        %swap3A_432 = arith.index_cast %swap3A_431 : i32 to index
        %swap3A_433 = arith.index_cast %shift_right_arithmetic3A_286 : i32 to index
        %swap3A_434 = arith.index_cast %shift_left3A_288 : i32 to index
        %swap3A_435 = tpu.vector_load %arg14[%swap3A_432, %swap3A_433, %swap3A_434] {strides = array<i32>} : memref<32x4x128xf32, #tpu.memory_space<vmem>>, vector<16xf32>,
        tpu.vector_store %arg14[%swap3A_432, %swap3A_433, %swap3A_434], %unpack3A_315 {strides = array<i32>} : memref<32x4x128xf32, #tpu.memory_space<vmem>>, vector<16xf32>,
        %swap3A_436 = arith.constant 6 : i32
        %swap3A_437 = arith.index_cast %swap3A_436 : i32 to index
        %swap3A_438 = arith.index_cast %shift_right_arithmetic3A_286 : i32 to index
        %swap3A_439 = arith.index_cast %shift_left3A_288 : i32 to index
        %swap3A_440 = tpu.vector_load %arg14[%swap3A_437, %swap3A_438, %swap3A_439] {strides = array<i32>} : memref<32x4x128xf32, #tpu.memory_space<vmem>>, vector<16xf32>,
        tpu.vector_store %arg14[%swap3A_437, %swap3A_438, %swap3A_439], %unpack3A_321 {strides = array<i32>} : memref<32x4x128xf32, #tpu.memory_space<vmem>>, vector<16xf32>,
        %swap3A_441 = arith.constant 7 : i32
        %swap3A_442 = arith.index_cast %swap3A_441 : i32 to index
        %swap3A_443 = arith.index_cast %shift_right_arithmetic3A_286 : i32 to index
        %swap3A_444 = arith.index_cast %shift_left3A_288 : i32 to index
        %swap3A_445 = tpu.vector_load %arg14[%swap3A_442, %swap3A_443, %swap3A_444] {strides = array<i32>} : memref<32x4x128xf32, #tpu.memory_space<vmem>>, vector<16xf32>,
        tpu.vector_store %arg14[%swap3A_442, %swap3A_443, %swap3A_444], %unpack3A_322 {strides = array<i32>} : memref<32x4x128xf32, #tpu.memory_space<vmem>>, vector<16xf32>,
        %swap3A_446 = arith.constant 8 : i32
        %swap3A_447 = arith.index_cast %swap3A_446 : i32 to index
        %swap3A_448 = arith.index_cast %shift_right_arithmetic3A_286 : i32 to index
        %swap3A_449 = arith.index_cast %shift_left3A_288 : i32 to index
        %swap3A_450 = tpu.vector_load %arg14[%swap3A_447, %swap3A_448, %swap3A_449] {strides = array<i32>} : memref<32x4x128xf32, #tpu.memory_space<vmem>>, vector<16xf32>,
        tpu.vector_store %arg14[%swap3A_447, %swap3A_448, %swap3A_449], %unpack3A_328 {strides = array<i32>} : memref<32x4x128xf32, #tpu.memory_space<vmem>>, vector<16xf32>,
        %swap3A_451 = arith.constant 9 : i32
        %swap3A_452 = arith.index_cast %swap3A_451 : i32 to index
        %swap3A_453 = arith.index_cast %shift_right_arithmetic3A_286 : i32 to index
        %swap3A_454 = arith.index_cast %shift_left3A_288 : i32 to index
        %swap3A_455 = tpu.vector_load %arg14[%swap3A_452, %swap3A_453, %swap3A_454] {strides = array<i32>} : memref<32x4x128xf32, #tpu.memory_space<vmem>>, vector<16xf32>,
        tpu.vector_store %arg14[%swap3A_452, %swap3A_453, %swap3A_454], %unpack3A_329 {strides = array<i32>} : memref<32x4x128xf32, #tpu.memory_space<vmem>>, vector<16xf32>,
        %swap3A_456 = arith.constant 10 : i32
        %swap3A_457 = arith.index_cast %swap3A_456 : i32 to index
        %swap3A_458 = arith.index_cast %shift_right_arithmetic3A_286 : i32 to index
        %swap3A_459 = arith.index_cast %shift_left3A_288 : i32 to index
        %swap3A_460 = tpu.vector_load %arg14[%swap3A_457, %swap3A_458, %swap3A_459] {strides = array<i32>} : memref<32x4x128xf32, #tpu.memory_space<vmem>>, vector<16xf32>,
        tpu.vector_store %arg14[%swap3A_457, %swap3A_458, %swap3A_459], %unpack3A_335 {strides = array<i32>} : memref<32x4x128xf32, #tpu.memory_space<vmem>>, vector<16xf32>,
        %swap3A_461 = arith.constant 11 : i32
        %swap3A_462 = arith.index_cast %swap3A_461 : i32 to index
        %swap3A_463 = arith.index_cast %shift_right_arithmetic3A_286 : i32 to index
        %swap3A_464 = arith.index_cast %shift_left3A_288 : i32 to index
        %swap3A_465 = tpu.vector_load %arg14[%swap3A_462, %swap3A_463, %swap3A_464] {strides = array<i32>} : memref<32x4x128xf32, #tpu.memory_space<vmem>>, vector<16xf32>,
        tpu.vector_store %arg14[%swap3A_462, %swap3A_463, %swap3A_464], %unpack3A_336 {strides = array<i32>} : memref<32x4x128xf32, #tpu.memory_space<vmem>>, vector<16xf32>,
        %swap3A_466 = arith.constant 12 : i32
        %swap3A_467 = arith.index_cast %swap3A_466 : i32 to index
        %swap3A_468 = arith.index_cast %shift_right_arithmetic3A_286 : i32 to index
        %swap3A_469 = arith.index_cast %shift_left3A_288 : i32 to index
        %swap3A_470 = tpu.vector_load %arg14[%swap3A_467, %swap3A_468, %swap3A_469] {strides = array<i32>} : memref<32x4x128xf32, #tpu.memory_space<vmem>>, vector<16xf32>,
        tpu.vector_store %arg14[%swap3A_467, %swap3A_468, %swap3A_469], %unpack3A_342 {strides = array<i32>} : memref<32x4x128xf32, #tpu.memory_space<vmem>>, vector<16xf32>,
        %swap3A_471 = arith.constant 13 : i32
        %swap3A_472 = arith.index_cast %swap3A_471 : i32 to index
        %swap3A_473 = arith.index_cast %shift_right_arithmetic3A_286 : i32 to index
        %swap3A_474 = arith.index_cast %shift_left3A_288 : i32 to index
        %swap3A_475 = tpu.vector_load %arg14[%swap3A_472, %swap3A_473, %swap3A_474] {strides = array<i32>} : memref<32x4x128xf32, #tpu.memory_space<vmem>>, vector<16xf32>,
        tpu.vector_store %arg14[%swap3A_472, %swap3A_473, %swap3A_474], %unpack3A_343 {strides = array<i32>} : memref<32x4x128xf32, #tpu.memory_space<vmem>>, vector<16xf32>,
        %swap3A_476 = arith.constant 14 : i32
        %swap3A_477 = arith.index_cast %swap3A_476 : i32 to index
        %swap3A_478 = arith.index_cast %shift_right_arithmetic3A_286 : i32 to index
        %swap3A_479 = arith.index_cast %shift_left3A_288 : i32 to index
        %swap3A_480 = tpu.vector_load %arg14[%swap3A_477, %swap3A_478, %swap3A_479] {strides = array<i32>} : memref<32x4x128xf32, #tpu.memory_space<vmem>>, vector<16xf32>,
        tpu.vector_store %arg14[%swap3A_477, %swap3A_478, %swap3A_479], %unpack3A_349 {strides = array<i32>} : memref<32x4x128xf32, #tpu.memory_space<vmem>>, vector<16xf32>,
        %swap3A_481 = arith.constant 15 : i32
        %swap3A_482 = arith.index_cast %swap3A_481 : i32 to index
        %swap3A_483 = arith.index_cast %shift_right_arithmetic3A_286 : i32 to index
        %swap3A_484 = arith.index_cast %shift_left3A_288 : i32 to index
        %swap3A_485 = tpu.vector_load %arg14[%swap3A_482, %swap3A_483, %swap3A_484] {strides = array<i32>} : memref<32x4x128xf32, #tpu.memory_space<vmem>>, vector<16xf32>,
        tpu.vector_store %arg14[%swap3A_482, %swap3A_483, %swap3A_484], %unpack3A_350 {strides = array<i32>} : memref<32x4x128xf32, #tpu.memory_space<vmem>>, vector<16xf32>,
        %swap3A_486 = arith.constant 16 : i32
        %swap3A_487 = arith.index_cast %swap3A_486 : i32 to index
        %swap3A_488 = arith.index_cast %shift_right_arithmetic3A_286 : i32 to index
        %swap3A_489 = arith.index_cast %shift_left3A_288 : i32 to index
        %swap3A_490 = tpu.vector_load %arg14[%swap3A_487, %swap3A_488, %swap3A_489] {strides = array<i32>} : memref<32x4x128xf32, #tpu.memory_space<vmem>>, vector<16xf32>,
        tpu.vector_store %arg14[%swap3A_487, %swap3A_488, %swap3A_489], %unpack3A_356 {strides = array<i32>} : memref<32x4x128xf32, #tpu.memory_space<vmem>>, vector<16xf32>,
        %swap3A_491 = arith.constant 17 : i32
        %swap3A_492 = arith.index_cast %swap3A_491 : i32 to index
        %swap3A_493 = arith.index_cast %shift_right_arithmetic3A_286 : i32 to index
        %swap3A_494 = arith.index_cast %shift_left3A_288 : i32 to index
        %swap3A_495 = tpu.vector_load %arg14[%swap3A_492, %swap3A_493, %swap3A_494] {strides = array<i32>} : memref<32x4x128xf32, #tpu.memory_space<vmem>>, vector<16xf32>,
        tpu.vector_store %arg14[%swap3A_492, %swap3A_493, %swap3A_494], %unpack3A_357 {strides = array<i32>} : memref<32x4x128xf32, #tpu.memory_space<vmem>>, vector<16xf32>,
        %swap3A_496 = arith.constant 18 : i32
        %swap3A_497 = arith.index_cast %swap3A_496 : i32 to index
        %swap3A_498 = arith.index_cast %shift_right_arithmetic3A_286 : i32 to index
        %swap3A_499 = arith.index_cast %shift_left3A_288 : i32 to index
        %swap3A_500 = tpu.vector_load %arg14[%swap3A_497, %swap3A_498, %swap3A_499] {strides = array<i32>} : memref<32x4x128xf32, #tpu.memory_space<vmem>>, vector<16xf32>,
        tpu.vector_store %arg14[%swap3A_497, %swap3A_498, %swap3A_499], %unpack3A_363 {strides = array<i32>} : memref<32x4x128xf32, #tpu.memory_space<vmem>>, vector<16xf32>,
        %swap3A_501 = arith.constant 19 : i32
        %swap3A_502 = arith.index_cast %swap3A_501 : i32 to index
        %swap3A_503 = arith.index_cast %shift_right_arithmetic3A_286 : i32 to index
        %swap3A_504 = arith.index_cast %shift_left3A_288 : i32 to index
        %swap3A_505 = tpu.vector_load %arg14[%swap3A_502, %swap3A_503, %swap3A_504] {strides = array<i32>} : memref<32x4x128xf32, #tpu.memory_space<vmem>>, vector<16xf32>,
        tpu.vector_store %arg14[%swap3A_502, %swap3A_503, %swap3A_504], %unpack3A_364 {strides = array<i32>} : memref<32x4x128xf32, #tpu.memory_space<vmem>>, vector<16xf32>,
        %swap3A_506 = arith.constant 20 : i32
        %swap3A_507 = arith.index_cast %swap3A_506 : i32 to index
        %swap3A_508 = arith.index_cast %shift_right_arithmetic3A_286 : i32 to index
        %swap3A_509 = arith.index_cast %shift_left3A_288 : i32 to index
        %swap3A_510 = tpu.vector_load %arg14[%swap3A_507, %swap3A_508, %swap3A_509] {strides = array<i32>} : memref<32x4x128xf32, #tpu.memory_space<vmem>>, vector<16xf32>,
        tpu.vector_store %arg14[%swap3A_507, %swap3A_508, %swap3A_509], %unpack3A_370 {strides = array<i32>} : memref<32x4x128xf32, #tpu.memory_space<vmem>>, vector<16xf32>,
        %swap3A_511 = arith.constant 21 : i32
        %swap3A_512 = arith.index_cast %swap3A_511 : i32 to index
        %swap3A_513 = arith.index_cast %shift_right_arithmetic3A_286 : i32 to index
        %swap3A_514 = arith.index_cast %shift_left3A_288 : i32 to index
        %swap3A_515 = tpu.vector_load %arg14[%swap3A_512, %swap3A_513, %swap3A_514] {strides = array<i32>} : memref<32x4x128xf32, #tpu.memory_space<vmem>>, vector<16xf32>,
        tpu.vector_store %arg14[%swap3A_512, %swap3A_513, %swap3A_514], %unpack3A_371 {strides = array<i32>} : memref<32x4x128xf32, #tpu.memory_space<vmem>>, vector<16xf32>,
        %swap3A_516 = arith.constant 22 : i32
        %swap3A_517 = arith.index_cast %swap3A_516 : i32 to index
        %swap3A_518 = arith.index_cast %shift_right_arithmetic3A_286 : i32 to index
        %swap3A_519 = arith.index_cast %shift_left3A_288 : i32 to index
        %swap3A_520 = tpu.vector_load %arg14[%swap3A_517, %swap3A_518, %swap3A_519] {strides = array<i32>} : memref<32x4x128xf32, #tpu.memory_space<vmem>>, vector<16xf32>,
        tpu.vector_store %arg14[%swap3A_517, %swap3A_518, %swap3A_519], %unpack3A_377 {strides = array<i32>} : memref<32x4x128xf32, #tpu.memory_space<vmem>>, vector<16xf32>,
        %swap3A_521 = arith.constant 23 : i32
        %swap3A_522 = arith.index_cast %swap3A_521 : i32 to index
        %swap3A_523 = arith.index_cast %shift_right_arithmetic3A_286 : i32 to index
        %swap3A_524 = arith.index_cast %shift_left3A_288 : i32 to index
        %swap3A_525 = tpu.vector_load %arg14[%swap3A_522, %swap3A_523, %swap3A_524] {strides = array<i32>} : memref<32x4x128xf32, #tpu.memory_space<vmem>>, vector<16xf32>,
        tpu.vector_store %arg14[%swap3A_522, %swap3A_523, %swap3A_524], %unpack3A_378 {strides = array<i32>} : memref<32x4x128xf32, #tpu.memory_space<vmem>>, vector<16xf32>,
        %swap3A_526 = arith.constant 24 : i32
        %swap3A_527 = arith.index_cast %swap3A_526 : i32 to index
        %swap3A_528 = arith.index_cast %shift_right_arithmetic3A_286 : i32 to index
        %swap3A_529 = arith.index_cast %shift_left3A_288 : i32 to index
        %swap3A_530 = tpu.vector_load %arg14[%swap3A_527, %swap3A_528, %swap3A_529] {strides = array<i32>} : memref<32x4x128xf32, #tpu.memory_space<vmem>>, vector<16xf32>,
        tpu.vector_store %arg14[%swap3A_527, %swap3A_528, %swap3A_529], %unpack3A_384 {strides = array<i32>} : memref<32x4x128xf32, #tpu.memory_space<vmem>>, vector<16xf32>,
        %swap3A_531 = arith.constant 25 : i32
        %swap3A_532 = arith.index_cast %swap3A_531 : i32 to index
        %swap3A_533 = arith.index_cast %shift_right_arithmetic3A_286 : i32 to index
        %swap3A_534 = arith.index_cast %shift_left3A_288 : i32 to index
        %swap3A_535 = tpu.vector_load %arg14[%swap3A_532, %swap3A_533, %swap3A_534] {strides = array<i32>} : memref<32x4x128xf32, #tpu.memory_space<vmem>>, vector<16xf32>,
        tpu.vector_store %arg14[%swap3A_532, %swap3A_533, %swap3A_534], %unpack3A_385 {strides = array<i32>} : memref<32x4x128xf32, #tpu.memory_space<vmem>>, vector<16xf32>,
        %swap3A_536 = arith.constant 26 : i32
        %swap3A_537 = arith.index_cast %swap3A_536 : i32 to index
        %swap3A_538 = arith.index_cast %shift_right_arithmetic3A_286 : i32 to index
        %swap3A_539 = arith.index_cast %shift_left3A_288 : i32 to index
        %swap3A_540 = tpu.vector_load %arg14[%swap3A_537, %swap3A_538, %swap3A_539] {strides = array<i32>} : memref<32x4x128xf32, #tpu.memory_space<vmem>>, vector<16xf32>,
        tpu.vector_store %arg14[%swap3A_537, %swap3A_538, %swap3A_539], %unpack3A_391 {strides = array<i32>} : memref<32x4x128xf32, #tpu.memory_space<vmem>>, vector<16xf32>,
        %swap3A_541 = arith.constant 27 : i32
        %swap3A_542 = arith.index_cast %swap3A_541 : i32 to index
        %swap3A_543 = arith.index_cast %shift_right_arithmetic3A_286 : i32 to index
        %swap3A_544 = arith.index_cast %shift_left3A_288 : i32 to index
        %swap3A_545 = tpu.vector_load %arg14[%swap3A_542, %swap3A_543, %swap3A_544] {strides = array<i32>} : memref<32x4x128xf32, #tpu.memory_space<vmem>>, vector<16xf32>,
        tpu.vector_store %arg14[%swap3A_542, %swap3A_543, %swap3A_544], %unpack3A_392 {strides = array<i32>} : memref<32x4x128xf32, #tpu.memory_space<vmem>>, vector<16xf32>,
        %swap3A_546 = arith.constant 28 : i32
        %swap3A_547 = arith.index_cast %swap3A_546 : i32 to index
        %swap3A_548 = arith.index_cast %shift_right_arithmetic3A_286 : i32 to index
        %swap3A_549 = arith.index_cast %shift_left3A_288 : i32 to index
        %swap3A_550 = tpu.vector_load %arg14[%swap3A_547, %swap3A_548, %swap3A_549] {strides = array<i32>} : memref<32x4x128xf32, #tpu.memory_space<vmem>>, vector<16xf32>,
        tpu.vector_store %arg14[%swap3A_547, %swap3A_548, %swap3A_549], %unpack3A_398 {strides = array<i32>} : memref<32x4x128xf32, #tpu.memory_space<vmem>>, vector<16xf32>,
        %swap3A_551 = arith.constant 29 : i32
        %swap3A_552 = arith.index_cast %swap3A_551 : i32 to index
        %swap3A_553 = arith.index_cast %shift_right_arithmetic3A_286 : i32 to index
        %swap3A_554 = arith.index_cast %shift_left3A_288 : i32 to index
        %swap3A_555 = tpu.vector_load %arg14[%swap3A_552, %swap3A_553, %swap3A_554] {strides = array<i32>} : memref<32x4x128xf32, #tpu.memory_space<vmem>>, vector<16xf32>,
        tpu.vector_store %arg14[%swap3A_552, %swap3A_553, %swap3A_554], %unpack3A_399 {strides = array<i32>} : memref<32x4x128xf32, #tpu.memory_space<vmem>>, vector<16xf32>,
        %swap3A_556 = arith.constant 30 : i32
        %swap3A_557 = arith.index_cast %swap3A_556 : i32 to index
        %swap3A_558 = arith.index_cast %shift_right_arithmetic3A_286 : i32 to index
        %swap3A_559 = arith.index_cast %shift_left3A_288 : i32 to index
        %swap3A_560 = tpu.vector_load %arg14[%swap3A_557, %swap3A_558, %swap3A_559] {strides = array<i32>} : memref<32x4x128xf32, #tpu.memory_space<vmem>>, vector<16xf32>,
        tpu.vector_store %arg14[%swap3A_557, %swap3A_558, %swap3A_559], %unpack3A_405 {strides = array<i32>} : memref<32x4x128xf32, #tpu.memory_space<vmem>>, vector<16xf32>,
        %swap3A_561 = arith.constant 31 : i32
        %swap3A_562 = arith.index_cast %swap3A_561 : i32 to index
        %swap3A_563 = arith.index_cast %shift_right_arithmetic3A_286 : i32 to index
        %swap3A_564 = arith.index_cast %shift_left3A_288 : i32 to index
        %swap3A_565 = tpu.vector_load %arg14[%swap3A_562, %swap3A_563, %swap3A_564] {strides = array<i32>} : memref<32x4x128xf32, #tpu.memory_space<vmem>>, vector<16xf32>,
        tpu.vector_store %arg14[%swap3A_562, %swap3A_563, %swap3A_564], %unpack3A_406 {strides = array<i32>} : memref<32x4x128xf32, #tpu.memory_space<vmem>>, vector<16xf32>,
      }
      %scan3A_253 = arith.constant 32 : i32
      %dma_start3A_254 = arith.constant 0 : i32
      %dma_start3A_255 = arith.constant 0 : i32
      %dma_start3A_256 = tpu.memref_slice %arg6[%add3A_59, %dma_start3A_254, %mul3A_245, %dma_start3A_255] : memref<128x32x128x128xf32, #tpu.memory_space<hbm>> -> memref<1x32x4x128xf32, #tpu.memory_space<hbm>>
      %dma_start3A_257 = tpu.memref_squeeze %dma_start3A_256 : memref<1x32x4x128xf32, #tpu.memory_space<hbm>> -> memref<32x4x128xf32, #tpu.memory_space<hbm>>
      %dma_start3A_258 = arith.constant 0 : i32
      %dma_start3A_259 = arith.constant 0 : i32
      %dma_start3A_260 = tpu.memref_slice %arg6[%add3A_59, %dma_start3A_258, %mul3A_245, %dma_start3A_259] : memref<128x32x128x128xf32, #tpu.memory_space<hbm>> -> memref<1x32x4x128xf32, #tpu.memory_space<hbm>>
      %dma_start3A_261 = tpu.memref_squeeze %dma_start3A_260 : memref<1x32x4x128xf32, #tpu.memory_space<hbm>> -> memref<32x4x128xf32, #tpu.memory_space<hbm>>
      tpu.enqueue_dma source(%arg14 : memref<32x4x128xf32, #tpu.memory_space<vmem>>) target(%dma_start3A_261 : memref<32x4x128xf32, #tpu.memory_space<hbm>>) target_semaphore(%arg16 : memref<!tpu.dma_semaphore, #tpu.memory_space<semaphore_mem>>)
      %gt3A_262 = arith.constant 0 : i32
      %gt3A_263 = arith.cmpi sgt, %scan3A_243, %gt3A_262 : i32
      %convert_element_type3A_264 = arith.extui %gt3A_263 : i1 to i32
      %cond3A_265 = arith.constant 0 : i32
      %cond3A_266 = arith.cmpi ne, %convert_element_type3A_264, %cond3A_265 : i32
      scf.if %cond3A_266 {
        %dma_wait3A_285 = arith.constant 0 : i32
        %dma_wait3A_286 = arith.constant 0 : i32
        %dma_wait3A_287 = arith.constant 0 : i32
        %dma_wait3A_288 = arith.constant 0 : i32
        %dma_wait3A_289 = tpu.memref_slice %arg6[%dma_wait3A_285, %dma_wait3A_286, %dma_wait3A_287, %dma_wait3A_288] : memref<128x32x128x128xf32, #tpu.memory_space<hbm>> -> memref<1x32x4x128xf32, #tpu.memory_space<hbm>>
        %dma_wait3A_290 = tpu.memref_squeeze %dma_wait3A_289 : memref<1x32x4x128xf32, #tpu.memory_space<hbm>> -> memref<32x4x128xf32, #tpu.memory_space<hbm>>
        %dma_wait3A_291 = arith.constant 0 : i32
        %dma_wait3A_292 = arith.constant 0 : i32
        %dma_wait3A_293 = arith.constant 0 : i32
        %dma_wait3A_294 = tpu.memref_slice %arg6[%dma_wait3A_285, %dma_wait3A_291, %dma_wait3A_292, %dma_wait3A_293] : memref<128x32x128x128xf32, #tpu.memory_space<hbm>> -> memref<1x32x4x128xf32, #tpu.memory_space<hbm>>
        %dma_wait3A_295 = tpu.memref_squeeze %dma_wait3A_294 : memref<1x32x4x128xf32, #tpu.memory_space<hbm>> -> memref<32x4x128xf32, #tpu.memory_space<hbm>>
        tpu.wait_dma2 semaphore(%arg17 : memref<!tpu.dma_semaphore, #tpu.memory_space<semaphore_mem>>) src(%arg15 : memref<32x4x128xf32, #tpu.memory_space<vmem>>) dst(%dma_wait3A_295 : memref<32x4x128xf32, #tpu.memory_space<hbm>>)
      } else {
      }
      %add3A_267 = arith.constant 4 : i32
      %add3A_268 = arith.addi %mul3A_245, %add3A_267 : i32
      %scan3A_269 = arith.constant 0 : i32
      %scan3A_270 = arith.constant 0 : i32
      %scan3A_271 = arith.constant 32 : i32
      %scan3A_272 = arith.addi %scan3A_270, %scan3A_271 : i32
      %scan3A_273 = arith.constant 1 : i32
      scf.for %scan3A_285 = %scan3A_270 to %scan3A_272 step %scan3A_273  : i32 {
        %shift_right_arithmetic3A = arith.constant 3 : i32
        %shift_right_arithmetic3A_286 = arith.shrsi %scan3A_285, %shift_right_arithmetic3A : i32
        %and3A = arith.constant 7 : i32
        %and3A_287 = arith.andi %scan3A_285, %and3A : i32
        %shift_left3A = arith.constant 4 : i32
        %shift_left3A_288 = arith.shli %and3A_287, %shift_left3A : i32
        %add3A_289 = arith.addi %add3A_268, %shift_right_arithmetic3A_286 : i32
        %get3A = arith.index_cast %add3A_289 : i32 to index
        %get3A_290 = arith.index_cast %shift_left3A_288 : i32 to index
        %get3A_291 = tpu.vector_load %arg10[%get3A, %get3A_290] {strides = array<i32>} : memref<128x128xi32, #tpu.memory_space<vmem>>, vector<16xi32>,
        %add3A_292 = arith.addi %add3A_268, %shift_right_arithmetic3A_286 : i32
        %get3A_293 = arith.index_cast %add3A_292 : i32 to index
        %get3A_294 = arith.index_cast %shift_left3A_288 : i32 to index
        %get3A_295 = tpu.vector_load %arg11[%get3A_293, %get3A_294] {strides = array<i32>} : memref<128x128xi32, #tpu.memory_space<vmem>>, vector<16xi32>,
        %mul3A_296 = arith.constant 4 : i32
        %mul3A_297 = vector.broadcast %mul3A_296 : i32 to vector<16xi32>
        %mul3A_298 = arith.muli %get3A_291, %mul3A_297 : vector<16xi32>
        %add3A_299 = arith.addi %mul3A_298, %get3A_295 : vector<16xi32>
        %gather3A_300 = tpu.vector_load_idx %arg9[%add3A_299] : memref<2368xi32, #tpu.memory_space<vmem>>[vector<16xi32>], vector<16xi32>,
        %bitcast3A = vector.bitcast %gather3A_300 : vector<16xi32> to vector<32xbf16>
        %unpack3A = tpu.unpack_subelements %bitcast3A, 0 {pack_format = #tpu.pack_format<interleaved>} : vector<32xbf16> -> vector<16xf32>
        %unpack3A_301 = tpu.unpack_subelements %bitcast3A, 1 {pack_format = #tpu.pack_format<interleaved>} : vector<32xbf16> -> vector<16xf32>
        %add3A_302 = arith.constant 148 : i32
        %add3A_303 = vector.broadcast %add3A_302 : i32 to vector<16xi32>
        %add3A_304 = arith.addi %add3A_299, %add3A_303 : vector<16xi32>
        %gather3A_305 = tpu.vector_load_idx %arg9[%add3A_304] : memref<2368xi32, #tpu.memory_space<vmem>>[vector<16xi32>], vector<16xi32>,
        %bitcast3A_306 = vector.bitcast %gather3A_305 : vector<16xi32> to vector<32xbf16>
        %unpack3A_307 = tpu.unpack_subelements %bitcast3A_306, 0 {pack_format = #tpu.pack_format<interleaved>} : vector<32xbf16> -> vector<16xf32>
        %unpack3A_308 = tpu.unpack_subelements %bitcast3A_306, 1 {pack_format = #tpu.pack_format<interleaved>} : vector<32xbf16> -> vector<16xf32>
        %add3A_309 = arith.constant 296 : i32
        %add3A_310 = vector.broadcast %add3A_309 : i32 to vector<16xi32>
        %add3A_311 = arith.addi %add3A_299, %add3A_310 : vector<16xi32>
        %gather3A_312 = tpu.vector_load_idx %arg9[%add3A_311] : memref<2368xi32, #tpu.memory_space<vmem>>[vector<16xi32>], vector<16xi32>,
        %bitcast3A_313 = vector.bitcast %gather3A_312 : vector<16xi32> to vector<32xbf16>
        %unpack3A_314 = tpu.unpack_subelements %bitcast3A_313, 0 {pack_format = #tpu.pack_format<interleaved>} : vector<32xbf16> -> vector<16xf32>
        %unpack3A_315 = tpu.unpack_subelements %bitcast3A_313, 1 {pack_format = #tpu.pack_format<interleaved>} : vector<32xbf16> -> vector<16xf32>
        %add3A_316 = arith.constant 444 : i32
        %add3A_317 = vector.broadcast %add3A_316 : i32 to vector<16xi32>
        %add3A_318 = arith.addi %add3A_299, %add3A_317 : vector<16xi32>
        %gather3A_319 = tpu.vector_load_idx %arg9[%add3A_318] : memref<2368xi32, #tpu.memory_space<vmem>>[vector<16xi32>], vector<16xi32>,
        %bitcast3A_320 = vector.bitcast %gather3A_319 : vector<16xi32> to vector<32xbf16>
        %unpack3A_321 = tpu.unpack_subelements %bitcast3A_320, 0 {pack_format = #tpu.pack_format<interleaved>} : vector<32xbf16> -> vector<16xf32>
        %unpack3A_322 = tpu.unpack_subelements %bitcast3A_320, 1 {pack_format = #tpu.pack_format<interleaved>} : vector<32xbf16> -> vector<16xf32>
        %add3A_323 = arith.constant 592 : i32
        %add3A_324 = vector.broadcast %add3A_323 : i32 to vector<16xi32>
        %add3A_325 = arith.addi %add3A_299, %add3A_324 : vector<16xi32>
        %gather3A_326 = tpu.vector_load_idx %arg9[%add3A_325] : memref<2368xi32, #tpu.memory_space<vmem>>[vector<16xi32>], vector<16xi32>,
        %bitcast3A_327 = vector.bitcast %gather3A_326 : vector<16xi32> to vector<32xbf16>
        %unpack3A_328 = tpu.unpack_subelements %bitcast3A_327, 0 {pack_format = #tpu.pack_format<interleaved>} : vector<32xbf16> -> vector<16xf32>
        %unpack3A_329 = tpu.unpack_subelements %bitcast3A_327, 1 {pack_format = #tpu.pack_format<interleaved>} : vector<32xbf16> -> vector<16xf32>
        %add3A_330 = arith.constant 740 : i32
        %add3A_331 = vector.broadcast %add3A_330 : i32 to vector<16xi32>
        %add3A_332 = arith.addi %add3A_299, %add3A_331 : vector<16xi32>
        %gather3A_333 = tpu.vector_load_idx %arg9[%add3A_332] : memref<2368xi32, #tpu.memory_space<vmem>>[vector<16xi32>], vector<16xi32>,
        %bitcast3A_334 = vector.bitcast %gather3A_333 : vector<16xi32> to vector<32xbf16>
        %unpack3A_335 = tpu.unpack_subelements %bitcast3A_334, 0 {pack_format = #tpu.pack_format<interleaved>} : vector<32xbf16> -> vector<16xf32>
        %unpack3A_336 = tpu.unpack_subelements %bitcast3A_334, 1 {pack_format = #tpu.pack_format<interleaved>} : vector<32xbf16> -> vector<16xf32>
        %add3A_337 = arith.constant 888 : i32
        %add3A_338 = vector.broadcast %add3A_337 : i32 to vector<16xi32>
        %add3A_339 = arith.addi %add3A_299, %add3A_338 : vector<16xi32>
        %gather3A_340 = tpu.vector_load_idx %arg9[%add3A_339] : memref<2368xi32, #tpu.memory_space<vmem>>[vector<16xi32>], vector<16xi32>,
        %bitcast3A_341 = vector.bitcast %gather3A_340 : vector<16xi32> to vector<32xbf16>
        %unpack3A_342 = tpu.unpack_subelements %bitcast3A_341, 0 {pack_format = #tpu.pack_format<interleaved>} : vector<32xbf16> -> vector<16xf32>
        %unpack3A_343 = tpu.unpack_subelements %bitcast3A_341, 1 {pack_format = #tpu.pack_format<interleaved>} : vector<32xbf16> -> vector<16xf32>
        %add3A_344 = arith.constant 1036 : i32
        %add3A_345 = vector.broadcast %add3A_344 : i32 to vector<16xi32>
        %add3A_346 = arith.addi %add3A_299, %add3A_345 : vector<16xi32>
        %gather3A_347 = tpu.vector_load_idx %arg9[%add3A_346] : memref<2368xi32, #tpu.memory_space<vmem>>[vector<16xi32>], vector<16xi32>,
        %bitcast3A_348 = vector.bitcast %gather3A_347 : vector<16xi32> to vector<32xbf16>
        %unpack3A_349 = tpu.unpack_subelements %bitcast3A_348, 0 {pack_format = #tpu.pack_format<interleaved>} : vector<32xbf16> -> vector<16xf32>
        %unpack3A_350 = tpu.unpack_subelements %bitcast3A_348, 1 {pack_format = #tpu.pack_format<interleaved>} : vector<32xbf16> -> vector<16xf32>
        %add3A_351 = arith.constant 1184 : i32
        %add3A_352 = vector.broadcast %add3A_351 : i32 to vector<16xi32>
        %add3A_353 = arith.addi %add3A_299, %add3A_352 : vector<16xi32>
        %gather3A_354 = tpu.vector_load_idx %arg9[%add3A_353] : memref<2368xi32, #tpu.memory_space<vmem>>[vector<16xi32>], vector<16xi32>,
        %bitcast3A_355 = vector.bitcast %gather3A_354 : vector<16xi32> to vector<32xbf16>
        %unpack3A_356 = tpu.unpack_subelements %bitcast3A_355, 0 {pack_format = #tpu.pack_format<interleaved>} : vector<32xbf16> -> vector<16xf32>
        %unpack3A_357 = tpu.unpack_subelements %bitcast3A_355, 1 {pack_format = #tpu.pack_format<interleaved>} : vector<32xbf16> -> vector<16xf32>
        %add3A_358 = arith.constant 1332 : i32
        %add3A_359 = vector.broadcast %add3A_358 : i32 to vector<16xi32>
        %add3A_360 = arith.addi %add3A_299, %add3A_359 : vector<16xi32>
        %gather3A_361 = tpu.vector_load_idx %arg9[%add3A_360] : memref<2368xi32, #tpu.memory_space<vmem>>[vector<16xi32>], vector<16xi32>,
        %bitcast3A_362 = vector.bitcast %gather3A_361 : vector<16xi32> to vector<32xbf16>
        %unpack3A_363 = tpu.unpack_subelements %bitcast3A_362, 0 {pack_format = #tpu.pack_format<interleaved>} : vector<32xbf16> -> vector<16xf32>
        %unpack3A_364 = tpu.unpack_subelements %bitcast3A_362, 1 {pack_format = #tpu.pack_format<interleaved>} : vector<32xbf16> -> vector<16xf32>
        %add3A_365 = arith.constant 1480 : i32
        %add3A_366 = vector.broadcast %add3A_365 : i32 to vector<16xi32>
        %add3A_367 = arith.addi %add3A_299, %add3A_366 : vector<16xi32>
        %gather3A_368 = tpu.vector_load_idx %arg9[%add3A_367] : memref<2368xi32, #tpu.memory_space<vmem>>[vector<16xi32>], vector<16xi32>,
        %bitcast3A_369 = vector.bitcast %gather3A_368 : vector<16xi32> to vector<32xbf16>
        %unpack3A_370 = tpu.unpack_subelements %bitcast3A_369, 0 {pack_format = #tpu.pack_format<interleaved>} : vector<32xbf16> -> vector<16xf32>
        %unpack3A_371 = tpu.unpack_subelements %bitcast3A_369, 1 {pack_format = #tpu.pack_format<interleaved>} : vector<32xbf16> -> vector<16xf32>
        %add3A_372 = arith.constant 1628 : i32
        %add3A_373 = vector.broadcast %add3A_372 : i32 to vector<16xi32>
        %add3A_374 = arith.addi %add3A_299, %add3A_373 : vector<16xi32>
        %gather3A_375 = tpu.vector_load_idx %arg9[%add3A_374] : memref<2368xi32, #tpu.memory_space<vmem>>[vector<16xi32>], vector<16xi32>,
        %bitcast3A_376 = vector.bitcast %gather3A_375 : vector<16xi32> to vector<32xbf16>
        %unpack3A_377 = tpu.unpack_subelements %bitcast3A_376, 0 {pack_format = #tpu.pack_format<interleaved>} : vector<32xbf16> -> vector<16xf32>
        %unpack3A_378 = tpu.unpack_subelements %bitcast3A_376, 1 {pack_format = #tpu.pack_format<interleaved>} : vector<32xbf16> -> vector<16xf32>
        %add3A_379 = arith.constant 1776 : i32
        %add3A_380 = vector.broadcast %add3A_379 : i32 to vector<16xi32>
        %add3A_381 = arith.addi %add3A_299, %add3A_380 : vector<16xi32>
        %gather3A_382 = tpu.vector_load_idx %arg9[%add3A_381] : memref<2368xi32, #tpu.memory_space<vmem>>[vector<16xi32>], vector<16xi32>,
        %bitcast3A_383 = vector.bitcast %gather3A_382 : vector<16xi32> to vector<32xbf16>
        %unpack3A_384 = tpu.unpack_subelements %bitcast3A_383, 0 {pack_format = #tpu.pack_format<interleaved>} : vector<32xbf16> -> vector<16xf32>
        %unpack3A_385 = tpu.unpack_subelements %bitcast3A_383, 1 {pack_format = #tpu.pack_format<interleaved>} : vector<32xbf16> -> vector<16xf32>
        %add3A_386 = arith.constant 1924 : i32
        %add3A_387 = vector.broadcast %add3A_386 : i32 to vector<16xi32>
        %add3A_388 = arith.addi %add3A_299, %add3A_387 : vector<16xi32>
        %gather3A_389 = tpu.vector_load_idx %arg9[%add3A_388] : memref<2368xi32, #tpu.memory_space<vmem>>[vector<16xi32>], vector<16xi32>,
        %bitcast3A_390 = vector.bitcast %gather3A_389 : vector<16xi32> to vector<32xbf16>
        %unpack3A_391 = tpu.unpack_subelements %bitcast3A_390, 0 {pack_format = #tpu.pack_format<interleaved>} : vector<32xbf16> -> vector<16xf32>
        %unpack3A_392 = tpu.unpack_subelements %bitcast3A_390, 1 {pack_format = #tpu.pack_format<interleaved>} : vector<32xbf16> -> vector<16xf32>
        %add3A_393 = arith.constant 2072 : i32
        %add3A_394 = vector.broadcast %add3A_393 : i32 to vector<16xi32>
        %add3A_395 = arith.addi %add3A_299, %add3A_394 : vector<16xi32>
        %gather3A_396 = tpu.vector_load_idx %arg9[%add3A_395] : memref<2368xi32, #tpu.memory_space<vmem>>[vector<16xi32>], vector<16xi32>,
        %bitcast3A_397 = vector.bitcast %gather3A_396 : vector<16xi32> to vector<32xbf16>
        %unpack3A_398 = tpu.unpack_subelements %bitcast3A_397, 0 {pack_format = #tpu.pack_format<interleaved>} : vector<32xbf16> -> vector<16xf32>
        %unpack3A_399 = tpu.unpack_subelements %bitcast3A_397, 1 {pack_format = #tpu.pack_format<interleaved>} : vector<32xbf16> -> vector<16xf32>
        %add3A_400 = arith.constant 2220 : i32
        %add3A_401 = vector.broadcast %add3A_400 : i32 to vector<16xi32>
        %add3A_402 = arith.addi %add3A_299, %add3A_401 : vector<16xi32>
        %gather3A_403 = tpu.vector_load_idx %arg9[%add3A_402] : memref<2368xi32, #tpu.memory_space<vmem>>[vector<16xi32>], vector<16xi32>,
        %bitcast3A_404 = vector.bitcast %gather3A_403 : vector<16xi32> to vector<32xbf16>
        %unpack3A_405 = tpu.unpack_subelements %bitcast3A_404, 0 {pack_format = #tpu.pack_format<interleaved>} : vector<32xbf16> -> vector<16xf32>
        %unpack3A_406 = tpu.unpack_subelements %bitcast3A_404, 1 {pack_format = #tpu.pack_format<interleaved>} : vector<32xbf16> -> vector<16xf32>
        %swap3A = arith.constant 0 : i32
        %swap3A_407 = arith.index_cast %swap3A : i32 to index
        %swap3A_408 = arith.index_cast %shift_right_arithmetic3A_286 : i32 to index
        %swap3A_409 = arith.index_cast %shift_left3A_288 : i32 to index
        %swap3A_410 = tpu.vector_load %arg15[%swap3A_407, %swap3A_408, %swap3A_409] {strides = array<i32>} : memref<32x4x128xf32, #tpu.memory_space<vmem>>, vector<16xf32>,
        tpu.vector_store %arg15[%swap3A_407, %swap3A_408, %swap3A_409], %unpack3A {strides = array<i32>} : memref<32x4x128xf32, #tpu.memory_space<vmem>>, vector<16xf32>,
        %swap3A_411 = arith.constant 1 : i32
        %swap3A_412 = arith.index_cast %swap3A_411 : i32 to index
        %swap3A_413 = arith.index_cast %shift_right_arithmetic3A_286 : i32 to index
        %swap3A_414 = arith.index_cast %shift_left3A_288 : i32 to index
        %swap3A_415 = tpu.vector_load %arg15[%swap3A_412, %swap3A_413, %swap3A_414] {strides = array<i32>} : memref<32x4x128xf32, #tpu.memory_space<vmem>>, vector<16xf32>,
        tpu.vector_store %arg15[%swap3A_412, %swap3A_413, %swap3A_414], %unpack3A_301 {strides = array<i32>} : memref<32x4x128xf32, #tpu.memory_space<vmem>>, vector<16xf32>,
        %swap3A_416 = arith.constant 2 : i32
        %swap3A_417 = arith.index_cast %swap3A_416 : i32 to index
        %swap3A_418 = arith.index_cast %shift_right_arithmetic3A_286 : i32 to index
        %swap3A_419 = arith.index_cast %shift_left3A_288 : i32 to index
        %swap3A_420 = tpu.vector_load %arg15[%swap3A_417, %swap3A_418, %swap3A_419] {strides = array<i32>} : memref<32x4x128xf32, #tpu.memory_space<vmem>>, vector<16xf32>,
        tpu.vector_store %arg15[%swap3A_417, %swap3A_418, %swap3A_419], %unpack3A_307 {strides = array<i32>} : memref<32x4x128xf32, #tpu.memory_space<vmem>>, vector<16xf32>,
        %swap3A_421 = arith.constant 3 : i32
        %swap3A_422 = arith.index_cast %swap3A_421 : i32 to index
        %swap3A_423 = arith.index_cast %shift_right_arithmetic3A_286 : i32 to index
        %swap3A_424 = arith.index_cast %shift_left3A_288 : i32 to index
        %swap3A_425 = tpu.vector_load %arg15[%swap3A_422, %swap3A_423, %swap3A_424] {strides = array<i32>} : memref<32x4x128xf32, #tpu.memory_space<vmem>>, vector<16xf32>,
        tpu.vector_store %arg15[%swap3A_422, %swap3A_423, %swap3A_424], %unpack3A_308 {strides = array<i32>} : memref<32x4x128xf32, #tpu.memory_space<vmem>>, vector<16xf32>,
        %swap3A_426 = arith.constant 4 : i32
        %swap3A_427 = arith.index_cast %swap3A_426 : i32 to index
        %swap3A_428 = arith.index_cast %shift_right_arithmetic3A_286 : i32 to index
        %swap3A_429 = arith.index_cast %shift_left3A_288 : i32 to index
        %swap3A_430 = tpu.vector_load %arg15[%swap3A_427, %swap3A_428, %swap3A_429] {strides = array<i32>} : memref<32x4x128xf32, #tpu.memory_space<vmem>>, vector<16xf32>,
        tpu.vector_store %arg15[%swap3A_427, %swap3A_428, %swap3A_429], %unpack3A_314 {strides = array<i32>} : memref<32x4x128xf32, #tpu.memory_space<vmem>>, vector<16xf32>,
        %swap3A_431 = arith.constant 5 : i32
        %swap3A_432 = arith.index_cast %swap3A_431 : i32 to index
        %swap3A_433 = arith.index_cast %shift_right_arithmetic3A_286 : i32 to index
        %swap3A_434 = arith.index_cast %shift_left3A_288 : i32 to index
        %swap3A_435 = tpu.vector_load %arg15[%swap3A_432, %swap3A_433, %swap3A_434] {strides = array<i32>} : memref<32x4x128xf32, #tpu.memory_space<vmem>>, vector<16xf32>,
        tpu.vector_store %arg15[%swap3A_432, %swap3A_433, %swap3A_434], %unpack3A_315 {strides = array<i32>} : memref<32x4x128xf32, #tpu.memory_space<vmem>>, vector<16xf32>,
        %swap3A_436 = arith.constant 6 : i32
        %swap3A_437 = arith.index_cast %swap3A_436 : i32 to index
        %swap3A_438 = arith.index_cast %shift_right_arithmetic3A_286 : i32 to index
        %swap3A_439 = arith.index_cast %shift_left3A_288 : i32 to index
        %swap3A_440 = tpu.vector_load %arg15[%swap3A_437, %swap3A_438, %swap3A_439] {strides = array<i32>} : memref<32x4x128xf32, #tpu.memory_space<vmem>>, vector<16xf32>,
        tpu.vector_store %arg15[%swap3A_437, %swap3A_438, %swap3A_439], %unpack3A_321 {strides = array<i32>} : memref<32x4x128xf32, #tpu.memory_space<vmem>>, vector<16xf32>,
        %swap3A_441 = arith.constant 7 : i32
        %swap3A_442 = arith.index_cast %swap3A_441 : i32 to index
        %swap3A_443 = arith.index_cast %shift_right_arithmetic3A_286 : i32 to index
        %swap3A_444 = arith.index_cast %shift_left3A_288 : i32 to index
        %swap3A_445 = tpu.vector_load %arg15[%swap3A_442, %swap3A_443, %swap3A_444] {strides = array<i32>} : memref<32x4x128xf32, #tpu.memory_space<vmem>>, vector<16xf32>,
        tpu.vector_store %arg15[%swap3A_442, %swap3A_443, %swap3A_444], %unpack3A_322 {strides = array<i32>} : memref<32x4x128xf32, #tpu.memory_space<vmem>>, vector<16xf32>,
        %swap3A_446 = arith.constant 8 : i32
        %swap3A_447 = arith.index_cast %swap3A_446 : i32 to index
        %swap3A_448 = arith.index_cast %shift_right_arithmetic3A_286 : i32 to index
        %swap3A_449 = arith.index_cast %shift_left3A_288 : i32 to index
        %swap3A_450 = tpu.vector_load %arg15[%swap3A_447, %swap3A_448, %swap3A_449] {strides = array<i32>} : memref<32x4x128xf32, #tpu.memory_space<vmem>>, vector<16xf32>,
        tpu.vector_store %arg15[%swap3A_447, %swap3A_448, %swap3A_449], %unpack3A_328 {strides = array<i32>} : memref<32x4x128xf32, #tpu.memory_space<vmem>>, vector<16xf32>,
        %swap3A_451 = arith.constant 9 : i32
        %swap3A_452 = arith.index_cast %swap3A_451 : i32 to index
        %swap3A_453 = arith.index_cast %shift_right_arithmetic3A_286 : i32 to index
        %swap3A_454 = arith.index_cast %shift_left3A_288 : i32 to index
        %swap3A_455 = tpu.vector_load %arg15[%swap3A_452, %swap3A_453, %swap3A_454] {strides = array<i32>} : memref<32x4x128xf32, #tpu.memory_space<vmem>>, vector<16xf32>,
        tpu.vector_store %arg15[%swap3A_452, %swap3A_453, %swap3A_454], %unpack3A_329 {strides = array<i32>} : memref<32x4x128xf32, #tpu.memory_space<vmem>>, vector<16xf32>,
        %swap3A_456 = arith.constant 10 : i32
        %swap3A_457 = arith.index_cast %swap3A_456 : i32 to index
        %swap3A_458 = arith.index_cast %shift_right_arithmetic3A_286 : i32 to index
        %swap3A_459 = arith.index_cast %shift_left3A_288 : i32 to index
        %swap3A_460 = tpu.vector_load %arg15[%swap3A_457, %swap3A_458, %swap3A_459] {strides = array<i32>} : memref<32x4x128xf32, #tpu.memory_space<vmem>>, vector<16xf32>,
        tpu.vector_store %arg15[%swap3A_457, %swap3A_458, %swap3A_459], %unpack3A_335 {strides = array<i32>} : memref<32x4x128xf32, #tpu.memory_space<vmem>>, vector<16xf32>,
        %swap3A_461 = arith.constant 11 : i32
        %swap3A_462 = arith.index_cast %swap3A_461 : i32 to index
        %swap3A_463 = arith.index_cast %shift_right_arithmetic3A_286 : i32 to index
        %swap3A_464 = arith.index_cast %shift_left3A_288 : i32 to index
        %swap3A_465 = tpu.vector_load %arg15[%swap3A_462, %swap3A_463, %swap3A_464] {strides = array<i32>} : memref<32x4x128xf32, #tpu.memory_space<vmem>>, vector<16xf32>,
        tpu.vector_store %arg15[%swap3A_462, %swap3A_463, %swap3A_464], %unpack3A_336 {strides = array<i32>} : memref<32x4x128xf32, #tpu.memory_space<vmem>>, vector<16xf32>,
        %swap3A_466 = arith.constant 12 : i32
        %swap3A_467 = arith.index_cast %swap3A_466 : i32 to index
        %swap3A_468 = arith.index_cast %shift_right_arithmetic3A_286 : i32 to index
        %swap3A_469 = arith.index_cast %shift_left3A_288 : i32 to index
        %swap3A_470 = tpu.vector_load %arg15[%swap3A_467, %swap3A_468, %swap3A_469] {strides = array<i32>} : memref<32x4x128xf32, #tpu.memory_space<vmem>>, vector<16xf32>,
        tpu.vector_store %arg15[%swap3A_467, %swap3A_468, %swap3A_469], %unpack3A_342 {strides = array<i32>} : memref<32x4x128xf32, #tpu.memory_space<vmem>>, vector<16xf32>,
        %swap3A_471 = arith.constant 13 : i32
        %swap3A_472 = arith.index_cast %swap3A_471 : i32 to index
        %swap3A_473 = arith.index_cast %shift_right_arithmetic3A_286 : i32 to index
        %swap3A_474 = arith.index_cast %shift_left3A_288 : i32 to index
        %swap3A_475 = tpu.vector_load %arg15[%swap3A_472, %swap3A_473, %swap3A_474] {strides = array<i32>} : memref<32x4x128xf32, #tpu.memory_space<vmem>>, vector<16xf32>,
        tpu.vector_store %arg15[%swap3A_472, %swap3A_473, %swap3A_474], %unpack3A_343 {strides = array<i32>} : memref<32x4x128xf32, #tpu.memory_space<vmem>>, vector<16xf32>,
        %swap3A_476 = arith.constant 14 : i32
        %swap3A_477 = arith.index_cast %swap3A_476 : i32 to index
        %swap3A_478 = arith.index_cast %shift_right_arithmetic3A_286 : i32 to index
        %swap3A_479 = arith.index_cast %shift_left3A_288 : i32 to index
        %swap3A_480 = tpu.vector_load %arg15[%swap3A_477, %swap3A_478, %swap3A_479] {strides = array<i32>} : memref<32x4x128xf32, #tpu.memory_space<vmem>>, vector<16xf32>,
        tpu.vector_store %arg15[%swap3A_477, %swap3A_478, %swap3A_479], %unpack3A_349 {strides = array<i32>} : memref<32x4x128xf32, #tpu.memory_space<vmem>>, vector<16xf32>,
        %swap3A_481 = arith.constant 15 : i32
        %swap3A_482 = arith.index_cast %swap3A_481 : i32 to index
        %swap3A_483 = arith.index_cast %shift_right_arithmetic3A_286 : i32 to index
        %swap3A_484 = arith.index_cast %shift_left3A_288 : i32 to index
        %swap3A_485 = tpu.vector_load %arg15[%swap3A_482, %swap3A_483, %swap3A_484] {strides = array<i32>} : memref<32x4x128xf32, #tpu.memory_space<vmem>>, vector<16xf32>,
        tpu.vector_store %arg15[%swap3A_482, %swap3A_483, %swap3A_484], %unpack3A_350 {strides = array<i32>} : memref<32x4x128xf32, #tpu.memory_space<vmem>>, vector<16xf32>,
        %swap3A_486 = arith.constant 16 : i32
        %swap3A_487 = arith.index_cast %swap3A_486 : i32 to index
        %swap3A_488 = arith.index_cast %shift_right_arithmetic3A_286 : i32 to index
        %swap3A_489 = arith.index_cast %shift_left3A_288 : i32 to index
        %swap3A_490 = tpu.vector_load %arg15[%swap3A_487, %swap3A_488, %swap3A_489] {strides = array<i32>} : memref<32x4x128xf32, #tpu.memory_space<vmem>>, vector<16xf32>,
        tpu.vector_store %arg15[%swap3A_487, %swap3A_488, %swap3A_489], %unpack3A_356 {strides = array<i32>} : memref<32x4x128xf32, #tpu.memory_space<vmem>>, vector<16xf32>,
        %swap3A_491 = arith.constant 17 : i32
        %swap3A_492 = arith.index_cast %swap3A_491 : i32 to index
        %swap3A_493 = arith.index_cast %shift_right_arithmetic3A_286 : i32 to index
        %swap3A_494 = arith.index_cast %shift_left3A_288 : i32 to index
        %swap3A_495 = tpu.vector_load %arg15[%swap3A_492, %swap3A_493, %swap3A_494] {strides = array<i32>} : memref<32x4x128xf32, #tpu.memory_space<vmem>>, vector<16xf32>,
        tpu.vector_store %arg15[%swap3A_492, %swap3A_493, %swap3A_494], %unpack3A_357 {strides = array<i32>} : memref<32x4x128xf32, #tpu.memory_space<vmem>>, vector<16xf32>,
        %swap3A_496 = arith.constant 18 : i32
        %swap3A_497 = arith.index_cast %swap3A_496 : i32 to index
        %swap3A_498 = arith.index_cast %shift_right_arithmetic3A_286 : i32 to index
        %swap3A_499 = arith.index_cast %shift_left3A_288 : i32 to index
        %swap3A_500 = tpu.vector_load %arg15[%swap3A_497, %swap3A_498, %swap3A_499] {strides = array<i32>} : memref<32x4x128xf32, #tpu.memory_space<vmem>>, vector<16xf32>,
        tpu.vector_store %arg15[%swap3A_497, %swap3A_498, %swap3A_499], %unpack3A_363 {strides = array<i32>} : memref<32x4x128xf32, #tpu.memory_space<vmem>>, vector<16xf32>,
        %swap3A_501 = arith.constant 19 : i32
        %swap3A_502 = arith.index_cast %swap3A_501 : i32 to index
        %swap3A_503 = arith.index_cast %shift_right_arithmetic3A_286 : i32 to index
        %swap3A_504 = arith.index_cast %shift_left3A_288 : i32 to index
        %swap3A_505 = tpu.vector_load %arg15[%swap3A_502, %swap3A_503, %swap3A_504] {strides = array<i32>} : memref<32x4x128xf32, #tpu.memory_space<vmem>>, vector<16xf32>,
        tpu.vector_store %arg15[%swap3A_502, %swap3A_503, %swap3A_504], %unpack3A_364 {strides = array<i32>} : memref<32x4x128xf32, #tpu.memory_space<vmem>>, vector<16xf32>,
        %swap3A_506 = arith.constant 20 : i32
        %swap3A_507 = arith.index_cast %swap3A_506 : i32 to index
        %swap3A_508 = arith.index_cast %shift_right_arithmetic3A_286 : i32 to index
        %swap3A_509 = arith.index_cast %shift_left3A_288 : i32 to index
        %swap3A_510 = tpu.vector_load %arg15[%swap3A_507, %swap3A_508, %swap3A_509] {strides = array<i32>} : memref<32x4x128xf32, #tpu.memory_space<vmem>>, vector<16xf32>,
        tpu.vector_store %arg15[%swap3A_507, %swap3A_508, %swap3A_509], %unpack3A_370 {strides = array<i32>} : memref<32x4x128xf32, #tpu.memory_space<vmem>>, vector<16xf32>,
        %swap3A_511 = arith.constant 21 : i32
        %swap3A_512 = arith.index_cast %swap3A_511 : i32 to index
        %swap3A_513 = arith.index_cast %shift_right_arithmetic3A_286 : i32 to index
        %swap3A_514 = arith.index_cast %shift_left3A_288 : i32 to index
        %swap3A_515 = tpu.vector_load %arg15[%swap3A_512, %swap3A_513, %swap3A_514] {strides = array<i32>} : memref<32x4x128xf32, #tpu.memory_space<vmem>>, vector<16xf32>,
        tpu.vector_store %arg15[%swap3A_512, %swap3A_513, %swap3A_514], %unpack3A_371 {strides = array<i32>} : memref<32x4x128xf32, #tpu.memory_space<vmem>>, vector<16xf32>,
        %swap3A_516 = arith.constant 22 : i32
        %swap3A_517 = arith.index_cast %swap3A_516 : i32 to index
        %swap3A_518 = arith.index_cast %shift_right_arithmetic3A_286 : i32 to index
        %swap3A_519 = arith.index_cast %shift_left3A_288 : i32 to index
        %swap3A_520 = tpu.vector_load %arg15[%swap3A_517, %swap3A_518, %swap3A_519] {strides = array<i32>} : memref<32x4x128xf32, #tpu.memory_space<vmem>>, vector<16xf32>,
        tpu.vector_store %arg15[%swap3A_517, %swap3A_518, %swap3A_519], %unpack3A_377 {strides = array<i32>} : memref<32x4x128xf32, #tpu.memory_space<vmem>>, vector<16xf32>,
        %swap3A_521 = arith.constant 23 : i32
        %swap3A_522 = arith.index_cast %swap3A_521 : i32 to index
        %swap3A_523 = arith.index_cast %shift_right_arithmetic3A_286 : i32 to index
        %swap3A_524 = arith.index_cast %shift_left3A_288 : i32 to index
        %swap3A_525 = tpu.vector_load %arg15[%swap3A_522, %swap3A_523, %swap3A_524] {strides = array<i32>} : memref<32x4x128xf32, #tpu.memory_space<vmem>>, vector<16xf32>,
        tpu.vector_store %arg15[%swap3A_522, %swap3A_523, %swap3A_524], %unpack3A_378 {strides = array<i32>} : memref<32x4x128xf32, #tpu.memory_space<vmem>>, vector<16xf32>,
        %swap3A_526 = arith.constant 24 : i32
        %swap3A_527 = arith.index_cast %swap3A_526 : i32 to index
        %swap3A_528 = arith.index_cast %shift_right_arithmetic3A_286 : i32 to index
        %swap3A_529 = arith.index_cast %shift_left3A_288 : i32 to index
        %swap3A_530 = tpu.vector_load %arg15[%swap3A_527, %swap3A_528, %swap3A_529] {strides = array<i32>} : memref<32x4x128xf32, #tpu.memory_space<vmem>>, vector<16xf32>,
        tpu.vector_store %arg15[%swap3A_527, %swap3A_528, %swap3A_529], %unpack3A_384 {strides = array<i32>} : memref<32x4x128xf32, #tpu.memory_space<vmem>>, vector<16xf32>,
        %swap3A_531 = arith.constant 25 : i32
        %swap3A_532 = arith.index_cast %swap3A_531 : i32 to index
        %swap3A_533 = arith.index_cast %shift_right_arithmetic3A_286 : i32 to index
        %swap3A_534 = arith.index_cast %shift_left3A_288 : i32 to index
        %swap3A_535 = tpu.vector_load %arg15[%swap3A_532, %swap3A_533, %swap3A_534] {strides = array<i32>} : memref<32x4x128xf32, #tpu.memory_space<vmem>>, vector<16xf32>,
        tpu.vector_store %arg15[%swap3A_532, %swap3A_533, %swap3A_534], %unpack3A_385 {strides = array<i32>} : memref<32x4x128xf32, #tpu.memory_space<vmem>>, vector<16xf32>,
        %swap3A_536 = arith.constant 26 : i32
        %swap3A_537 = arith.index_cast %swap3A_536 : i32 to index
        %swap3A_538 = arith.index_cast %shift_right_arithmetic3A_286 : i32 to index
        %swap3A_539 = arith.index_cast %shift_left3A_288 : i32 to index
        %swap3A_540 = tpu.vector_load %arg15[%swap3A_537, %swap3A_538, %swap3A_539] {strides = array<i32>} : memref<32x4x128xf32, #tpu.memory_space<vmem>>, vector<16xf32>,
        tpu.vector_store %arg15[%swap3A_537, %swap3A_538, %swap3A_539], %unpack3A_391 {strides = array<i32>} : memref<32x4x128xf32, #tpu.memory_space<vmem>>, vector<16xf32>,
        %swap3A_541 = arith.constant 27 : i32
        %swap3A_542 = arith.index_cast %swap3A_541 : i32 to index
        %swap3A_543 = arith.index_cast %shift_right_arithmetic3A_286 : i32 to index
        %swap3A_544 = arith.index_cast %shift_left3A_288 : i32 to index
        %swap3A_545 = tpu.vector_load %arg15[%swap3A_542, %swap3A_543, %swap3A_544] {strides = array<i32>} : memref<32x4x128xf32, #tpu.memory_space<vmem>>, vector<16xf32>,
        tpu.vector_store %arg15[%swap3A_542, %swap3A_543, %swap3A_544], %unpack3A_392 {strides = array<i32>} : memref<32x4x128xf32, #tpu.memory_space<vmem>>, vector<16xf32>,
        %swap3A_546 = arith.constant 28 : i32
        %swap3A_547 = arith.index_cast %swap3A_546 : i32 to index
        %swap3A_548 = arith.index_cast %shift_right_arithmetic3A_286 : i32 to index
        %swap3A_549 = arith.index_cast %shift_left3A_288 : i32 to index
        %swap3A_550 = tpu.vector_load %arg15[%swap3A_547, %swap3A_548, %swap3A_549] {strides = array<i32>} : memref<32x4x128xf32, #tpu.memory_space<vmem>>, vector<16xf32>,
        tpu.vector_store %arg15[%swap3A_547, %swap3A_548, %swap3A_549], %unpack3A_398 {strides = array<i32>} : memref<32x4x128xf32, #tpu.memory_space<vmem>>, vector<16xf32>,
        %swap3A_551 = arith.constant 29 : i32
        %swap3A_552 = arith.index_cast %swap3A_551 : i32 to index
        %swap3A_553 = arith.index_cast %shift_right_arithmetic3A_286 : i32 to index
        %swap3A_554 = arith.index_cast %shift_left3A_288 : i32 to index
        %swap3A_555 = tpu.vector_load %arg15[%swap3A_552, %swap3A_553, %swap3A_554] {strides = array<i32>} : memref<32x4x128xf32, #tpu.memory_space<vmem>>, vector<16xf32>,
        tpu.vector_store %arg15[%swap3A_552, %swap3A_553, %swap3A_554], %unpack3A_399 {strides = array<i32>} : memref<32x4x128xf32, #tpu.memory_space<vmem>>, vector<16xf32>,
        %swap3A_556 = arith.constant 30 : i32
        %swap3A_557 = arith.index_cast %swap3A_556 : i32 to index
        %swap3A_558 = arith.index_cast %shift_right_arithmetic3A_286 : i32 to index
        %swap3A_559 = arith.index_cast %shift_left3A_288 : i32 to index
        %swap3A_560 = tpu.vector_load %arg15[%swap3A_557, %swap3A_558, %swap3A_559] {strides = array<i32>} : memref<32x4x128xf32, #tpu.memory_space<vmem>>, vector<16xf32>,
        tpu.vector_store %arg15[%swap3A_557, %swap3A_558, %swap3A_559], %unpack3A_405 {strides = array<i32>} : memref<32x4x128xf32, #tpu.memory_space<vmem>>, vector<16xf32>,
        %swap3A_561 = arith.constant 31 : i32
        %swap3A_562 = arith.index_cast %swap3A_561 : i32 to index
        %swap3A_563 = arith.index_cast %shift_right_arithmetic3A_286 : i32 to index
        %swap3A_564 = arith.index_cast %shift_left3A_288 : i32 to index
        %swap3A_565 = tpu.vector_load %arg15[%swap3A_562, %swap3A_563, %swap3A_564] {strides = array<i32>} : memref<32x4x128xf32, #tpu.memory_space<vmem>>, vector<16xf32>,
        tpu.vector_store %arg15[%swap3A_562, %swap3A_563, %swap3A_564], %unpack3A_406 {strides = array<i32>} : memref<32x4x128xf32, #tpu.memory_space<vmem>>, vector<16xf32>,
      }
      %scan3A_274 = arith.constant 32 : i32
      %add3A_275 = arith.constant 4 : i32
      %add3A_276 = arith.addi %mul3A_245, %add3A_275 : i32
      %dma_start3A_277 = arith.constant 0 : i32
      %dma_start3A_278 = arith.constant 0 : i32
      %dma_start3A_279 = tpu.memref_slice %arg6[%add3A_59, %dma_start3A_277, %add3A_276, %dma_start3A_278] : memref<128x32x128x128xf32, #tpu.memory_space<hbm>> -> memref<1x32x4x128xf32, #tpu.memory_space<hbm>>
      %dma_start3A_280 = tpu.memref_squeeze %dma_start3A_279 : memref<1x32x4x128xf32, #tpu.memory_space<hbm>> -> memref<32x4x128xf32, #tpu.memory_space<hbm>>
      %dma_start3A_281 = arith.constant 0 : i32
      %dma_start3A_282 = arith.constant 0 : i32
      %dma_start3A_283 = tpu.memref_slice %arg6[%add3A_59, %dma_start3A_281, %add3A_276, %dma_start3A_282] : memref<128x32x128x128xf32, #tpu.memory_space<hbm>> -> memref<1x32x4x128xf32, #tpu.memory_space<hbm>>
      %dma_start3A_284 = tpu.memref_squeeze %dma_start3A_283 : memref<1x32x4x128xf32, #tpu.memory_space<hbm>> -> memref<32x4x128xf32, #tpu.memory_space<hbm>>
      tpu.enqueue_dma source(%arg15 : memref<32x4x128xf32, #tpu.memory_space<vmem>>) target(%dma_start3A_284 : memref<32x4x128xf32, #tpu.memory_space<hbm>>) target_semaphore(%arg17 : memref<!tpu.dma_semaphore, #tpu.memory_space<semaphore_mem>>)
    }
    %scan3A_102 = arith.constant 16 : i32
    %add3A_103 = arith.constant 1 : i32
    %add3A_104 = arith.addi %mul3A_42, %add3A_103 : i32
    %dma_wait3A_105 = arith.constant 0 : i32
    %dma_wait3A_106 = arith.constant 0 : i32
    %dma_wait3A_107 = arith.constant 0 : i32
    %dma_wait3A_108 = tpu.memref_slice %arg4[%dma_wait3A_105, %dma_wait3A_106, %dma_wait3A_107] : memref<128x128x128xi32, #tpu.memory_space<hbm>> -> memref<1x128x128xi32, #tpu.memory_space<hbm>>
    %dma_wait3A_109 = tpu.memref_squeeze %dma_wait3A_108 : memref<1x128x128xi32, #tpu.memory_space<hbm>> -> memref<128x128xi32, #tpu.memory_space<hbm>>
    %dma_wait3A_110 = arith.constant 0 : i32
    %dma_wait3A_111 = arith.constant 0 : i32
    %dma_wait3A_112 = tpu.memref_slice %arg4[%dma_wait3A_105, %dma_wait3A_110, %dma_wait3A_111] : memref<128x128x128xi32, #tpu.memory_space<hbm>> -> memref<1x128x128xi32, #tpu.memory_space<hbm>>
    %dma_wait3A_113 = tpu.memref_squeeze %dma_wait3A_112 : memref<1x128x128xi32, #tpu.memory_space<hbm>> -> memref<128x128xi32, #tpu.memory_space<hbm>>
    tpu.wait_dma2 semaphore(%arg18 : memref<!tpu.dma_semaphore, #tpu.memory_space<semaphore_mem>>) src(%dma_wait3A_113 : memref<128x128xi32, #tpu.memory_space<hbm>>) dst(%arg12 : memref<128x128xi32, #tpu.memory_space<vmem>>)
    %dma_wait3A_114 = arith.constant 0 : i32
    %dma_wait3A_115 = arith.constant 0 : i32
    %dma_wait3A_116 = arith.constant 0 : i32
    %dma_wait3A_117 = tpu.memref_slice %arg5[%dma_wait3A_114, %dma_wait3A_115, %dma_wait3A_116] : memref<128x128x128xi32, #tpu.memory_space<hbm>> -> memref<1x128x128xi32, #tpu.memory_space<hbm>>
    %dma_wait3A_118 = tpu.memref_squeeze %dma_wait3A_117 : memref<1x128x128xi32, #tpu.memory_space<hbm>> -> memref<128x128xi32, #tpu.memory_space<hbm>>
    %dma_wait3A_119 = arith.constant 0 : i32
    %dma_wait3A_120 = arith.constant 0 : i32
    %dma_wait3A_121 = tpu.memref_slice %arg5[%dma_wait3A_114, %dma_wait3A_119, %dma_wait3A_120] : memref<128x128x128xi32, #tpu.memory_space<hbm>> -> memref<1x128x128xi32, #tpu.memory_space<hbm>>
    %dma_wait3A_122 = tpu.memref_squeeze %dma_wait3A_121 : memref<1x128x128xi32, #tpu.memory_space<hbm>> -> memref<128x128xi32, #tpu.memory_space<hbm>>
    tpu.wait_dma2 semaphore(%arg18 : memref<!tpu.dma_semaphore, #tpu.memory_space<semaphore_mem>>) src(%dma_wait3A_122 : memref<128x128xi32, #tpu.memory_space<hbm>>) dst(%arg13 : memref<128x128xi32, #tpu.memory_space<vmem>>)
    %add3A_123 = arith.constant 1 : i32
    %add3A_124 = arith.addi %add3A_104, %add3A_123 : i32
    %dma_start3A_125 = arith.constant 0 : i32
    %dma_start3A_126 = arith.constant 0 : i32
    %dma_start3A_127 = tpu.memref_slice %arg4[%add3A_124, %dma_start3A_125, %dma_start3A_126] : memref<128x128x128xi32, #tpu.memory_space<hbm>> -> memref<1x128x128xi32, #tpu.memory_space<hbm>>
    %dma_start3A_128 = tpu.memref_squeeze %dma_start3A_127 : memref<1x128x128xi32, #tpu.memory_space<hbm>> -> memref<128x128xi32, #tpu.memory_space<hbm>>
    %dma_start3A_129 = arith.constant 0 : i32
    %dma_start3A_130 = arith.constant 0 : i32
    %dma_start3A_131 = tpu.memref_slice %arg4[%add3A_124, %dma_start3A_129, %dma_start3A_130] : memref<128x128x128xi32, #tpu.memory_space<hbm>> -> memref<1x128x128xi32, #tpu.memory_space<hbm>>
    %dma_start3A_132 = tpu.memref_squeeze %dma_start3A_131 : memref<1x128x128xi32, #tpu.memory_space<hbm>> -> memref<128x128xi32, #tpu.memory_space<hbm>>
    tpu.enqueue_dma source(%dma_start3A_132 : memref<128x128xi32, #tpu.memory_space<hbm>>) target(%arg10 : memref<128x128xi32, #tpu.memory_space<vmem>>) target_semaphore(%arg18 : memref<!tpu.dma_semaphore, #tpu.memory_space<semaphore_mem>>)
    %add3A_133 = arith.constant 1 : i32
    %add3A_134 = arith.addi %add3A_104, %add3A_133 : i32
    %dma_start3A_135 = arith.constant 0 : i32
    %dma_start3A_136 = arith.constant 0 : i32
    %dma_start3A_137 = tpu.memref_slice %arg5[%add3A_134, %dma_start3A_135, %dma_start3A_136] : memref<128x128x128xi32, #tpu.memory_space<hbm>> -> memref<1x128x128xi32, #tpu.memory_space<hbm>>
    %dma_start3A_138 = tpu.memref_squeeze %dma_start3A_137 : memref<1x128x128xi32, #tpu.memory_space<hbm>> -> memref<128x128xi32, #tpu.memory_space<hbm>>
    %dma_start3A_139 = arith.constant 0 : i32
    %dma_start3A_140 = arith.constant 0 : i32
    %dma_start3A_141 = tpu.memref_slice %arg5[%add3A_134, %dma_start3A_139, %dma_start3A_140] : memref<128x128x128xi32, #tpu.memory_space<hbm>> -> memref<1x128x128xi32, #tpu.memory_space<hbm>>
    %dma_start3A_142 = tpu.memref_squeeze %dma_start3A_141 : memref<1x128x128xi32, #tpu.memory_space<hbm>> -> memref<128x128xi32, #tpu.memory_space<hbm>>
    tpu.enqueue_dma source(%dma_start3A_142 : memref<128x128xi32, #tpu.memory_space<hbm>>) target(%arg11 : memref<128x128xi32, #tpu.memory_space<vmem>>) target_semaphore(%arg18 : memref<!tpu.dma_semaphore, #tpu.memory_space<semaphore_mem>>)
    %scan3A_143 = arith.constant 0 : i32
    %scan3A_144 = arith.constant 0 : i32
    %scan3A_145 = arith.constant 16 : i32
    %scan3A_146 = arith.addi %scan3A_144, %scan3A_145 : i32
    %scan3A_147 = arith.constant 1 : i32
    scf.for %scan3A_243 = %scan3A_144 to %scan3A_146 step %scan3A_147  : i32 {
      %mul3A_244 = arith.constant 8 : i32
      %mul3A_245 = arith.muli %scan3A_243, %mul3A_244 : i32
      %dma_wait3A_246 = arith.constant 0 : i32
      %dma_wait3A_247 = arith.constant 0 : i32
      %dma_wait3A_248 = arith.constant 0 : i32
      %dma_wait3A_249 = arith.constant 0 : i32
      %dma_wait3A_250 = tpu.memref_slice %arg6[%dma_wait3A_246, %dma_wait3A_247, %dma_wait3A_248, %dma_wait3A_249] : memref<128x32x128x128xf32, #tpu.memory_space<hbm>> -> memref<1x32x4x128xf32, #tpu.memory_space<hbm>>
      %dma_wait3A_251 = tpu.memref_squeeze %dma_wait3A_250 : memref<1x32x4x128xf32, #tpu.memory_space<hbm>> -> memref<32x4x128xf32, #tpu.memory_space<hbm>>
      %dma_wait3A_252 = arith.constant 0 : i32
      %dma_wait3A_253 = arith.constant 0 : i32
      %dma_wait3A_254 = arith.constant 0 : i32
      %dma_wait3A_255 = tpu.memref_slice %arg6[%dma_wait3A_246, %dma_wait3A_252, %dma_wait3A_253, %dma_wait3A_254] : memref<128x32x128x128xf32, #tpu.memory_space<hbm>> -> memref<1x32x4x128xf32, #tpu.memory_space<hbm>>
      %dma_wait3A_256 = tpu.memref_squeeze %dma_wait3A_255 : memref<1x32x4x128xf32, #tpu.memory_space<hbm>> -> memref<32x4x128xf32, #tpu.memory_space<hbm>>
      tpu.wait_dma2 semaphore(%arg16 : memref<!tpu.dma_semaphore, #tpu.memory_space<semaphore_mem>>) src(%arg14 : memref<32x4x128xf32, #tpu.memory_space<vmem>>) dst(%dma_wait3A_256 : memref<32x4x128xf32, #tpu.memory_space<hbm>>)
      %scan3A_257 = arith.constant 0 : i32
      %scan3A_258 = arith.constant 0 : i32
      %scan3A_259 = arith.constant 32 : i32
      %scan3A_260 = arith.addi %scan3A_258, %scan3A_259 : i32
      %scan3A_261 = arith.constant 1 : i32
      scf.for %scan3A_300 = %scan3A_258 to %scan3A_260 step %scan3A_261  : i32 {
        %shift_right_arithmetic3A = arith.constant 3 : i32
        %shift_right_arithmetic3A_301 = arith.shrsi %scan3A_300, %shift_right_arithmetic3A : i32
        %and3A = arith.constant 7 : i32
        %and3A_302 = arith.andi %scan3A_300, %and3A : i32
        %shift_left3A = arith.constant 4 : i32
        %shift_left3A_303 = arith.shli %and3A_302, %shift_left3A : i32
        %add3A_304 = arith.addi %mul3A_245, %shift_right_arithmetic3A_301 : i32
        %get3A = arith.index_cast %add3A_304 : i32 to index
        %get3A_305 = arith.index_cast %shift_left3A_303 : i32 to index
        %get3A_306 = tpu.vector_load %arg12[%get3A, %get3A_305] {strides = array<i32>} : memref<128x128xi32, #tpu.memory_space<vmem>>, vector<16xi32>,
        %add3A_307 = arith.addi %mul3A_245, %shift_right_arithmetic3A_301 : i32
        %get3A_308 = arith.index_cast %add3A_307 : i32 to index
        %get3A_309 = arith.index_cast %shift_left3A_303 : i32 to index
        %get3A_310 = tpu.vector_load %arg13[%get3A_308, %get3A_309] {strides = array<i32>} : memref<128x128xi32, #tpu.memory_space<vmem>>, vector<16xi32>,
        %mul3A_311 = arith.constant 4 : i32
        %mul3A_312 = vector.broadcast %mul3A_311 : i32 to vector<16xi32>
        %mul3A_313 = arith.muli %get3A_306, %mul3A_312 : vector<16xi32>
        %add3A_314 = arith.addi %mul3A_313, %get3A_310 : vector<16xi32>
        %gather3A_315 = tpu.vector_load_idx %arg9[%add3A_314] : memref<2368xi32, #tpu.memory_space<vmem>>[vector<16xi32>], vector<16xi32>,
        %bitcast3A = vector.bitcast %gather3A_315 : vector<16xi32> to vector<32xbf16>
        %unpack3A = tpu.unpack_subelements %bitcast3A, 0 {pack_format = #tpu.pack_format<interleaved>} : vector<32xbf16> -> vector<16xf32>
        %unpack3A_316 = tpu.unpack_subelements %bitcast3A, 1 {pack_format = #tpu.pack_format<interleaved>} : vector<32xbf16> -> vector<16xf32>
        %add3A_317 = arith.constant 148 : i32
        %add3A_318 = vector.broadcast %add3A_317 : i32 to vector<16xi32>
        %add3A_319 = arith.addi %add3A_314, %add3A_318 : vector<16xi32>
        %gather3A_320 = tpu.vector_load_idx %arg9[%add3A_319] : memref<2368xi32, #tpu.memory_space<vmem>>[vector<16xi32>], vector<16xi32>,
        %bitcast3A_321 = vector.bitcast %gather3A_320 : vector<16xi32> to vector<32xbf16>
        %unpack3A_322 = tpu.unpack_subelements %bitcast3A_321, 0 {pack_format = #tpu.pack_format<interleaved>} : vector<32xbf16> -> vector<16xf32>
        %unpack3A_323 = tpu.unpack_subelements %bitcast3A_321, 1 {pack_format = #tpu.pack_format<interleaved>} : vector<32xbf16> -> vector<16xf32>
        %add3A_324 = arith.constant 296 : i32
        %add3A_325 = vector.broadcast %add3A_324 : i32 to vector<16xi32>
        %add3A_326 = arith.addi %add3A_314, %add3A_325 : vector<16xi32>
        %gather3A_327 = tpu.vector_load_idx %arg9[%add3A_326] : memref<2368xi32, #tpu.memory_space<vmem>>[vector<16xi32>], vector<16xi32>,
        %bitcast3A_328 = vector.bitcast %gather3A_327 : vector<16xi32> to vector<32xbf16>
        %unpack3A_329 = tpu.unpack_subelements %bitcast3A_328, 0 {pack_format = #tpu.pack_format<interleaved>} : vector<32xbf16> -> vector<16xf32>
        %unpack3A_330 = tpu.unpack_subelements %bitcast3A_328, 1 {pack_format = #tpu.pack_format<interleaved>} : vector<32xbf16> -> vector<16xf32>
        %add3A_331 = arith.constant 444 : i32
        %add3A_332 = vector.broadcast %add3A_331 : i32 to vector<16xi32>
        %add3A_333 = arith.addi %add3A_314, %add3A_332 : vector<16xi32>
        %gather3A_334 = tpu.vector_load_idx %arg9[%add3A_333] : memref<2368xi32, #tpu.memory_space<vmem>>[vector<16xi32>], vector<16xi32>,
        %bitcast3A_335 = vector.bitcast %gather3A_334 : vector<16xi32> to vector<32xbf16>
        %unpack3A_336 = tpu.unpack_subelements %bitcast3A_335, 0 {pack_format = #tpu.pack_format<interleaved>} : vector<32xbf16> -> vector<16xf32>
        %unpack3A_337 = tpu.unpack_subelements %bitcast3A_335, 1 {pack_format = #tpu.pack_format<interleaved>} : vector<32xbf16> -> vector<16xf32>
        %add3A_338 = arith.constant 592 : i32
        %add3A_339 = vector.broadcast %add3A_338 : i32 to vector<16xi32>
        %add3A_340 = arith.addi %add3A_314, %add3A_339 : vector<16xi32>
        %gather3A_341 = tpu.vector_load_idx %arg9[%add3A_340] : memref<2368xi32, #tpu.memory_space<vmem>>[vector<16xi32>], vector<16xi32>,
        %bitcast3A_342 = vector.bitcast %gather3A_341 : vector<16xi32> to vector<32xbf16>
        %unpack3A_343 = tpu.unpack_subelements %bitcast3A_342, 0 {pack_format = #tpu.pack_format<interleaved>} : vector<32xbf16> -> vector<16xf32>
        %unpack3A_344 = tpu.unpack_subelements %bitcast3A_342, 1 {pack_format = #tpu.pack_format<interleaved>} : vector<32xbf16> -> vector<16xf32>
        %add3A_345 = arith.constant 740 : i32
        %add3A_346 = vector.broadcast %add3A_345 : i32 to vector<16xi32>
        %add3A_347 = arith.addi %add3A_314, %add3A_346 : vector<16xi32>
        %gather3A_348 = tpu.vector_load_idx %arg9[%add3A_347] : memref<2368xi32, #tpu.memory_space<vmem>>[vector<16xi32>], vector<16xi32>,
        %bitcast3A_349 = vector.bitcast %gather3A_348 : vector<16xi32> to vector<32xbf16>
        %unpack3A_350 = tpu.unpack_subelements %bitcast3A_349, 0 {pack_format = #tpu.pack_format<interleaved>} : vector<32xbf16> -> vector<16xf32>
        %unpack3A_351 = tpu.unpack_subelements %bitcast3A_349, 1 {pack_format = #tpu.pack_format<interleaved>} : vector<32xbf16> -> vector<16xf32>
        %add3A_352 = arith.constant 888 : i32
        %add3A_353 = vector.broadcast %add3A_352 : i32 to vector<16xi32>
        %add3A_354 = arith.addi %add3A_314, %add3A_353 : vector<16xi32>
        %gather3A_355 = tpu.vector_load_idx %arg9[%add3A_354] : memref<2368xi32, #tpu.memory_space<vmem>>[vector<16xi32>], vector<16xi32>,
        %bitcast3A_356 = vector.bitcast %gather3A_355 : vector<16xi32> to vector<32xbf16>
        %unpack3A_357 = tpu.unpack_subelements %bitcast3A_356, 0 {pack_format = #tpu.pack_format<interleaved>} : vector<32xbf16> -> vector<16xf32>
        %unpack3A_358 = tpu.unpack_subelements %bitcast3A_356, 1 {pack_format = #tpu.pack_format<interleaved>} : vector<32xbf16> -> vector<16xf32>
        %add3A_359 = arith.constant 1036 : i32
        %add3A_360 = vector.broadcast %add3A_359 : i32 to vector<16xi32>
        %add3A_361 = arith.addi %add3A_314, %add3A_360 : vector<16xi32>
        %gather3A_362 = tpu.vector_load_idx %arg9[%add3A_361] : memref<2368xi32, #tpu.memory_space<vmem>>[vector<16xi32>], vector<16xi32>,
        %bitcast3A_363 = vector.bitcast %gather3A_362 : vector<16xi32> to vector<32xbf16>
        %unpack3A_364 = tpu.unpack_subelements %bitcast3A_363, 0 {pack_format = #tpu.pack_format<interleaved>} : vector<32xbf16> -> vector<16xf32>
        %unpack3A_365 = tpu.unpack_subelements %bitcast3A_363, 1 {pack_format = #tpu.pack_format<interleaved>} : vector<32xbf16> -> vector<16xf32>
        %add3A_366 = arith.constant 1184 : i32
        %add3A_367 = vector.broadcast %add3A_366 : i32 to vector<16xi32>
        %add3A_368 = arith.addi %add3A_314, %add3A_367 : vector<16xi32>
        %gather3A_369 = tpu.vector_load_idx %arg9[%add3A_368] : memref<2368xi32, #tpu.memory_space<vmem>>[vector<16xi32>], vector<16xi32>,
        %bitcast3A_370 = vector.bitcast %gather3A_369 : vector<16xi32> to vector<32xbf16>
        %unpack3A_371 = tpu.unpack_subelements %bitcast3A_370, 0 {pack_format = #tpu.pack_format<interleaved>} : vector<32xbf16> -> vector<16xf32>
        %unpack3A_372 = tpu.unpack_subelements %bitcast3A_370, 1 {pack_format = #tpu.pack_format<interleaved>} : vector<32xbf16> -> vector<16xf32>
        %add3A_373 = arith.constant 1332 : i32
        %add3A_374 = vector.broadcast %add3A_373 : i32 to vector<16xi32>
        %add3A_375 = arith.addi %add3A_314, %add3A_374 : vector<16xi32>
        %gather3A_376 = tpu.vector_load_idx %arg9[%add3A_375] : memref<2368xi32, #tpu.memory_space<vmem>>[vector<16xi32>], vector<16xi32>,
        %bitcast3A_377 = vector.bitcast %gather3A_376 : vector<16xi32> to vector<32xbf16>
        %unpack3A_378 = tpu.unpack_subelements %bitcast3A_377, 0 {pack_format = #tpu.pack_format<interleaved>} : vector<32xbf16> -> vector<16xf32>
        %unpack3A_379 = tpu.unpack_subelements %bitcast3A_377, 1 {pack_format = #tpu.pack_format<interleaved>} : vector<32xbf16> -> vector<16xf32>
        %add3A_380 = arith.constant 1480 : i32
        %add3A_381 = vector.broadcast %add3A_380 : i32 to vector<16xi32>
        %add3A_382 = arith.addi %add3A_314, %add3A_381 : vector<16xi32>
        %gather3A_383 = tpu.vector_load_idx %arg9[%add3A_382] : memref<2368xi32, #tpu.memory_space<vmem>>[vector<16xi32>], vector<16xi32>,
        %bitcast3A_384 = vector.bitcast %gather3A_383 : vector<16xi32> to vector<32xbf16>
        %unpack3A_385 = tpu.unpack_subelements %bitcast3A_384, 0 {pack_format = #tpu.pack_format<interleaved>} : vector<32xbf16> -> vector<16xf32>
        %unpack3A_386 = tpu.unpack_subelements %bitcast3A_384, 1 {pack_format = #tpu.pack_format<interleaved>} : vector<32xbf16> -> vector<16xf32>
        %add3A_387 = arith.constant 1628 : i32
        %add3A_388 = vector.broadcast %add3A_387 : i32 to vector<16xi32>
        %add3A_389 = arith.addi %add3A_314, %add3A_388 : vector<16xi32>
        %gather3A_390 = tpu.vector_load_idx %arg9[%add3A_389] : memref<2368xi32, #tpu.memory_space<vmem>>[vector<16xi32>], vector<16xi32>,
        %bitcast3A_391 = vector.bitcast %gather3A_390 : vector<16xi32> to vector<32xbf16>
        %unpack3A_392 = tpu.unpack_subelements %bitcast3A_391, 0 {pack_format = #tpu.pack_format<interleaved>} : vector<32xbf16> -> vector<16xf32>
        %unpack3A_393 = tpu.unpack_subelements %bitcast3A_391, 1 {pack_format = #tpu.pack_format<interleaved>} : vector<32xbf16> -> vector<16xf32>
        %add3A_394 = arith.constant 1776 : i32
        %add3A_395 = vector.broadcast %add3A_394 : i32 to vector<16xi32>
        %add3A_396 = arith.addi %add3A_314, %add3A_395 : vector<16xi32>
        %gather3A_397 = tpu.vector_load_idx %arg9[%add3A_396] : memref<2368xi32, #tpu.memory_space<vmem>>[vector<16xi32>], vector<16xi32>,
        %bitcast3A_398 = vector.bitcast %gather3A_397 : vector<16xi32> to vector<32xbf16>
        %unpack3A_399 = tpu.unpack_subelements %bitcast3A_398, 0 {pack_format = #tpu.pack_format<interleaved>} : vector<32xbf16> -> vector<16xf32>
        %unpack3A_400 = tpu.unpack_subelements %bitcast3A_398, 1 {pack_format = #tpu.pack_format<interleaved>} : vector<32xbf16> -> vector<16xf32>
        %add3A_401 = arith.constant 1924 : i32
        %add3A_402 = vector.broadcast %add3A_401 : i32 to vector<16xi32>
        %add3A_403 = arith.addi %add3A_314, %add3A_402 : vector<16xi32>
        %gather3A_404 = tpu.vector_load_idx %arg9[%add3A_403] : memref<2368xi32, #tpu.memory_space<vmem>>[vector<16xi32>], vector<16xi32>,
        %bitcast3A_405 = vector.bitcast %gather3A_404 : vector<16xi32> to vector<32xbf16>
        %unpack3A_406 = tpu.unpack_subelements %bitcast3A_405, 0 {pack_format = #tpu.pack_format<interleaved>} : vector<32xbf16> -> vector<16xf32>
        %unpack3A_407 = tpu.unpack_subelements %bitcast3A_405, 1 {pack_format = #tpu.pack_format<interleaved>} : vector<32xbf16> -> vector<16xf32>
        %add3A_408 = arith.constant 2072 : i32
        %add3A_409 = vector.broadcast %add3A_408 : i32 to vector<16xi32>
        %add3A_410 = arith.addi %add3A_314, %add3A_409 : vector<16xi32>
        %gather3A_411 = tpu.vector_load_idx %arg9[%add3A_410] : memref<2368xi32, #tpu.memory_space<vmem>>[vector<16xi32>], vector<16xi32>,
        %bitcast3A_412 = vector.bitcast %gather3A_411 : vector<16xi32> to vector<32xbf16>
        %unpack3A_413 = tpu.unpack_subelements %bitcast3A_412, 0 {pack_format = #tpu.pack_format<interleaved>} : vector<32xbf16> -> vector<16xf32>
        %unpack3A_414 = tpu.unpack_subelements %bitcast3A_412, 1 {pack_format = #tpu.pack_format<interleaved>} : vector<32xbf16> -> vector<16xf32>
        %add3A_415 = arith.constant 2220 : i32
        %add3A_416 = vector.broadcast %add3A_415 : i32 to vector<16xi32>
        %add3A_417 = arith.addi %add3A_314, %add3A_416 : vector<16xi32>
        %gather3A_418 = tpu.vector_load_idx %arg9[%add3A_417] : memref<2368xi32, #tpu.memory_space<vmem>>[vector<16xi32>], vector<16xi32>,
        %bitcast3A_419 = vector.bitcast %gather3A_418 : vector<16xi32> to vector<32xbf16>
        %unpack3A_420 = tpu.unpack_subelements %bitcast3A_419, 0 {pack_format = #tpu.pack_format<interleaved>} : vector<32xbf16> -> vector<16xf32>
        %unpack3A_421 = tpu.unpack_subelements %bitcast3A_419, 1 {pack_format = #tpu.pack_format<interleaved>} : vector<32xbf16> -> vector<16xf32>
        %swap3A = arith.constant 0 : i32
        %swap3A_422 = arith.index_cast %swap3A : i32 to index
        %swap3A_423 = arith.index_cast %shift_right_arithmetic3A_301 : i32 to index
        %swap3A_424 = arith.index_cast %shift_left3A_303 : i32 to index
        %swap3A_425 = tpu.vector_load %arg14[%swap3A_422, %swap3A_423, %swap3A_424] {strides = array<i32>} : memref<32x4x128xf32, #tpu.memory_space<vmem>>, vector<16xf32>,
        tpu.vector_store %arg14[%swap3A_422, %swap3A_423, %swap3A_424], %unpack3A {strides = array<i32>} : memref<32x4x128xf32, #tpu.memory_space<vmem>>, vector<16xf32>,
        %swap3A_426 = arith.constant 1 : i32
        %swap3A_427 = arith.index_cast %swap3A_426 : i32 to index
        %swap3A_428 = arith.index_cast %shift_right_arithmetic3A_301 : i32 to index
        %swap3A_429 = arith.index_cast %shift_left3A_303 : i32 to index
        %swap3A_430 = tpu.vector_load %arg14[%swap3A_427, %swap3A_428, %swap3A_429] {strides = array<i32>} : memref<32x4x128xf32, #tpu.memory_space<vmem>>, vector<16xf32>,
        tpu.vector_store %arg14[%swap3A_427, %swap3A_428, %swap3A_429], %unpack3A_316 {strides = array<i32>} : memref<32x4x128xf32, #tpu.memory_space<vmem>>, vector<16xf32>,
        %swap3A_431 = arith.constant 2 : i32
        %swap3A_432 = arith.index_cast %swap3A_431 : i32 to index
        %swap3A_433 = arith.index_cast %shift_right_arithmetic3A_301 : i32 to index
        %swap3A_434 = arith.index_cast %shift_left3A_303 : i32 to index
        %swap3A_435 = tpu.vector_load %arg14[%swap3A_432, %swap3A_433, %swap3A_434] {strides = array<i32>} : memref<32x4x128xf32, #tpu.memory_space<vmem>>, vector<16xf32>,
        tpu.vector_store %arg14[%swap3A_432, %swap3A_433, %swap3A_434], %unpack3A_322 {strides = array<i32>} : memref<32x4x128xf32, #tpu.memory_space<vmem>>, vector<16xf32>,
        %swap3A_436 = arith.constant 3 : i32
        %swap3A_437 = arith.index_cast %swap3A_436 : i32 to index
        %swap3A_438 = arith.index_cast %shift_right_arithmetic3A_301 : i32 to index
        %swap3A_439 = arith.index_cast %shift_left3A_303 : i32 to index
        %swap3A_440 = tpu.vector_load %arg14[%swap3A_437, %swap3A_438, %swap3A_439] {strides = array<i32>} : memref<32x4x128xf32, #tpu.memory_space<vmem>>, vector<16xf32>,
        tpu.vector_store %arg14[%swap3A_437, %swap3A_438, %swap3A_439], %unpack3A_323 {strides = array<i32>} : memref<32x4x128xf32, #tpu.memory_space<vmem>>, vector<16xf32>,
        %swap3A_441 = arith.constant 4 : i32
        %swap3A_442 = arith.index_cast %swap3A_441 : i32 to index
        %swap3A_443 = arith.index_cast %shift_right_arithmetic3A_301 : i32 to index
        %swap3A_444 = arith.index_cast %shift_left3A_303 : i32 to index
        %swap3A_445 = tpu.vector_load %arg14[%swap3A_442, %swap3A_443, %swap3A_444] {strides = array<i32>} : memref<32x4x128xf32, #tpu.memory_space<vmem>>, vector<16xf32>,
        tpu.vector_store %arg14[%swap3A_442, %swap3A_443, %swap3A_444], %unpack3A_329 {strides = array<i32>} : memref<32x4x128xf32, #tpu.memory_space<vmem>>, vector<16xf32>,
        %swap3A_446 = arith.constant 5 : i32
        %swap3A_447 = arith.index_cast %swap3A_446 : i32 to index
        %swap3A_448 = arith.index_cast %shift_right_arithmetic3A_301 : i32 to index
        %swap3A_449 = arith.index_cast %shift_left3A_303 : i32 to index
        %swap3A_450 = tpu.vector_load %arg14[%swap3A_447, %swap3A_448, %swap3A_449] {strides = array<i32>} : memref<32x4x128xf32, #tpu.memory_space<vmem>>, vector<16xf32>,
        tpu.vector_store %arg14[%swap3A_447, %swap3A_448, %swap3A_449], %unpack3A_330 {strides = array<i32>} : memref<32x4x128xf32, #tpu.memory_space<vmem>>, vector<16xf32>,
        %swap3A_451 = arith.constant 6 : i32
        %swap3A_452 = arith.index_cast %swap3A_451 : i32 to index
        %swap3A_453 = arith.index_cast %shift_right_arithmetic3A_301 : i32 to index
        %swap3A_454 = arith.index_cast %shift_left3A_303 : i32 to index
        %swap3A_455 = tpu.vector_load %arg14[%swap3A_452, %swap3A_453, %swap3A_454] {strides = array<i32>} : memref<32x4x128xf32, #tpu.memory_space<vmem>>, vector<16xf32>,
        tpu.vector_store %arg14[%swap3A_452, %swap3A_453, %swap3A_454], %unpack3A_336 {strides = array<i32>} : memref<32x4x128xf32, #tpu.memory_space<vmem>>, vector<16xf32>,
        %swap3A_456 = arith.constant 7 : i32
        %swap3A_457 = arith.index_cast %swap3A_456 : i32 to index
        %swap3A_458 = arith.index_cast %shift_right_arithmetic3A_301 : i32 to index
        %swap3A_459 = arith.index_cast %shift_left3A_303 : i32 to index
        %swap3A_460 = tpu.vector_load %arg14[%swap3A_457, %swap3A_458, %swap3A_459] {strides = array<i32>} : memref<32x4x128xf32, #tpu.memory_space<vmem>>, vector<16xf32>,
        tpu.vector_store %arg14[%swap3A_457, %swap3A_458, %swap3A_459], %unpack3A_337 {strides = array<i32>} : memref<32x4x128xf32, #tpu.memory_space<vmem>>, vector<16xf32>,
        %swap3A_461 = arith.constant 8 : i32
        %swap3A_462 = arith.index_cast %swap3A_461 : i32 to index
        %swap3A_463 = arith.index_cast %shift_right_arithmetic3A_301 : i32 to index
        %swap3A_464 = arith.index_cast %shift_left3A_303 : i32 to index
        %swap3A_465 = tpu.vector_load %arg14[%swap3A_462, %swap3A_463, %swap3A_464] {strides = array<i32>} : memref<32x4x128xf32, #tpu.memory_space<vmem>>, vector<16xf32>,
        tpu.vector_store %arg14[%swap3A_462, %swap3A_463, %swap3A_464], %unpack3A_343 {strides = array<i32>} : memref<32x4x128xf32, #tpu.memory_space<vmem>>, vector<16xf32>,
        %swap3A_466 = arith.constant 9 : i32
        %swap3A_467 = arith.index_cast %swap3A_466 : i32 to index
        %swap3A_468 = arith.index_cast %shift_right_arithmetic3A_301 : i32 to index
        %swap3A_469 = arith.index_cast %shift_left3A_303 : i32 to index
        %swap3A_470 = tpu.vector_load %arg14[%swap3A_467, %swap3A_468, %swap3A_469] {strides = array<i32>} : memref<32x4x128xf32, #tpu.memory_space<vmem>>, vector<16xf32>,
        tpu.vector_store %arg14[%swap3A_467, %swap3A_468, %swap3A_469], %unpack3A_344 {strides = array<i32>} : memref<32x4x128xf32, #tpu.memory_space<vmem>>, vector<16xf32>,
        %swap3A_471 = arith.constant 10 : i32
        %swap3A_472 = arith.index_cast %swap3A_471 : i32 to index
        %swap3A_473 = arith.index_cast %shift_right_arithmetic3A_301 : i32 to index
        %swap3A_474 = arith.index_cast %shift_left3A_303 : i32 to index
        %swap3A_475 = tpu.vector_load %arg14[%swap3A_472, %swap3A_473, %swap3A_474] {strides = array<i32>} : memref<32x4x128xf32, #tpu.memory_space<vmem>>, vector<16xf32>,
        tpu.vector_store %arg14[%swap3A_472, %swap3A_473, %swap3A_474], %unpack3A_350 {strides = array<i32>} : memref<32x4x128xf32, #tpu.memory_space<vmem>>, vector<16xf32>,
        %swap3A_476 = arith.constant 11 : i32
        %swap3A_477 = arith.index_cast %swap3A_476 : i32 to index
        %swap3A_478 = arith.index_cast %shift_right_arithmetic3A_301 : i32 to index
        %swap3A_479 = arith.index_cast %shift_left3A_303 : i32 to index
        %swap3A_480 = tpu.vector_load %arg14[%swap3A_477, %swap3A_478, %swap3A_479] {strides = array<i32>} : memref<32x4x128xf32, #tpu.memory_space<vmem>>, vector<16xf32>,
        tpu.vector_store %arg14[%swap3A_477, %swap3A_478, %swap3A_479], %unpack3A_351 {strides = array<i32>} : memref<32x4x128xf32, #tpu.memory_space<vmem>>, vector<16xf32>,
        %swap3A_481 = arith.constant 12 : i32
        %swap3A_482 = arith.index_cast %swap3A_481 : i32 to index
        %swap3A_483 = arith.index_cast %shift_right_arithmetic3A_301 : i32 to index
        %swap3A_484 = arith.index_cast %shift_left3A_303 : i32 to index
        %swap3A_485 = tpu.vector_load %arg14[%swap3A_482, %swap3A_483, %swap3A_484] {strides = array<i32>} : memref<32x4x128xf32, #tpu.memory_space<vmem>>, vector<16xf32>,
        tpu.vector_store %arg14[%swap3A_482, %swap3A_483, %swap3A_484], %unpack3A_357 {strides = array<i32>} : memref<32x4x128xf32, #tpu.memory_space<vmem>>, vector<16xf32>,
        %swap3A_486 = arith.constant 13 : i32
        %swap3A_487 = arith.index_cast %swap3A_486 : i32 to index
        %swap3A_488 = arith.index_cast %shift_right_arithmetic3A_301 : i32 to index
        %swap3A_489 = arith.index_cast %shift_left3A_303 : i32 to index
        %swap3A_490 = tpu.vector_load %arg14[%swap3A_487, %swap3A_488, %swap3A_489] {strides = array<i32>} : memref<32x4x128xf32, #tpu.memory_space<vmem>>, vector<16xf32>,
        tpu.vector_store %arg14[%swap3A_487, %swap3A_488, %swap3A_489], %unpack3A_358 {strides = array<i32>} : memref<32x4x128xf32, #tpu.memory_space<vmem>>, vector<16xf32>,
        %swap3A_491 = arith.constant 14 : i32
        %swap3A_492 = arith.index_cast %swap3A_491 : i32 to index
        %swap3A_493 = arith.index_cast %shift_right_arithmetic3A_301 : i32 to index
        %swap3A_494 = arith.index_cast %shift_left3A_303 : i32 to index
        %swap3A_495 = tpu.vector_load %arg14[%swap3A_492, %swap3A_493, %swap3A_494] {strides = array<i32>} : memref<32x4x128xf32, #tpu.memory_space<vmem>>, vector<16xf32>,
        tpu.vector_store %arg14[%swap3A_492, %swap3A_493, %swap3A_494], %unpack3A_364 {strides = array<i32>} : memref<32x4x128xf32, #tpu.memory_space<vmem>>, vector<16xf32>,
        %swap3A_496 = arith.constant 15 : i32
        %swap3A_497 = arith.index_cast %swap3A_496 : i32 to index
        %swap3A_498 = arith.index_cast %shift_right_arithmetic3A_301 : i32 to index
        %swap3A_499 = arith.index_cast %shift_left3A_303 : i32 to index
        %swap3A_500 = tpu.vector_load %arg14[%swap3A_497, %swap3A_498, %swap3A_499] {strides = array<i32>} : memref<32x4x128xf32, #tpu.memory_space<vmem>>, vector<16xf32>,
        tpu.vector_store %arg14[%swap3A_497, %swap3A_498, %swap3A_499], %unpack3A_365 {strides = array<i32>} : memref<32x4x128xf32, #tpu.memory_space<vmem>>, vector<16xf32>,
        %swap3A_501 = arith.constant 16 : i32
        %swap3A_502 = arith.index_cast %swap3A_501 : i32 to index
        %swap3A_503 = arith.index_cast %shift_right_arithmetic3A_301 : i32 to index
        %swap3A_504 = arith.index_cast %shift_left3A_303 : i32 to index
        %swap3A_505 = tpu.vector_load %arg14[%swap3A_502, %swap3A_503, %swap3A_504] {strides = array<i32>} : memref<32x4x128xf32, #tpu.memory_space<vmem>>, vector<16xf32>,
        tpu.vector_store %arg14[%swap3A_502, %swap3A_503, %swap3A_504], %unpack3A_371 {strides = array<i32>} : memref<32x4x128xf32, #tpu.memory_space<vmem>>, vector<16xf32>,
        %swap3A_506 = arith.constant 17 : i32
        %swap3A_507 = arith.index_cast %swap3A_506 : i32 to index
        %swap3A_508 = arith.index_cast %shift_right_arithmetic3A_301 : i32 to index
        %swap3A_509 = arith.index_cast %shift_left3A_303 : i32 to index
        %swap3A_510 = tpu.vector_load %arg14[%swap3A_507, %swap3A_508, %swap3A_509] {strides = array<i32>} : memref<32x4x128xf32, #tpu.memory_space<vmem>>, vector<16xf32>,
        tpu.vector_store %arg14[%swap3A_507, %swap3A_508, %swap3A_509], %unpack3A_372 {strides = array<i32>} : memref<32x4x128xf32, #tpu.memory_space<vmem>>, vector<16xf32>,
        %swap3A_511 = arith.constant 18 : i32
        %swap3A_512 = arith.index_cast %swap3A_511 : i32 to index
        %swap3A_513 = arith.index_cast %shift_right_arithmetic3A_301 : i32 to index
        %swap3A_514 = arith.index_cast %shift_left3A_303 : i32 to index
        %swap3A_515 = tpu.vector_load %arg14[%swap3A_512, %swap3A_513, %swap3A_514] {strides = array<i32>} : memref<32x4x128xf32, #tpu.memory_space<vmem>>, vector<16xf32>,
        tpu.vector_store %arg14[%swap3A_512, %swap3A_513, %swap3A_514], %unpack3A_378 {strides = array<i32>} : memref<32x4x128xf32, #tpu.memory_space<vmem>>, vector<16xf32>,
        %swap3A_516 = arith.constant 19 : i32
        %swap3A_517 = arith.index_cast %swap3A_516 : i32 to index
        %swap3A_518 = arith.index_cast %shift_right_arithmetic3A_301 : i32 to index
        %swap3A_519 = arith.index_cast %shift_left3A_303 : i32 to index
        %swap3A_520 = tpu.vector_load %arg14[%swap3A_517, %swap3A_518, %swap3A_519] {strides = array<i32>} : memref<32x4x128xf32, #tpu.memory_space<vmem>>, vector<16xf32>,
        tpu.vector_store %arg14[%swap3A_517, %swap3A_518, %swap3A_519], %unpack3A_379 {strides = array<i32>} : memref<32x4x128xf32, #tpu.memory_space<vmem>>, vector<16xf32>,
        %swap3A_521 = arith.constant 20 : i32
        %swap3A_522 = arith.index_cast %swap3A_521 : i32 to index
        %swap3A_523 = arith.index_cast %shift_right_arithmetic3A_301 : i32 to index
        %swap3A_524 = arith.index_cast %shift_left3A_303 : i32 to index
        %swap3A_525 = tpu.vector_load %arg14[%swap3A_522, %swap3A_523, %swap3A_524] {strides = array<i32>} : memref<32x4x128xf32, #tpu.memory_space<vmem>>, vector<16xf32>,
        tpu.vector_store %arg14[%swap3A_522, %swap3A_523, %swap3A_524], %unpack3A_385 {strides = array<i32>} : memref<32x4x128xf32, #tpu.memory_space<vmem>>, vector<16xf32>,
        %swap3A_526 = arith.constant 21 : i32
        %swap3A_527 = arith.index_cast %swap3A_526 : i32 to index
        %swap3A_528 = arith.index_cast %shift_right_arithmetic3A_301 : i32 to index
        %swap3A_529 = arith.index_cast %shift_left3A_303 : i32 to index
        %swap3A_530 = tpu.vector_load %arg14[%swap3A_527, %swap3A_528, %swap3A_529] {strides = array<i32>} : memref<32x4x128xf32, #tpu.memory_space<vmem>>, vector<16xf32>,
        tpu.vector_store %arg14[%swap3A_527, %swap3A_528, %swap3A_529], %unpack3A_386 {strides = array<i32>} : memref<32x4x128xf32, #tpu.memory_space<vmem>>, vector<16xf32>,
        %swap3A_531 = arith.constant 22 : i32
        %swap3A_532 = arith.index_cast %swap3A_531 : i32 to index
        %swap3A_533 = arith.index_cast %shift_right_arithmetic3A_301 : i32 to index
        %swap3A_534 = arith.index_cast %shift_left3A_303 : i32 to index
        %swap3A_535 = tpu.vector_load %arg14[%swap3A_532, %swap3A_533, %swap3A_534] {strides = array<i32>} : memref<32x4x128xf32, #tpu.memory_space<vmem>>, vector<16xf32>,
        tpu.vector_store %arg14[%swap3A_532, %swap3A_533, %swap3A_534], %unpack3A_392 {strides = array<i32>} : memref<32x4x128xf32, #tpu.memory_space<vmem>>, vector<16xf32>,
        %swap3A_536 = arith.constant 23 : i32
        %swap3A_537 = arith.index_cast %swap3A_536 : i32 to index
        %swap3A_538 = arith.index_cast %shift_right_arithmetic3A_301 : i32 to index
        %swap3A_539 = arith.index_cast %shift_left3A_303 : i32 to index
        %swap3A_540 = tpu.vector_load %arg14[%swap3A_537, %swap3A_538, %swap3A_539] {strides = array<i32>} : memref<32x4x128xf32, #tpu.memory_space<vmem>>, vector<16xf32>,
        tpu.vector_store %arg14[%swap3A_537, %swap3A_538, %swap3A_539], %unpack3A_393 {strides = array<i32>} : memref<32x4x128xf32, #tpu.memory_space<vmem>>, vector<16xf32>,
        %swap3A_541 = arith.constant 24 : i32
        %swap3A_542 = arith.index_cast %swap3A_541 : i32 to index
        %swap3A_543 = arith.index_cast %shift_right_arithmetic3A_301 : i32 to index
        %swap3A_544 = arith.index_cast %shift_left3A_303 : i32 to index
        %swap3A_545 = tpu.vector_load %arg14[%swap3A_542, %swap3A_543, %swap3A_544] {strides = array<i32>} : memref<32x4x128xf32, #tpu.memory_space<vmem>>, vector<16xf32>,
        tpu.vector_store %arg14[%swap3A_542, %swap3A_543, %swap3A_544], %unpack3A_399 {strides = array<i32>} : memref<32x4x128xf32, #tpu.memory_space<vmem>>, vector<16xf32>,
        %swap3A_546 = arith.constant 25 : i32
        %swap3A_547 = arith.index_cast %swap3A_546 : i32 to index
        %swap3A_548 = arith.index_cast %shift_right_arithmetic3A_301 : i32 to index
        %swap3A_549 = arith.index_cast %shift_left3A_303 : i32 to index
        %swap3A_550 = tpu.vector_load %arg14[%swap3A_547, %swap3A_548, %swap3A_549] {strides = array<i32>} : memref<32x4x128xf32, #tpu.memory_space<vmem>>, vector<16xf32>,
        tpu.vector_store %arg14[%swap3A_547, %swap3A_548, %swap3A_549], %unpack3A_400 {strides = array<i32>} : memref<32x4x128xf32, #tpu.memory_space<vmem>>, vector<16xf32>,
        %swap3A_551 = arith.constant 26 : i32
        %swap3A_552 = arith.index_cast %swap3A_551 : i32 to index
        %swap3A_553 = arith.index_cast %shift_right_arithmetic3A_301 : i32 to index
        %swap3A_554 = arith.index_cast %shift_left3A_303 : i32 to index
        %swap3A_555 = tpu.vector_load %arg14[%swap3A_552, %swap3A_553, %swap3A_554] {strides = array<i32>} : memref<32x4x128xf32, #tpu.memory_space<vmem>>, vector<16xf32>,
        tpu.vector_store %arg14[%swap3A_552, %swap3A_553, %swap3A_554], %unpack3A_406 {strides = array<i32>} : memref<32x4x128xf32, #tpu.memory_space<vmem>>, vector<16xf32>,
        %swap3A_556 = arith.constant 27 : i32
        %swap3A_557 = arith.index_cast %swap3A_556 : i32 to index
        %swap3A_558 = arith.index_cast %shift_right_arithmetic3A_301 : i32 to index
        %swap3A_559 = arith.index_cast %shift_left3A_303 : i32 to index
        %swap3A_560 = tpu.vector_load %arg14[%swap3A_557, %swap3A_558, %swap3A_559] {strides = array<i32>} : memref<32x4x128xf32, #tpu.memory_space<vmem>>, vector<16xf32>,
        tpu.vector_store %arg14[%swap3A_557, %swap3A_558, %swap3A_559], %unpack3A_407 {strides = array<i32>} : memref<32x4x128xf32, #tpu.memory_space<vmem>>, vector<16xf32>,
        %swap3A_561 = arith.constant 28 : i32
        %swap3A_562 = arith.index_cast %swap3A_561 : i32 to index
        %swap3A_563 = arith.index_cast %shift_right_arithmetic3A_301 : i32 to index
        %swap3A_564 = arith.index_cast %shift_left3A_303 : i32 to index
        %swap3A_565 = tpu.vector_load %arg14[%swap3A_562, %swap3A_563, %swap3A_564] {strides = array<i32>} : memref<32x4x128xf32, #tpu.memory_space<vmem>>, vector<16xf32>,
        tpu.vector_store %arg14[%swap3A_562, %swap3A_563, %swap3A_564], %unpack3A_413 {strides = array<i32>} : memref<32x4x128xf32, #tpu.memory_space<vmem>>, vector<16xf32>,
        %swap3A_566 = arith.constant 29 : i32
        %swap3A_567 = arith.index_cast %swap3A_566 : i32 to index
        %swap3A_568 = arith.index_cast %shift_right_arithmetic3A_301 : i32 to index
        %swap3A_569 = arith.index_cast %shift_left3A_303 : i32 to index
        %swap3A_570 = tpu.vector_load %arg14[%swap3A_567, %swap3A_568, %swap3A_569] {strides = array<i32>} : memref<32x4x128xf32, #tpu.memory_space<vmem>>, vector<16xf32>,
        tpu.vector_store %arg14[%swap3A_567, %swap3A_568, %swap3A_569], %unpack3A_414 {strides = array<i32>} : memref<32x4x128xf32, #tpu.memory_space<vmem>>, vector<16xf32>,
        %swap3A_571 = arith.constant 30 : i32
        %swap3A_572 = arith.index_cast %swap3A_571 : i32 to index
        %swap3A_573 = arith.index_cast %shift_right_arithmetic3A_301 : i32 to index
        %swap3A_574 = arith.index_cast %shift_left3A_303 : i32 to index
        %swap3A_575 = tpu.vector_load %arg14[%swap3A_572, %swap3A_573, %swap3A_574] {strides = array<i32>} : memref<32x4x128xf32, #tpu.memory_space<vmem>>, vector<16xf32>,
        tpu.vector_store %arg14[%swap3A_572, %swap3A_573, %swap3A_574], %unpack3A_420 {strides = array<i32>} : memref<32x4x128xf32, #tpu.memory_space<vmem>>, vector<16xf32>,
        %swap3A_576 = arith.constant 31 : i32
        %swap3A_577 = arith.index_cast %swap3A_576 : i32 to index
        %swap3A_578 = arith.index_cast %shift_right_arithmetic3A_301 : i32 to index
        %swap3A_579 = arith.index_cast %shift_left3A_303 : i32 to index
        %swap3A_580 = tpu.vector_load %arg14[%swap3A_577, %swap3A_578, %swap3A_579] {strides = array<i32>} : memref<32x4x128xf32, #tpu.memory_space<vmem>>, vector<16xf32>,
        tpu.vector_store %arg14[%swap3A_577, %swap3A_578, %swap3A_579], %unpack3A_421 {strides = array<i32>} : memref<32x4x128xf32, #tpu.memory_space<vmem>>, vector<16xf32>,
      }
      %scan3A_262 = arith.constant 32 : i32
      %dma_start3A_263 = arith.constant 0 : i32
      %dma_start3A_264 = arith.constant 0 : i32
      %dma_start3A_265 = tpu.memref_slice %arg6[%add3A_104, %dma_start3A_263, %mul3A_245, %dma_start3A_264] : memref<128x32x128x128xf32, #tpu.memory_space<hbm>> -> memref<1x32x4x128xf32, #tpu.memory_space<hbm>>
      %dma_start3A_266 = tpu.memref_squeeze %dma_start3A_265 : memref<1x32x4x128xf32, #tpu.memory_space<hbm>> -> memref<32x4x128xf32, #tpu.memory_space<hbm>>
      %dma_start3A_267 = arith.constant 0 : i32
      %dma_start3A_268 = arith.constant 0 : i32
      %dma_start3A_269 = tpu.memref_slice %arg6[%add3A_104, %dma_start3A_267, %mul3A_245, %dma_start3A_268] : memref<128x32x128x128xf32, #tpu.memory_space<hbm>> -> memref<1x32x4x128xf32, #tpu.memory_space<hbm>>
      %dma_start3A_270 = tpu.memref_squeeze %dma_start3A_269 : memref<1x32x4x128xf32, #tpu.memory_space<hbm>> -> memref<32x4x128xf32, #tpu.memory_space<hbm>>
      tpu.enqueue_dma source(%arg14 : memref<32x4x128xf32, #tpu.memory_space<vmem>>) target(%dma_start3A_270 : memref<32x4x128xf32, #tpu.memory_space<hbm>>) target_semaphore(%arg16 : memref<!tpu.dma_semaphore, #tpu.memory_space<semaphore_mem>>)
      %dma_wait3A_271 = arith.constant 0 : i32
      %dma_wait3A_272 = arith.constant 0 : i32
      %dma_wait3A_273 = arith.constant 0 : i32
      %dma_wait3A_274 = arith.constant 0 : i32
      %dma_wait3A_275 = tpu.memref_slice %arg6[%dma_wait3A_271, %dma_wait3A_272, %dma_wait3A_273, %dma_wait3A_274] : memref<128x32x128x128xf32, #tpu.memory_space<hbm>> -> memref<1x32x4x128xf32, #tpu.memory_space<hbm>>
      %dma_wait3A_276 = tpu.memref_squeeze %dma_wait3A_275 : memref<1x32x4x128xf32, #tpu.memory_space<hbm>> -> memref<32x4x128xf32, #tpu.memory_space<hbm>>
      %dma_wait3A_277 = arith.constant 0 : i32
      %dma_wait3A_278 = arith.constant 0 : i32
      %dma_wait3A_279 = arith.constant 0 : i32
      %dma_wait3A_280 = tpu.memref_slice %arg6[%dma_wait3A_271, %dma_wait3A_277, %dma_wait3A_278, %dma_wait3A_279] : memref<128x32x128x128xf32, #tpu.memory_space<hbm>> -> memref<1x32x4x128xf32, #tpu.memory_space<hbm>>
      %dma_wait3A_281 = tpu.memref_squeeze %dma_wait3A_280 : memref<1x32x4x128xf32, #tpu.memory_space<hbm>> -> memref<32x4x128xf32, #tpu.memory_space<hbm>>
      tpu.wait_dma2 semaphore(%arg17 : memref<!tpu.dma_semaphore, #tpu.memory_space<semaphore_mem>>) src(%arg15 : memref<32x4x128xf32, #tpu.memory_space<vmem>>) dst(%dma_wait3A_281 : memref<32x4x128xf32, #tpu.memory_space<hbm>>)
      %add3A_282 = arith.constant 4 : i32
      %add3A_283 = arith.addi %mul3A_245, %add3A_282 : i32
      %scan3A_284 = arith.constant 0 : i32
      %scan3A_285 = arith.constant 0 : i32
      %scan3A_286 = arith.constant 32 : i32
      %scan3A_287 = arith.addi %scan3A_285, %scan3A_286 : i32
      %scan3A_288 = arith.constant 1 : i32
      scf.for %scan3A_300 = %scan3A_285 to %scan3A_287 step %scan3A_288  : i32 {
        %shift_right_arithmetic3A = arith.constant 3 : i32
        %shift_right_arithmetic3A_301 = arith.shrsi %scan3A_300, %shift_right_arithmetic3A : i32
        %and3A = arith.constant 7 : i32
        %and3A_302 = arith.andi %scan3A_300, %and3A : i32
        %shift_left3A = arith.constant 4 : i32
        %shift_left3A_303 = arith.shli %and3A_302, %shift_left3A : i32
        %add3A_304 = arith.addi %add3A_283, %shift_right_arithmetic3A_301 : i32
        %get3A = arith.index_cast %add3A_304 : i32 to index
        %get3A_305 = arith.index_cast %shift_left3A_303 : i32 to index
        %get3A_306 = tpu.vector_load %arg12[%get3A, %get3A_305] {strides = array<i32>} : memref<128x128xi32, #tpu.memory_space<vmem>>, vector<16xi32>,
        %add3A_307 = arith.addi %add3A_283, %shift_right_arithmetic3A_301 : i32
        %get3A_308 = arith.index_cast %add3A_307 : i32 to index
        %get3A_309 = arith.index_cast %shift_left3A_303 : i32 to index
        %get3A_310 = tpu.vector_load %arg13[%get3A_308, %get3A_309] {strides = array<i32>} : memref<128x128xi32, #tpu.memory_space<vmem>>, vector<16xi32>,
        %mul3A_311 = arith.constant 4 : i32
        %mul3A_312 = vector.broadcast %mul3A_311 : i32 to vector<16xi32>
        %mul3A_313 = arith.muli %get3A_306, %mul3A_312 : vector<16xi32>
        %add3A_314 = arith.addi %mul3A_313, %get3A_310 : vector<16xi32>
        %gather3A_315 = tpu.vector_load_idx %arg9[%add3A_314] : memref<2368xi32, #tpu.memory_space<vmem>>[vector<16xi32>], vector<16xi32>,
        %bitcast3A = vector.bitcast %gather3A_315 : vector<16xi32> to vector<32xbf16>
        %unpack3A = tpu.unpack_subelements %bitcast3A, 0 {pack_format = #tpu.pack_format<interleaved>} : vector<32xbf16> -> vector<16xf32>
        %unpack3A_316 = tpu.unpack_subelements %bitcast3A, 1 {pack_format = #tpu.pack_format<interleaved>} : vector<32xbf16> -> vector<16xf32>
        %add3A_317 = arith.constant 148 : i32
        %add3A_318 = vector.broadcast %add3A_317 : i32 to vector<16xi32>
        %add3A_319 = arith.addi %add3A_314, %add3A_318 : vector<16xi32>
        %gather3A_320 = tpu.vector_load_idx %arg9[%add3A_319] : memref<2368xi32, #tpu.memory_space<vmem>>[vector<16xi32>], vector<16xi32>,
        %bitcast3A_321 = vector.bitcast %gather3A_320 : vector<16xi32> to vector<32xbf16>
        %unpack3A_322 = tpu.unpack_subelements %bitcast3A_321, 0 {pack_format = #tpu.pack_format<interleaved>} : vector<32xbf16> -> vector<16xf32>
        %unpack3A_323 = tpu.unpack_subelements %bitcast3A_321, 1 {pack_format = #tpu.pack_format<interleaved>} : vector<32xbf16> -> vector<16xf32>
        %add3A_324 = arith.constant 296 : i32
        %add3A_325 = vector.broadcast %add3A_324 : i32 to vector<16xi32>
        %add3A_326 = arith.addi %add3A_314, %add3A_325 : vector<16xi32>
        %gather3A_327 = tpu.vector_load_idx %arg9[%add3A_326] : memref<2368xi32, #tpu.memory_space<vmem>>[vector<16xi32>], vector<16xi32>,
        %bitcast3A_328 = vector.bitcast %gather3A_327 : vector<16xi32> to vector<32xbf16>
        %unpack3A_329 = tpu.unpack_subelements %bitcast3A_328, 0 {pack_format = #tpu.pack_format<interleaved>} : vector<32xbf16> -> vector<16xf32>
        %unpack3A_330 = tpu.unpack_subelements %bitcast3A_328, 1 {pack_format = #tpu.pack_format<interleaved>} : vector<32xbf16> -> vector<16xf32>
        %add3A_331 = arith.constant 444 : i32
        %add3A_332 = vector.broadcast %add3A_331 : i32 to vector<16xi32>
        %add3A_333 = arith.addi %add3A_314, %add3A_332 : vector<16xi32>
        %gather3A_334 = tpu.vector_load_idx %arg9[%add3A_333] : memref<2368xi32, #tpu.memory_space<vmem>>[vector<16xi32>], vector<16xi32>,
        %bitcast3A_335 = vector.bitcast %gather3A_334 : vector<16xi32> to vector<32xbf16>
        %unpack3A_336 = tpu.unpack_subelements %bitcast3A_335, 0 {pack_format = #tpu.pack_format<interleaved>} : vector<32xbf16> -> vector<16xf32>
        %unpack3A_337 = tpu.unpack_subelements %bitcast3A_335, 1 {pack_format = #tpu.pack_format<interleaved>} : vector<32xbf16> -> vector<16xf32>
        %add3A_338 = arith.constant 592 : i32
        %add3A_339 = vector.broadcast %add3A_338 : i32 to vector<16xi32>
        %add3A_340 = arith.addi %add3A_314, %add3A_339 : vector<16xi32>
        %gather3A_341 = tpu.vector_load_idx %arg9[%add3A_340] : memref<2368xi32, #tpu.memory_space<vmem>>[vector<16xi32>], vector<16xi32>,
        %bitcast3A_342 = vector.bitcast %gather3A_341 : vector<16xi32> to vector<32xbf16>
        %unpack3A_343 = tpu.unpack_subelements %bitcast3A_342, 0 {pack_format = #tpu.pack_format<interleaved>} : vector<32xbf16> -> vector<16xf32>
        %unpack3A_344 = tpu.unpack_subelements %bitcast3A_342, 1 {pack_format = #tpu.pack_format<interleaved>} : vector<32xbf16> -> vector<16xf32>
        %add3A_345 = arith.constant 740 : i32
        %add3A_346 = vector.broadcast %add3A_345 : i32 to vector<16xi32>
        %add3A_347 = arith.addi %add3A_314, %add3A_346 : vector<16xi32>
        %gather3A_348 = tpu.vector_load_idx %arg9[%add3A_347] : memref<2368xi32, #tpu.memory_space<vmem>>[vector<16xi32>], vector<16xi32>,
        %bitcast3A_349 = vector.bitcast %gather3A_348 : vector<16xi32> to vector<32xbf16>
        %unpack3A_350 = tpu.unpack_subelements %bitcast3A_349, 0 {pack_format = #tpu.pack_format<interleaved>} : vector<32xbf16> -> vector<16xf32>
        %unpack3A_351 = tpu.unpack_subelements %bitcast3A_349, 1 {pack_format = #tpu.pack_format<interleaved>} : vector<32xbf16> -> vector<16xf32>
        %add3A_352 = arith.constant 888 : i32
        %add3A_353 = vector.broadcast %add3A_352 : i32 to vector<16xi32>
        %add3A_354 = arith.addi %add3A_314, %add3A_353 : vector<16xi32>
        %gather3A_355 = tpu.vector_load_idx %arg9[%add3A_354] : memref<2368xi32, #tpu.memory_space<vmem>>[vector<16xi32>], vector<16xi32>,
        %bitcast3A_356 = vector.bitcast %gather3A_355 : vector<16xi32> to vector<32xbf16>
        %unpack3A_357 = tpu.unpack_subelements %bitcast3A_356, 0 {pack_format = #tpu.pack_format<interleaved>} : vector<32xbf16> -> vector<16xf32>
        %unpack3A_358 = tpu.unpack_subelements %bitcast3A_356, 1 {pack_format = #tpu.pack_format<interleaved>} : vector<32xbf16> -> vector<16xf32>
        %add3A_359 = arith.constant 1036 : i32
        %add3A_360 = vector.broadcast %add3A_359 : i32 to vector<16xi32>
        %add3A_361 = arith.addi %add3A_314, %add3A_360 : vector<16xi32>
        %gather3A_362 = tpu.vector_load_idx %arg9[%add3A_361] : memref<2368xi32, #tpu.memory_space<vmem>>[vector<16xi32>], vector<16xi32>,
        %bitcast3A_363 = vector.bitcast %gather3A_362 : vector<16xi32> to vector<32xbf16>
        %unpack3A_364 = tpu.unpack_subelements %bitcast3A_363, 0 {pack_format = #tpu.pack_format<interleaved>} : vector<32xbf16> -> vector<16xf32>
        %unpack3A_365 = tpu.unpack_subelements %bitcast3A_363, 1 {pack_format = #tpu.pack_format<interleaved>} : vector<32xbf16> -> vector<16xf32>
        %add3A_366 = arith.constant 1184 : i32
        %add3A_367 = vector.broadcast %add3A_366 : i32 to vector<16xi32>
        %add3A_368 = arith.addi %add3A_314, %add3A_367 : vector<16xi32>
        %gather3A_369 = tpu.vector_load_idx %arg9[%add3A_368] : memref<2368xi32, #tpu.memory_space<vmem>>[vector<16xi32>], vector<16xi32>,
        %bitcast3A_370 = vector.bitcast %gather3A_369 : vector<16xi32> to vector<32xbf16>
        %unpack3A_371 = tpu.unpack_subelements %bitcast3A_370, 0 {pack_format = #tpu.pack_format<interleaved>} : vector<32xbf16> -> vector<16xf32>
        %unpack3A_372 = tpu.unpack_subelements %bitcast3A_370, 1 {pack_format = #tpu.pack_format<interleaved>} : vector<32xbf16> -> vector<16xf32>
        %add3A_373 = arith.constant 1332 : i32
        %add3A_374 = vector.broadcast %add3A_373 : i32 to vector<16xi32>
        %add3A_375 = arith.addi %add3A_314, %add3A_374 : vector<16xi32>
        %gather3A_376 = tpu.vector_load_idx %arg9[%add3A_375] : memref<2368xi32, #tpu.memory_space<vmem>>[vector<16xi32>], vector<16xi32>,
        %bitcast3A_377 = vector.bitcast %gather3A_376 : vector<16xi32> to vector<32xbf16>
        %unpack3A_378 = tpu.unpack_subelements %bitcast3A_377, 0 {pack_format = #tpu.pack_format<interleaved>} : vector<32xbf16> -> vector<16xf32>
        %unpack3A_379 = tpu.unpack_subelements %bitcast3A_377, 1 {pack_format = #tpu.pack_format<interleaved>} : vector<32xbf16> -> vector<16xf32>
        %add3A_380 = arith.constant 1480 : i32
        %add3A_381 = vector.broadcast %add3A_380 : i32 to vector<16xi32>
        %add3A_382 = arith.addi %add3A_314, %add3A_381 : vector<16xi32>
        %gather3A_383 = tpu.vector_load_idx %arg9[%add3A_382] : memref<2368xi32, #tpu.memory_space<vmem>>[vector<16xi32>], vector<16xi32>,
        %bitcast3A_384 = vector.bitcast %gather3A_383 : vector<16xi32> to vector<32xbf16>
        %unpack3A_385 = tpu.unpack_subelements %bitcast3A_384, 0 {pack_format = #tpu.pack_format<interleaved>} : vector<32xbf16> -> vector<16xf32>
        %unpack3A_386 = tpu.unpack_subelements %bitcast3A_384, 1 {pack_format = #tpu.pack_format<interleaved>} : vector<32xbf16> -> vector<16xf32>
        %add3A_387 = arith.constant 1628 : i32
        %add3A_388 = vector.broadcast %add3A_387 : i32 to vector<16xi32>
        %add3A_389 = arith.addi %add3A_314, %add3A_388 : vector<16xi32>
        %gather3A_390 = tpu.vector_load_idx %arg9[%add3A_389] : memref<2368xi32, #tpu.memory_space<vmem>>[vector<16xi32>], vector<16xi32>,
        %bitcast3A_391 = vector.bitcast %gather3A_390 : vector<16xi32> to vector<32xbf16>
        %unpack3A_392 = tpu.unpack_subelements %bitcast3A_391, 0 {pack_format = #tpu.pack_format<interleaved>} : vector<32xbf16> -> vector<16xf32>
        %unpack3A_393 = tpu.unpack_subelements %bitcast3A_391, 1 {pack_format = #tpu.pack_format<interleaved>} : vector<32xbf16> -> vector<16xf32>
        %add3A_394 = arith.constant 1776 : i32
        %add3A_395 = vector.broadcast %add3A_394 : i32 to vector<16xi32>
        %add3A_396 = arith.addi %add3A_314, %add3A_395 : vector<16xi32>
        %gather3A_397 = tpu.vector_load_idx %arg9[%add3A_396] : memref<2368xi32, #tpu.memory_space<vmem>>[vector<16xi32>], vector<16xi32>,
        %bitcast3A_398 = vector.bitcast %gather3A_397 : vector<16xi32> to vector<32xbf16>
        %unpack3A_399 = tpu.unpack_subelements %bitcast3A_398, 0 {pack_format = #tpu.pack_format<interleaved>} : vector<32xbf16> -> vector<16xf32>
        %unpack3A_400 = tpu.unpack_subelements %bitcast3A_398, 1 {pack_format = #tpu.pack_format<interleaved>} : vector<32xbf16> -> vector<16xf32>
        %add3A_401 = arith.constant 1924 : i32
        %add3A_402 = vector.broadcast %add3A_401 : i32 to vector<16xi32>
        %add3A_403 = arith.addi %add3A_314, %add3A_402 : vector<16xi32>
        %gather3A_404 = tpu.vector_load_idx %arg9[%add3A_403] : memref<2368xi32, #tpu.memory_space<vmem>>[vector<16xi32>], vector<16xi32>,
        %bitcast3A_405 = vector.bitcast %gather3A_404 : vector<16xi32> to vector<32xbf16>
        %unpack3A_406 = tpu.unpack_subelements %bitcast3A_405, 0 {pack_format = #tpu.pack_format<interleaved>} : vector<32xbf16> -> vector<16xf32>
        %unpack3A_407 = tpu.unpack_subelements %bitcast3A_405, 1 {pack_format = #tpu.pack_format<interleaved>} : vector<32xbf16> -> vector<16xf32>
        %add3A_408 = arith.constant 2072 : i32
        %add3A_409 = vector.broadcast %add3A_408 : i32 to vector<16xi32>
        %add3A_410 = arith.addi %add3A_314, %add3A_409 : vector<16xi32>
        %gather3A_411 = tpu.vector_load_idx %arg9[%add3A_410] : memref<2368xi32, #tpu.memory_space<vmem>>[vector<16xi32>], vector<16xi32>,
        %bitcast3A_412 = vector.bitcast %gather3A_411 : vector<16xi32> to vector<32xbf16>
        %unpack3A_413 = tpu.unpack_subelements %bitcast3A_412, 0 {pack_format = #tpu.pack_format<interleaved>} : vector<32xbf16> -> vector<16xf32>
        %unpack3A_414 = tpu.unpack_subelements %bitcast3A_412, 1 {pack_format = #tpu.pack_format<interleaved>} : vector<32xbf16> -> vector<16xf32>
        %add3A_415 = arith.constant 2220 : i32
        %add3A_416 = vector.broadcast %add3A_415 : i32 to vector<16xi32>
        %add3A_417 = arith.addi %add3A_314, %add3A_416 : vector<16xi32>
        %gather3A_418 = tpu.vector_load_idx %arg9[%add3A_417] : memref<2368xi32, #tpu.memory_space<vmem>>[vector<16xi32>], vector<16xi32>,
        %bitcast3A_419 = vector.bitcast %gather3A_418 : vector<16xi32> to vector<32xbf16>
        %unpack3A_420 = tpu.unpack_subelements %bitcast3A_419, 0 {pack_format = #tpu.pack_format<interleaved>} : vector<32xbf16> -> vector<16xf32>
        %unpack3A_421 = tpu.unpack_subelements %bitcast3A_419, 1 {pack_format = #tpu.pack_format<interleaved>} : vector<32xbf16> -> vector<16xf32>
        %swap3A = arith.constant 0 : i32
        %swap3A_422 = arith.index_cast %swap3A : i32 to index
        %swap3A_423 = arith.index_cast %shift_right_arithmetic3A_301 : i32 to index
        %swap3A_424 = arith.index_cast %shift_left3A_303 : i32 to index
        %swap3A_425 = tpu.vector_load %arg15[%swap3A_422, %swap3A_423, %swap3A_424] {strides = array<i32>} : memref<32x4x128xf32, #tpu.memory_space<vmem>>, vector<16xf32>,
        tpu.vector_store %arg15[%swap3A_422, %swap3A_423, %swap3A_424], %unpack3A {strides = array<i32>} : memref<32x4x128xf32, #tpu.memory_space<vmem>>, vector<16xf32>,
        %swap3A_426 = arith.constant 1 : i32
        %swap3A_427 = arith.index_cast %swap3A_426 : i32 to index
        %swap3A_428 = arith.index_cast %shift_right_arithmetic3A_301 : i32 to index
        %swap3A_429 = arith.index_cast %shift_left3A_303 : i32 to index
        %swap3A_430 = tpu.vector_load %arg15[%swap3A_427, %swap3A_428, %swap3A_429] {strides = array<i32>} : memref<32x4x128xf32, #tpu.memory_space<vmem>>, vector<16xf32>,
        tpu.vector_store %arg15[%swap3A_427, %swap3A_428, %swap3A_429], %unpack3A_316 {strides = array<i32>} : memref<32x4x128xf32, #tpu.memory_space<vmem>>, vector<16xf32>,
        %swap3A_431 = arith.constant 2 : i32
        %swap3A_432 = arith.index_cast %swap3A_431 : i32 to index
        %swap3A_433 = arith.index_cast %shift_right_arithmetic3A_301 : i32 to index
        %swap3A_434 = arith.index_cast %shift_left3A_303 : i32 to index
        %swap3A_435 = tpu.vector_load %arg15[%swap3A_432, %swap3A_433, %swap3A_434] {strides = array<i32>} : memref<32x4x128xf32, #tpu.memory_space<vmem>>, vector<16xf32>,
        tpu.vector_store %arg15[%swap3A_432, %swap3A_433, %swap3A_434], %unpack3A_322 {strides = array<i32>} : memref<32x4x128xf32, #tpu.memory_space<vmem>>, vector<16xf32>,
        %swap3A_436 = arith.constant 3 : i32
        %swap3A_437 = arith.index_cast %swap3A_436 : i32 to index
        %swap3A_438 = arith.index_cast %shift_right_arithmetic3A_301 : i32 to index
        %swap3A_439 = arith.index_cast %shift_left3A_303 : i32 to index
        %swap3A_440 = tpu.vector_load %arg15[%swap3A_437, %swap3A_438, %swap3A_439] {strides = array<i32>} : memref<32x4x128xf32, #tpu.memory_space<vmem>>, vector<16xf32>,
        tpu.vector_store %arg15[%swap3A_437, %swap3A_438, %swap3A_439], %unpack3A_323 {strides = array<i32>} : memref<32x4x128xf32, #tpu.memory_space<vmem>>, vector<16xf32>,
        %swap3A_441 = arith.constant 4 : i32
        %swap3A_442 = arith.index_cast %swap3A_441 : i32 to index
        %swap3A_443 = arith.index_cast %shift_right_arithmetic3A_301 : i32 to index
        %swap3A_444 = arith.index_cast %shift_left3A_303 : i32 to index
        %swap3A_445 = tpu.vector_load %arg15[%swap3A_442, %swap3A_443, %swap3A_444] {strides = array<i32>} : memref<32x4x128xf32, #tpu.memory_space<vmem>>, vector<16xf32>,
        tpu.vector_store %arg15[%swap3A_442, %swap3A_443, %swap3A_444], %unpack3A_329 {strides = array<i32>} : memref<32x4x128xf32, #tpu.memory_space<vmem>>, vector<16xf32>,
        %swap3A_446 = arith.constant 5 : i32
        %swap3A_447 = arith.index_cast %swap3A_446 : i32 to index
        %swap3A_448 = arith.index_cast %shift_right_arithmetic3A_301 : i32 to index
        %swap3A_449 = arith.index_cast %shift_left3A_303 : i32 to index
        %swap3A_450 = tpu.vector_load %arg15[%swap3A_447, %swap3A_448, %swap3A_449] {strides = array<i32>} : memref<32x4x128xf32, #tpu.memory_space<vmem>>, vector<16xf32>,
        tpu.vector_store %arg15[%swap3A_447, %swap3A_448, %swap3A_449], %unpack3A_330 {strides = array<i32>} : memref<32x4x128xf32, #tpu.memory_space<vmem>>, vector<16xf32>,
        %swap3A_451 = arith.constant 6 : i32
        %swap3A_452 = arith.index_cast %swap3A_451 : i32 to index
        %swap3A_453 = arith.index_cast %shift_right_arithmetic3A_301 : i32 to index
        %swap3A_454 = arith.index_cast %shift_left3A_303 : i32 to index
        %swap3A_455 = tpu.vector_load %arg15[%swap3A_452, %swap3A_453, %swap3A_454] {strides = array<i32>} : memref<32x4x128xf32, #tpu.memory_space<vmem>>, vector<16xf32>,
        tpu.vector_store %arg15[%swap3A_452, %swap3A_453, %swap3A_454], %unpack3A_336 {strides = array<i32>} : memref<32x4x128xf32, #tpu.memory_space<vmem>>, vector<16xf32>,
        %swap3A_456 = arith.constant 7 : i32
        %swap3A_457 = arith.index_cast %swap3A_456 : i32 to index
        %swap3A_458 = arith.index_cast %shift_right_arithmetic3A_301 : i32 to index
        %swap3A_459 = arith.index_cast %shift_left3A_303 : i32 to index
        %swap3A_460 = tpu.vector_load %arg15[%swap3A_457, %swap3A_458, %swap3A_459] {strides = array<i32>} : memref<32x4x128xf32, #tpu.memory_space<vmem>>, vector<16xf32>,
        tpu.vector_store %arg15[%swap3A_457, %swap3A_458, %swap3A_459], %unpack3A_337 {strides = array<i32>} : memref<32x4x128xf32, #tpu.memory_space<vmem>>, vector<16xf32>,
        %swap3A_461 = arith.constant 8 : i32
        %swap3A_462 = arith.index_cast %swap3A_461 : i32 to index
        %swap3A_463 = arith.index_cast %shift_right_arithmetic3A_301 : i32 to index
        %swap3A_464 = arith.index_cast %shift_left3A_303 : i32 to index
        %swap3A_465 = tpu.vector_load %arg15[%swap3A_462, %swap3A_463, %swap3A_464] {strides = array<i32>} : memref<32x4x128xf32, #tpu.memory_space<vmem>>, vector<16xf32>,
        tpu.vector_store %arg15[%swap3A_462, %swap3A_463, %swap3A_464], %unpack3A_343 {strides = array<i32>} : memref<32x4x128xf32, #tpu.memory_space<vmem>>, vector<16xf32>,
        %swap3A_466 = arith.constant 9 : i32
        %swap3A_467 = arith.index_cast %swap3A_466 : i32 to index
        %swap3A_468 = arith.index_cast %shift_right_arithmetic3A_301 : i32 to index
        %swap3A_469 = arith.index_cast %shift_left3A_303 : i32 to index
        %swap3A_470 = tpu.vector_load %arg15[%swap3A_467, %swap3A_468, %swap3A_469] {strides = array<i32>} : memref<32x4x128xf32, #tpu.memory_space<vmem>>, vector<16xf32>,
        tpu.vector_store %arg15[%swap3A_467, %swap3A_468, %swap3A_469], %unpack3A_344 {strides = array<i32>} : memref<32x4x128xf32, #tpu.memory_space<vmem>>, vector<16xf32>,
        %swap3A_471 = arith.constant 10 : i32
        %swap3A_472 = arith.index_cast %swap3A_471 : i32 to index
        %swap3A_473 = arith.index_cast %shift_right_arithmetic3A_301 : i32 to index
        %swap3A_474 = arith.index_cast %shift_left3A_303 : i32 to index
        %swap3A_475 = tpu.vector_load %arg15[%swap3A_472, %swap3A_473, %swap3A_474] {strides = array<i32>} : memref<32x4x128xf32, #tpu.memory_space<vmem>>, vector<16xf32>,
        tpu.vector_store %arg15[%swap3A_472, %swap3A_473, %swap3A_474], %unpack3A_350 {strides = array<i32>} : memref<32x4x128xf32, #tpu.memory_space<vmem>>, vector<16xf32>,
        %swap3A_476 = arith.constant 11 : i32
        %swap3A_477 = arith.index_cast %swap3A_476 : i32 to index
        %swap3A_478 = arith.index_cast %shift_right_arithmetic3A_301 : i32 to index
        %swap3A_479 = arith.index_cast %shift_left3A_303 : i32 to index
        %swap3A_480 = tpu.vector_load %arg15[%swap3A_477, %swap3A_478, %swap3A_479] {strides = array<i32>} : memref<32x4x128xf32, #tpu.memory_space<vmem>>, vector<16xf32>,
        tpu.vector_store %arg15[%swap3A_477, %swap3A_478, %swap3A_479], %unpack3A_351 {strides = array<i32>} : memref<32x4x128xf32, #tpu.memory_space<vmem>>, vector<16xf32>,
        %swap3A_481 = arith.constant 12 : i32
        %swap3A_482 = arith.index_cast %swap3A_481 : i32 to index
        %swap3A_483 = arith.index_cast %shift_right_arithmetic3A_301 : i32 to index
        %swap3A_484 = arith.index_cast %shift_left3A_303 : i32 to index
        %swap3A_485 = tpu.vector_load %arg15[%swap3A_482, %swap3A_483, %swap3A_484] {strides = array<i32>} : memref<32x4x128xf32, #tpu.memory_space<vmem>>, vector<16xf32>,
        tpu.vector_store %arg15[%swap3A_482, %swap3A_483, %swap3A_484], %unpack3A_357 {strides = array<i32>} : memref<32x4x128xf32, #tpu.memory_space<vmem>>, vector<16xf32>,
        %swap3A_486 = arith.constant 13 : i32
        %swap3A_487 = arith.index_cast %swap3A_486 : i32 to index
        %swap3A_488 = arith.index_cast %shift_right_arithmetic3A_301 : i32 to index
        %swap3A_489 = arith.index_cast %shift_left3A_303 : i32 to index
        %swap3A_490 = tpu.vector_load %arg15[%swap3A_487, %swap3A_488, %swap3A_489] {strides = array<i32>} : memref<32x4x128xf32, #tpu.memory_space<vmem>>, vector<16xf32>,
        tpu.vector_store %arg15[%swap3A_487, %swap3A_488, %swap3A_489], %unpack3A_358 {strides = array<i32>} : memref<32x4x128xf32, #tpu.memory_space<vmem>>, vector<16xf32>,
        %swap3A_491 = arith.constant 14 : i32
        %swap3A_492 = arith.index_cast %swap3A_491 : i32 to index
        %swap3A_493 = arith.index_cast %shift_right_arithmetic3A_301 : i32 to index
        %swap3A_494 = arith.index_cast %shift_left3A_303 : i32 to index
        %swap3A_495 = tpu.vector_load %arg15[%swap3A_492, %swap3A_493, %swap3A_494] {strides = array<i32>} : memref<32x4x128xf32, #tpu.memory_space<vmem>>, vector<16xf32>,
        tpu.vector_store %arg15[%swap3A_492, %swap3A_493, %swap3A_494], %unpack3A_364 {strides = array<i32>} : memref<32x4x128xf32, #tpu.memory_space<vmem>>, vector<16xf32>,
        %swap3A_496 = arith.constant 15 : i32
        %swap3A_497 = arith.index_cast %swap3A_496 : i32 to index
        %swap3A_498 = arith.index_cast %shift_right_arithmetic3A_301 : i32 to index
        %swap3A_499 = arith.index_cast %shift_left3A_303 : i32 to index
        %swap3A_500 = tpu.vector_load %arg15[%swap3A_497, %swap3A_498, %swap3A_499] {strides = array<i32>} : memref<32x4x128xf32, #tpu.memory_space<vmem>>, vector<16xf32>,
        tpu.vector_store %arg15[%swap3A_497, %swap3A_498, %swap3A_499], %unpack3A_365 {strides = array<i32>} : memref<32x4x128xf32, #tpu.memory_space<vmem>>, vector<16xf32>,
        %swap3A_501 = arith.constant 16 : i32
        %swap3A_502 = arith.index_cast %swap3A_501 : i32 to index
        %swap3A_503 = arith.index_cast %shift_right_arithmetic3A_301 : i32 to index
        %swap3A_504 = arith.index_cast %shift_left3A_303 : i32 to index
        %swap3A_505 = tpu.vector_load %arg15[%swap3A_502, %swap3A_503, %swap3A_504] {strides = array<i32>} : memref<32x4x128xf32, #tpu.memory_space<vmem>>, vector<16xf32>,
        tpu.vector_store %arg15[%swap3A_502, %swap3A_503, %swap3A_504], %unpack3A_371 {strides = array<i32>} : memref<32x4x128xf32, #tpu.memory_space<vmem>>, vector<16xf32>,
        %swap3A_506 = arith.constant 17 : i32
        %swap3A_507 = arith.index_cast %swap3A_506 : i32 to index
        %swap3A_508 = arith.index_cast %shift_right_arithmetic3A_301 : i32 to index
        %swap3A_509 = arith.index_cast %shift_left3A_303 : i32 to index
        %swap3A_510 = tpu.vector_load %arg15[%swap3A_507, %swap3A_508, %swap3A_509] {strides = array<i32>} : memref<32x4x128xf32, #tpu.memory_space<vmem>>, vector<16xf32>,
        tpu.vector_store %arg15[%swap3A_507, %swap3A_508, %swap3A_509], %unpack3A_372 {strides = array<i32>} : memref<32x4x128xf32, #tpu.memory_space<vmem>>, vector<16xf32>,
        %swap3A_511 = arith.constant 18 : i32
        %swap3A_512 = arith.index_cast %swap3A_511 : i32 to index
        %swap3A_513 = arith.index_cast %shift_right_arithmetic3A_301 : i32 to index
        %swap3A_514 = arith.index_cast %shift_left3A_303 : i32 to index
        %swap3A_515 = tpu.vector_load %arg15[%swap3A_512, %swap3A_513, %swap3A_514] {strides = array<i32>} : memref<32x4x128xf32, #tpu.memory_space<vmem>>, vector<16xf32>,
        tpu.vector_store %arg15[%swap3A_512, %swap3A_513, %swap3A_514], %unpack3A_378 {strides = array<i32>} : memref<32x4x128xf32, #tpu.memory_space<vmem>>, vector<16xf32>,
        %swap3A_516 = arith.constant 19 : i32
        %swap3A_517 = arith.index_cast %swap3A_516 : i32 to index
        %swap3A_518 = arith.index_cast %shift_right_arithmetic3A_301 : i32 to index
        %swap3A_519 = arith.index_cast %shift_left3A_303 : i32 to index
        %swap3A_520 = tpu.vector_load %arg15[%swap3A_517, %swap3A_518, %swap3A_519] {strides = array<i32>} : memref<32x4x128xf32, #tpu.memory_space<vmem>>, vector<16xf32>,
        tpu.vector_store %arg15[%swap3A_517, %swap3A_518, %swap3A_519], %unpack3A_379 {strides = array<i32>} : memref<32x4x128xf32, #tpu.memory_space<vmem>>, vector<16xf32>,
        %swap3A_521 = arith.constant 20 : i32
        %swap3A_522 = arith.index_cast %swap3A_521 : i32 to index
        %swap3A_523 = arith.index_cast %shift_right_arithmetic3A_301 : i32 to index
        %swap3A_524 = arith.index_cast %shift_left3A_303 : i32 to index
        %swap3A_525 = tpu.vector_load %arg15[%swap3A_522, %swap3A_523, %swap3A_524] {strides = array<i32>} : memref<32x4x128xf32, #tpu.memory_space<vmem>>, vector<16xf32>,
        tpu.vector_store %arg15[%swap3A_522, %swap3A_523, %swap3A_524], %unpack3A_385 {strides = array<i32>} : memref<32x4x128xf32, #tpu.memory_space<vmem>>, vector<16xf32>,
        %swap3A_526 = arith.constant 21 : i32
        %swap3A_527 = arith.index_cast %swap3A_526 : i32 to index
        %swap3A_528 = arith.index_cast %shift_right_arithmetic3A_301 : i32 to index
        %swap3A_529 = arith.index_cast %shift_left3A_303 : i32 to index
        %swap3A_530 = tpu.vector_load %arg15[%swap3A_527, %swap3A_528, %swap3A_529] {strides = array<i32>} : memref<32x4x128xf32, #tpu.memory_space<vmem>>, vector<16xf32>,
        tpu.vector_store %arg15[%swap3A_527, %swap3A_528, %swap3A_529], %unpack3A_386 {strides = array<i32>} : memref<32x4x128xf32, #tpu.memory_space<vmem>>, vector<16xf32>,
        %swap3A_531 = arith.constant 22 : i32
        %swap3A_532 = arith.index_cast %swap3A_531 : i32 to index
        %swap3A_533 = arith.index_cast %shift_right_arithmetic3A_301 : i32 to index
        %swap3A_534 = arith.index_cast %shift_left3A_303 : i32 to index
        %swap3A_535 = tpu.vector_load %arg15[%swap3A_532, %swap3A_533, %swap3A_534] {strides = array<i32>} : memref<32x4x128xf32, #tpu.memory_space<vmem>>, vector<16xf32>,
        tpu.vector_store %arg15[%swap3A_532, %swap3A_533, %swap3A_534], %unpack3A_392 {strides = array<i32>} : memref<32x4x128xf32, #tpu.memory_space<vmem>>, vector<16xf32>,
        %swap3A_536 = arith.constant 23 : i32
        %swap3A_537 = arith.index_cast %swap3A_536 : i32 to index
        %swap3A_538 = arith.index_cast %shift_right_arithmetic3A_301 : i32 to index
        %swap3A_539 = arith.index_cast %shift_left3A_303 : i32 to index
        %swap3A_540 = tpu.vector_load %arg15[%swap3A_537, %swap3A_538, %swap3A_539] {strides = array<i32>} : memref<32x4x128xf32, #tpu.memory_space<vmem>>, vector<16xf32>,
        tpu.vector_store %arg15[%swap3A_537, %swap3A_538, %swap3A_539], %unpack3A_393 {strides = array<i32>} : memref<32x4x128xf32, #tpu.memory_space<vmem>>, vector<16xf32>,
        %swap3A_541 = arith.constant 24 : i32
        %swap3A_542 = arith.index_cast %swap3A_541 : i32 to index
        %swap3A_543 = arith.index_cast %shift_right_arithmetic3A_301 : i32 to index
        %swap3A_544 = arith.index_cast %shift_left3A_303 : i32 to index
        %swap3A_545 = tpu.vector_load %arg15[%swap3A_542, %swap3A_543, %swap3A_544] {strides = array<i32>} : memref<32x4x128xf32, #tpu.memory_space<vmem>>, vector<16xf32>,
        tpu.vector_store %arg15[%swap3A_542, %swap3A_543, %swap3A_544], %unpack3A_399 {strides = array<i32>} : memref<32x4x128xf32, #tpu.memory_space<vmem>>, vector<16xf32>,
        %swap3A_546 = arith.constant 25 : i32
        %swap3A_547 = arith.index_cast %swap3A_546 : i32 to index
        %swap3A_548 = arith.index_cast %shift_right_arithmetic3A_301 : i32 to index
        %swap3A_549 = arith.index_cast %shift_left3A_303 : i32 to index
        %swap3A_550 = tpu.vector_load %arg15[%swap3A_547, %swap3A_548, %swap3A_549] {strides = array<i32>} : memref<32x4x128xf32, #tpu.memory_space<vmem>>, vector<16xf32>,
        tpu.vector_store %arg15[%swap3A_547, %swap3A_548, %swap3A_549], %unpack3A_400 {strides = array<i32>} : memref<32x4x128xf32, #tpu.memory_space<vmem>>, vector<16xf32>,
        %swap3A_551 = arith.constant 26 : i32
        %swap3A_552 = arith.index_cast %swap3A_551 : i32 to index
        %swap3A_553 = arith.index_cast %shift_right_arithmetic3A_301 : i32 to index
        %swap3A_554 = arith.index_cast %shift_left3A_303 : i32 to index
        %swap3A_555 = tpu.vector_load %arg15[%swap3A_552, %swap3A_553, %swap3A_554] {strides = array<i32>} : memref<32x4x128xf32, #tpu.memory_space<vmem>>, vector<16xf32>,
        tpu.vector_store %arg15[%swap3A_552, %swap3A_553, %swap3A_554], %unpack3A_406 {strides = array<i32>} : memref<32x4x128xf32, #tpu.memory_space<vmem>>, vector<16xf32>,
        %swap3A_556 = arith.constant 27 : i32
        %swap3A_557 = arith.index_cast %swap3A_556 : i32 to index
        %swap3A_558 = arith.index_cast %shift_right_arithmetic3A_301 : i32 to index
        %swap3A_559 = arith.index_cast %shift_left3A_303 : i32 to index
        %swap3A_560 = tpu.vector_load %arg15[%swap3A_557, %swap3A_558, %swap3A_559] {strides = array<i32>} : memref<32x4x128xf32, #tpu.memory_space<vmem>>, vector<16xf32>,
        tpu.vector_store %arg15[%swap3A_557, %swap3A_558, %swap3A_559], %unpack3A_407 {strides = array<i32>} : memref<32x4x128xf32, #tpu.memory_space<vmem>>, vector<16xf32>,
        %swap3A_561 = arith.constant 28 : i32
        %swap3A_562 = arith.index_cast %swap3A_561 : i32 to index
        %swap3A_563 = arith.index_cast %shift_right_arithmetic3A_301 : i32 to index
        %swap3A_564 = arith.index_cast %shift_left3A_303 : i32 to index
        %swap3A_565 = tpu.vector_load %arg15[%swap3A_562, %swap3A_563, %swap3A_564] {strides = array<i32>} : memref<32x4x128xf32, #tpu.memory_space<vmem>>, vector<16xf32>,
        tpu.vector_store %arg15[%swap3A_562, %swap3A_563, %swap3A_564], %unpack3A_413 {strides = array<i32>} : memref<32x4x128xf32, #tpu.memory_space<vmem>>, vector<16xf32>,
        %swap3A_566 = arith.constant 29 : i32
        %swap3A_567 = arith.index_cast %swap3A_566 : i32 to index
        %swap3A_568 = arith.index_cast %shift_right_arithmetic3A_301 : i32 to index
        %swap3A_569 = arith.index_cast %shift_left3A_303 : i32 to index
        %swap3A_570 = tpu.vector_load %arg15[%swap3A_567, %swap3A_568, %swap3A_569] {strides = array<i32>} : memref<32x4x128xf32, #tpu.memory_space<vmem>>, vector<16xf32>,
        tpu.vector_store %arg15[%swap3A_567, %swap3A_568, %swap3A_569], %unpack3A_414 {strides = array<i32>} : memref<32x4x128xf32, #tpu.memory_space<vmem>>, vector<16xf32>,
        %swap3A_571 = arith.constant 30 : i32
        %swap3A_572 = arith.index_cast %swap3A_571 : i32 to index
        %swap3A_573 = arith.index_cast %shift_right_arithmetic3A_301 : i32 to index
        %swap3A_574 = arith.index_cast %shift_left3A_303 : i32 to index
        %swap3A_575 = tpu.vector_load %arg15[%swap3A_572, %swap3A_573, %swap3A_574] {strides = array<i32>} : memref<32x4x128xf32, #tpu.memory_space<vmem>>, vector<16xf32>,
        tpu.vector_store %arg15[%swap3A_572, %swap3A_573, %swap3A_574], %unpack3A_420 {strides = array<i32>} : memref<32x4x128xf32, #tpu.memory_space<vmem>>, vector<16xf32>,
        %swap3A_576 = arith.constant 31 : i32
        %swap3A_577 = arith.index_cast %swap3A_576 : i32 to index
        %swap3A_578 = arith.index_cast %shift_right_arithmetic3A_301 : i32 to index
        %swap3A_579 = arith.index_cast %shift_left3A_303 : i32 to index
        %swap3A_580 = tpu.vector_load %arg15[%swap3A_577, %swap3A_578, %swap3A_579] {strides = array<i32>} : memref<32x4x128xf32, #tpu.memory_space<vmem>>, vector<16xf32>,
        tpu.vector_store %arg15[%swap3A_577, %swap3A_578, %swap3A_579], %unpack3A_421 {strides = array<i32>} : memref<32x4x128xf32, #tpu.memory_space<vmem>>, vector<16xf32>,
      }
      %scan3A_289 = arith.constant 32 : i32
      %add3A_290 = arith.constant 4 : i32
      %add3A_291 = arith.addi %mul3A_245, %add3A_290 : i32
      %dma_start3A_292 = arith.constant 0 : i32
      %dma_start3A_293 = arith.constant 0 : i32
      %dma_start3A_294 = tpu.memref_slice %arg6[%add3A_104, %dma_start3A_292, %add3A_291, %dma_start3A_293] : memref<128x32x128x128xf32, #tpu.memory_space<hbm>> -> memref<1x32x4x128xf32, #tpu.memory_space<hbm>>
      %dma_start3A_295 = tpu.memref_squeeze %dma_start3A_294 : memref<1x32x4x128xf32, #tpu.memory_space<hbm>> -> memref<32x4x128xf32, #tpu.memory_space<hbm>>
      %dma_start3A_296 = arith.constant 0 : i32
      %dma_start3A_297 = arith.constant 0 : i32
      %dma_start3A_298 = tpu.memref_slice %arg6[%add3A_104, %dma_start3A_296, %add3A_291, %dma_start3A_297] : memref<128x32x128x128xf32, #tpu.memory_space<hbm>> -> memref<1x32x4x128xf32, #tpu.memory_space<hbm>>
      %dma_start3A_299 = tpu.memref_squeeze %dma_start3A_298 : memref<1x32x4x128xf32, #tpu.memory_space<hbm>> -> memref<32x4x128xf32, #tpu.memory_space<hbm>>
      tpu.enqueue_dma source(%arg15 : memref<32x4x128xf32, #tpu.memory_space<vmem>>) target(%dma_start3A_299 : memref<32x4x128xf32, #tpu.memory_space<hbm>>) target_semaphore(%arg17 : memref<!tpu.dma_semaphore, #tpu.memory_space<semaphore_mem>>)
    }
    %scan3A_148 = arith.constant 16 : i32
    %add3A_149 = arith.constant 2 : i32
    %add3A_150 = arith.addi %mul3A_42, %add3A_149 : i32
    %dma_wait3A_151 = arith.constant 0 : i32
    %dma_wait3A_152 = arith.constant 0 : i32
    %dma_wait3A_153 = arith.constant 0 : i32
    %dma_wait3A_154 = tpu.memref_slice %arg4[%dma_wait3A_151, %dma_wait3A_152, %dma_wait3A_153] : memref<128x128x128xi32, #tpu.memory_space<hbm>> -> memref<1x128x128xi32, #tpu.memory_space<hbm>>
    %dma_wait3A_155 = tpu.memref_squeeze %dma_wait3A_154 : memref<1x128x128xi32, #tpu.memory_space<hbm>> -> memref<128x128xi32, #tpu.memory_space<hbm>>
    %dma_wait3A_156 = arith.constant 0 : i32
    %dma_wait3A_157 = arith.constant 0 : i32
    %dma_wait3A_158 = tpu.memref_slice %arg4[%dma_wait3A_151, %dma_wait3A_156, %dma_wait3A_157] : memref<128x128x128xi32, #tpu.memory_space<hbm>> -> memref<1x128x128xi32, #tpu.memory_space<hbm>>
    %dma_wait3A_159 = tpu.memref_squeeze %dma_wait3A_158 : memref<1x128x128xi32, #tpu.memory_space<hbm>> -> memref<128x128xi32, #tpu.memory_space<hbm>>
    tpu.wait_dma2 semaphore(%arg18 : memref<!tpu.dma_semaphore, #tpu.memory_space<semaphore_mem>>) src(%dma_wait3A_159 : memref<128x128xi32, #tpu.memory_space<hbm>>) dst(%arg10 : memref<128x128xi32, #tpu.memory_space<vmem>>)
    %dma_wait3A_160 = arith.constant 0 : i32
    %dma_wait3A_161 = arith.constant 0 : i32
    %dma_wait3A_162 = arith.constant 0 : i32
    %dma_wait3A_163 = tpu.memref_slice %arg5[%dma_wait3A_160, %dma_wait3A_161, %dma_wait3A_162] : memref<128x128x128xi32, #tpu.memory_space<hbm>> -> memref<1x128x128xi32, #tpu.memory_space<hbm>>
    %dma_wait3A_164 = tpu.memref_squeeze %dma_wait3A_163 : memref<1x128x128xi32, #tpu.memory_space<hbm>> -> memref<128x128xi32, #tpu.memory_space<hbm>>
    %dma_wait3A_165 = arith.constant 0 : i32
    %dma_wait3A_166 = arith.constant 0 : i32
    %dma_wait3A_167 = tpu.memref_slice %arg5[%dma_wait3A_160, %dma_wait3A_165, %dma_wait3A_166] : memref<128x128x128xi32, #tpu.memory_space<hbm>> -> memref<1x128x128xi32, #tpu.memory_space<hbm>>
    %dma_wait3A_168 = tpu.memref_squeeze %dma_wait3A_167 : memref<1x128x128xi32, #tpu.memory_space<hbm>> -> memref<128x128xi32, #tpu.memory_space<hbm>>
    tpu.wait_dma2 semaphore(%arg18 : memref<!tpu.dma_semaphore, #tpu.memory_space<semaphore_mem>>) src(%dma_wait3A_168 : memref<128x128xi32, #tpu.memory_space<hbm>>) dst(%arg11 : memref<128x128xi32, #tpu.memory_space<vmem>>)
    %add3A_169 = arith.constant 1 : i32
    %add3A_170 = arith.addi %add3A_150, %add3A_169 : i32
    %dma_start3A_171 = arith.constant 0 : i32
    %dma_start3A_172 = arith.constant 0 : i32
    %dma_start3A_173 = tpu.memref_slice %arg4[%add3A_170, %dma_start3A_171, %dma_start3A_172] : memref<128x128x128xi32, #tpu.memory_space<hbm>> -> memref<1x128x128xi32, #tpu.memory_space<hbm>>
    %dma_start3A_174 = tpu.memref_squeeze %dma_start3A_173 : memref<1x128x128xi32, #tpu.memory_space<hbm>> -> memref<128x128xi32, #tpu.memory_space<hbm>>
    %dma_start3A_175 = arith.constant 0 : i32
    %dma_start3A_176 = arith.constant 0 : i32
    %dma_start3A_177 = tpu.memref_slice %arg4[%add3A_170, %dma_start3A_175, %dma_start3A_176] : memref<128x128x128xi32, #tpu.memory_space<hbm>> -> memref<1x128x128xi32, #tpu.memory_space<hbm>>
    %dma_start3A_178 = tpu.memref_squeeze %dma_start3A_177 : memref<1x128x128xi32, #tpu.memory_space<hbm>> -> memref<128x128xi32, #tpu.memory_space<hbm>>
    tpu.enqueue_dma source(%dma_start3A_178 : memref<128x128xi32, #tpu.memory_space<hbm>>) target(%arg12 : memref<128x128xi32, #tpu.memory_space<vmem>>) target_semaphore(%arg18 : memref<!tpu.dma_semaphore, #tpu.memory_space<semaphore_mem>>)
    %add3A_179 = arith.constant 1 : i32
    %add3A_180 = arith.addi %add3A_150, %add3A_179 : i32
    %dma_start3A_181 = arith.constant 0 : i32
    %dma_start3A_182 = arith.constant 0 : i32
    %dma_start3A_183 = tpu.memref_slice %arg5[%add3A_180, %dma_start3A_181, %dma_start3A_182] : memref<128x128x128xi32, #tpu.memory_space<hbm>> -> memref<1x128x128xi32, #tpu.memory_space<hbm>>
    %dma_start3A_184 = tpu.memref_squeeze %dma_start3A_183 : memref<1x128x128xi32, #tpu.memory_space<hbm>> -> memref<128x128xi32, #tpu.memory_space<hbm>>
    %dma_start3A_185 = arith.constant 0 : i32
    %dma_start3A_186 = arith.constant 0 : i32
    %dma_start3A_187 = tpu.memref_slice %arg5[%add3A_180, %dma_start3A_185, %dma_start3A_186] : memref<128x128x128xi32, #tpu.memory_space<hbm>> -> memref<1x128x128xi32, #tpu.memory_space<hbm>>
    %dma_start3A_188 = tpu.memref_squeeze %dma_start3A_187 : memref<1x128x128xi32, #tpu.memory_space<hbm>> -> memref<128x128xi32, #tpu.memory_space<hbm>>
    tpu.enqueue_dma source(%dma_start3A_188 : memref<128x128xi32, #tpu.memory_space<hbm>>) target(%arg13 : memref<128x128xi32, #tpu.memory_space<vmem>>) target_semaphore(%arg18 : memref<!tpu.dma_semaphore, #tpu.memory_space<semaphore_mem>>)
    %scan3A_189 = arith.constant 0 : i32
    %scan3A_190 = arith.constant 0 : i32
    %scan3A_191 = arith.constant 16 : i32
    %scan3A_192 = arith.addi %scan3A_190, %scan3A_191 : i32
    %scan3A_193 = arith.constant 1 : i32
    scf.for %scan3A_243 = %scan3A_190 to %scan3A_192 step %scan3A_193  : i32 {
      %mul3A_244 = arith.constant 8 : i32
      %mul3A_245 = arith.muli %scan3A_243, %mul3A_244 : i32
      %dma_wait3A_246 = arith.constant 0 : i32
      %dma_wait3A_247 = arith.constant 0 : i32
      %dma_wait3A_248 = arith.constant 0 : i32
      %dma_wait3A_249 = arith.constant 0 : i32
      %dma_wait3A_250 = tpu.memref_slice %arg6[%dma_wait3A_246, %dma_wait3A_247, %dma_wait3A_248, %dma_wait3A_249] : memref<128x32x128x128xf32, #tpu.memory_space<hbm>> -> memref<1x32x4x128xf32, #tpu.memory_space<hbm>>
      %dma_wait3A_251 = tpu.memref_squeeze %dma_wait3A_250 : memref<1x32x4x128xf32, #tpu.memory_space<hbm>> -> memref<32x4x128xf32, #tpu.memory_space<hbm>>
      %dma_wait3A_252 = arith.constant 0 : i32
      %dma_wait3A_253 = arith.constant 0 : i32
      %dma_wait3A_254 = arith.constant 0 : i32
      %dma_wait3A_255 = tpu.memref_slice %arg6[%dma_wait3A_246, %dma_wait3A_252, %dma_wait3A_253, %dma_wait3A_254] : memref<128x32x128x128xf32, #tpu.memory_space<hbm>> -> memref<1x32x4x128xf32, #tpu.memory_space<hbm>>
      %dma_wait3A_256 = tpu.memref_squeeze %dma_wait3A_255 : memref<1x32x4x128xf32, #tpu.memory_space<hbm>> -> memref<32x4x128xf32, #tpu.memory_space<hbm>>
      tpu.wait_dma2 semaphore(%arg16 : memref<!tpu.dma_semaphore, #tpu.memory_space<semaphore_mem>>) src(%arg14 : memref<32x4x128xf32, #tpu.memory_space<vmem>>) dst(%dma_wait3A_256 : memref<32x4x128xf32, #tpu.memory_space<hbm>>)
      %scan3A_257 = arith.constant 0 : i32
      %scan3A_258 = arith.constant 0 : i32
      %scan3A_259 = arith.constant 32 : i32
      %scan3A_260 = arith.addi %scan3A_258, %scan3A_259 : i32
      %scan3A_261 = arith.constant 1 : i32
      scf.for %scan3A_300 = %scan3A_258 to %scan3A_260 step %scan3A_261  : i32 {
        %shift_right_arithmetic3A = arith.constant 3 : i32
        %shift_right_arithmetic3A_301 = arith.shrsi %scan3A_300, %shift_right_arithmetic3A : i32
        %and3A = arith.constant 7 : i32
        %and3A_302 = arith.andi %scan3A_300, %and3A : i32
        %shift_left3A = arith.constant 4 : i32
        %shift_left3A_303 = arith.shli %and3A_302, %shift_left3A : i32
        %add3A_304 = arith.addi %mul3A_245, %shift_right_arithmetic3A_301 : i32
        %get3A = arith.index_cast %add3A_304 : i32 to index
        %get3A_305 = arith.index_cast %shift_left3A_303 : i32 to index
        %get3A_306 = tpu.vector_load %arg10[%get3A, %get3A_305] {strides = array<i32>} : memref<128x128xi32, #tpu.memory_space<vmem>>, vector<16xi32>,
        %add3A_307 = arith.addi %mul3A_245, %shift_right_arithmetic3A_301 : i32
        %get3A_308 = arith.index_cast %add3A_307 : i32 to index
        %get3A_309 = arith.index_cast %shift_left3A_303 : i32 to index
        %get3A_310 = tpu.vector_load %arg11[%get3A_308, %get3A_309] {strides = array<i32>} : memref<128x128xi32, #tpu.memory_space<vmem>>, vector<16xi32>,
        %mul3A_311 = arith.constant 4 : i32
        %mul3A_312 = vector.broadcast %mul3A_311 : i32 to vector<16xi32>
        %mul3A_313 = arith.muli %get3A_306, %mul3A_312 : vector<16xi32>
        %add3A_314 = arith.addi %mul3A_313, %get3A_310 : vector<16xi32>
        %gather3A_315 = tpu.vector_load_idx %arg9[%add3A_314] : memref<2368xi32, #tpu.memory_space<vmem>>[vector<16xi32>], vector<16xi32>,
        %bitcast3A = vector.bitcast %gather3A_315 : vector<16xi32> to vector<32xbf16>
        %unpack3A = tpu.unpack_subelements %bitcast3A, 0 {pack_format = #tpu.pack_format<interleaved>} : vector<32xbf16> -> vector<16xf32>
        %unpack3A_316 = tpu.unpack_subelements %bitcast3A, 1 {pack_format = #tpu.pack_format<interleaved>} : vector<32xbf16> -> vector<16xf32>
        %add3A_317 = arith.constant 148 : i32
        %add3A_318 = vector.broadcast %add3A_317 : i32 to vector<16xi32>
        %add3A_319 = arith.addi %add3A_314, %add3A_318 : vector<16xi32>
        %gather3A_320 = tpu.vector_load_idx %arg9[%add3A_319] : memref<2368xi32, #tpu.memory_space<vmem>>[vector<16xi32>], vector<16xi32>,
        %bitcast3A_321 = vector.bitcast %gather3A_320 : vector<16xi32> to vector<32xbf16>
        %unpack3A_322 = tpu.unpack_subelements %bitcast3A_321, 0 {pack_format = #tpu.pack_format<interleaved>} : vector<32xbf16> -> vector<16xf32>
        %unpack3A_323 = tpu.unpack_subelements %bitcast3A_321, 1 {pack_format = #tpu.pack_format<interleaved>} : vector<32xbf16> -> vector<16xf32>
        %add3A_324 = arith.constant 296 : i32
        %add3A_325 = vector.broadcast %add3A_324 : i32 to vector<16xi32>
        %add3A_326 = arith.addi %add3A_314, %add3A_325 : vector<16xi32>
        %gather3A_327 = tpu.vector_load_idx %arg9[%add3A_326] : memref<2368xi32, #tpu.memory_space<vmem>>[vector<16xi32>], vector<16xi32>,
        %bitcast3A_328 = vector.bitcast %gather3A_327 : vector<16xi32> to vector<32xbf16>
        %unpack3A_329 = tpu.unpack_subelements %bitcast3A_328, 0 {pack_format = #tpu.pack_format<interleaved>} : vector<32xbf16> -> vector<16xf32>
        %unpack3A_330 = tpu.unpack_subelements %bitcast3A_328, 1 {pack_format = #tpu.pack_format<interleaved>} : vector<32xbf16> -> vector<16xf32>
        %add3A_331 = arith.constant 444 : i32
        %add3A_332 = vector.broadcast %add3A_331 : i32 to vector<16xi32>
        %add3A_333 = arith.addi %add3A_314, %add3A_332 : vector<16xi32>
        %gather3A_334 = tpu.vector_load_idx %arg9[%add3A_333] : memref<2368xi32, #tpu.memory_space<vmem>>[vector<16xi32>], vector<16xi32>,
        %bitcast3A_335 = vector.bitcast %gather3A_334 : vector<16xi32> to vector<32xbf16>
        %unpack3A_336 = tpu.unpack_subelements %bitcast3A_335, 0 {pack_format = #tpu.pack_format<interleaved>} : vector<32xbf16> -> vector<16xf32>
        %unpack3A_337 = tpu.unpack_subelements %bitcast3A_335, 1 {pack_format = #tpu.pack_format<interleaved>} : vector<32xbf16> -> vector<16xf32>
        %add3A_338 = arith.constant 592 : i32
        %add3A_339 = vector.broadcast %add3A_338 : i32 to vector<16xi32>
        %add3A_340 = arith.addi %add3A_314, %add3A_339 : vector<16xi32>
        %gather3A_341 = tpu.vector_load_idx %arg9[%add3A_340] : memref<2368xi32, #tpu.memory_space<vmem>>[vector<16xi32>], vector<16xi32>,
        %bitcast3A_342 = vector.bitcast %gather3A_341 : vector<16xi32> to vector<32xbf16>
        %unpack3A_343 = tpu.unpack_subelements %bitcast3A_342, 0 {pack_format = #tpu.pack_format<interleaved>} : vector<32xbf16> -> vector<16xf32>
        %unpack3A_344 = tpu.unpack_subelements %bitcast3A_342, 1 {pack_format = #tpu.pack_format<interleaved>} : vector<32xbf16> -> vector<16xf32>
        %add3A_345 = arith.constant 740 : i32
        %add3A_346 = vector.broadcast %add3A_345 : i32 to vector<16xi32>
        %add3A_347 = arith.addi %add3A_314, %add3A_346 : vector<16xi32>
        %gather3A_348 = tpu.vector_load_idx %arg9[%add3A_347] : memref<2368xi32, #tpu.memory_space<vmem>>[vector<16xi32>], vector<16xi32>,
        %bitcast3A_349 = vector.bitcast %gather3A_348 : vector<16xi32> to vector<32xbf16>
        %unpack3A_350 = tpu.unpack_subelements %bitcast3A_349, 0 {pack_format = #tpu.pack_format<interleaved>} : vector<32xbf16> -> vector<16xf32>
        %unpack3A_351 = tpu.unpack_subelements %bitcast3A_349, 1 {pack_format = #tpu.pack_format<interleaved>} : vector<32xbf16> -> vector<16xf32>
        %add3A_352 = arith.constant 888 : i32
        %add3A_353 = vector.broadcast %add3A_352 : i32 to vector<16xi32>
        %add3A_354 = arith.addi %add3A_314, %add3A_353 : vector<16xi32>
        %gather3A_355 = tpu.vector_load_idx %arg9[%add3A_354] : memref<2368xi32, #tpu.memory_space<vmem>>[vector<16xi32>], vector<16xi32>,
        %bitcast3A_356 = vector.bitcast %gather3A_355 : vector<16xi32> to vector<32xbf16>
        %unpack3A_357 = tpu.unpack_subelements %bitcast3A_356, 0 {pack_format = #tpu.pack_format<interleaved>} : vector<32xbf16> -> vector<16xf32>
        %unpack3A_358 = tpu.unpack_subelements %bitcast3A_356, 1 {pack_format = #tpu.pack_format<interleaved>} : vector<32xbf16> -> vector<16xf32>
        %add3A_359 = arith.constant 1036 : i32
        %add3A_360 = vector.broadcast %add3A_359 : i32 to vector<16xi32>
        %add3A_361 = arith.addi %add3A_314, %add3A_360 : vector<16xi32>
        %gather3A_362 = tpu.vector_load_idx %arg9[%add3A_361] : memref<2368xi32, #tpu.memory_space<vmem>>[vector<16xi32>], vector<16xi32>,
        %bitcast3A_363 = vector.bitcast %gather3A_362 : vector<16xi32> to vector<32xbf16>
        %unpack3A_364 = tpu.unpack_subelements %bitcast3A_363, 0 {pack_format = #tpu.pack_format<interleaved>} : vector<32xbf16> -> vector<16xf32>
        %unpack3A_365 = tpu.unpack_subelements %bitcast3A_363, 1 {pack_format = #tpu.pack_format<interleaved>} : vector<32xbf16> -> vector<16xf32>
        %add3A_366 = arith.constant 1184 : i32
        %add3A_367 = vector.broadcast %add3A_366 : i32 to vector<16xi32>
        %add3A_368 = arith.addi %add3A_314, %add3A_367 : vector<16xi32>
        %gather3A_369 = tpu.vector_load_idx %arg9[%add3A_368] : memref<2368xi32, #tpu.memory_space<vmem>>[vector<16xi32>], vector<16xi32>,
        %bitcast3A_370 = vector.bitcast %gather3A_369 : vector<16xi32> to vector<32xbf16>
        %unpack3A_371 = tpu.unpack_subelements %bitcast3A_370, 0 {pack_format = #tpu.pack_format<interleaved>} : vector<32xbf16> -> vector<16xf32>
        %unpack3A_372 = tpu.unpack_subelements %bitcast3A_370, 1 {pack_format = #tpu.pack_format<interleaved>} : vector<32xbf16> -> vector<16xf32>
        %add3A_373 = arith.constant 1332 : i32
        %add3A_374 = vector.broadcast %add3A_373 : i32 to vector<16xi32>
        %add3A_375 = arith.addi %add3A_314, %add3A_374 : vector<16xi32>
        %gather3A_376 = tpu.vector_load_idx %arg9[%add3A_375] : memref<2368xi32, #tpu.memory_space<vmem>>[vector<16xi32>], vector<16xi32>,
        %bitcast3A_377 = vector.bitcast %gather3A_376 : vector<16xi32> to vector<32xbf16>
        %unpack3A_378 = tpu.unpack_subelements %bitcast3A_377, 0 {pack_format = #tpu.pack_format<interleaved>} : vector<32xbf16> -> vector<16xf32>
        %unpack3A_379 = tpu.unpack_subelements %bitcast3A_377, 1 {pack_format = #tpu.pack_format<interleaved>} : vector<32xbf16> -> vector<16xf32>
        %add3A_380 = arith.constant 1480 : i32
        %add3A_381 = vector.broadcast %add3A_380 : i32 to vector<16xi32>
        %add3A_382 = arith.addi %add3A_314, %add3A_381 : vector<16xi32>
        %gather3A_383 = tpu.vector_load_idx %arg9[%add3A_382] : memref<2368xi32, #tpu.memory_space<vmem>>[vector<16xi32>], vector<16xi32>,
        %bitcast3A_384 = vector.bitcast %gather3A_383 : vector<16xi32> to vector<32xbf16>
        %unpack3A_385 = tpu.unpack_subelements %bitcast3A_384, 0 {pack_format = #tpu.pack_format<interleaved>} : vector<32xbf16> -> vector<16xf32>
        %unpack3A_386 = tpu.unpack_subelements %bitcast3A_384, 1 {pack_format = #tpu.pack_format<interleaved>} : vector<32xbf16> -> vector<16xf32>
        %add3A_387 = arith.constant 1628 : i32
        %add3A_388 = vector.broadcast %add3A_387 : i32 to vector<16xi32>
        %add3A_389 = arith.addi %add3A_314, %add3A_388 : vector<16xi32>
        %gather3A_390 = tpu.vector_load_idx %arg9[%add3A_389] : memref<2368xi32, #tpu.memory_space<vmem>>[vector<16xi32>], vector<16xi32>,
        %bitcast3A_391 = vector.bitcast %gather3A_390 : vector<16xi32> to vector<32xbf16>
        %unpack3A_392 = tpu.unpack_subelements %bitcast3A_391, 0 {pack_format = #tpu.pack_format<interleaved>} : vector<32xbf16> -> vector<16xf32>
        %unpack3A_393 = tpu.unpack_subelements %bitcast3A_391, 1 {pack_format = #tpu.pack_format<interleaved>} : vector<32xbf16> -> vector<16xf32>
        %add3A_394 = arith.constant 1776 : i32
        %add3A_395 = vector.broadcast %add3A_394 : i32 to vector<16xi32>
        %add3A_396 = arith.addi %add3A_314, %add3A_395 : vector<16xi32>
        %gather3A_397 = tpu.vector_load_idx %arg9[%add3A_396] : memref<2368xi32, #tpu.memory_space<vmem>>[vector<16xi32>], vector<16xi32>,
        %bitcast3A_398 = vector.bitcast %gather3A_397 : vector<16xi32> to vector<32xbf16>
        %unpack3A_399 = tpu.unpack_subelements %bitcast3A_398, 0 {pack_format = #tpu.pack_format<interleaved>} : vector<32xbf16> -> vector<16xf32>
        %unpack3A_400 = tpu.unpack_subelements %bitcast3A_398, 1 {pack_format = #tpu.pack_format<interleaved>} : vector<32xbf16> -> vector<16xf32>
        %add3A_401 = arith.constant 1924 : i32
        %add3A_402 = vector.broadcast %add3A_401 : i32 to vector<16xi32>
        %add3A_403 = arith.addi %add3A_314, %add3A_402 : vector<16xi32>
        %gather3A_404 = tpu.vector_load_idx %arg9[%add3A_403] : memref<2368xi32, #tpu.memory_space<vmem>>[vector<16xi32>], vector<16xi32>,
        %bitcast3A_405 = vector.bitcast %gather3A_404 : vector<16xi32> to vector<32xbf16>
        %unpack3A_406 = tpu.unpack_subelements %bitcast3A_405, 0 {pack_format = #tpu.pack_format<interleaved>} : vector<32xbf16> -> vector<16xf32>
        %unpack3A_407 = tpu.unpack_subelements %bitcast3A_405, 1 {pack_format = #tpu.pack_format<interleaved>} : vector<32xbf16> -> vector<16xf32>
        %add3A_408 = arith.constant 2072 : i32
        %add3A_409 = vector.broadcast %add3A_408 : i32 to vector<16xi32>
        %add3A_410 = arith.addi %add3A_314, %add3A_409 : vector<16xi32>
        %gather3A_411 = tpu.vector_load_idx %arg9[%add3A_410] : memref<2368xi32, #tpu.memory_space<vmem>>[vector<16xi32>], vector<16xi32>,
        %bitcast3A_412 = vector.bitcast %gather3A_411 : vector<16xi32> to vector<32xbf16>
        %unpack3A_413 = tpu.unpack_subelements %bitcast3A_412, 0 {pack_format = #tpu.pack_format<interleaved>} : vector<32xbf16> -> vector<16xf32>
        %unpack3A_414 = tpu.unpack_subelements %bitcast3A_412, 1 {pack_format = #tpu.pack_format<interleaved>} : vector<32xbf16> -> vector<16xf32>
        %add3A_415 = arith.constant 2220 : i32
        %add3A_416 = vector.broadcast %add3A_415 : i32 to vector<16xi32>
        %add3A_417 = arith.addi %add3A_314, %add3A_416 : vector<16xi32>
        %gather3A_418 = tpu.vector_load_idx %arg9[%add3A_417] : memref<2368xi32, #tpu.memory_space<vmem>>[vector<16xi32>], vector<16xi32>,
        %bitcast3A_419 = vector.bitcast %gather3A_418 : vector<16xi32> to vector<32xbf16>
        %unpack3A_420 = tpu.unpack_subelements %bitcast3A_419, 0 {pack_format = #tpu.pack_format<interleaved>} : vector<32xbf16> -> vector<16xf32>
        %unpack3A_421 = tpu.unpack_subelements %bitcast3A_419, 1 {pack_format = #tpu.pack_format<interleaved>} : vector<32xbf16> -> vector<16xf32>
        %swap3A = arith.constant 0 : i32
        %swap3A_422 = arith.index_cast %swap3A : i32 to index
        %swap3A_423 = arith.index_cast %shift_right_arithmetic3A_301 : i32 to index
        %swap3A_424 = arith.index_cast %shift_left3A_303 : i32 to index
        %swap3A_425 = tpu.vector_load %arg14[%swap3A_422, %swap3A_423, %swap3A_424] {strides = array<i32>} : memref<32x4x128xf32, #tpu.memory_space<vmem>>, vector<16xf32>,
        tpu.vector_store %arg14[%swap3A_422, %swap3A_423, %swap3A_424], %unpack3A {strides = array<i32>} : memref<32x4x128xf32, #tpu.memory_space<vmem>>, vector<16xf32>,
        %swap3A_426 = arith.constant 1 : i32
        %swap3A_427 = arith.index_cast %swap3A_426 : i32 to index
        %swap3A_428 = arith.index_cast %shift_right_arithmetic3A_301 : i32 to index
        %swap3A_429 = arith.index_cast %shift_left3A_303 : i32 to index
        %swap3A_430 = tpu.vector_load %arg14[%swap3A_427, %swap3A_428, %swap3A_429] {strides = array<i32>} : memref<32x4x128xf32, #tpu.memory_space<vmem>>, vector<16xf32>,
        tpu.vector_store %arg14[%swap3A_427, %swap3A_428, %swap3A_429], %unpack3A_316 {strides = array<i32>} : memref<32x4x128xf32, #tpu.memory_space<vmem>>, vector<16xf32>,
        %swap3A_431 = arith.constant 2 : i32
        %swap3A_432 = arith.index_cast %swap3A_431 : i32 to index
        %swap3A_433 = arith.index_cast %shift_right_arithmetic3A_301 : i32 to index
        %swap3A_434 = arith.index_cast %shift_left3A_303 : i32 to index
        %swap3A_435 = tpu.vector_load %arg14[%swap3A_432, %swap3A_433, %swap3A_434] {strides = array<i32>} : memref<32x4x128xf32, #tpu.memory_space<vmem>>, vector<16xf32>,
        tpu.vector_store %arg14[%swap3A_432, %swap3A_433, %swap3A_434], %unpack3A_322 {strides = array<i32>} : memref<32x4x128xf32, #tpu.memory_space<vmem>>, vector<16xf32>,
        %swap3A_436 = arith.constant 3 : i32
        %swap3A_437 = arith.index_cast %swap3A_436 : i32 to index
        %swap3A_438 = arith.index_cast %shift_right_arithmetic3A_301 : i32 to index
        %swap3A_439 = arith.index_cast %shift_left3A_303 : i32 to index
        %swap3A_440 = tpu.vector_load %arg14[%swap3A_437, %swap3A_438, %swap3A_439] {strides = array<i32>} : memref<32x4x128xf32, #tpu.memory_space<vmem>>, vector<16xf32>,
        tpu.vector_store %arg14[%swap3A_437, %swap3A_438, %swap3A_439], %unpack3A_323 {strides = array<i32>} : memref<32x4x128xf32, #tpu.memory_space<vmem>>, vector<16xf32>,
        %swap3A_441 = arith.constant 4 : i32
        %swap3A_442 = arith.index_cast %swap3A_441 : i32 to index
        %swap3A_443 = arith.index_cast %shift_right_arithmetic3A_301 : i32 to index
        %swap3A_444 = arith.index_cast %shift_left3A_303 : i32 to index
        %swap3A_445 = tpu.vector_load %arg14[%swap3A_442, %swap3A_443, %swap3A_444] {strides = array<i32>} : memref<32x4x128xf32, #tpu.memory_space<vmem>>, vector<16xf32>,
        tpu.vector_store %arg14[%swap3A_442, %swap3A_443, %swap3A_444], %unpack3A_329 {strides = array<i32>} : memref<32x4x128xf32, #tpu.memory_space<vmem>>, vector<16xf32>,
        %swap3A_446 = arith.constant 5 : i32
        %swap3A_447 = arith.index_cast %swap3A_446 : i32 to index
        %swap3A_448 = arith.index_cast %shift_right_arithmetic3A_301 : i32 to index
        %swap3A_449 = arith.index_cast %shift_left3A_303 : i32 to index
        %swap3A_450 = tpu.vector_load %arg14[%swap3A_447, %swap3A_448, %swap3A_449] {strides = array<i32>} : memref<32x4x128xf32, #tpu.memory_space<vmem>>, vector<16xf32>,
        tpu.vector_store %arg14[%swap3A_447, %swap3A_448, %swap3A_449], %unpack3A_330 {strides = array<i32>} : memref<32x4x128xf32, #tpu.memory_space<vmem>>, vector<16xf32>,
        %swap3A_451 = arith.constant 6 : i32
        %swap3A_452 = arith.index_cast %swap3A_451 : i32 to index
        %swap3A_453 = arith.index_cast %shift_right_arithmetic3A_301 : i32 to index
        %swap3A_454 = arith.index_cast %shift_left3A_303 : i32 to index
        %swap3A_455 = tpu.vector_load %arg14[%swap3A_452, %swap3A_453, %swap3A_454] {strides = array<i32>} : memref<32x4x128xf32, #tpu.memory_space<vmem>>, vector<16xf32>,
        tpu.vector_store %arg14[%swap3A_452, %swap3A_453, %swap3A_454], %unpack3A_336 {strides = array<i32>} : memref<32x4x128xf32, #tpu.memory_space<vmem>>, vector<16xf32>,
        %swap3A_456 = arith.constant 7 : i32
        %swap3A_457 = arith.index_cast %swap3A_456 : i32 to index
        %swap3A_458 = arith.index_cast %shift_right_arithmetic3A_301 : i32 to index
        %swap3A_459 = arith.index_cast %shift_left3A_303 : i32 to index
        %swap3A_460 = tpu.vector_load %arg14[%swap3A_457, %swap3A_458, %swap3A_459] {strides = array<i32>} : memref<32x4x128xf32, #tpu.memory_space<vmem>>, vector<16xf32>,
        tpu.vector_store %arg14[%swap3A_457, %swap3A_458, %swap3A_459], %unpack3A_337 {strides = array<i32>} : memref<32x4x128xf32, #tpu.memory_space<vmem>>, vector<16xf32>,
        %swap3A_461 = arith.constant 8 : i32
        %swap3A_462 = arith.index_cast %swap3A_461 : i32 to index
        %swap3A_463 = arith.index_cast %shift_right_arithmetic3A_301 : i32 to index
        %swap3A_464 = arith.index_cast %shift_left3A_303 : i32 to index
        %swap3A_465 = tpu.vector_load %arg14[%swap3A_462, %swap3A_463, %swap3A_464] {strides = array<i32>} : memref<32x4x128xf32, #tpu.memory_space<vmem>>, vector<16xf32>,
        tpu.vector_store %arg14[%swap3A_462, %swap3A_463, %swap3A_464], %unpack3A_343 {strides = array<i32>} : memref<32x4x128xf32, #tpu.memory_space<vmem>>, vector<16xf32>,
        %swap3A_466 = arith.constant 9 : i32
        %swap3A_467 = arith.index_cast %swap3A_466 : i32 to index
        %swap3A_468 = arith.index_cast %shift_right_arithmetic3A_301 : i32 to index
        %swap3A_469 = arith.index_cast %shift_left3A_303 : i32 to index
        %swap3A_470 = tpu.vector_load %arg14[%swap3A_467, %swap3A_468, %swap3A_469] {strides = array<i32>} : memref<32x4x128xf32, #tpu.memory_space<vmem>>, vector<16xf32>,
        tpu.vector_store %arg14[%swap3A_467, %swap3A_468, %swap3A_469], %unpack3A_344 {strides = array<i32>} : memref<32x4x128xf32, #tpu.memory_space<vmem>>, vector<16xf32>,
        %swap3A_471 = arith.constant 10 : i32
        %swap3A_472 = arith.index_cast %swap3A_471 : i32 to index
        %swap3A_473 = arith.index_cast %shift_right_arithmetic3A_301 : i32 to index
        %swap3A_474 = arith.index_cast %shift_left3A_303 : i32 to index
        %swap3A_475 = tpu.vector_load %arg14[%swap3A_472, %swap3A_473, %swap3A_474] {strides = array<i32>} : memref<32x4x128xf32, #tpu.memory_space<vmem>>, vector<16xf32>,
        tpu.vector_store %arg14[%swap3A_472, %swap3A_473, %swap3A_474], %unpack3A_350 {strides = array<i32>} : memref<32x4x128xf32, #tpu.memory_space<vmem>>, vector<16xf32>,
        %swap3A_476 = arith.constant 11 : i32
        %swap3A_477 = arith.index_cast %swap3A_476 : i32 to index
        %swap3A_478 = arith.index_cast %shift_right_arithmetic3A_301 : i32 to index
        %swap3A_479 = arith.index_cast %shift_left3A_303 : i32 to index
        %swap3A_480 = tpu.vector_load %arg14[%swap3A_477, %swap3A_478, %swap3A_479] {strides = array<i32>} : memref<32x4x128xf32, #tpu.memory_space<vmem>>, vector<16xf32>,
        tpu.vector_store %arg14[%swap3A_477, %swap3A_478, %swap3A_479], %unpack3A_351 {strides = array<i32>} : memref<32x4x128xf32, #tpu.memory_space<vmem>>, vector<16xf32>,
        %swap3A_481 = arith.constant 12 : i32
        %swap3A_482 = arith.index_cast %swap3A_481 : i32 to index
        %swap3A_483 = arith.index_cast %shift_right_arithmetic3A_301 : i32 to index
        %swap3A_484 = arith.index_cast %shift_left3A_303 : i32 to index
        %swap3A_485 = tpu.vector_load %arg14[%swap3A_482, %swap3A_483, %swap3A_484] {strides = array<i32>} : memref<32x4x128xf32, #tpu.memory_space<vmem>>, vector<16xf32>,
        tpu.vector_store %arg14[%swap3A_482, %swap3A_483, %swap3A_484], %unpack3A_357 {strides = array<i32>} : memref<32x4x128xf32, #tpu.memory_space<vmem>>, vector<16xf32>,
        %swap3A_486 = arith.constant 13 : i32
        %swap3A_487 = arith.index_cast %swap3A_486 : i32 to index
        %swap3A_488 = arith.index_cast %shift_right_arithmetic3A_301 : i32 to index
        %swap3A_489 = arith.index_cast %shift_left3A_303 : i32 to index
        %swap3A_490 = tpu.vector_load %arg14[%swap3A_487, %swap3A_488, %swap3A_489] {strides = array<i32>} : memref<32x4x128xf32, #tpu.memory_space<vmem>>, vector<16xf32>,
        tpu.vector_store %arg14[%swap3A_487, %swap3A_488, %swap3A_489], %unpack3A_358 {strides = array<i32>} : memref<32x4x128xf32, #tpu.memory_space<vmem>>, vector<16xf32>,
        %swap3A_491 = arith.constant 14 : i32
        %swap3A_492 = arith.index_cast %swap3A_491 : i32 to index
        %swap3A_493 = arith.index_cast %shift_right_arithmetic3A_301 : i32 to index
        %swap3A_494 = arith.index_cast %shift_left3A_303 : i32 to index
        %swap3A_495 = tpu.vector_load %arg14[%swap3A_492, %swap3A_493, %swap3A_494] {strides = array<i32>} : memref<32x4x128xf32, #tpu.memory_space<vmem>>, vector<16xf32>,
        tpu.vector_store %arg14[%swap3A_492, %swap3A_493, %swap3A_494], %unpack3A_364 {strides = array<i32>} : memref<32x4x128xf32, #tpu.memory_space<vmem>>, vector<16xf32>,
        %swap3A_496 = arith.constant 15 : i32
        %swap3A_497 = arith.index_cast %swap3A_496 : i32 to index
        %swap3A_498 = arith.index_cast %shift_right_arithmetic3A_301 : i32 to index
        %swap3A_499 = arith.index_cast %shift_left3A_303 : i32 to index
        %swap3A_500 = tpu.vector_load %arg14[%swap3A_497, %swap3A_498, %swap3A_499] {strides = array<i32>} : memref<32x4x128xf32, #tpu.memory_space<vmem>>, vector<16xf32>,
        tpu.vector_store %arg14[%swap3A_497, %swap3A_498, %swap3A_499], %unpack3A_365 {strides = array<i32>} : memref<32x4x128xf32, #tpu.memory_space<vmem>>, vector<16xf32>,
        %swap3A_501 = arith.constant 16 : i32
        %swap3A_502 = arith.index_cast %swap3A_501 : i32 to index
        %swap3A_503 = arith.index_cast %shift_right_arithmetic3A_301 : i32 to index
        %swap3A_504 = arith.index_cast %shift_left3A_303 : i32 to index
        %swap3A_505 = tpu.vector_load %arg14[%swap3A_502, %swap3A_503, %swap3A_504] {strides = array<i32>} : memref<32x4x128xf32, #tpu.memory_space<vmem>>, vector<16xf32>,
        tpu.vector_store %arg14[%swap3A_502, %swap3A_503, %swap3A_504], %unpack3A_371 {strides = array<i32>} : memref<32x4x128xf32, #tpu.memory_space<vmem>>, vector<16xf32>,
        %swap3A_506 = arith.constant 17 : i32
        %swap3A_507 = arith.index_cast %swap3A_506 : i32 to index
        %swap3A_508 = arith.index_cast %shift_right_arithmetic3A_301 : i32 to index
        %swap3A_509 = arith.index_cast %shift_left3A_303 : i32 to index
        %swap3A_510 = tpu.vector_load %arg14[%swap3A_507, %swap3A_508, %swap3A_509] {strides = array<i32>} : memref<32x4x128xf32, #tpu.memory_space<vmem>>, vector<16xf32>,
        tpu.vector_store %arg14[%swap3A_507, %swap3A_508, %swap3A_509], %unpack3A_372 {strides = array<i32>} : memref<32x4x128xf32, #tpu.memory_space<vmem>>, vector<16xf32>,
        %swap3A_511 = arith.constant 18 : i32
        %swap3A_512 = arith.index_cast %swap3A_511 : i32 to index
        %swap3A_513 = arith.index_cast %shift_right_arithmetic3A_301 : i32 to index
        %swap3A_514 = arith.index_cast %shift_left3A_303 : i32 to index
        %swap3A_515 = tpu.vector_load %arg14[%swap3A_512, %swap3A_513, %swap3A_514] {strides = array<i32>} : memref<32x4x128xf32, #tpu.memory_space<vmem>>, vector<16xf32>,
        tpu.vector_store %arg14[%swap3A_512, %swap3A_513, %swap3A_514], %unpack3A_378 {strides = array<i32>} : memref<32x4x128xf32, #tpu.memory_space<vmem>>, vector<16xf32>,
        %swap3A_516 = arith.constant 19 : i32
        %swap3A_517 = arith.index_cast %swap3A_516 : i32 to index
        %swap3A_518 = arith.index_cast %shift_right_arithmetic3A_301 : i32 to index
        %swap3A_519 = arith.index_cast %shift_left3A_303 : i32 to index
        %swap3A_520 = tpu.vector_load %arg14[%swap3A_517, %swap3A_518, %swap3A_519] {strides = array<i32>} : memref<32x4x128xf32, #tpu.memory_space<vmem>>, vector<16xf32>,
        tpu.vector_store %arg14[%swap3A_517, %swap3A_518, %swap3A_519], %unpack3A_379 {strides = array<i32>} : memref<32x4x128xf32, #tpu.memory_space<vmem>>, vector<16xf32>,
        %swap3A_521 = arith.constant 20 : i32
        %swap3A_522 = arith.index_cast %swap3A_521 : i32 to index
        %swap3A_523 = arith.index_cast %shift_right_arithmetic3A_301 : i32 to index
        %swap3A_524 = arith.index_cast %shift_left3A_303 : i32 to index
        %swap3A_525 = tpu.vector_load %arg14[%swap3A_522, %swap3A_523, %swap3A_524] {strides = array<i32>} : memref<32x4x128xf32, #tpu.memory_space<vmem>>, vector<16xf32>,
        tpu.vector_store %arg14[%swap3A_522, %swap3A_523, %swap3A_524], %unpack3A_385 {strides = array<i32>} : memref<32x4x128xf32, #tpu.memory_space<vmem>>, vector<16xf32>,
        %swap3A_526 = arith.constant 21 : i32
        %swap3A_527 = arith.index_cast %swap3A_526 : i32 to index
        %swap3A_528 = arith.index_cast %shift_right_arithmetic3A_301 : i32 to index
        %swap3A_529 = arith.index_cast %shift_left3A_303 : i32 to index
        %swap3A_530 = tpu.vector_load %arg14[%swap3A_527, %swap3A_528, %swap3A_529] {strides = array<i32>} : memref<32x4x128xf32, #tpu.memory_space<vmem>>, vector<16xf32>,
        tpu.vector_store %arg14[%swap3A_527, %swap3A_528, %swap3A_529], %unpack3A_386 {strides = array<i32>} : memref<32x4x128xf32, #tpu.memory_space<vmem>>, vector<16xf32>,
        %swap3A_531 = arith.constant 22 : i32
        %swap3A_532 = arith.index_cast %swap3A_531 : i32 to index
        %swap3A_533 = arith.index_cast %shift_right_arithmetic3A_301 : i32 to index
        %swap3A_534 = arith.index_cast %shift_left3A_303 : i32 to index
        %swap3A_535 = tpu.vector_load %arg14[%swap3A_532, %swap3A_533, %swap3A_534] {strides = array<i32>} : memref<32x4x128xf32, #tpu.memory_space<vmem>>, vector<16xf32>,
        tpu.vector_store %arg14[%swap3A_532, %swap3A_533, %swap3A_534], %unpack3A_392 {strides = array<i32>} : memref<32x4x128xf32, #tpu.memory_space<vmem>>, vector<16xf32>,
        %swap3A_536 = arith.constant 23 : i32
        %swap3A_537 = arith.index_cast %swap3A_536 : i32 to index
        %swap3A_538 = arith.index_cast %shift_right_arithmetic3A_301 : i32 to index
        %swap3A_539 = arith.index_cast %shift_left3A_303 : i32 to index
        %swap3A_540 = tpu.vector_load %arg14[%swap3A_537, %swap3A_538, %swap3A_539] {strides = array<i32>} : memref<32x4x128xf32, #tpu.memory_space<vmem>>, vector<16xf32>,
        tpu.vector_store %arg14[%swap3A_537, %swap3A_538, %swap3A_539], %unpack3A_393 {strides = array<i32>} : memref<32x4x128xf32, #tpu.memory_space<vmem>>, vector<16xf32>,
        %swap3A_541 = arith.constant 24 : i32
        %swap3A_542 = arith.index_cast %swap3A_541 : i32 to index
        %swap3A_543 = arith.index_cast %shift_right_arithmetic3A_301 : i32 to index
        %swap3A_544 = arith.index_cast %shift_left3A_303 : i32 to index
        %swap3A_545 = tpu.vector_load %arg14[%swap3A_542, %swap3A_543, %swap3A_544] {strides = array<i32>} : memref<32x4x128xf32, #tpu.memory_space<vmem>>, vector<16xf32>,
        tpu.vector_store %arg14[%swap3A_542, %swap3A_543, %swap3A_544], %unpack3A_399 {strides = array<i32>} : memref<32x4x128xf32, #tpu.memory_space<vmem>>, vector<16xf32>,
        %swap3A_546 = arith.constant 25 : i32
        %swap3A_547 = arith.index_cast %swap3A_546 : i32 to index
        %swap3A_548 = arith.index_cast %shift_right_arithmetic3A_301 : i32 to index
        %swap3A_549 = arith.index_cast %shift_left3A_303 : i32 to index
        %swap3A_550 = tpu.vector_load %arg14[%swap3A_547, %swap3A_548, %swap3A_549] {strides = array<i32>} : memref<32x4x128xf32, #tpu.memory_space<vmem>>, vector<16xf32>,
        tpu.vector_store %arg14[%swap3A_547, %swap3A_548, %swap3A_549], %unpack3A_400 {strides = array<i32>} : memref<32x4x128xf32, #tpu.memory_space<vmem>>, vector<16xf32>,
        %swap3A_551 = arith.constant 26 : i32
        %swap3A_552 = arith.index_cast %swap3A_551 : i32 to index
        %swap3A_553 = arith.index_cast %shift_right_arithmetic3A_301 : i32 to index
        %swap3A_554 = arith.index_cast %shift_left3A_303 : i32 to index
        %swap3A_555 = tpu.vector_load %arg14[%swap3A_552, %swap3A_553, %swap3A_554] {strides = array<i32>} : memref<32x4x128xf32, #tpu.memory_space<vmem>>, vector<16xf32>,
        tpu.vector_store %arg14[%swap3A_552, %swap3A_553, %swap3A_554], %unpack3A_406 {strides = array<i32>} : memref<32x4x128xf32, #tpu.memory_space<vmem>>, vector<16xf32>,
        %swap3A_556 = arith.constant 27 : i32
        %swap3A_557 = arith.index_cast %swap3A_556 : i32 to index
        %swap3A_558 = arith.index_cast %shift_right_arithmetic3A_301 : i32 to index
        %swap3A_559 = arith.index_cast %shift_left3A_303 : i32 to index
        %swap3A_560 = tpu.vector_load %arg14[%swap3A_557, %swap3A_558, %swap3A_559] {strides = array<i32>} : memref<32x4x128xf32, #tpu.memory_space<vmem>>, vector<16xf32>,
        tpu.vector_store %arg14[%swap3A_557, %swap3A_558, %swap3A_559], %unpack3A_407 {strides = array<i32>} : memref<32x4x128xf32, #tpu.memory_space<vmem>>, vector<16xf32>,
        %swap3A_561 = arith.constant 28 : i32
        %swap3A_562 = arith.index_cast %swap3A_561 : i32 to index
        %swap3A_563 = arith.index_cast %shift_right_arithmetic3A_301 : i32 to index
        %swap3A_564 = arith.index_cast %shift_left3A_303 : i32 to index
        %swap3A_565 = tpu.vector_load %arg14[%swap3A_562, %swap3A_563, %swap3A_564] {strides = array<i32>} : memref<32x4x128xf32, #tpu.memory_space<vmem>>, vector<16xf32>,
        tpu.vector_store %arg14[%swap3A_562, %swap3A_563, %swap3A_564], %unpack3A_413 {strides = array<i32>} : memref<32x4x128xf32, #tpu.memory_space<vmem>>, vector<16xf32>,
        %swap3A_566 = arith.constant 29 : i32
        %swap3A_567 = arith.index_cast %swap3A_566 : i32 to index
        %swap3A_568 = arith.index_cast %shift_right_arithmetic3A_301 : i32 to index
        %swap3A_569 = arith.index_cast %shift_left3A_303 : i32 to index
        %swap3A_570 = tpu.vector_load %arg14[%swap3A_567, %swap3A_568, %swap3A_569] {strides = array<i32>} : memref<32x4x128xf32, #tpu.memory_space<vmem>>, vector<16xf32>,
        tpu.vector_store %arg14[%swap3A_567, %swap3A_568, %swap3A_569], %unpack3A_414 {strides = array<i32>} : memref<32x4x128xf32, #tpu.memory_space<vmem>>, vector<16xf32>,
        %swap3A_571 = arith.constant 30 : i32
        %swap3A_572 = arith.index_cast %swap3A_571 : i32 to index
        %swap3A_573 = arith.index_cast %shift_right_arithmetic3A_301 : i32 to index
        %swap3A_574 = arith.index_cast %shift_left3A_303 : i32 to index
        %swap3A_575 = tpu.vector_load %arg14[%swap3A_572, %swap3A_573, %swap3A_574] {strides = array<i32>} : memref<32x4x128xf32, #tpu.memory_space<vmem>>, vector<16xf32>,
        tpu.vector_store %arg14[%swap3A_572, %swap3A_573, %swap3A_574], %unpack3A_420 {strides = array<i32>} : memref<32x4x128xf32, #tpu.memory_space<vmem>>, vector<16xf32>,
        %swap3A_576 = arith.constant 31 : i32
        %swap3A_577 = arith.index_cast %swap3A_576 : i32 to index
        %swap3A_578 = arith.index_cast %shift_right_arithmetic3A_301 : i32 to index
        %swap3A_579 = arith.index_cast %shift_left3A_303 : i32 to index
        %swap3A_580 = tpu.vector_load %arg14[%swap3A_577, %swap3A_578, %swap3A_579] {strides = array<i32>} : memref<32x4x128xf32, #tpu.memory_space<vmem>>, vector<16xf32>,
        tpu.vector_store %arg14[%swap3A_577, %swap3A_578, %swap3A_579], %unpack3A_421 {strides = array<i32>} : memref<32x4x128xf32, #tpu.memory_space<vmem>>, vector<16xf32>,
      }
      %scan3A_262 = arith.constant 32 : i32
      %dma_start3A_263 = arith.constant 0 : i32
      %dma_start3A_264 = arith.constant 0 : i32
      %dma_start3A_265 = tpu.memref_slice %arg6[%add3A_150, %dma_start3A_263, %mul3A_245, %dma_start3A_264] : memref<128x32x128x128xf32, #tpu.memory_space<hbm>> -> memref<1x32x4x128xf32, #tpu.memory_space<hbm>>
      %dma_start3A_266 = tpu.memref_squeeze %dma_start3A_265 : memref<1x32x4x128xf32, #tpu.memory_space<hbm>> -> memref<32x4x128xf32, #tpu.memory_space<hbm>>
      %dma_start3A_267 = arith.constant 0 : i32
      %dma_start3A_268 = arith.constant 0 : i32
      %dma_start3A_269 = tpu.memref_slice %arg6[%add3A_150, %dma_start3A_267, %mul3A_245, %dma_start3A_268] : memref<128x32x128x128xf32, #tpu.memory_space<hbm>> -> memref<1x32x4x128xf32, #tpu.memory_space<hbm>>
      %dma_start3A_270 = tpu.memref_squeeze %dma_start3A_269 : memref<1x32x4x128xf32, #tpu.memory_space<hbm>> -> memref<32x4x128xf32, #tpu.memory_space<hbm>>
      tpu.enqueue_dma source(%arg14 : memref<32x4x128xf32, #tpu.memory_space<vmem>>) target(%dma_start3A_270 : memref<32x4x128xf32, #tpu.memory_space<hbm>>) target_semaphore(%arg16 : memref<!tpu.dma_semaphore, #tpu.memory_space<semaphore_mem>>)
      %dma_wait3A_271 = arith.constant 0 : i32
      %dma_wait3A_272 = arith.constant 0 : i32
      %dma_wait3A_273 = arith.constant 0 : i32
      %dma_wait3A_274 = arith.constant 0 : i32
      %dma_wait3A_275 = tpu.memref_slice %arg6[%dma_wait3A_271, %dma_wait3A_272, %dma_wait3A_273, %dma_wait3A_274] : memref<128x32x128x128xf32, #tpu.memory_space<hbm>> -> memref<1x32x4x128xf32, #tpu.memory_space<hbm>>
      %dma_wait3A_276 = tpu.memref_squeeze %dma_wait3A_275 : memref<1x32x4x128xf32, #tpu.memory_space<hbm>> -> memref<32x4x128xf32, #tpu.memory_space<hbm>>
      %dma_wait3A_277 = arith.constant 0 : i32
      %dma_wait3A_278 = arith.constant 0 : i32
      %dma_wait3A_279 = arith.constant 0 : i32
      %dma_wait3A_280 = tpu.memref_slice %arg6[%dma_wait3A_271, %dma_wait3A_277, %dma_wait3A_278, %dma_wait3A_279] : memref<128x32x128x128xf32, #tpu.memory_space<hbm>> -> memref<1x32x4x128xf32, #tpu.memory_space<hbm>>
      %dma_wait3A_281 = tpu.memref_squeeze %dma_wait3A_280 : memref<1x32x4x128xf32, #tpu.memory_space<hbm>> -> memref<32x4x128xf32, #tpu.memory_space<hbm>>
      tpu.wait_dma2 semaphore(%arg17 : memref<!tpu.dma_semaphore, #tpu.memory_space<semaphore_mem>>) src(%arg15 : memref<32x4x128xf32, #tpu.memory_space<vmem>>) dst(%dma_wait3A_281 : memref<32x4x128xf32, #tpu.memory_space<hbm>>)
      %add3A_282 = arith.constant 4 : i32
      %add3A_283 = arith.addi %mul3A_245, %add3A_282 : i32
      %scan3A_284 = arith.constant 0 : i32
      %scan3A_285 = arith.constant 0 : i32
      %scan3A_286 = arith.constant 32 : i32
      %scan3A_287 = arith.addi %scan3A_285, %scan3A_286 : i32
      %scan3A_288 = arith.constant 1 : i32
      scf.for %scan3A_300 = %scan3A_285 to %scan3A_287 step %scan3A_288  : i32 {
        %shift_right_arithmetic3A = arith.constant 3 : i32
        %shift_right_arithmetic3A_301 = arith.shrsi %scan3A_300, %shift_right_arithmetic3A : i32
        %and3A = arith.constant 7 : i32
        %and3A_302 = arith.andi %scan3A_300, %and3A : i32
        %shift_left3A = arith.constant 4 : i32
        %shift_left3A_303 = arith.shli %and3A_302, %shift_left3A : i32
        %add3A_304 = arith.addi %add3A_283, %shift_right_arithmetic3A_301 : i32
        %get3A = arith.index_cast %add3A_304 : i32 to index
        %get3A_305 = arith.index_cast %shift_left3A_303 : i32 to index
        %get3A_306 = tpu.vector_load %arg10[%get3A, %get3A_305] {strides = array<i32>} : memref<128x128xi32, #tpu.memory_space<vmem>>, vector<16xi32>,
        %add3A_307 = arith.addi %add3A_283, %shift_right_arithmetic3A_301 : i32
        %get3A_308 = arith.index_cast %add3A_307 : i32 to index
        %get3A_309 = arith.index_cast %shift_left3A_303 : i32 to index
        %get3A_310 = tpu.vector_load %arg11[%get3A_308, %get3A_309] {strides = array<i32>} : memref<128x128xi32, #tpu.memory_space<vmem>>, vector<16xi32>,
        %mul3A_311 = arith.constant 4 : i32
        %mul3A_312 = vector.broadcast %mul3A_311 : i32 to vector<16xi32>
        %mul3A_313 = arith.muli %get3A_306, %mul3A_312 : vector<16xi32>
        %add3A_314 = arith.addi %mul3A_313, %get3A_310 : vector<16xi32>
        %gather3A_315 = tpu.vector_load_idx %arg9[%add3A_314] : memref<2368xi32, #tpu.memory_space<vmem>>[vector<16xi32>], vector<16xi32>,
        %bitcast3A = vector.bitcast %gather3A_315 : vector<16xi32> to vector<32xbf16>
        %unpack3A = tpu.unpack_subelements %bitcast3A, 0 {pack_format = #tpu.pack_format<interleaved>} : vector<32xbf16> -> vector<16xf32>
        %unpack3A_316 = tpu.unpack_subelements %bitcast3A, 1 {pack_format = #tpu.pack_format<interleaved>} : vector<32xbf16> -> vector<16xf32>
        %add3A_317 = arith.constant 148 : i32
        %add3A_318 = vector.broadcast %add3A_317 : i32 to vector<16xi32>
        %add3A_319 = arith.addi %add3A_314, %add3A_318 : vector<16xi32>
        %gather3A_320 = tpu.vector_load_idx %arg9[%add3A_319] : memref<2368xi32, #tpu.memory_space<vmem>>[vector<16xi32>], vector<16xi32>,
        %bitcast3A_321 = vector.bitcast %gather3A_320 : vector<16xi32> to vector<32xbf16>
        %unpack3A_322 = tpu.unpack_subelements %bitcast3A_321, 0 {pack_format = #tpu.pack_format<interleaved>} : vector<32xbf16> -> vector<16xf32>
        %unpack3A_323 = tpu.unpack_subelements %bitcast3A_321, 1 {pack_format = #tpu.pack_format<interleaved>} : vector<32xbf16> -> vector<16xf32>
        %add3A_324 = arith.constant 296 : i32
        %add3A_325 = vector.broadcast %add3A_324 : i32 to vector<16xi32>
        %add3A_326 = arith.addi %add3A_314, %add3A_325 : vector<16xi32>
        %gather3A_327 = tpu.vector_load_idx %arg9[%add3A_326] : memref<2368xi32, #tpu.memory_space<vmem>>[vector<16xi32>], vector<16xi32>,
        %bitcast3A_328 = vector.bitcast %gather3A_327 : vector<16xi32> to vector<32xbf16>
        %unpack3A_329 = tpu.unpack_subelements %bitcast3A_328, 0 {pack_format = #tpu.pack_format<interleaved>} : vector<32xbf16> -> vector<16xf32>
        %unpack3A_330 = tpu.unpack_subelements %bitcast3A_328, 1 {pack_format = #tpu.pack_format<interleaved>} : vector<32xbf16> -> vector<16xf32>
        %add3A_331 = arith.constant 444 : i32
        %add3A_332 = vector.broadcast %add3A_331 : i32 to vector<16xi32>
        %add3A_333 = arith.addi %add3A_314, %add3A_332 : vector<16xi32>
        %gather3A_334 = tpu.vector_load_idx %arg9[%add3A_333] : memref<2368xi32, #tpu.memory_space<vmem>>[vector<16xi32>], vector<16xi32>,
        %bitcast3A_335 = vector.bitcast %gather3A_334 : vector<16xi32> to vector<32xbf16>
        %unpack3A_336 = tpu.unpack_subelements %bitcast3A_335, 0 {pack_format = #tpu.pack_format<interleaved>} : vector<32xbf16> -> vector<16xf32>
        %unpack3A_337 = tpu.unpack_subelements %bitcast3A_335, 1 {pack_format = #tpu.pack_format<interleaved>} : vector<32xbf16> -> vector<16xf32>
        %add3A_338 = arith.constant 592 : i32
        %add3A_339 = vector.broadcast %add3A_338 : i32 to vector<16xi32>
        %add3A_340 = arith.addi %add3A_314, %add3A_339 : vector<16xi32>
        %gather3A_341 = tpu.vector_load_idx %arg9[%add3A_340] : memref<2368xi32, #tpu.memory_space<vmem>>[vector<16xi32>], vector<16xi32>,
        %bitcast3A_342 = vector.bitcast %gather3A_341 : vector<16xi32> to vector<32xbf16>
        %unpack3A_343 = tpu.unpack_subelements %bitcast3A_342, 0 {pack_format = #tpu.pack_format<interleaved>} : vector<32xbf16> -> vector<16xf32>
        %unpack3A_344 = tpu.unpack_subelements %bitcast3A_342, 1 {pack_format = #tpu.pack_format<interleaved>} : vector<32xbf16> -> vector<16xf32>
        %add3A_345 = arith.constant 740 : i32
        %add3A_346 = vector.broadcast %add3A_345 : i32 to vector<16xi32>
        %add3A_347 = arith.addi %add3A_314, %add3A_346 : vector<16xi32>
        %gather3A_348 = tpu.vector_load_idx %arg9[%add3A_347] : memref<2368xi32, #tpu.memory_space<vmem>>[vector<16xi32>], vector<16xi32>,
        %bitcast3A_349 = vector.bitcast %gather3A_348 : vector<16xi32> to vector<32xbf16>
        %unpack3A_350 = tpu.unpack_subelements %bitcast3A_349, 0 {pack_format = #tpu.pack_format<interleaved>} : vector<32xbf16> -> vector<16xf32>
        %unpack3A_351 = tpu.unpack_subelements %bitcast3A_349, 1 {pack_format = #tpu.pack_format<interleaved>} : vector<32xbf16> -> vector<16xf32>
        %add3A_352 = arith.constant 888 : i32
        %add3A_353 = vector.broadcast %add3A_352 : i32 to vector<16xi32>
        %add3A_354 = arith.addi %add3A_314, %add3A_353 : vector<16xi32>
        %gather3A_355 = tpu.vector_load_idx %arg9[%add3A_354] : memref<2368xi32, #tpu.memory_space<vmem>>[vector<16xi32>], vector<16xi32>,
        %bitcast3A_356 = vector.bitcast %gather3A_355 : vector<16xi32> to vector<32xbf16>
        %unpack3A_357 = tpu.unpack_subelements %bitcast3A_356, 0 {pack_format = #tpu.pack_format<interleaved>} : vector<32xbf16> -> vector<16xf32>
        %unpack3A_358 = tpu.unpack_subelements %bitcast3A_356, 1 {pack_format = #tpu.pack_format<interleaved>} : vector<32xbf16> -> vector<16xf32>
        %add3A_359 = arith.constant 1036 : i32
        %add3A_360 = vector.broadcast %add3A_359 : i32 to vector<16xi32>
        %add3A_361 = arith.addi %add3A_314, %add3A_360 : vector<16xi32>
        %gather3A_362 = tpu.vector_load_idx %arg9[%add3A_361] : memref<2368xi32, #tpu.memory_space<vmem>>[vector<16xi32>], vector<16xi32>,
        %bitcast3A_363 = vector.bitcast %gather3A_362 : vector<16xi32> to vector<32xbf16>
        %unpack3A_364 = tpu.unpack_subelements %bitcast3A_363, 0 {pack_format = #tpu.pack_format<interleaved>} : vector<32xbf16> -> vector<16xf32>
        %unpack3A_365 = tpu.unpack_subelements %bitcast3A_363, 1 {pack_format = #tpu.pack_format<interleaved>} : vector<32xbf16> -> vector<16xf32>
        %add3A_366 = arith.constant 1184 : i32
        %add3A_367 = vector.broadcast %add3A_366 : i32 to vector<16xi32>
        %add3A_368 = arith.addi %add3A_314, %add3A_367 : vector<16xi32>
        %gather3A_369 = tpu.vector_load_idx %arg9[%add3A_368] : memref<2368xi32, #tpu.memory_space<vmem>>[vector<16xi32>], vector<16xi32>,
        %bitcast3A_370 = vector.bitcast %gather3A_369 : vector<16xi32> to vector<32xbf16>
        %unpack3A_371 = tpu.unpack_subelements %bitcast3A_370, 0 {pack_format = #tpu.pack_format<interleaved>} : vector<32xbf16> -> vector<16xf32>
        %unpack3A_372 = tpu.unpack_subelements %bitcast3A_370, 1 {pack_format = #tpu.pack_format<interleaved>} : vector<32xbf16> -> vector<16xf32>
        %add3A_373 = arith.constant 1332 : i32
        %add3A_374 = vector.broadcast %add3A_373 : i32 to vector<16xi32>
        %add3A_375 = arith.addi %add3A_314, %add3A_374 : vector<16xi32>
        %gather3A_376 = tpu.vector_load_idx %arg9[%add3A_375] : memref<2368xi32, #tpu.memory_space<vmem>>[vector<16xi32>], vector<16xi32>,
        %bitcast3A_377 = vector.bitcast %gather3A_376 : vector<16xi32> to vector<32xbf16>
        %unpack3A_378 = tpu.unpack_subelements %bitcast3A_377, 0 {pack_format = #tpu.pack_format<interleaved>} : vector<32xbf16> -> vector<16xf32>
        %unpack3A_379 = tpu.unpack_subelements %bitcast3A_377, 1 {pack_format = #tpu.pack_format<interleaved>} : vector<32xbf16> -> vector<16xf32>
        %add3A_380 = arith.constant 1480 : i32
        %add3A_381 = vector.broadcast %add3A_380 : i32 to vector<16xi32>
        %add3A_382 = arith.addi %add3A_314, %add3A_381 : vector<16xi32>
        %gather3A_383 = tpu.vector_load_idx %arg9[%add3A_382] : memref<2368xi32, #tpu.memory_space<vmem>>[vector<16xi32>], vector<16xi32>,
        %bitcast3A_384 = vector.bitcast %gather3A_383 : vector<16xi32> to vector<32xbf16>
        %unpack3A_385 = tpu.unpack_subelements %bitcast3A_384, 0 {pack_format = #tpu.pack_format<interleaved>} : vector<32xbf16> -> vector<16xf32>
        %unpack3A_386 = tpu.unpack_subelements %bitcast3A_384, 1 {pack_format = #tpu.pack_format<interleaved>} : vector<32xbf16> -> vector<16xf32>
        %add3A_387 = arith.constant 1628 : i32
        %add3A_388 = vector.broadcast %add3A_387 : i32 to vector<16xi32>
        %add3A_389 = arith.addi %add3A_314, %add3A_388 : vector<16xi32>
        %gather3A_390 = tpu.vector_load_idx %arg9[%add3A_389] : memref<2368xi32, #tpu.memory_space<vmem>>[vector<16xi32>], vector<16xi32>,
        %bitcast3A_391 = vector.bitcast %gather3A_390 : vector<16xi32> to vector<32xbf16>
        %unpack3A_392 = tpu.unpack_subelements %bitcast3A_391, 0 {pack_format = #tpu.pack_format<interleaved>} : vector<32xbf16> -> vector<16xf32>
        %unpack3A_393 = tpu.unpack_subelements %bitcast3A_391, 1 {pack_format = #tpu.pack_format<interleaved>} : vector<32xbf16> -> vector<16xf32>
        %add3A_394 = arith.constant 1776 : i32
        %add3A_395 = vector.broadcast %add3A_394 : i32 to vector<16xi32>
        %add3A_396 = arith.addi %add3A_314, %add3A_395 : vector<16xi32>
        %gather3A_397 = tpu.vector_load_idx %arg9[%add3A_396] : memref<2368xi32, #tpu.memory_space<vmem>>[vector<16xi32>], vector<16xi32>,
        %bitcast3A_398 = vector.bitcast %gather3A_397 : vector<16xi32> to vector<32xbf16>
        %unpack3A_399 = tpu.unpack_subelements %bitcast3A_398, 0 {pack_format = #tpu.pack_format<interleaved>} : vector<32xbf16> -> vector<16xf32>
        %unpack3A_400 = tpu.unpack_subelements %bitcast3A_398, 1 {pack_format = #tpu.pack_format<interleaved>} : vector<32xbf16> -> vector<16xf32>
        %add3A_401 = arith.constant 1924 : i32
        %add3A_402 = vector.broadcast %add3A_401 : i32 to vector<16xi32>
        %add3A_403 = arith.addi %add3A_314, %add3A_402 : vector<16xi32>
        %gather3A_404 = tpu.vector_load_idx %arg9[%add3A_403] : memref<2368xi32, #tpu.memory_space<vmem>>[vector<16xi32>], vector<16xi32>,
        %bitcast3A_405 = vector.bitcast %gather3A_404 : vector<16xi32> to vector<32xbf16>
        %unpack3A_406 = tpu.unpack_subelements %bitcast3A_405, 0 {pack_format = #tpu.pack_format<interleaved>} : vector<32xbf16> -> vector<16xf32>
        %unpack3A_407 = tpu.unpack_subelements %bitcast3A_405, 1 {pack_format = #tpu.pack_format<interleaved>} : vector<32xbf16> -> vector<16xf32>
        %add3A_408 = arith.constant 2072 : i32
        %add3A_409 = vector.broadcast %add3A_408 : i32 to vector<16xi32>
        %add3A_410 = arith.addi %add3A_314, %add3A_409 : vector<16xi32>
        %gather3A_411 = tpu.vector_load_idx %arg9[%add3A_410] : memref<2368xi32, #tpu.memory_space<vmem>>[vector<16xi32>], vector<16xi32>,
        %bitcast3A_412 = vector.bitcast %gather3A_411 : vector<16xi32> to vector<32xbf16>
        %unpack3A_413 = tpu.unpack_subelements %bitcast3A_412, 0 {pack_format = #tpu.pack_format<interleaved>} : vector<32xbf16> -> vector<16xf32>
        %unpack3A_414 = tpu.unpack_subelements %bitcast3A_412, 1 {pack_format = #tpu.pack_format<interleaved>} : vector<32xbf16> -> vector<16xf32>
        %add3A_415 = arith.constant 2220 : i32
        %add3A_416 = vector.broadcast %add3A_415 : i32 to vector<16xi32>
        %add3A_417 = arith.addi %add3A_314, %add3A_416 : vector<16xi32>
        %gather3A_418 = tpu.vector_load_idx %arg9[%add3A_417] : memref<2368xi32, #tpu.memory_space<vmem>>[vector<16xi32>], vector<16xi32>,
        %bitcast3A_419 = vector.bitcast %gather3A_418 : vector<16xi32> to vector<32xbf16>
        %unpack3A_420 = tpu.unpack_subelements %bitcast3A_419, 0 {pack_format = #tpu.pack_format<interleaved>} : vector<32xbf16> -> vector<16xf32>
        %unpack3A_421 = tpu.unpack_subelements %bitcast3A_419, 1 {pack_format = #tpu.pack_format<interleaved>} : vector<32xbf16> -> vector<16xf32>
        %swap3A = arith.constant 0 : i32
        %swap3A_422 = arith.index_cast %swap3A : i32 to index
        %swap3A_423 = arith.index_cast %shift_right_arithmetic3A_301 : i32 to index
        %swap3A_424 = arith.index_cast %shift_left3A_303 : i32 to index
        %swap3A_425 = tpu.vector_load %arg15[%swap3A_422, %swap3A_423, %swap3A_424] {strides = array<i32>} : memref<32x4x128xf32, #tpu.memory_space<vmem>>, vector<16xf32>,
        tpu.vector_store %arg15[%swap3A_422, %swap3A_423, %swap3A_424], %unpack3A {strides = array<i32>} : memref<32x4x128xf32, #tpu.memory_space<vmem>>, vector<16xf32>,
        %swap3A_426 = arith.constant 1 : i32
        %swap3A_427 = arith.index_cast %swap3A_426 : i32 to index
        %swap3A_428 = arith.index_cast %shift_right_arithmetic3A_301 : i32 to index
        %swap3A_429 = arith.index_cast %shift_left3A_303 : i32 to index
        %swap3A_430 = tpu.vector_load %arg15[%swap3A_427, %swap3A_428, %swap3A_429] {strides = array<i32>} : memref<32x4x128xf32, #tpu.memory_space<vmem>>, vector<16xf32>,
        tpu.vector_store %arg15[%swap3A_427, %swap3A_428, %swap3A_429], %unpack3A_316 {strides = array<i32>} : memref<32x4x128xf32, #tpu.memory_space<vmem>>, vector<16xf32>,
        %swap3A_431 = arith.constant 2 : i32
        %swap3A_432 = arith.index_cast %swap3A_431 : i32 to index
        %swap3A_433 = arith.index_cast %shift_right_arithmetic3A_301 : i32 to index
        %swap3A_434 = arith.index_cast %shift_left3A_303 : i32 to index
        %swap3A_435 = tpu.vector_load %arg15[%swap3A_432, %swap3A_433, %swap3A_434] {strides = array<i32>} : memref<32x4x128xf32, #tpu.memory_space<vmem>>, vector<16xf32>,
        tpu.vector_store %arg15[%swap3A_432, %swap3A_433, %swap3A_434], %unpack3A_322 {strides = array<i32>} : memref<32x4x128xf32, #tpu.memory_space<vmem>>, vector<16xf32>,
        %swap3A_436 = arith.constant 3 : i32
        %swap3A_437 = arith.index_cast %swap3A_436 : i32 to index
        %swap3A_438 = arith.index_cast %shift_right_arithmetic3A_301 : i32 to index
        %swap3A_439 = arith.index_cast %shift_left3A_303 : i32 to index
        %swap3A_440 = tpu.vector_load %arg15[%swap3A_437, %swap3A_438, %swap3A_439] {strides = array<i32>} : memref<32x4x128xf32, #tpu.memory_space<vmem>>, vector<16xf32>,
        tpu.vector_store %arg15[%swap3A_437, %swap3A_438, %swap3A_439], %unpack3A_323 {strides = array<i32>} : memref<32x4x128xf32, #tpu.memory_space<vmem>>, vector<16xf32>,
        %swap3A_441 = arith.constant 4 : i32
        %swap3A_442 = arith.index_cast %swap3A_441 : i32 to index
        %swap3A_443 = arith.index_cast %shift_right_arithmetic3A_301 : i32 to index
        %swap3A_444 = arith.index_cast %shift_left3A_303 : i32 to index
        %swap3A_445 = tpu.vector_load %arg15[%swap3A_442, %swap3A_443, %swap3A_444] {strides = array<i32>} : memref<32x4x128xf32, #tpu.memory_space<vmem>>, vector<16xf32>,
        tpu.vector_store %arg15[%swap3A_442, %swap3A_443, %swap3A_444], %unpack3A_329 {strides = array<i32>} : memref<32x4x128xf32, #tpu.memory_space<vmem>>, vector<16xf32>,
        %swap3A_446 = arith.constant 5 : i32
        %swap3A_447 = arith.index_cast %swap3A_446 : i32 to index
        %swap3A_448 = arith.index_cast %shift_right_arithmetic3A_301 : i32 to index
        %swap3A_449 = arith.index_cast %shift_left3A_303 : i32 to index
        %swap3A_450 = tpu.vector_load %arg15[%swap3A_447, %swap3A_448, %swap3A_449] {strides = array<i32>} : memref<32x4x128xf32, #tpu.memory_space<vmem>>, vector<16xf32>,
        tpu.vector_store %arg15[%swap3A_447, %swap3A_448, %swap3A_449], %unpack3A_330 {strides = array<i32>} : memref<32x4x128xf32, #tpu.memory_space<vmem>>, vector<16xf32>,
        %swap3A_451 = arith.constant 6 : i32
        %swap3A_452 = arith.index_cast %swap3A_451 : i32 to index
        %swap3A_453 = arith.index_cast %shift_right_arithmetic3A_301 : i32 to index
        %swap3A_454 = arith.index_cast %shift_left3A_303 : i32 to index
        %swap3A_455 = tpu.vector_load %arg15[%swap3A_452, %swap3A_453, %swap3A_454] {strides = array<i32>} : memref<32x4x128xf32, #tpu.memory_space<vmem>>, vector<16xf32>,
        tpu.vector_store %arg15[%swap3A_452, %swap3A_453, %swap3A_454], %unpack3A_336 {strides = array<i32>} : memref<32x4x128xf32, #tpu.memory_space<vmem>>, vector<16xf32>,
        %swap3A_456 = arith.constant 7 : i32
        %swap3A_457 = arith.index_cast %swap3A_456 : i32 to index
        %swap3A_458 = arith.index_cast %shift_right_arithmetic3A_301 : i32 to index
        %swap3A_459 = arith.index_cast %shift_left3A_303 : i32 to index
        %swap3A_460 = tpu.vector_load %arg15[%swap3A_457, %swap3A_458, %swap3A_459] {strides = array<i32>} : memref<32x4x128xf32, #tpu.memory_space<vmem>>, vector<16xf32>,
        tpu.vector_store %arg15[%swap3A_457, %swap3A_458, %swap3A_459], %unpack3A_337 {strides = array<i32>} : memref<32x4x128xf32, #tpu.memory_space<vmem>>, vector<16xf32>,
        %swap3A_461 = arith.constant 8 : i32
        %swap3A_462 = arith.index_cast %swap3A_461 : i32 to index
        %swap3A_463 = arith.index_cast %shift_right_arithmetic3A_301 : i32 to index
        %swap3A_464 = arith.index_cast %shift_left3A_303 : i32 to index
        %swap3A_465 = tpu.vector_load %arg15[%swap3A_462, %swap3A_463, %swap3A_464] {strides = array<i32>} : memref<32x4x128xf32, #tpu.memory_space<vmem>>, vector<16xf32>,
        tpu.vector_store %arg15[%swap3A_462, %swap3A_463, %swap3A_464], %unpack3A_343 {strides = array<i32>} : memref<32x4x128xf32, #tpu.memory_space<vmem>>, vector<16xf32>,
        %swap3A_466 = arith.constant 9 : i32
        %swap3A_467 = arith.index_cast %swap3A_466 : i32 to index
        %swap3A_468 = arith.index_cast %shift_right_arithmetic3A_301 : i32 to index
        %swap3A_469 = arith.index_cast %shift_left3A_303 : i32 to index
        %swap3A_470 = tpu.vector_load %arg15[%swap3A_467, %swap3A_468, %swap3A_469] {strides = array<i32>} : memref<32x4x128xf32, #tpu.memory_space<vmem>>, vector<16xf32>,
        tpu.vector_store %arg15[%swap3A_467, %swap3A_468, %swap3A_469], %unpack3A_344 {strides = array<i32>} : memref<32x4x128xf32, #tpu.memory_space<vmem>>, vector<16xf32>,
        %swap3A_471 = arith.constant 10 : i32
        %swap3A_472 = arith.index_cast %swap3A_471 : i32 to index
        %swap3A_473 = arith.index_cast %shift_right_arithmetic3A_301 : i32 to index
        %swap3A_474 = arith.index_cast %shift_left3A_303 : i32 to index
        %swap3A_475 = tpu.vector_load %arg15[%swap3A_472, %swap3A_473, %swap3A_474] {strides = array<i32>} : memref<32x4x128xf32, #tpu.memory_space<vmem>>, vector<16xf32>,
        tpu.vector_store %arg15[%swap3A_472, %swap3A_473, %swap3A_474], %unpack3A_350 {strides = array<i32>} : memref<32x4x128xf32, #tpu.memory_space<vmem>>, vector<16xf32>,
        %swap3A_476 = arith.constant 11 : i32
        %swap3A_477 = arith.index_cast %swap3A_476 : i32 to index
        %swap3A_478 = arith.index_cast %shift_right_arithmetic3A_301 : i32 to index
        %swap3A_479 = arith.index_cast %shift_left3A_303 : i32 to index
        %swap3A_480 = tpu.vector_load %arg15[%swap3A_477, %swap3A_478, %swap3A_479] {strides = array<i32>} : memref<32x4x128xf32, #tpu.memory_space<vmem>>, vector<16xf32>,
        tpu.vector_store %arg15[%swap3A_477, %swap3A_478, %swap3A_479], %unpack3A_351 {strides = array<i32>} : memref<32x4x128xf32, #tpu.memory_space<vmem>>, vector<16xf32>,
        %swap3A_481 = arith.constant 12 : i32
        %swap3A_482 = arith.index_cast %swap3A_481 : i32 to index
        %swap3A_483 = arith.index_cast %shift_right_arithmetic3A_301 : i32 to index
        %swap3A_484 = arith.index_cast %shift_left3A_303 : i32 to index
        %swap3A_485 = tpu.vector_load %arg15[%swap3A_482, %swap3A_483, %swap3A_484] {strides = array<i32>} : memref<32x4x128xf32, #tpu.memory_space<vmem>>, vector<16xf32>,
        tpu.vector_store %arg15[%swap3A_482, %swap3A_483, %swap3A_484], %unpack3A_357 {strides = array<i32>} : memref<32x4x128xf32, #tpu.memory_space<vmem>>, vector<16xf32>,
        %swap3A_486 = arith.constant 13 : i32
        %swap3A_487 = arith.index_cast %swap3A_486 : i32 to index
        %swap3A_488 = arith.index_cast %shift_right_arithmetic3A_301 : i32 to index
        %swap3A_489 = arith.index_cast %shift_left3A_303 : i32 to index
        %swap3A_490 = tpu.vector_load %arg15[%swap3A_487, %swap3A_488, %swap3A_489] {strides = array<i32>} : memref<32x4x128xf32, #tpu.memory_space<vmem>>, vector<16xf32>,
        tpu.vector_store %arg15[%swap3A_487, %swap3A_488, %swap3A_489], %unpack3A_358 {strides = array<i32>} : memref<32x4x128xf32, #tpu.memory_space<vmem>>, vector<16xf32>,
        %swap3A_491 = arith.constant 14 : i32
        %swap3A_492 = arith.index_cast %swap3A_491 : i32 to index
        %swap3A_493 = arith.index_cast %shift_right_arithmetic3A_301 : i32 to index
        %swap3A_494 = arith.index_cast %shift_left3A_303 : i32 to index
        %swap3A_495 = tpu.vector_load %arg15[%swap3A_492, %swap3A_493, %swap3A_494] {strides = array<i32>} : memref<32x4x128xf32, #tpu.memory_space<vmem>>, vector<16xf32>,
        tpu.vector_store %arg15[%swap3A_492, %swap3A_493, %swap3A_494], %unpack3A_364 {strides = array<i32>} : memref<32x4x128xf32, #tpu.memory_space<vmem>>, vector<16xf32>,
        %swap3A_496 = arith.constant 15 : i32
        %swap3A_497 = arith.index_cast %swap3A_496 : i32 to index
        %swap3A_498 = arith.index_cast %shift_right_arithmetic3A_301 : i32 to index
        %swap3A_499 = arith.index_cast %shift_left3A_303 : i32 to index
        %swap3A_500 = tpu.vector_load %arg15[%swap3A_497, %swap3A_498, %swap3A_499] {strides = array<i32>} : memref<32x4x128xf32, #tpu.memory_space<vmem>>, vector<16xf32>,
        tpu.vector_store %arg15[%swap3A_497, %swap3A_498, %swap3A_499], %unpack3A_365 {strides = array<i32>} : memref<32x4x128xf32, #tpu.memory_space<vmem>>, vector<16xf32>,
        %swap3A_501 = arith.constant 16 : i32
        %swap3A_502 = arith.index_cast %swap3A_501 : i32 to index
        %swap3A_503 = arith.index_cast %shift_right_arithmetic3A_301 : i32 to index
        %swap3A_504 = arith.index_cast %shift_left3A_303 : i32 to index
        %swap3A_505 = tpu.vector_load %arg15[%swap3A_502, %swap3A_503, %swap3A_504] {strides = array<i32>} : memref<32x4x128xf32, #tpu.memory_space<vmem>>, vector<16xf32>,
        tpu.vector_store %arg15[%swap3A_502, %swap3A_503, %swap3A_504], %unpack3A_371 {strides = array<i32>} : memref<32x4x128xf32, #tpu.memory_space<vmem>>, vector<16xf32>,
        %swap3A_506 = arith.constant 17 : i32
        %swap3A_507 = arith.index_cast %swap3A_506 : i32 to index
        %swap3A_508 = arith.index_cast %shift_right_arithmetic3A_301 : i32 to index
        %swap3A_509 = arith.index_cast %shift_left3A_303 : i32 to index
        %swap3A_510 = tpu.vector_load %arg15[%swap3A_507, %swap3A_508, %swap3A_509] {strides = array<i32>} : memref<32x4x128xf32, #tpu.memory_space<vmem>>, vector<16xf32>,
        tpu.vector_store %arg15[%swap3A_507, %swap3A_508, %swap3A_509], %unpack3A_372 {strides = array<i32>} : memref<32x4x128xf32, #tpu.memory_space<vmem>>, vector<16xf32>,
        %swap3A_511 = arith.constant 18 : i32
        %swap3A_512 = arith.index_cast %swap3A_511 : i32 to index
        %swap3A_513 = arith.index_cast %shift_right_arithmetic3A_301 : i32 to index
        %swap3A_514 = arith.index_cast %shift_left3A_303 : i32 to index
        %swap3A_515 = tpu.vector_load %arg15[%swap3A_512, %swap3A_513, %swap3A_514] {strides = array<i32>} : memref<32x4x128xf32, #tpu.memory_space<vmem>>, vector<16xf32>,
        tpu.vector_store %arg15[%swap3A_512, %swap3A_513, %swap3A_514], %unpack3A_378 {strides = array<i32>} : memref<32x4x128xf32, #tpu.memory_space<vmem>>, vector<16xf32>,
        %swap3A_516 = arith.constant 19 : i32
        %swap3A_517 = arith.index_cast %swap3A_516 : i32 to index
        %swap3A_518 = arith.index_cast %shift_right_arithmetic3A_301 : i32 to index
        %swap3A_519 = arith.index_cast %shift_left3A_303 : i32 to index
        %swap3A_520 = tpu.vector_load %arg15[%swap3A_517, %swap3A_518, %swap3A_519] {strides = array<i32>} : memref<32x4x128xf32, #tpu.memory_space<vmem>>, vector<16xf32>,
        tpu.vector_store %arg15[%swap3A_517, %swap3A_518, %swap3A_519], %unpack3A_379 {strides = array<i32>} : memref<32x4x128xf32, #tpu.memory_space<vmem>>, vector<16xf32>,
        %swap3A_521 = arith.constant 20 : i32
        %swap3A_522 = arith.index_cast %swap3A_521 : i32 to index
        %swap3A_523 = arith.index_cast %shift_right_arithmetic3A_301 : i32 to index
        %swap3A_524 = arith.index_cast %shift_left3A_303 : i32 to index
        %swap3A_525 = tpu.vector_load %arg15[%swap3A_522, %swap3A_523, %swap3A_524] {strides = array<i32>} : memref<32x4x128xf32, #tpu.memory_space<vmem>>, vector<16xf32>,
        tpu.vector_store %arg15[%swap3A_522, %swap3A_523, %swap3A_524], %unpack3A_385 {strides = array<i32>} : memref<32x4x128xf32, #tpu.memory_space<vmem>>, vector<16xf32>,
        %swap3A_526 = arith.constant 21 : i32
        %swap3A_527 = arith.index_cast %swap3A_526 : i32 to index
        %swap3A_528 = arith.index_cast %shift_right_arithmetic3A_301 : i32 to index
        %swap3A_529 = arith.index_cast %shift_left3A_303 : i32 to index
        %swap3A_530 = tpu.vector_load %arg15[%swap3A_527, %swap3A_528, %swap3A_529] {strides = array<i32>} : memref<32x4x128xf32, #tpu.memory_space<vmem>>, vector<16xf32>,
        tpu.vector_store %arg15[%swap3A_527, %swap3A_528, %swap3A_529], %unpack3A_386 {strides = array<i32>} : memref<32x4x128xf32, #tpu.memory_space<vmem>>, vector<16xf32>,
        %swap3A_531 = arith.constant 22 : i32
        %swap3A_532 = arith.index_cast %swap3A_531 : i32 to index
        %swap3A_533 = arith.index_cast %shift_right_arithmetic3A_301 : i32 to index
        %swap3A_534 = arith.index_cast %shift_left3A_303 : i32 to index
        %swap3A_535 = tpu.vector_load %arg15[%swap3A_532, %swap3A_533, %swap3A_534] {strides = array<i32>} : memref<32x4x128xf32, #tpu.memory_space<vmem>>, vector<16xf32>,
        tpu.vector_store %arg15[%swap3A_532, %swap3A_533, %swap3A_534], %unpack3A_392 {strides = array<i32>} : memref<32x4x128xf32, #tpu.memory_space<vmem>>, vector<16xf32>,
        %swap3A_536 = arith.constant 23 : i32
        %swap3A_537 = arith.index_cast %swap3A_536 : i32 to index
        %swap3A_538 = arith.index_cast %shift_right_arithmetic3A_301 : i32 to index
        %swap3A_539 = arith.index_cast %shift_left3A_303 : i32 to index
        %swap3A_540 = tpu.vector_load %arg15[%swap3A_537, %swap3A_538, %swap3A_539] {strides = array<i32>} : memref<32x4x128xf32, #tpu.memory_space<vmem>>, vector<16xf32>,
        tpu.vector_store %arg15[%swap3A_537, %swap3A_538, %swap3A_539], %unpack3A_393 {strides = array<i32>} : memref<32x4x128xf32, #tpu.memory_space<vmem>>, vector<16xf32>,
        %swap3A_541 = arith.constant 24 : i32
        %swap3A_542 = arith.index_cast %swap3A_541 : i32 to index
        %swap3A_543 = arith.index_cast %shift_right_arithmetic3A_301 : i32 to index
        %swap3A_544 = arith.index_cast %shift_left3A_303 : i32 to index
        %swap3A_545 = tpu.vector_load %arg15[%swap3A_542, %swap3A_543, %swap3A_544] {strides = array<i32>} : memref<32x4x128xf32, #tpu.memory_space<vmem>>, vector<16xf32>,
        tpu.vector_store %arg15[%swap3A_542, %swap3A_543, %swap3A_544], %unpack3A_399 {strides = array<i32>} : memref<32x4x128xf32, #tpu.memory_space<vmem>>, vector<16xf32>,
        %swap3A_546 = arith.constant 25 : i32
        %swap3A_547 = arith.index_cast %swap3A_546 : i32 to index
        %swap3A_548 = arith.index_cast %shift_right_arithmetic3A_301 : i32 to index
        %swap3A_549 = arith.index_cast %shift_left3A_303 : i32 to index
        %swap3A_550 = tpu.vector_load %arg15[%swap3A_547, %swap3A_548, %swap3A_549] {strides = array<i32>} : memref<32x4x128xf32, #tpu.memory_space<vmem>>, vector<16xf32>,
        tpu.vector_store %arg15[%swap3A_547, %swap3A_548, %swap3A_549], %unpack3A_400 {strides = array<i32>} : memref<32x4x128xf32, #tpu.memory_space<vmem>>, vector<16xf32>,
        %swap3A_551 = arith.constant 26 : i32
        %swap3A_552 = arith.index_cast %swap3A_551 : i32 to index
        %swap3A_553 = arith.index_cast %shift_right_arithmetic3A_301 : i32 to index
        %swap3A_554 = arith.index_cast %shift_left3A_303 : i32 to index
        %swap3A_555 = tpu.vector_load %arg15[%swap3A_552, %swap3A_553, %swap3A_554] {strides = array<i32>} : memref<32x4x128xf32, #tpu.memory_space<vmem>>, vector<16xf32>,
        tpu.vector_store %arg15[%swap3A_552, %swap3A_553, %swap3A_554], %unpack3A_406 {strides = array<i32>} : memref<32x4x128xf32, #tpu.memory_space<vmem>>, vector<16xf32>,
        %swap3A_556 = arith.constant 27 : i32
        %swap3A_557 = arith.index_cast %swap3A_556 : i32 to index
        %swap3A_558 = arith.index_cast %shift_right_arithmetic3A_301 : i32 to index
        %swap3A_559 = arith.index_cast %shift_left3A_303 : i32 to index
        %swap3A_560 = tpu.vector_load %arg15[%swap3A_557, %swap3A_558, %swap3A_559] {strides = array<i32>} : memref<32x4x128xf32, #tpu.memory_space<vmem>>, vector<16xf32>,
        tpu.vector_store %arg15[%swap3A_557, %swap3A_558, %swap3A_559], %unpack3A_407 {strides = array<i32>} : memref<32x4x128xf32, #tpu.memory_space<vmem>>, vector<16xf32>,
        %swap3A_561 = arith.constant 28 : i32
        %swap3A_562 = arith.index_cast %swap3A_561 : i32 to index
        %swap3A_563 = arith.index_cast %shift_right_arithmetic3A_301 : i32 to index
        %swap3A_564 = arith.index_cast %shift_left3A_303 : i32 to index
        %swap3A_565 = tpu.vector_load %arg15[%swap3A_562, %swap3A_563, %swap3A_564] {strides = array<i32>} : memref<32x4x128xf32, #tpu.memory_space<vmem>>, vector<16xf32>,
        tpu.vector_store %arg15[%swap3A_562, %swap3A_563, %swap3A_564], %unpack3A_413 {strides = array<i32>} : memref<32x4x128xf32, #tpu.memory_space<vmem>>, vector<16xf32>,
        %swap3A_566 = arith.constant 29 : i32
        %swap3A_567 = arith.index_cast %swap3A_566 : i32 to index
        %swap3A_568 = arith.index_cast %shift_right_arithmetic3A_301 : i32 to index
        %swap3A_569 = arith.index_cast %shift_left3A_303 : i32 to index
        %swap3A_570 = tpu.vector_load %arg15[%swap3A_567, %swap3A_568, %swap3A_569] {strides = array<i32>} : memref<32x4x128xf32, #tpu.memory_space<vmem>>, vector<16xf32>,
        tpu.vector_store %arg15[%swap3A_567, %swap3A_568, %swap3A_569], %unpack3A_414 {strides = array<i32>} : memref<32x4x128xf32, #tpu.memory_space<vmem>>, vector<16xf32>,
        %swap3A_571 = arith.constant 30 : i32
        %swap3A_572 = arith.index_cast %swap3A_571 : i32 to index
        %swap3A_573 = arith.index_cast %shift_right_arithmetic3A_301 : i32 to index
        %swap3A_574 = arith.index_cast %shift_left3A_303 : i32 to index
        %swap3A_575 = tpu.vector_load %arg15[%swap3A_572, %swap3A_573, %swap3A_574] {strides = array<i32>} : memref<32x4x128xf32, #tpu.memory_space<vmem>>, vector<16xf32>,
        tpu.vector_store %arg15[%swap3A_572, %swap3A_573, %swap3A_574], %unpack3A_420 {strides = array<i32>} : memref<32x4x128xf32, #tpu.memory_space<vmem>>, vector<16xf32>,
        %swap3A_576 = arith.constant 31 : i32
        %swap3A_577 = arith.index_cast %swap3A_576 : i32 to index
        %swap3A_578 = arith.index_cast %shift_right_arithmetic3A_301 : i32 to index
        %swap3A_579 = arith.index_cast %shift_left3A_303 : i32 to index
        %swap3A_580 = tpu.vector_load %arg15[%swap3A_577, %swap3A_578, %swap3A_579] {strides = array<i32>} : memref<32x4x128xf32, #tpu.memory_space<vmem>>, vector<16xf32>,
        tpu.vector_store %arg15[%swap3A_577, %swap3A_578, %swap3A_579], %unpack3A_421 {strides = array<i32>} : memref<32x4x128xf32, #tpu.memory_space<vmem>>, vector<16xf32>,
      }
      %scan3A_289 = arith.constant 32 : i32
      %add3A_290 = arith.constant 4 : i32
      %add3A_291 = arith.addi %mul3A_245, %add3A_290 : i32
      %dma_start3A_292 = arith.constant 0 : i32
      %dma_start3A_293 = arith.constant 0 : i32
      %dma_start3A_294 = tpu.memref_slice %arg6[%add3A_150, %dma_start3A_292, %add3A_291, %dma_start3A_293] : memref<128x32x128x128xf32, #tpu.memory_space<hbm>> -> memref<1x32x4x128xf32, #tpu.memory_space<hbm>>
      %dma_start3A_295 = tpu.memref_squeeze %dma_start3A_294 : memref<1x32x4x128xf32, #tpu.memory_space<hbm>> -> memref<32x4x128xf32, #tpu.memory_space<hbm>>
      %dma_start3A_296 = arith.constant 0 : i32
      %dma_start3A_297 = arith.constant 0 : i32
      %dma_start3A_298 = tpu.memref_slice %arg6[%add3A_150, %dma_start3A_296, %add3A_291, %dma_start3A_297] : memref<128x32x128x128xf32, #tpu.memory_space<hbm>> -> memref<1x32x4x128xf32, #tpu.memory_space<hbm>>
      %dma_start3A_299 = tpu.memref_squeeze %dma_start3A_298 : memref<1x32x4x128xf32, #tpu.memory_space<hbm>> -> memref<32x4x128xf32, #tpu.memory_space<hbm>>
      tpu.enqueue_dma source(%arg15 : memref<32x4x128xf32, #tpu.memory_space<vmem>>) target(%dma_start3A_299 : memref<32x4x128xf32, #tpu.memory_space<hbm>>) target_semaphore(%arg17 : memref<!tpu.dma_semaphore, #tpu.memory_space<semaphore_mem>>)
    }
    %scan3A_194 = arith.constant 16 : i32
    %add3A_195 = arith.constant 3 : i32
    %add3A_196 = arith.addi %mul3A_42, %add3A_195 : i32
    %dma_wait3A_197 = arith.constant 0 : i32
    %dma_wait3A_198 = arith.constant 0 : i32
    %dma_wait3A_199 = arith.constant 0 : i32
    %dma_wait3A_200 = tpu.memref_slice %arg4[%dma_wait3A_197, %dma_wait3A_198, %dma_wait3A_199] : memref<128x128x128xi32, #tpu.memory_space<hbm>> -> memref<1x128x128xi32, #tpu.memory_space<hbm>>
    %dma_wait3A_201 = tpu.memref_squeeze %dma_wait3A_200 : memref<1x128x128xi32, #tpu.memory_space<hbm>> -> memref<128x128xi32, #tpu.memory_space<hbm>>
    %dma_wait3A_202 = arith.constant 0 : i32
    %dma_wait3A_203 = arith.constant 0 : i32
    %dma_wait3A_204 = tpu.memref_slice %arg4[%dma_wait3A_197, %dma_wait3A_202, %dma_wait3A_203] : memref<128x128x128xi32, #tpu.memory_space<hbm>> -> memref<1x128x128xi32, #tpu.memory_space<hbm>>
    %dma_wait3A_205 = tpu.memref_squeeze %dma_wait3A_204 : memref<1x128x128xi32, #tpu.memory_space<hbm>> -> memref<128x128xi32, #tpu.memory_space<hbm>>
    tpu.wait_dma2 semaphore(%arg18 : memref<!tpu.dma_semaphore, #tpu.memory_space<semaphore_mem>>) src(%dma_wait3A_205 : memref<128x128xi32, #tpu.memory_space<hbm>>) dst(%arg12 : memref<128x128xi32, #tpu.memory_space<vmem>>)
    %dma_wait3A_206 = arith.constant 0 : i32
    %dma_wait3A_207 = arith.constant 0 : i32
    %dma_wait3A_208 = arith.constant 0 : i32
    %dma_wait3A_209 = tpu.memref_slice %arg5[%dma_wait3A_206, %dma_wait3A_207, %dma_wait3A_208] : memref<128x128x128xi32, #tpu.memory_space<hbm>> -> memref<1x128x128xi32, #tpu.memory_space<hbm>>
    %dma_wait3A_210 = tpu.memref_squeeze %dma_wait3A_209 : memref<1x128x128xi32, #tpu.memory_space<hbm>> -> memref<128x128xi32, #tpu.memory_space<hbm>>
    %dma_wait3A_211 = arith.constant 0 : i32
    %dma_wait3A_212 = arith.constant 0 : i32
    %dma_wait3A_213 = tpu.memref_slice %arg5[%dma_wait3A_206, %dma_wait3A_211, %dma_wait3A_212] : memref<128x128x128xi32, #tpu.memory_space<hbm>> -> memref<1x128x128xi32, #tpu.memory_space<hbm>>
    %dma_wait3A_214 = tpu.memref_squeeze %dma_wait3A_213 : memref<1x128x128xi32, #tpu.memory_space<hbm>> -> memref<128x128xi32, #tpu.memory_space<hbm>>
    tpu.wait_dma2 semaphore(%arg18 : memref<!tpu.dma_semaphore, #tpu.memory_space<semaphore_mem>>) src(%dma_wait3A_214 : memref<128x128xi32, #tpu.memory_space<hbm>>) dst(%arg13 : memref<128x128xi32, #tpu.memory_space<vmem>>)
    %scan3A_215 = arith.constant 0 : i32
    %scan3A_216 = arith.constant 0 : i32
    %scan3A_217 = arith.constant 16 : i32
    %scan3A_218 = arith.addi %scan3A_216, %scan3A_217 : i32
    %scan3A_219 = arith.constant 1 : i32
    scf.for %scan3A_243 = %scan3A_216 to %scan3A_218 step %scan3A_219  : i32 {
      %mul3A_244 = arith.constant 8 : i32
      %mul3A_245 = arith.muli %scan3A_243, %mul3A_244 : i32
      %dma_wait3A_246 = arith.constant 0 : i32
      %dma_wait3A_247 = arith.constant 0 : i32
      %dma_wait3A_248 = arith.constant 0 : i32
      %dma_wait3A_249 = arith.constant 0 : i32
      %dma_wait3A_250 = tpu.memref_slice %arg6[%dma_wait3A_246, %dma_wait3A_247, %dma_wait3A_248, %dma_wait3A_249] : memref<128x32x128x128xf32, #tpu.memory_space<hbm>> -> memref<1x32x4x128xf32, #tpu.memory_space<hbm>>
      %dma_wait3A_251 = tpu.memref_squeeze %dma_wait3A_250 : memref<1x32x4x128xf32, #tpu.memory_space<hbm>> -> memref<32x4x128xf32, #tpu.memory_space<hbm>>
      %dma_wait3A_252 = arith.constant 0 : i32
      %dma_wait3A_253 = arith.constant 0 : i32
      %dma_wait3A_254 = arith.constant 0 : i32
      %dma_wait3A_255 = tpu.memref_slice %arg6[%dma_wait3A_246, %dma_wait3A_252, %dma_wait3A_253, %dma_wait3A_254] : memref<128x32x128x128xf32, #tpu.memory_space<hbm>> -> memref<1x32x4x128xf32, #tpu.memory_space<hbm>>
      %dma_wait3A_256 = tpu.memref_squeeze %dma_wait3A_255 : memref<1x32x4x128xf32, #tpu.memory_space<hbm>> -> memref<32x4x128xf32, #tpu.memory_space<hbm>>
      tpu.wait_dma2 semaphore(%arg16 : memref<!tpu.dma_semaphore, #tpu.memory_space<semaphore_mem>>) src(%arg14 : memref<32x4x128xf32, #tpu.memory_space<vmem>>) dst(%dma_wait3A_256 : memref<32x4x128xf32, #tpu.memory_space<hbm>>)
      %scan3A_257 = arith.constant 0 : i32
      %scan3A_258 = arith.constant 0 : i32
      %scan3A_259 = arith.constant 32 : i32
      %scan3A_260 = arith.addi %scan3A_258, %scan3A_259 : i32
      %scan3A_261 = arith.constant 1 : i32
      scf.for %scan3A_300 = %scan3A_258 to %scan3A_260 step %scan3A_261  : i32 {
        %shift_right_arithmetic3A = arith.constant 3 : i32
        %shift_right_arithmetic3A_301 = arith.shrsi %scan3A_300, %shift_right_arithmetic3A : i32
        %and3A = arith.constant 7 : i32
        %and3A_302 = arith.andi %scan3A_300, %and3A : i32
        %shift_left3A = arith.constant 4 : i32
        %shift_left3A_303 = arith.shli %and3A_302, %shift_left3A : i32
        %add3A_304 = arith.addi %mul3A_245, %shift_right_arithmetic3A_301 : i32
        %get3A = arith.index_cast %add3A_304 : i32 to index
        %get3A_305 = arith.index_cast %shift_left3A_303 : i32 to index
        %get3A_306 = tpu.vector_load %arg12[%get3A, %get3A_305] {strides = array<i32>} : memref<128x128xi32, #tpu.memory_space<vmem>>, vector<16xi32>,
        %add3A_307 = arith.addi %mul3A_245, %shift_right_arithmetic3A_301 : i32
        %get3A_308 = arith.index_cast %add3A_307 : i32 to index
        %get3A_309 = arith.index_cast %shift_left3A_303 : i32 to index
        %get3A_310 = tpu.vector_load %arg13[%get3A_308, %get3A_309] {strides = array<i32>} : memref<128x128xi32, #tpu.memory_space<vmem>>, vector<16xi32>,
        %mul3A_311 = arith.constant 4 : i32
        %mul3A_312 = vector.broadcast %mul3A_311 : i32 to vector<16xi32>
        %mul3A_313 = arith.muli %get3A_306, %mul3A_312 : vector<16xi32>
        %add3A_314 = arith.addi %mul3A_313, %get3A_310 : vector<16xi32>
        %gather3A_315 = tpu.vector_load_idx %arg9[%add3A_314] : memref<2368xi32, #tpu.memory_space<vmem>>[vector<16xi32>], vector<16xi32>,
        %bitcast3A = vector.bitcast %gather3A_315 : vector<16xi32> to vector<32xbf16>
        %unpack3A = tpu.unpack_subelements %bitcast3A, 0 {pack_format = #tpu.pack_format<interleaved>} : vector<32xbf16> -> vector<16xf32>
        %unpack3A_316 = tpu.unpack_subelements %bitcast3A, 1 {pack_format = #tpu.pack_format<interleaved>} : vector<32xbf16> -> vector<16xf32>
        %add3A_317 = arith.constant 148 : i32
        %add3A_318 = vector.broadcast %add3A_317 : i32 to vector<16xi32>
        %add3A_319 = arith.addi %add3A_314, %add3A_318 : vector<16xi32>
        %gather3A_320 = tpu.vector_load_idx %arg9[%add3A_319] : memref<2368xi32, #tpu.memory_space<vmem>>[vector<16xi32>], vector<16xi32>,
        %bitcast3A_321 = vector.bitcast %gather3A_320 : vector<16xi32> to vector<32xbf16>
        %unpack3A_322 = tpu.unpack_subelements %bitcast3A_321, 0 {pack_format = #tpu.pack_format<interleaved>} : vector<32xbf16> -> vector<16xf32>
        %unpack3A_323 = tpu.unpack_subelements %bitcast3A_321, 1 {pack_format = #tpu.pack_format<interleaved>} : vector<32xbf16> -> vector<16xf32>
        %add3A_324 = arith.constant 296 : i32
        %add3A_325 = vector.broadcast %add3A_324 : i32 to vector<16xi32>
        %add3A_326 = arith.addi %add3A_314, %add3A_325 : vector<16xi32>
        %gather3A_327 = tpu.vector_load_idx %arg9[%add3A_326] : memref<2368xi32, #tpu.memory_space<vmem>>[vector<16xi32>], vector<16xi32>,
        %bitcast3A_328 = vector.bitcast %gather3A_327 : vector<16xi32> to vector<32xbf16>
        %unpack3A_329 = tpu.unpack_subelements %bitcast3A_328, 0 {pack_format = #tpu.pack_format<interleaved>} : vector<32xbf16> -> vector<16xf32>
        %unpack3A_330 = tpu.unpack_subelements %bitcast3A_328, 1 {pack_format = #tpu.pack_format<interleaved>} : vector<32xbf16> -> vector<16xf32>
        %add3A_331 = arith.constant 444 : i32
        %add3A_332 = vector.broadcast %add3A_331 : i32 to vector<16xi32>
        %add3A_333 = arith.addi %add3A_314, %add3A_332 : vector<16xi32>
        %gather3A_334 = tpu.vector_load_idx %arg9[%add3A_333] : memref<2368xi32, #tpu.memory_space<vmem>>[vector<16xi32>], vector<16xi32>,
        %bitcast3A_335 = vector.bitcast %gather3A_334 : vector<16xi32> to vector<32xbf16>
        %unpack3A_336 = tpu.unpack_subelements %bitcast3A_335, 0 {pack_format = #tpu.pack_format<interleaved>} : vector<32xbf16> -> vector<16xf32>
        %unpack3A_337 = tpu.unpack_subelements %bitcast3A_335, 1 {pack_format = #tpu.pack_format<interleaved>} : vector<32xbf16> -> vector<16xf32>
        %add3A_338 = arith.constant 592 : i32
        %add3A_339 = vector.broadcast %add3A_338 : i32 to vector<16xi32>
        %add3A_340 = arith.addi %add3A_314, %add3A_339 : vector<16xi32>
        %gather3A_341 = tpu.vector_load_idx %arg9[%add3A_340] : memref<2368xi32, #tpu.memory_space<vmem>>[vector<16xi32>], vector<16xi32>,
        %bitcast3A_342 = vector.bitcast %gather3A_341 : vector<16xi32> to vector<32xbf16>
        %unpack3A_343 = tpu.unpack_subelements %bitcast3A_342, 0 {pack_format = #tpu.pack_format<interleaved>} : vector<32xbf16> -> vector<16xf32>
        %unpack3A_344 = tpu.unpack_subelements %bitcast3A_342, 1 {pack_format = #tpu.pack_format<interleaved>} : vector<32xbf16> -> vector<16xf32>
        %add3A_345 = arith.constant 740 : i32
        %add3A_346 = vector.broadcast %add3A_345 : i32 to vector<16xi32>
        %add3A_347 = arith.addi %add3A_314, %add3A_346 : vector<16xi32>
        %gather3A_348 = tpu.vector_load_idx %arg9[%add3A_347] : memref<2368xi32, #tpu.memory_space<vmem>>[vector<16xi32>], vector<16xi32>,
        %bitcast3A_349 = vector.bitcast %gather3A_348 : vector<16xi32> to vector<32xbf16>
        %unpack3A_350 = tpu.unpack_subelements %bitcast3A_349, 0 {pack_format = #tpu.pack_format<interleaved>} : vector<32xbf16> -> vector<16xf32>
        %unpack3A_351 = tpu.unpack_subelements %bitcast3A_349, 1 {pack_format = #tpu.pack_format<interleaved>} : vector<32xbf16> -> vector<16xf32>
        %add3A_352 = arith.constant 888 : i32
        %add3A_353 = vector.broadcast %add3A_352 : i32 to vector<16xi32>
        %add3A_354 = arith.addi %add3A_314, %add3A_353 : vector<16xi32>
        %gather3A_355 = tpu.vector_load_idx %arg9[%add3A_354] : memref<2368xi32, #tpu.memory_space<vmem>>[vector<16xi32>], vector<16xi32>,
        %bitcast3A_356 = vector.bitcast %gather3A_355 : vector<16xi32> to vector<32xbf16>
        %unpack3A_357 = tpu.unpack_subelements %bitcast3A_356, 0 {pack_format = #tpu.pack_format<interleaved>} : vector<32xbf16> -> vector<16xf32>
        %unpack3A_358 = tpu.unpack_subelements %bitcast3A_356, 1 {pack_format = #tpu.pack_format<interleaved>} : vector<32xbf16> -> vector<16xf32>
        %add3A_359 = arith.constant 1036 : i32
        %add3A_360 = vector.broadcast %add3A_359 : i32 to vector<16xi32>
        %add3A_361 = arith.addi %add3A_314, %add3A_360 : vector<16xi32>
        %gather3A_362 = tpu.vector_load_idx %arg9[%add3A_361] : memref<2368xi32, #tpu.memory_space<vmem>>[vector<16xi32>], vector<16xi32>,
        %bitcast3A_363 = vector.bitcast %gather3A_362 : vector<16xi32> to vector<32xbf16>
        %unpack3A_364 = tpu.unpack_subelements %bitcast3A_363, 0 {pack_format = #tpu.pack_format<interleaved>} : vector<32xbf16> -> vector<16xf32>
        %unpack3A_365 = tpu.unpack_subelements %bitcast3A_363, 1 {pack_format = #tpu.pack_format<interleaved>} : vector<32xbf16> -> vector<16xf32>
        %add3A_366 = arith.constant 1184 : i32
        %add3A_367 = vector.broadcast %add3A_366 : i32 to vector<16xi32>
        %add3A_368 = arith.addi %add3A_314, %add3A_367 : vector<16xi32>
        %gather3A_369 = tpu.vector_load_idx %arg9[%add3A_368] : memref<2368xi32, #tpu.memory_space<vmem>>[vector<16xi32>], vector<16xi32>,
        %bitcast3A_370 = vector.bitcast %gather3A_369 : vector<16xi32> to vector<32xbf16>
        %unpack3A_371 = tpu.unpack_subelements %bitcast3A_370, 0 {pack_format = #tpu.pack_format<interleaved>} : vector<32xbf16> -> vector<16xf32>
        %unpack3A_372 = tpu.unpack_subelements %bitcast3A_370, 1 {pack_format = #tpu.pack_format<interleaved>} : vector<32xbf16> -> vector<16xf32>
        %add3A_373 = arith.constant 1332 : i32
        %add3A_374 = vector.broadcast %add3A_373 : i32 to vector<16xi32>
        %add3A_375 = arith.addi %add3A_314, %add3A_374 : vector<16xi32>
        %gather3A_376 = tpu.vector_load_idx %arg9[%add3A_375] : memref<2368xi32, #tpu.memory_space<vmem>>[vector<16xi32>], vector<16xi32>,
        %bitcast3A_377 = vector.bitcast %gather3A_376 : vector<16xi32> to vector<32xbf16>
        %unpack3A_378 = tpu.unpack_subelements %bitcast3A_377, 0 {pack_format = #tpu.pack_format<interleaved>} : vector<32xbf16> -> vector<16xf32>
        %unpack3A_379 = tpu.unpack_subelements %bitcast3A_377, 1 {pack_format = #tpu.pack_format<interleaved>} : vector<32xbf16> -> vector<16xf32>
        %add3A_380 = arith.constant 1480 : i32
        %add3A_381 = vector.broadcast %add3A_380 : i32 to vector<16xi32>
        %add3A_382 = arith.addi %add3A_314, %add3A_381 : vector<16xi32>
        %gather3A_383 = tpu.vector_load_idx %arg9[%add3A_382] : memref<2368xi32, #tpu.memory_space<vmem>>[vector<16xi32>], vector<16xi32>,
        %bitcast3A_384 = vector.bitcast %gather3A_383 : vector<16xi32> to vector<32xbf16>
        %unpack3A_385 = tpu.unpack_subelements %bitcast3A_384, 0 {pack_format = #tpu.pack_format<interleaved>} : vector<32xbf16> -> vector<16xf32>
        %unpack3A_386 = tpu.unpack_subelements %bitcast3A_384, 1 {pack_format = #tpu.pack_format<interleaved>} : vector<32xbf16> -> vector<16xf32>
        %add3A_387 = arith.constant 1628 : i32
        %add3A_388 = vector.broadcast %add3A_387 : i32 to vector<16xi32>
        %add3A_389 = arith.addi %add3A_314, %add3A_388 : vector<16xi32>
        %gather3A_390 = tpu.vector_load_idx %arg9[%add3A_389] : memref<2368xi32, #tpu.memory_space<vmem>>[vector<16xi32>], vector<16xi32>,
        %bitcast3A_391 = vector.bitcast %gather3A_390 : vector<16xi32> to vector<32xbf16>
        %unpack3A_392 = tpu.unpack_subelements %bitcast3A_391, 0 {pack_format = #tpu.pack_format<interleaved>} : vector<32xbf16> -> vector<16xf32>
        %unpack3A_393 = tpu.unpack_subelements %bitcast3A_391, 1 {pack_format = #tpu.pack_format<interleaved>} : vector<32xbf16> -> vector<16xf32>
        %add3A_394 = arith.constant 1776 : i32
        %add3A_395 = vector.broadcast %add3A_394 : i32 to vector<16xi32>
        %add3A_396 = arith.addi %add3A_314, %add3A_395 : vector<16xi32>
        %gather3A_397 = tpu.vector_load_idx %arg9[%add3A_396] : memref<2368xi32, #tpu.memory_space<vmem>>[vector<16xi32>], vector<16xi32>,
        %bitcast3A_398 = vector.bitcast %gather3A_397 : vector<16xi32> to vector<32xbf16>
        %unpack3A_399 = tpu.unpack_subelements %bitcast3A_398, 0 {pack_format = #tpu.pack_format<interleaved>} : vector<32xbf16> -> vector<16xf32>
        %unpack3A_400 = tpu.unpack_subelements %bitcast3A_398, 1 {pack_format = #tpu.pack_format<interleaved>} : vector<32xbf16> -> vector<16xf32>
        %add3A_401 = arith.constant 1924 : i32
        %add3A_402 = vector.broadcast %add3A_401 : i32 to vector<16xi32>
        %add3A_403 = arith.addi %add3A_314, %add3A_402 : vector<16xi32>
        %gather3A_404 = tpu.vector_load_idx %arg9[%add3A_403] : memref<2368xi32, #tpu.memory_space<vmem>>[vector<16xi32>], vector<16xi32>,
        %bitcast3A_405 = vector.bitcast %gather3A_404 : vector<16xi32> to vector<32xbf16>
        %unpack3A_406 = tpu.unpack_subelements %bitcast3A_405, 0 {pack_format = #tpu.pack_format<interleaved>} : vector<32xbf16> -> vector<16xf32>
        %unpack3A_407 = tpu.unpack_subelements %bitcast3A_405, 1 {pack_format = #tpu.pack_format<interleaved>} : vector<32xbf16> -> vector<16xf32>
        %add3A_408 = arith.constant 2072 : i32
        %add3A_409 = vector.broadcast %add3A_408 : i32 to vector<16xi32>
        %add3A_410 = arith.addi %add3A_314, %add3A_409 : vector<16xi32>
        %gather3A_411 = tpu.vector_load_idx %arg9[%add3A_410] : memref<2368xi32, #tpu.memory_space<vmem>>[vector<16xi32>], vector<16xi32>,
        %bitcast3A_412 = vector.bitcast %gather3A_411 : vector<16xi32> to vector<32xbf16>
        %unpack3A_413 = tpu.unpack_subelements %bitcast3A_412, 0 {pack_format = #tpu.pack_format<interleaved>} : vector<32xbf16> -> vector<16xf32>
        %unpack3A_414 = tpu.unpack_subelements %bitcast3A_412, 1 {pack_format = #tpu.pack_format<interleaved>} : vector<32xbf16> -> vector<16xf32>
        %add3A_415 = arith.constant 2220 : i32
        %add3A_416 = vector.broadcast %add3A_415 : i32 to vector<16xi32>
        %add3A_417 = arith.addi %add3A_314, %add3A_416 : vector<16xi32>
        %gather3A_418 = tpu.vector_load_idx %arg9[%add3A_417] : memref<2368xi32, #tpu.memory_space<vmem>>[vector<16xi32>], vector<16xi32>,
        %bitcast3A_419 = vector.bitcast %gather3A_418 : vector<16xi32> to vector<32xbf16>
        %unpack3A_420 = tpu.unpack_subelements %bitcast3A_419, 0 {pack_format = #tpu.pack_format<interleaved>} : vector<32xbf16> -> vector<16xf32>
        %unpack3A_421 = tpu.unpack_subelements %bitcast3A_419, 1 {pack_format = #tpu.pack_format<interleaved>} : vector<32xbf16> -> vector<16xf32>
        %swap3A = arith.constant 0 : i32
        %swap3A_422 = arith.index_cast %swap3A : i32 to index
        %swap3A_423 = arith.index_cast %shift_right_arithmetic3A_301 : i32 to index
        %swap3A_424 = arith.index_cast %shift_left3A_303 : i32 to index
        %swap3A_425 = tpu.vector_load %arg14[%swap3A_422, %swap3A_423, %swap3A_424] {strides = array<i32>} : memref<32x4x128xf32, #tpu.memory_space<vmem>>, vector<16xf32>,
        tpu.vector_store %arg14[%swap3A_422, %swap3A_423, %swap3A_424], %unpack3A {strides = array<i32>} : memref<32x4x128xf32, #tpu.memory_space<vmem>>, vector<16xf32>,
        %swap3A_426 = arith.constant 1 : i32
        %swap3A_427 = arith.index_cast %swap3A_426 : i32 to index
        %swap3A_428 = arith.index_cast %shift_right_arithmetic3A_301 : i32 to index
        %swap3A_429 = arith.index_cast %shift_left3A_303 : i32 to index
        %swap3A_430 = tpu.vector_load %arg14[%swap3A_427, %swap3A_428, %swap3A_429] {strides = array<i32>} : memref<32x4x128xf32, #tpu.memory_space<vmem>>, vector<16xf32>,
        tpu.vector_store %arg14[%swap3A_427, %swap3A_428, %swap3A_429], %unpack3A_316 {strides = array<i32>} : memref<32x4x128xf32, #tpu.memory_space<vmem>>, vector<16xf32>,
        %swap3A_431 = arith.constant 2 : i32
        %swap3A_432 = arith.index_cast %swap3A_431 : i32 to index
        %swap3A_433 = arith.index_cast %shift_right_arithmetic3A_301 : i32 to index
        %swap3A_434 = arith.index_cast %shift_left3A_303 : i32 to index
        %swap3A_435 = tpu.vector_load %arg14[%swap3A_432, %swap3A_433, %swap3A_434] {strides = array<i32>} : memref<32x4x128xf32, #tpu.memory_space<vmem>>, vector<16xf32>,
        tpu.vector_store %arg14[%swap3A_432, %swap3A_433, %swap3A_434], %unpack3A_322 {strides = array<i32>} : memref<32x4x128xf32, #tpu.memory_space<vmem>>, vector<16xf32>,
        %swap3A_436 = arith.constant 3 : i32
        %swap3A_437 = arith.index_cast %swap3A_436 : i32 to index
        %swap3A_438 = arith.index_cast %shift_right_arithmetic3A_301 : i32 to index
        %swap3A_439 = arith.index_cast %shift_left3A_303 : i32 to index
        %swap3A_440 = tpu.vector_load %arg14[%swap3A_437, %swap3A_438, %swap3A_439] {strides = array<i32>} : memref<32x4x128xf32, #tpu.memory_space<vmem>>, vector<16xf32>,
        tpu.vector_store %arg14[%swap3A_437, %swap3A_438, %swap3A_439], %unpack3A_323 {strides = array<i32>} : memref<32x4x128xf32, #tpu.memory_space<vmem>>, vector<16xf32>,
        %swap3A_441 = arith.constant 4 : i32
        %swap3A_442 = arith.index_cast %swap3A_441 : i32 to index
        %swap3A_443 = arith.index_cast %shift_right_arithmetic3A_301 : i32 to index
        %swap3A_444 = arith.index_cast %shift_left3A_303 : i32 to index
        %swap3A_445 = tpu.vector_load %arg14[%swap3A_442, %swap3A_443, %swap3A_444] {strides = array<i32>} : memref<32x4x128xf32, #tpu.memory_space<vmem>>, vector<16xf32>,
        tpu.vector_store %arg14[%swap3A_442, %swap3A_443, %swap3A_444], %unpack3A_329 {strides = array<i32>} : memref<32x4x128xf32, #tpu.memory_space<vmem>>, vector<16xf32>,
        %swap3A_446 = arith.constant 5 : i32
        %swap3A_447 = arith.index_cast %swap3A_446 : i32 to index
        %swap3A_448 = arith.index_cast %shift_right_arithmetic3A_301 : i32 to index
        %swap3A_449 = arith.index_cast %shift_left3A_303 : i32 to index
        %swap3A_450 = tpu.vector_load %arg14[%swap3A_447, %swap3A_448, %swap3A_449] {strides = array<i32>} : memref<32x4x128xf32, #tpu.memory_space<vmem>>, vector<16xf32>,
        tpu.vector_store %arg14[%swap3A_447, %swap3A_448, %swap3A_449], %unpack3A_330 {strides = array<i32>} : memref<32x4x128xf32, #tpu.memory_space<vmem>>, vector<16xf32>,
        %swap3A_451 = arith.constant 6 : i32
        %swap3A_452 = arith.index_cast %swap3A_451 : i32 to index
        %swap3A_453 = arith.index_cast %shift_right_arithmetic3A_301 : i32 to index
        %swap3A_454 = arith.index_cast %shift_left3A_303 : i32 to index
        %swap3A_455 = tpu.vector_load %arg14[%swap3A_452, %swap3A_453, %swap3A_454] {strides = array<i32>} : memref<32x4x128xf32, #tpu.memory_space<vmem>>, vector<16xf32>,
        tpu.vector_store %arg14[%swap3A_452, %swap3A_453, %swap3A_454], %unpack3A_336 {strides = array<i32>} : memref<32x4x128xf32, #tpu.memory_space<vmem>>, vector<16xf32>,
        %swap3A_456 = arith.constant 7 : i32
        %swap3A_457 = arith.index_cast %swap3A_456 : i32 to index
        %swap3A_458 = arith.index_cast %shift_right_arithmetic3A_301 : i32 to index
        %swap3A_459 = arith.index_cast %shift_left3A_303 : i32 to index
        %swap3A_460 = tpu.vector_load %arg14[%swap3A_457, %swap3A_458, %swap3A_459] {strides = array<i32>} : memref<32x4x128xf32, #tpu.memory_space<vmem>>, vector<16xf32>,
        tpu.vector_store %arg14[%swap3A_457, %swap3A_458, %swap3A_459], %unpack3A_337 {strides = array<i32>} : memref<32x4x128xf32, #tpu.memory_space<vmem>>, vector<16xf32>,
        %swap3A_461 = arith.constant 8 : i32
        %swap3A_462 = arith.index_cast %swap3A_461 : i32 to index
        %swap3A_463 = arith.index_cast %shift_right_arithmetic3A_301 : i32 to index
        %swap3A_464 = arith.index_cast %shift_left3A_303 : i32 to index
        %swap3A_465 = tpu.vector_load %arg14[%swap3A_462, %swap3A_463, %swap3A_464] {strides = array<i32>} : memref<32x4x128xf32, #tpu.memory_space<vmem>>, vector<16xf32>,
        tpu.vector_store %arg14[%swap3A_462, %swap3A_463, %swap3A_464], %unpack3A_343 {strides = array<i32>} : memref<32x4x128xf32, #tpu.memory_space<vmem>>, vector<16xf32>,
        %swap3A_466 = arith.constant 9 : i32
        %swap3A_467 = arith.index_cast %swap3A_466 : i32 to index
        %swap3A_468 = arith.index_cast %shift_right_arithmetic3A_301 : i32 to index
        %swap3A_469 = arith.index_cast %shift_left3A_303 : i32 to index
        %swap3A_470 = tpu.vector_load %arg14[%swap3A_467, %swap3A_468, %swap3A_469] {strides = array<i32>} : memref<32x4x128xf32, #tpu.memory_space<vmem>>, vector<16xf32>,
        tpu.vector_store %arg14[%swap3A_467, %swap3A_468, %swap3A_469], %unpack3A_344 {strides = array<i32>} : memref<32x4x128xf32, #tpu.memory_space<vmem>>, vector<16xf32>,
        %swap3A_471 = arith.constant 10 : i32
        %swap3A_472 = arith.index_cast %swap3A_471 : i32 to index
        %swap3A_473 = arith.index_cast %shift_right_arithmetic3A_301 : i32 to index
        %swap3A_474 = arith.index_cast %shift_left3A_303 : i32 to index
        %swap3A_475 = tpu.vector_load %arg14[%swap3A_472, %swap3A_473, %swap3A_474] {strides = array<i32>} : memref<32x4x128xf32, #tpu.memory_space<vmem>>, vector<16xf32>,
        tpu.vector_store %arg14[%swap3A_472, %swap3A_473, %swap3A_474], %unpack3A_350 {strides = array<i32>} : memref<32x4x128xf32, #tpu.memory_space<vmem>>, vector<16xf32>,
        %swap3A_476 = arith.constant 11 : i32
        %swap3A_477 = arith.index_cast %swap3A_476 : i32 to index
        %swap3A_478 = arith.index_cast %shift_right_arithmetic3A_301 : i32 to index
        %swap3A_479 = arith.index_cast %shift_left3A_303 : i32 to index
        %swap3A_480 = tpu.vector_load %arg14[%swap3A_477, %swap3A_478, %swap3A_479] {strides = array<i32>} : memref<32x4x128xf32, #tpu.memory_space<vmem>>, vector<16xf32>,
        tpu.vector_store %arg14[%swap3A_477, %swap3A_478, %swap3A_479], %unpack3A_351 {strides = array<i32>} : memref<32x4x128xf32, #tpu.memory_space<vmem>>, vector<16xf32>,
        %swap3A_481 = arith.constant 12 : i32
        %swap3A_482 = arith.index_cast %swap3A_481 : i32 to index
        %swap3A_483 = arith.index_cast %shift_right_arithmetic3A_301 : i32 to index
        %swap3A_484 = arith.index_cast %shift_left3A_303 : i32 to index
        %swap3A_485 = tpu.vector_load %arg14[%swap3A_482, %swap3A_483, %swap3A_484] {strides = array<i32>} : memref<32x4x128xf32, #tpu.memory_space<vmem>>, vector<16xf32>,
        tpu.vector_store %arg14[%swap3A_482, %swap3A_483, %swap3A_484], %unpack3A_357 {strides = array<i32>} : memref<32x4x128xf32, #tpu.memory_space<vmem>>, vector<16xf32>,
        %swap3A_486 = arith.constant 13 : i32
        %swap3A_487 = arith.index_cast %swap3A_486 : i32 to index
        %swap3A_488 = arith.index_cast %shift_right_arithmetic3A_301 : i32 to index
        %swap3A_489 = arith.index_cast %shift_left3A_303 : i32 to index
        %swap3A_490 = tpu.vector_load %arg14[%swap3A_487, %swap3A_488, %swap3A_489] {strides = array<i32>} : memref<32x4x128xf32, #tpu.memory_space<vmem>>, vector<16xf32>,
        tpu.vector_store %arg14[%swap3A_487, %swap3A_488, %swap3A_489], %unpack3A_358 {strides = array<i32>} : memref<32x4x128xf32, #tpu.memory_space<vmem>>, vector<16xf32>,
        %swap3A_491 = arith.constant 14 : i32
        %swap3A_492 = arith.index_cast %swap3A_491 : i32 to index
        %swap3A_493 = arith.index_cast %shift_right_arithmetic3A_301 : i32 to index
        %swap3A_494 = arith.index_cast %shift_left3A_303 : i32 to index
        %swap3A_495 = tpu.vector_load %arg14[%swap3A_492, %swap3A_493, %swap3A_494] {strides = array<i32>} : memref<32x4x128xf32, #tpu.memory_space<vmem>>, vector<16xf32>,
        tpu.vector_store %arg14[%swap3A_492, %swap3A_493, %swap3A_494], %unpack3A_364 {strides = array<i32>} : memref<32x4x128xf32, #tpu.memory_space<vmem>>, vector<16xf32>,
        %swap3A_496 = arith.constant 15 : i32
        %swap3A_497 = arith.index_cast %swap3A_496 : i32 to index
        %swap3A_498 = arith.index_cast %shift_right_arithmetic3A_301 : i32 to index
        %swap3A_499 = arith.index_cast %shift_left3A_303 : i32 to index
        %swap3A_500 = tpu.vector_load %arg14[%swap3A_497, %swap3A_498, %swap3A_499] {strides = array<i32>} : memref<32x4x128xf32, #tpu.memory_space<vmem>>, vector<16xf32>,
        tpu.vector_store %arg14[%swap3A_497, %swap3A_498, %swap3A_499], %unpack3A_365 {strides = array<i32>} : memref<32x4x128xf32, #tpu.memory_space<vmem>>, vector<16xf32>,
        %swap3A_501 = arith.constant 16 : i32
        %swap3A_502 = arith.index_cast %swap3A_501 : i32 to index
        %swap3A_503 = arith.index_cast %shift_right_arithmetic3A_301 : i32 to index
        %swap3A_504 = arith.index_cast %shift_left3A_303 : i32 to index
        %swap3A_505 = tpu.vector_load %arg14[%swap3A_502, %swap3A_503, %swap3A_504] {strides = array<i32>} : memref<32x4x128xf32, #tpu.memory_space<vmem>>, vector<16xf32>,
        tpu.vector_store %arg14[%swap3A_502, %swap3A_503, %swap3A_504], %unpack3A_371 {strides = array<i32>} : memref<32x4x128xf32, #tpu.memory_space<vmem>>, vector<16xf32>,
        %swap3A_506 = arith.constant 17 : i32
        %swap3A_507 = arith.index_cast %swap3A_506 : i32 to index
        %swap3A_508 = arith.index_cast %shift_right_arithmetic3A_301 : i32 to index
        %swap3A_509 = arith.index_cast %shift_left3A_303 : i32 to index
        %swap3A_510 = tpu.vector_load %arg14[%swap3A_507, %swap3A_508, %swap3A_509] {strides = array<i32>} : memref<32x4x128xf32, #tpu.memory_space<vmem>>, vector<16xf32>,
        tpu.vector_store %arg14[%swap3A_507, %swap3A_508, %swap3A_509], %unpack3A_372 {strides = array<i32>} : memref<32x4x128xf32, #tpu.memory_space<vmem>>, vector<16xf32>,
        %swap3A_511 = arith.constant 18 : i32
        %swap3A_512 = arith.index_cast %swap3A_511 : i32 to index
        %swap3A_513 = arith.index_cast %shift_right_arithmetic3A_301 : i32 to index
        %swap3A_514 = arith.index_cast %shift_left3A_303 : i32 to index
        %swap3A_515 = tpu.vector_load %arg14[%swap3A_512, %swap3A_513, %swap3A_514] {strides = array<i32>} : memref<32x4x128xf32, #tpu.memory_space<vmem>>, vector<16xf32>,
        tpu.vector_store %arg14[%swap3A_512, %swap3A_513, %swap3A_514], %unpack3A_378 {strides = array<i32>} : memref<32x4x128xf32, #tpu.memory_space<vmem>>, vector<16xf32>,
        %swap3A_516 = arith.constant 19 : i32
        %swap3A_517 = arith.index_cast %swap3A_516 : i32 to index
        %swap3A_518 = arith.index_cast %shift_right_arithmetic3A_301 : i32 to index
        %swap3A_519 = arith.index_cast %shift_left3A_303 : i32 to index
        %swap3A_520 = tpu.vector_load %arg14[%swap3A_517, %swap3A_518, %swap3A_519] {strides = array<i32>} : memref<32x4x128xf32, #tpu.memory_space<vmem>>, vector<16xf32>,
        tpu.vector_store %arg14[%swap3A_517, %swap3A_518, %swap3A_519], %unpack3A_379 {strides = array<i32>} : memref<32x4x128xf32, #tpu.memory_space<vmem>>, vector<16xf32>,
        %swap3A_521 = arith.constant 20 : i32
        %swap3A_522 = arith.index_cast %swap3A_521 : i32 to index
        %swap3A_523 = arith.index_cast %shift_right_arithmetic3A_301 : i32 to index
        %swap3A_524 = arith.index_cast %shift_left3A_303 : i32 to index
        %swap3A_525 = tpu.vector_load %arg14[%swap3A_522, %swap3A_523, %swap3A_524] {strides = array<i32>} : memref<32x4x128xf32, #tpu.memory_space<vmem>>, vector<16xf32>,
        tpu.vector_store %arg14[%swap3A_522, %swap3A_523, %swap3A_524], %unpack3A_385 {strides = array<i32>} : memref<32x4x128xf32, #tpu.memory_space<vmem>>, vector<16xf32>,
        %swap3A_526 = arith.constant 21 : i32
        %swap3A_527 = arith.index_cast %swap3A_526 : i32 to index
        %swap3A_528 = arith.index_cast %shift_right_arithmetic3A_301 : i32 to index
        %swap3A_529 = arith.index_cast %shift_left3A_303 : i32 to index
        %swap3A_530 = tpu.vector_load %arg14[%swap3A_527, %swap3A_528, %swap3A_529] {strides = array<i32>} : memref<32x4x128xf32, #tpu.memory_space<vmem>>, vector<16xf32>,
        tpu.vector_store %arg14[%swap3A_527, %swap3A_528, %swap3A_529], %unpack3A_386 {strides = array<i32>} : memref<32x4x128xf32, #tpu.memory_space<vmem>>, vector<16xf32>,
        %swap3A_531 = arith.constant 22 : i32
        %swap3A_532 = arith.index_cast %swap3A_531 : i32 to index
        %swap3A_533 = arith.index_cast %shift_right_arithmetic3A_301 : i32 to index
        %swap3A_534 = arith.index_cast %shift_left3A_303 : i32 to index
        %swap3A_535 = tpu.vector_load %arg14[%swap3A_532, %swap3A_533, %swap3A_534] {strides = array<i32>} : memref<32x4x128xf32, #tpu.memory_space<vmem>>, vector<16xf32>,
        tpu.vector_store %arg14[%swap3A_532, %swap3A_533, %swap3A_534], %unpack3A_392 {strides = array<i32>} : memref<32x4x128xf32, #tpu.memory_space<vmem>>, vector<16xf32>,
        %swap3A_536 = arith.constant 23 : i32
        %swap3A_537 = arith.index_cast %swap3A_536 : i32 to index
        %swap3A_538 = arith.index_cast %shift_right_arithmetic3A_301 : i32 to index
        %swap3A_539 = arith.index_cast %shift_left3A_303 : i32 to index
        %swap3A_540 = tpu.vector_load %arg14[%swap3A_537, %swap3A_538, %swap3A_539] {strides = array<i32>} : memref<32x4x128xf32, #tpu.memory_space<vmem>>, vector<16xf32>,
        tpu.vector_store %arg14[%swap3A_537, %swap3A_538, %swap3A_539], %unpack3A_393 {strides = array<i32>} : memref<32x4x128xf32, #tpu.memory_space<vmem>>, vector<16xf32>,
        %swap3A_541 = arith.constant 24 : i32
        %swap3A_542 = arith.index_cast %swap3A_541 : i32 to index
        %swap3A_543 = arith.index_cast %shift_right_arithmetic3A_301 : i32 to index
        %swap3A_544 = arith.index_cast %shift_left3A_303 : i32 to index
        %swap3A_545 = tpu.vector_load %arg14[%swap3A_542, %swap3A_543, %swap3A_544] {strides = array<i32>} : memref<32x4x128xf32, #tpu.memory_space<vmem>>, vector<16xf32>,
        tpu.vector_store %arg14[%swap3A_542, %swap3A_543, %swap3A_544], %unpack3A_399 {strides = array<i32>} : memref<32x4x128xf32, #tpu.memory_space<vmem>>, vector<16xf32>,
        %swap3A_546 = arith.constant 25 : i32
        %swap3A_547 = arith.index_cast %swap3A_546 : i32 to index
        %swap3A_548 = arith.index_cast %shift_right_arithmetic3A_301 : i32 to index
        %swap3A_549 = arith.index_cast %shift_left3A_303 : i32 to index
        %swap3A_550 = tpu.vector_load %arg14[%swap3A_547, %swap3A_548, %swap3A_549] {strides = array<i32>} : memref<32x4x128xf32, #tpu.memory_space<vmem>>, vector<16xf32>,
        tpu.vector_store %arg14[%swap3A_547, %swap3A_548, %swap3A_549], %unpack3A_400 {strides = array<i32>} : memref<32x4x128xf32, #tpu.memory_space<vmem>>, vector<16xf32>,
        %swap3A_551 = arith.constant 26 : i32
        %swap3A_552 = arith.index_cast %swap3A_551 : i32 to index
        %swap3A_553 = arith.index_cast %shift_right_arithmetic3A_301 : i32 to index
        %swap3A_554 = arith.index_cast %shift_left3A_303 : i32 to index
        %swap3A_555 = tpu.vector_load %arg14[%swap3A_552, %swap3A_553, %swap3A_554] {strides = array<i32>} : memref<32x4x128xf32, #tpu.memory_space<vmem>>, vector<16xf32>,
        tpu.vector_store %arg14[%swap3A_552, %swap3A_553, %swap3A_554], %unpack3A_406 {strides = array<i32>} : memref<32x4x128xf32, #tpu.memory_space<vmem>>, vector<16xf32>,
        %swap3A_556 = arith.constant 27 : i32
        %swap3A_557 = arith.index_cast %swap3A_556 : i32 to index
        %swap3A_558 = arith.index_cast %shift_right_arithmetic3A_301 : i32 to index
        %swap3A_559 = arith.index_cast %shift_left3A_303 : i32 to index
        %swap3A_560 = tpu.vector_load %arg14[%swap3A_557, %swap3A_558, %swap3A_559] {strides = array<i32>} : memref<32x4x128xf32, #tpu.memory_space<vmem>>, vector<16xf32>,
        tpu.vector_store %arg14[%swap3A_557, %swap3A_558, %swap3A_559], %unpack3A_407 {strides = array<i32>} : memref<32x4x128xf32, #tpu.memory_space<vmem>>, vector<16xf32>,
        %swap3A_561 = arith.constant 28 : i32
        %swap3A_562 = arith.index_cast %swap3A_561 : i32 to index
        %swap3A_563 = arith.index_cast %shift_right_arithmetic3A_301 : i32 to index
        %swap3A_564 = arith.index_cast %shift_left3A_303 : i32 to index
        %swap3A_565 = tpu.vector_load %arg14[%swap3A_562, %swap3A_563, %swap3A_564] {strides = array<i32>} : memref<32x4x128xf32, #tpu.memory_space<vmem>>, vector<16xf32>,
        tpu.vector_store %arg14[%swap3A_562, %swap3A_563, %swap3A_564], %unpack3A_413 {strides = array<i32>} : memref<32x4x128xf32, #tpu.memory_space<vmem>>, vector<16xf32>,
        %swap3A_566 = arith.constant 29 : i32
        %swap3A_567 = arith.index_cast %swap3A_566 : i32 to index
        %swap3A_568 = arith.index_cast %shift_right_arithmetic3A_301 : i32 to index
        %swap3A_569 = arith.index_cast %shift_left3A_303 : i32 to index
        %swap3A_570 = tpu.vector_load %arg14[%swap3A_567, %swap3A_568, %swap3A_569] {strides = array<i32>} : memref<32x4x128xf32, #tpu.memory_space<vmem>>, vector<16xf32>,
        tpu.vector_store %arg14[%swap3A_567, %swap3A_568, %swap3A_569], %unpack3A_414 {strides = array<i32>} : memref<32x4x128xf32, #tpu.memory_space<vmem>>, vector<16xf32>,
        %swap3A_571 = arith.constant 30 : i32
        %swap3A_572 = arith.index_cast %swap3A_571 : i32 to index
        %swap3A_573 = arith.index_cast %shift_right_arithmetic3A_301 : i32 to index
        %swap3A_574 = arith.index_cast %shift_left3A_303 : i32 to index
        %swap3A_575 = tpu.vector_load %arg14[%swap3A_572, %swap3A_573, %swap3A_574] {strides = array<i32>} : memref<32x4x128xf32, #tpu.memory_space<vmem>>, vector<16xf32>,
        tpu.vector_store %arg14[%swap3A_572, %swap3A_573, %swap3A_574], %unpack3A_420 {strides = array<i32>} : memref<32x4x128xf32, #tpu.memory_space<vmem>>, vector<16xf32>,
        %swap3A_576 = arith.constant 31 : i32
        %swap3A_577 = arith.index_cast %swap3A_576 : i32 to index
        %swap3A_578 = arith.index_cast %shift_right_arithmetic3A_301 : i32 to index
        %swap3A_579 = arith.index_cast %shift_left3A_303 : i32 to index
        %swap3A_580 = tpu.vector_load %arg14[%swap3A_577, %swap3A_578, %swap3A_579] {strides = array<i32>} : memref<32x4x128xf32, #tpu.memory_space<vmem>>, vector<16xf32>,
        tpu.vector_store %arg14[%swap3A_577, %swap3A_578, %swap3A_579], %unpack3A_421 {strides = array<i32>} : memref<32x4x128xf32, #tpu.memory_space<vmem>>, vector<16xf32>,
      }
      %scan3A_262 = arith.constant 32 : i32
      %dma_start3A_263 = arith.constant 0 : i32
      %dma_start3A_264 = arith.constant 0 : i32
      %dma_start3A_265 = tpu.memref_slice %arg6[%add3A_196, %dma_start3A_263, %mul3A_245, %dma_start3A_264] : memref<128x32x128x128xf32, #tpu.memory_space<hbm>> -> memref<1x32x4x128xf32, #tpu.memory_space<hbm>>
      %dma_start3A_266 = tpu.memref_squeeze %dma_start3A_265 : memref<1x32x4x128xf32, #tpu.memory_space<hbm>> -> memref<32x4x128xf32, #tpu.memory_space<hbm>>
      %dma_start3A_267 = arith.constant 0 : i32
      %dma_start3A_268 = arith.constant 0 : i32
      %dma_start3A_269 = tpu.memref_slice %arg6[%add3A_196, %dma_start3A_267, %mul3A_245, %dma_start3A_268] : memref<128x32x128x128xf32, #tpu.memory_space<hbm>> -> memref<1x32x4x128xf32, #tpu.memory_space<hbm>>
      %dma_start3A_270 = tpu.memref_squeeze %dma_start3A_269 : memref<1x32x4x128xf32, #tpu.memory_space<hbm>> -> memref<32x4x128xf32, #tpu.memory_space<hbm>>
      tpu.enqueue_dma source(%arg14 : memref<32x4x128xf32, #tpu.memory_space<vmem>>) target(%dma_start3A_270 : memref<32x4x128xf32, #tpu.memory_space<hbm>>) target_semaphore(%arg16 : memref<!tpu.dma_semaphore, #tpu.memory_space<semaphore_mem>>)
      %dma_wait3A_271 = arith.constant 0 : i32
      %dma_wait3A_272 = arith.constant 0 : i32
      %dma_wait3A_273 = arith.constant 0 : i32
      %dma_wait3A_274 = arith.constant 0 : i32
      %dma_wait3A_275 = tpu.memref_slice %arg6[%dma_wait3A_271, %dma_wait3A_272, %dma_wait3A_273, %dma_wait3A_274] : memref<128x32x128x128xf32, #tpu.memory_space<hbm>> -> memref<1x32x4x128xf32, #tpu.memory_space<hbm>>
      %dma_wait3A_276 = tpu.memref_squeeze %dma_wait3A_275 : memref<1x32x4x128xf32, #tpu.memory_space<hbm>> -> memref<32x4x128xf32, #tpu.memory_space<hbm>>
      %dma_wait3A_277 = arith.constant 0 : i32
      %dma_wait3A_278 = arith.constant 0 : i32
      %dma_wait3A_279 = arith.constant 0 : i32
      %dma_wait3A_280 = tpu.memref_slice %arg6[%dma_wait3A_271, %dma_wait3A_277, %dma_wait3A_278, %dma_wait3A_279] : memref<128x32x128x128xf32, #tpu.memory_space<hbm>> -> memref<1x32x4x128xf32, #tpu.memory_space<hbm>>
      %dma_wait3A_281 = tpu.memref_squeeze %dma_wait3A_280 : memref<1x32x4x128xf32, #tpu.memory_space<hbm>> -> memref<32x4x128xf32, #tpu.memory_space<hbm>>
      tpu.wait_dma2 semaphore(%arg17 : memref<!tpu.dma_semaphore, #tpu.memory_space<semaphore_mem>>) src(%arg15 : memref<32x4x128xf32, #tpu.memory_space<vmem>>) dst(%dma_wait3A_281 : memref<32x4x128xf32, #tpu.memory_space<hbm>>)
      %add3A_282 = arith.constant 4 : i32
      %add3A_283 = arith.addi %mul3A_245, %add3A_282 : i32
      %scan3A_284 = arith.constant 0 : i32
      %scan3A_285 = arith.constant 0 : i32
      %scan3A_286 = arith.constant 32 : i32
      %scan3A_287 = arith.addi %scan3A_285, %scan3A_286 : i32
      %scan3A_288 = arith.constant 1 : i32
      scf.for %scan3A_300 = %scan3A_285 to %scan3A_287 step %scan3A_288  : i32 {
        %shift_right_arithmetic3A = arith.constant 3 : i32
        %shift_right_arithmetic3A_301 = arith.shrsi %scan3A_300, %shift_right_arithmetic3A : i32
        %and3A = arith.constant 7 : i32
        %and3A_302 = arith.andi %scan3A_300, %and3A : i32
        %shift_left3A = arith.constant 4 : i32
        %shift_left3A_303 = arith.shli %and3A_302, %shift_left3A : i32
        %add3A_304 = arith.addi %add3A_283, %shift_right_arithmetic3A_301 : i32
        %get3A = arith.index_cast %add3A_304 : i32 to index
        %get3A_305 = arith.index_cast %shift_left3A_303 : i32 to index
        %get3A_306 = tpu.vector_load %arg12[%get3A, %get3A_305] {strides = array<i32>} : memref<128x128xi32, #tpu.memory_space<vmem>>, vector<16xi32>,
        %add3A_307 = arith.addi %add3A_283, %shift_right_arithmetic3A_301 : i32
        %get3A_308 = arith.index_cast %add3A_307 : i32 to index
        %get3A_309 = arith.index_cast %shift_left3A_303 : i32 to index
        %get3A_310 = tpu.vector_load %arg13[%get3A_308, %get3A_309] {strides = array<i32>} : memref<128x128xi32, #tpu.memory_space<vmem>>, vector<16xi32>,
        %mul3A_311 = arith.constant 4 : i32
        %mul3A_312 = vector.broadcast %mul3A_311 : i32 to vector<16xi32>
        %mul3A_313 = arith.muli %get3A_306, %mul3A_312 : vector<16xi32>
        %add3A_314 = arith.addi %mul3A_313, %get3A_310 : vector<16xi32>
        %gather3A_315 = tpu.vector_load_idx %arg9[%add3A_314] : memref<2368xi32, #tpu.memory_space<vmem>>[vector<16xi32>], vector<16xi32>,
        %bitcast3A = vector.bitcast %gather3A_315 : vector<16xi32> to vector<32xbf16>
        %unpack3A = tpu.unpack_subelements %bitcast3A, 0 {pack_format = #tpu.pack_format<interleaved>} : vector<32xbf16> -> vector<16xf32>
        %unpack3A_316 = tpu.unpack_subelements %bitcast3A, 1 {pack_format = #tpu.pack_format<interleaved>} : vector<32xbf16> -> vector<16xf32>
        %add3A_317 = arith.constant 148 : i32
        %add3A_318 = vector.broadcast %add3A_317 : i32 to vector<16xi32>
        %add3A_319 = arith.addi %add3A_314, %add3A_318 : vector<16xi32>
        %gather3A_320 = tpu.vector_load_idx %arg9[%add3A_319] : memref<2368xi32, #tpu.memory_space<vmem>>[vector<16xi32>], vector<16xi32>,
        %bitcast3A_321 = vector.bitcast %gather3A_320 : vector<16xi32> to vector<32xbf16>
        %unpack3A_322 = tpu.unpack_subelements %bitcast3A_321, 0 {pack_format = #tpu.pack_format<interleaved>} : vector<32xbf16> -> vector<16xf32>
        %unpack3A_323 = tpu.unpack_subelements %bitcast3A_321, 1 {pack_format = #tpu.pack_format<interleaved>} : vector<32xbf16> -> vector<16xf32>
        %add3A_324 = arith.constant 296 : i32
        %add3A_325 = vector.broadcast %add3A_324 : i32 to vector<16xi32>
        %add3A_326 = arith.addi %add3A_314, %add3A_325 : vector<16xi32>
        %gather3A_327 = tpu.vector_load_idx %arg9[%add3A_326] : memref<2368xi32, #tpu.memory_space<vmem>>[vector<16xi32>], vector<16xi32>,
        %bitcast3A_328 = vector.bitcast %gather3A_327 : vector<16xi32> to vector<32xbf16>
        %unpack3A_329 = tpu.unpack_subelements %bitcast3A_328, 0 {pack_format = #tpu.pack_format<interleaved>} : vector<32xbf16> -> vector<16xf32>
        %unpack3A_330 = tpu.unpack_subelements %bitcast3A_328, 1 {pack_format = #tpu.pack_format<interleaved>} : vector<32xbf16> -> vector<16xf32>
        %add3A_331 = arith.constant 444 : i32
        %add3A_332 = vector.broadcast %add3A_331 : i32 to vector<16xi32>
        %add3A_333 = arith.addi %add3A_314, %add3A_332 : vector<16xi32>
        %gather3A_334 = tpu.vector_load_idx %arg9[%add3A_333] : memref<2368xi32, #tpu.memory_space<vmem>>[vector<16xi32>], vector<16xi32>,
        %bitcast3A_335 = vector.bitcast %gather3A_334 : vector<16xi32> to vector<32xbf16>
        %unpack3A_336 = tpu.unpack_subelements %bitcast3A_335, 0 {pack_format = #tpu.pack_format<interleaved>} : vector<32xbf16> -> vector<16xf32>
        %unpack3A_337 = tpu.unpack_subelements %bitcast3A_335, 1 {pack_format = #tpu.pack_format<interleaved>} : vector<32xbf16> -> vector<16xf32>
        %add3A_338 = arith.constant 592 : i32
        %add3A_339 = vector.broadcast %add3A_338 : i32 to vector<16xi32>
        %add3A_340 = arith.addi %add3A_314, %add3A_339 : vector<16xi32>
        %gather3A_341 = tpu.vector_load_idx %arg9[%add3A_340] : memref<2368xi32, #tpu.memory_space<vmem>>[vector<16xi32>], vector<16xi32>,
        %bitcast3A_342 = vector.bitcast %gather3A_341 : vector<16xi32> to vector<32xbf16>
        %unpack3A_343 = tpu.unpack_subelements %bitcast3A_342, 0 {pack_format = #tpu.pack_format<interleaved>} : vector<32xbf16> -> vector<16xf32>
        %unpack3A_344 = tpu.unpack_subelements %bitcast3A_342, 1 {pack_format = #tpu.pack_format<interleaved>} : vector<32xbf16> -> vector<16xf32>
        %add3A_345 = arith.constant 740 : i32
        %add3A_346 = vector.broadcast %add3A_345 : i32 to vector<16xi32>
        %add3A_347 = arith.addi %add3A_314, %add3A_346 : vector<16xi32>
        %gather3A_348 = tpu.vector_load_idx %arg9[%add3A_347] : memref<2368xi32, #tpu.memory_space<vmem>>[vector<16xi32>], vector<16xi32>,
        %bitcast3A_349 = vector.bitcast %gather3A_348 : vector<16xi32> to vector<32xbf16>
        %unpack3A_350 = tpu.unpack_subelements %bitcast3A_349, 0 {pack_format = #tpu.pack_format<interleaved>} : vector<32xbf16> -> vector<16xf32>
        %unpack3A_351 = tpu.unpack_subelements %bitcast3A_349, 1 {pack_format = #tpu.pack_format<interleaved>} : vector<32xbf16> -> vector<16xf32>
        %add3A_352 = arith.constant 888 : i32
        %add3A_353 = vector.broadcast %add3A_352 : i32 to vector<16xi32>
        %add3A_354 = arith.addi %add3A_314, %add3A_353 : vector<16xi32>
        %gather3A_355 = tpu.vector_load_idx %arg9[%add3A_354] : memref<2368xi32, #tpu.memory_space<vmem>>[vector<16xi32>], vector<16xi32>,
        %bitcast3A_356 = vector.bitcast %gather3A_355 : vector<16xi32> to vector<32xbf16>
        %unpack3A_357 = tpu.unpack_subelements %bitcast3A_356, 0 {pack_format = #tpu.pack_format<interleaved>} : vector<32xbf16> -> vector<16xf32>
        %unpack3A_358 = tpu.unpack_subelements %bitcast3A_356, 1 {pack_format = #tpu.pack_format<interleaved>} : vector<32xbf16> -> vector<16xf32>
        %add3A_359 = arith.constant 1036 : i32
        %add3A_360 = vector.broadcast %add3A_359 : i32 to vector<16xi32>
        %add3A_361 = arith.addi %add3A_314, %add3A_360 : vector<16xi32>
        %gather3A_362 = tpu.vector_load_idx %arg9[%add3A_361] : memref<2368xi32, #tpu.memory_space<vmem>>[vector<16xi32>], vector<16xi32>,
        %bitcast3A_363 = vector.bitcast %gather3A_362 : vector<16xi32> to vector<32xbf16>
        %unpack3A_364 = tpu.unpack_subelements %bitcast3A_363, 0 {pack_format = #tpu.pack_format<interleaved>} : vector<32xbf16> -> vector<16xf32>
        %unpack3A_365 = tpu.unpack_subelements %bitcast3A_363, 1 {pack_format = #tpu.pack_format<interleaved>} : vector<32xbf16> -> vector<16xf32>
        %add3A_366 = arith.constant 1184 : i32
        %add3A_367 = vector.broadcast %add3A_366 : i32 to vector<16xi32>
        %add3A_368 = arith.addi %add3A_314, %add3A_367 : vector<16xi32>
        %gather3A_369 = tpu.vector_load_idx %arg9[%add3A_368] : memref<2368xi32, #tpu.memory_space<vmem>>[vector<16xi32>], vector<16xi32>,
        %bitcast3A_370 = vector.bitcast %gather3A_369 : vector<16xi32> to vector<32xbf16>
        %unpack3A_371 = tpu.unpack_subelements %bitcast3A_370, 0 {pack_format = #tpu.pack_format<interleaved>} : vector<32xbf16> -> vector<16xf32>
        %unpack3A_372 = tpu.unpack_subelements %bitcast3A_370, 1 {pack_format = #tpu.pack_format<interleaved>} : vector<32xbf16> -> vector<16xf32>
        %add3A_373 = arith.constant 1332 : i32
        %add3A_374 = vector.broadcast %add3A_373 : i32 to vector<16xi32>
        %add3A_375 = arith.addi %add3A_314, %add3A_374 : vector<16xi32>
        %gather3A_376 = tpu.vector_load_idx %arg9[%add3A_375] : memref<2368xi32, #tpu.memory_space<vmem>>[vector<16xi32>], vector<16xi32>,
        %bitcast3A_377 = vector.bitcast %gather3A_376 : vector<16xi32> to vector<32xbf16>
        %unpack3A_378 = tpu.unpack_subelements %bitcast3A_377, 0 {pack_format = #tpu.pack_format<interleaved>} : vector<32xbf16> -> vector<16xf32>
        %unpack3A_379 = tpu.unpack_subelements %bitcast3A_377, 1 {pack_format = #tpu.pack_format<interleaved>} : vector<32xbf16> -> vector<16xf32>
        %add3A_380 = arith.constant 1480 : i32
        %add3A_381 = vector.broadcast %add3A_380 : i32 to vector<16xi32>
        %add3A_382 = arith.addi %add3A_314, %add3A_381 : vector<16xi32>
        %gather3A_383 = tpu.vector_load_idx %arg9[%add3A_382] : memref<2368xi32, #tpu.memory_space<vmem>>[vector<16xi32>], vector<16xi32>,
        %bitcast3A_384 = vector.bitcast %gather3A_383 : vector<16xi32> to vector<32xbf16>
        %unpack3A_385 = tpu.unpack_subelements %bitcast3A_384, 0 {pack_format = #tpu.pack_format<interleaved>} : vector<32xbf16> -> vector<16xf32>
        %unpack3A_386 = tpu.unpack_subelements %bitcast3A_384, 1 {pack_format = #tpu.pack_format<interleaved>} : vector<32xbf16> -> vector<16xf32>
        %add3A_387 = arith.constant 1628 : i32
        %add3A_388 = vector.broadcast %add3A_387 : i32 to vector<16xi32>
        %add3A_389 = arith.addi %add3A_314, %add3A_388 : vector<16xi32>
        %gather3A_390 = tpu.vector_load_idx %arg9[%add3A_389] : memref<2368xi32, #tpu.memory_space<vmem>>[vector<16xi32>], vector<16xi32>,
        %bitcast3A_391 = vector.bitcast %gather3A_390 : vector<16xi32> to vector<32xbf16>
        %unpack3A_392 = tpu.unpack_subelements %bitcast3A_391, 0 {pack_format = #tpu.pack_format<interleaved>} : vector<32xbf16> -> vector<16xf32>
        %unpack3A_393 = tpu.unpack_subelements %bitcast3A_391, 1 {pack_format = #tpu.pack_format<interleaved>} : vector<32xbf16> -> vector<16xf32>
        %add3A_394 = arith.constant 1776 : i32
        %add3A_395 = vector.broadcast %add3A_394 : i32 to vector<16xi32>
        %add3A_396 = arith.addi %add3A_314, %add3A_395 : vector<16xi32>
        %gather3A_397 = tpu.vector_load_idx %arg9[%add3A_396] : memref<2368xi32, #tpu.memory_space<vmem>>[vector<16xi32>], vector<16xi32>,
        %bitcast3A_398 = vector.bitcast %gather3A_397 : vector<16xi32> to vector<32xbf16>
        %unpack3A_399 = tpu.unpack_subelements %bitcast3A_398, 0 {pack_format = #tpu.pack_format<interleaved>} : vector<32xbf16> -> vector<16xf32>
        %unpack3A_400 = tpu.unpack_subelements %bitcast3A_398, 1 {pack_format = #tpu.pack_format<interleaved>} : vector<32xbf16> -> vector<16xf32>
        %add3A_401 = arith.constant 1924 : i32
        %add3A_402 = vector.broadcast %add3A_401 : i32 to vector<16xi32>
        %add3A_403 = arith.addi %add3A_314, %add3A_402 : vector<16xi32>
        %gather3A_404 = tpu.vector_load_idx %arg9[%add3A_403] : memref<2368xi32, #tpu.memory_space<vmem>>[vector<16xi32>], vector<16xi32>,
        %bitcast3A_405 = vector.bitcast %gather3A_404 : vector<16xi32> to vector<32xbf16>
        %unpack3A_406 = tpu.unpack_subelements %bitcast3A_405, 0 {pack_format = #tpu.pack_format<interleaved>} : vector<32xbf16> -> vector<16xf32>
        %unpack3A_407 = tpu.unpack_subelements %bitcast3A_405, 1 {pack_format = #tpu.pack_format<interleaved>} : vector<32xbf16> -> vector<16xf32>
        %add3A_408 = arith.constant 2072 : i32
        %add3A_409 = vector.broadcast %add3A_408 : i32 to vector<16xi32>
        %add3A_410 = arith.addi %add3A_314, %add3A_409 : vector<16xi32>
        %gather3A_411 = tpu.vector_load_idx %arg9[%add3A_410] : memref<2368xi32, #tpu.memory_space<vmem>>[vector<16xi32>], vector<16xi32>,
        %bitcast3A_412 = vector.bitcast %gather3A_411 : vector<16xi32> to vector<32xbf16>
        %unpack3A_413 = tpu.unpack_subelements %bitcast3A_412, 0 {pack_format = #tpu.pack_format<interleaved>} : vector<32xbf16> -> vector<16xf32>
        %unpack3A_414 = tpu.unpack_subelements %bitcast3A_412, 1 {pack_format = #tpu.pack_format<interleaved>} : vector<32xbf16> -> vector<16xf32>
        %add3A_415 = arith.constant 2220 : i32
        %add3A_416 = vector.broadcast %add3A_415 : i32 to vector<16xi32>
        %add3A_417 = arith.addi %add3A_314, %add3A_416 : vector<16xi32>
        %gather3A_418 = tpu.vector_load_idx %arg9[%add3A_417] : memref<2368xi32, #tpu.memory_space<vmem>>[vector<16xi32>], vector<16xi32>,
        %bitcast3A_419 = vector.bitcast %gather3A_418 : vector<16xi32> to vector<32xbf16>
        %unpack3A_420 = tpu.unpack_subelements %bitcast3A_419, 0 {pack_format = #tpu.pack_format<interleaved>} : vector<32xbf16> -> vector<16xf32>
        %unpack3A_421 = tpu.unpack_subelements %bitcast3A_419, 1 {pack_format = #tpu.pack_format<interleaved>} : vector<32xbf16> -> vector<16xf32>
        %swap3A = arith.constant 0 : i32
        %swap3A_422 = arith.index_cast %swap3A : i32 to index
        %swap3A_423 = arith.index_cast %shift_right_arithmetic3A_301 : i32 to index
        %swap3A_424 = arith.index_cast %shift_left3A_303 : i32 to index
        %swap3A_425 = tpu.vector_load %arg15[%swap3A_422, %swap3A_423, %swap3A_424] {strides = array<i32>} : memref<32x4x128xf32, #tpu.memory_space<vmem>>, vector<16xf32>,
        tpu.vector_store %arg15[%swap3A_422, %swap3A_423, %swap3A_424], %unpack3A {strides = array<i32>} : memref<32x4x128xf32, #tpu.memory_space<vmem>>, vector<16xf32>,
        %swap3A_426 = arith.constant 1 : i32
        %swap3A_427 = arith.index_cast %swap3A_426 : i32 to index
        %swap3A_428 = arith.index_cast %shift_right_arithmetic3A_301 : i32 to index
        %swap3A_429 = arith.index_cast %shift_left3A_303 : i32 to index
        %swap3A_430 = tpu.vector_load %arg15[%swap3A_427, %swap3A_428, %swap3A_429] {strides = array<i32>} : memref<32x4x128xf32, #tpu.memory_space<vmem>>, vector<16xf32>,
        tpu.vector_store %arg15[%swap3A_427, %swap3A_428, %swap3A_429], %unpack3A_316 {strides = array<i32>} : memref<32x4x128xf32, #tpu.memory_space<vmem>>, vector<16xf32>,
        %swap3A_431 = arith.constant 2 : i32
        %swap3A_432 = arith.index_cast %swap3A_431 : i32 to index
        %swap3A_433 = arith.index_cast %shift_right_arithmetic3A_301 : i32 to index
        %swap3A_434 = arith.index_cast %shift_left3A_303 : i32 to index
        %swap3A_435 = tpu.vector_load %arg15[%swap3A_432, %swap3A_433, %swap3A_434] {strides = array<i32>} : memref<32x4x128xf32, #tpu.memory_space<vmem>>, vector<16xf32>,
        tpu.vector_store %arg15[%swap3A_432, %swap3A_433, %swap3A_434], %unpack3A_322 {strides = array<i32>} : memref<32x4x128xf32, #tpu.memory_space<vmem>>, vector<16xf32>,
        %swap3A_436 = arith.constant 3 : i32
        %swap3A_437 = arith.index_cast %swap3A_436 : i32 to index
        %swap3A_438 = arith.index_cast %shift_right_arithmetic3A_301 : i32 to index
        %swap3A_439 = arith.index_cast %shift_left3A_303 : i32 to index
        %swap3A_440 = tpu.vector_load %arg15[%swap3A_437, %swap3A_438, %swap3A_439] {strides = array<i32>} : memref<32x4x128xf32, #tpu.memory_space<vmem>>, vector<16xf32>,
        tpu.vector_store %arg15[%swap3A_437, %swap3A_438, %swap3A_439], %unpack3A_323 {strides = array<i32>} : memref<32x4x128xf32, #tpu.memory_space<vmem>>, vector<16xf32>,
        %swap3A_441 = arith.constant 4 : i32
        %swap3A_442 = arith.index_cast %swap3A_441 : i32 to index
        %swap3A_443 = arith.index_cast %shift_right_arithmetic3A_301 : i32 to index
        %swap3A_444 = arith.index_cast %shift_left3A_303 : i32 to index
        %swap3A_445 = tpu.vector_load %arg15[%swap3A_442, %swap3A_443, %swap3A_444] {strides = array<i32>} : memref<32x4x128xf32, #tpu.memory_space<vmem>>, vector<16xf32>,
        tpu.vector_store %arg15[%swap3A_442, %swap3A_443, %swap3A_444], %unpack3A_329 {strides = array<i32>} : memref<32x4x128xf32, #tpu.memory_space<vmem>>, vector<16xf32>,
        %swap3A_446 = arith.constant 5 : i32
        %swap3A_447 = arith.index_cast %swap3A_446 : i32 to index
        %swap3A_448 = arith.index_cast %shift_right_arithmetic3A_301 : i32 to index
        %swap3A_449 = arith.index_cast %shift_left3A_303 : i32 to index
        %swap3A_450 = tpu.vector_load %arg15[%swap3A_447, %swap3A_448, %swap3A_449] {strides = array<i32>} : memref<32x4x128xf32, #tpu.memory_space<vmem>>, vector<16xf32>,
        tpu.vector_store %arg15[%swap3A_447, %swap3A_448, %swap3A_449], %unpack3A_330 {strides = array<i32>} : memref<32x4x128xf32, #tpu.memory_space<vmem>>, vector<16xf32>,
        %swap3A_451 = arith.constant 6 : i32
        %swap3A_452 = arith.index_cast %swap3A_451 : i32 to index
        %swap3A_453 = arith.index_cast %shift_right_arithmetic3A_301 : i32 to index
        %swap3A_454 = arith.index_cast %shift_left3A_303 : i32 to index
        %swap3A_455 = tpu.vector_load %arg15[%swap3A_452, %swap3A_453, %swap3A_454] {strides = array<i32>} : memref<32x4x128xf32, #tpu.memory_space<vmem>>, vector<16xf32>,
        tpu.vector_store %arg15[%swap3A_452, %swap3A_453, %swap3A_454], %unpack3A_336 {strides = array<i32>} : memref<32x4x128xf32, #tpu.memory_space<vmem>>, vector<16xf32>,
        %swap3A_456 = arith.constant 7 : i32
        %swap3A_457 = arith.index_cast %swap3A_456 : i32 to index
        %swap3A_458 = arith.index_cast %shift_right_arithmetic3A_301 : i32 to index
        %swap3A_459 = arith.index_cast %shift_left3A_303 : i32 to index
        %swap3A_460 = tpu.vector_load %arg15[%swap3A_457, %swap3A_458, %swap3A_459] {strides = array<i32>} : memref<32x4x128xf32, #tpu.memory_space<vmem>>, vector<16xf32>,
        tpu.vector_store %arg15[%swap3A_457, %swap3A_458, %swap3A_459], %unpack3A_337 {strides = array<i32>} : memref<32x4x128xf32, #tpu.memory_space<vmem>>, vector<16xf32>,
        %swap3A_461 = arith.constant 8 : i32
        %swap3A_462 = arith.index_cast %swap3A_461 : i32 to index
        %swap3A_463 = arith.index_cast %shift_right_arithmetic3A_301 : i32 to index
        %swap3A_464 = arith.index_cast %shift_left3A_303 : i32 to index
        %swap3A_465 = tpu.vector_load %arg15[%swap3A_462, %swap3A_463, %swap3A_464] {strides = array<i32>} : memref<32x4x128xf32, #tpu.memory_space<vmem>>, vector<16xf32>,
        tpu.vector_store %arg15[%swap3A_462, %swap3A_463, %swap3A_464], %unpack3A_343 {strides = array<i32>} : memref<32x4x128xf32, #tpu.memory_space<vmem>>, vector<16xf32>,
        %swap3A_466 = arith.constant 9 : i32
        %swap3A_467 = arith.index_cast %swap3A_466 : i32 to index
        %swap3A_468 = arith.index_cast %shift_right_arithmetic3A_301 : i32 to index
        %swap3A_469 = arith.index_cast %shift_left3A_303 : i32 to index
        %swap3A_470 = tpu.vector_load %arg15[%swap3A_467, %swap3A_468, %swap3A_469] {strides = array<i32>} : memref<32x4x128xf32, #tpu.memory_space<vmem>>, vector<16xf32>,
        tpu.vector_store %arg15[%swap3A_467, %swap3A_468, %swap3A_469], %unpack3A_344 {strides = array<i32>} : memref<32x4x128xf32, #tpu.memory_space<vmem>>, vector<16xf32>,
        %swap3A_471 = arith.constant 10 : i32
        %swap3A_472 = arith.index_cast %swap3A_471 : i32 to index
        %swap3A_473 = arith.index_cast %shift_right_arithmetic3A_301 : i32 to index
        %swap3A_474 = arith.index_cast %shift_left3A_303 : i32 to index
        %swap3A_475 = tpu.vector_load %arg15[%swap3A_472, %swap3A_473, %swap3A_474] {strides = array<i32>} : memref<32x4x128xf32, #tpu.memory_space<vmem>>, vector<16xf32>,
        tpu.vector_store %arg15[%swap3A_472, %swap3A_473, %swap3A_474], %unpack3A_350 {strides = array<i32>} : memref<32x4x128xf32, #tpu.memory_space<vmem>>, vector<16xf32>,
        %swap3A_476 = arith.constant 11 : i32
        %swap3A_477 = arith.index_cast %swap3A_476 : i32 to index
        %swap3A_478 = arith.index_cast %shift_right_arithmetic3A_301 : i32 to index
        %swap3A_479 = arith.index_cast %shift_left3A_303 : i32 to index
        %swap3A_480 = tpu.vector_load %arg15[%swap3A_477, %swap3A_478, %swap3A_479] {strides = array<i32>} : memref<32x4x128xf32, #tpu.memory_space<vmem>>, vector<16xf32>,
        tpu.vector_store %arg15[%swap3A_477, %swap3A_478, %swap3A_479], %unpack3A_351 {strides = array<i32>} : memref<32x4x128xf32, #tpu.memory_space<vmem>>, vector<16xf32>,
        %swap3A_481 = arith.constant 12 : i32
        %swap3A_482 = arith.index_cast %swap3A_481 : i32 to index
        %swap3A_483 = arith.index_cast %shift_right_arithmetic3A_301 : i32 to index
        %swap3A_484 = arith.index_cast %shift_left3A_303 : i32 to index
        %swap3A_485 = tpu.vector_load %arg15[%swap3A_482, %swap3A_483, %swap3A_484] {strides = array<i32>} : memref<32x4x128xf32, #tpu.memory_space<vmem>>, vector<16xf32>,
        tpu.vector_store %arg15[%swap3A_482, %swap3A_483, %swap3A_484], %unpack3A_357 {strides = array<i32>} : memref<32x4x128xf32, #tpu.memory_space<vmem>>, vector<16xf32>,
        %swap3A_486 = arith.constant 13 : i32
        %swap3A_487 = arith.index_cast %swap3A_486 : i32 to index
        %swap3A_488 = arith.index_cast %shift_right_arithmetic3A_301 : i32 to index
        %swap3A_489 = arith.index_cast %shift_left3A_303 : i32 to index
        %swap3A_490 = tpu.vector_load %arg15[%swap3A_487, %swap3A_488, %swap3A_489] {strides = array<i32>} : memref<32x4x128xf32, #tpu.memory_space<vmem>>, vector<16xf32>,
        tpu.vector_store %arg15[%swap3A_487, %swap3A_488, %swap3A_489], %unpack3A_358 {strides = array<i32>} : memref<32x4x128xf32, #tpu.memory_space<vmem>>, vector<16xf32>,
        %swap3A_491 = arith.constant 14 : i32
        %swap3A_492 = arith.index_cast %swap3A_491 : i32 to index
        %swap3A_493 = arith.index_cast %shift_right_arithmetic3A_301 : i32 to index
        %swap3A_494 = arith.index_cast %shift_left3A_303 : i32 to index
        %swap3A_495 = tpu.vector_load %arg15[%swap3A_492, %swap3A_493, %swap3A_494] {strides = array<i32>} : memref<32x4x128xf32, #tpu.memory_space<vmem>>, vector<16xf32>,
        tpu.vector_store %arg15[%swap3A_492, %swap3A_493, %swap3A_494], %unpack3A_364 {strides = array<i32>} : memref<32x4x128xf32, #tpu.memory_space<vmem>>, vector<16xf32>,
        %swap3A_496 = arith.constant 15 : i32
        %swap3A_497 = arith.index_cast %swap3A_496 : i32 to index
        %swap3A_498 = arith.index_cast %shift_right_arithmetic3A_301 : i32 to index
        %swap3A_499 = arith.index_cast %shift_left3A_303 : i32 to index
        %swap3A_500 = tpu.vector_load %arg15[%swap3A_497, %swap3A_498, %swap3A_499] {strides = array<i32>} : memref<32x4x128xf32, #tpu.memory_space<vmem>>, vector<16xf32>,
        tpu.vector_store %arg15[%swap3A_497, %swap3A_498, %swap3A_499], %unpack3A_365 {strides = array<i32>} : memref<32x4x128xf32, #tpu.memory_space<vmem>>, vector<16xf32>,
        %swap3A_501 = arith.constant 16 : i32
        %swap3A_502 = arith.index_cast %swap3A_501 : i32 to index
        %swap3A_503 = arith.index_cast %shift_right_arithmetic3A_301 : i32 to index
        %swap3A_504 = arith.index_cast %shift_left3A_303 : i32 to index
        %swap3A_505 = tpu.vector_load %arg15[%swap3A_502, %swap3A_503, %swap3A_504] {strides = array<i32>} : memref<32x4x128xf32, #tpu.memory_space<vmem>>, vector<16xf32>,
        tpu.vector_store %arg15[%swap3A_502, %swap3A_503, %swap3A_504], %unpack3A_371 {strides = array<i32>} : memref<32x4x128xf32, #tpu.memory_space<vmem>>, vector<16xf32>,
        %swap3A_506 = arith.constant 17 : i32
        %swap3A_507 = arith.index_cast %swap3A_506 : i32 to index
        %swap3A_508 = arith.index_cast %shift_right_arithmetic3A_301 : i32 to index
        %swap3A_509 = arith.index_cast %shift_left3A_303 : i32 to index
        %swap3A_510 = tpu.vector_load %arg15[%swap3A_507, %swap3A_508, %swap3A_509] {strides = array<i32>} : memref<32x4x128xf32, #tpu.memory_space<vmem>>, vector<16xf32>,
        tpu.vector_store %arg15[%swap3A_507, %swap3A_508, %swap3A_509], %unpack3A_372 {strides = array<i32>} : memref<32x4x128xf32, #tpu.memory_space<vmem>>, vector<16xf32>,
        %swap3A_511 = arith.constant 18 : i32
        %swap3A_512 = arith.index_cast %swap3A_511 : i32 to index
        %swap3A_513 = arith.index_cast %shift_right_arithmetic3A_301 : i32 to index
        %swap3A_514 = arith.index_cast %shift_left3A_303 : i32 to index
        %swap3A_515 = tpu.vector_load %arg15[%swap3A_512, %swap3A_513, %swap3A_514] {strides = array<i32>} : memref<32x4x128xf32, #tpu.memory_space<vmem>>, vector<16xf32>,
        tpu.vector_store %arg15[%swap3A_512, %swap3A_513, %swap3A_514], %unpack3A_378 {strides = array<i32>} : memref<32x4x128xf32, #tpu.memory_space<vmem>>, vector<16xf32>,
        %swap3A_516 = arith.constant 19 : i32
        %swap3A_517 = arith.index_cast %swap3A_516 : i32 to index
        %swap3A_518 = arith.index_cast %shift_right_arithmetic3A_301 : i32 to index
        %swap3A_519 = arith.index_cast %shift_left3A_303 : i32 to index
        %swap3A_520 = tpu.vector_load %arg15[%swap3A_517, %swap3A_518, %swap3A_519] {strides = array<i32>} : memref<32x4x128xf32, #tpu.memory_space<vmem>>, vector<16xf32>,
        tpu.vector_store %arg15[%swap3A_517, %swap3A_518, %swap3A_519], %unpack3A_379 {strides = array<i32>} : memref<32x4x128xf32, #tpu.memory_space<vmem>>, vector<16xf32>,
        %swap3A_521 = arith.constant 20 : i32
        %swap3A_522 = arith.index_cast %swap3A_521 : i32 to index
        %swap3A_523 = arith.index_cast %shift_right_arithmetic3A_301 : i32 to index
        %swap3A_524 = arith.index_cast %shift_left3A_303 : i32 to index
        %swap3A_525 = tpu.vector_load %arg15[%swap3A_522, %swap3A_523, %swap3A_524] {strides = array<i32>} : memref<32x4x128xf32, #tpu.memory_space<vmem>>, vector<16xf32>,
        tpu.vector_store %arg15[%swap3A_522, %swap3A_523, %swap3A_524], %unpack3A_385 {strides = array<i32>} : memref<32x4x128xf32, #tpu.memory_space<vmem>>, vector<16xf32>,
        %swap3A_526 = arith.constant 21 : i32
        %swap3A_527 = arith.index_cast %swap3A_526 : i32 to index
        %swap3A_528 = arith.index_cast %shift_right_arithmetic3A_301 : i32 to index
        %swap3A_529 = arith.index_cast %shift_left3A_303 : i32 to index
        %swap3A_530 = tpu.vector_load %arg15[%swap3A_527, %swap3A_528, %swap3A_529] {strides = array<i32>} : memref<32x4x128xf32, #tpu.memory_space<vmem>>, vector<16xf32>,
        tpu.vector_store %arg15[%swap3A_527, %swap3A_528, %swap3A_529], %unpack3A_386 {strides = array<i32>} : memref<32x4x128xf32, #tpu.memory_space<vmem>>, vector<16xf32>,
        %swap3A_531 = arith.constant 22 : i32
        %swap3A_532 = arith.index_cast %swap3A_531 : i32 to index
        %swap3A_533 = arith.index_cast %shift_right_arithmetic3A_301 : i32 to index
        %swap3A_534 = arith.index_cast %shift_left3A_303 : i32 to index
        %swap3A_535 = tpu.vector_load %arg15[%swap3A_532, %swap3A_533, %swap3A_534] {strides = array<i32>} : memref<32x4x128xf32, #tpu.memory_space<vmem>>, vector<16xf32>,
        tpu.vector_store %arg15[%swap3A_532, %swap3A_533, %swap3A_534], %unpack3A_392 {strides = array<i32>} : memref<32x4x128xf32, #tpu.memory_space<vmem>>, vector<16xf32>,
        %swap3A_536 = arith.constant 23 : i32
        %swap3A_537 = arith.index_cast %swap3A_536 : i32 to index
        %swap3A_538 = arith.index_cast %shift_right_arithmetic3A_301 : i32 to index
        %swap3A_539 = arith.index_cast %shift_left3A_303 : i32 to index
        %swap3A_540 = tpu.vector_load %arg15[%swap3A_537, %swap3A_538, %swap3A_539] {strides = array<i32>} : memref<32x4x128xf32, #tpu.memory_space<vmem>>, vector<16xf32>,
        tpu.vector_store %arg15[%swap3A_537, %swap3A_538, %swap3A_539], %unpack3A_393 {strides = array<i32>} : memref<32x4x128xf32, #tpu.memory_space<vmem>>, vector<16xf32>,
        %swap3A_541 = arith.constant 24 : i32
        %swap3A_542 = arith.index_cast %swap3A_541 : i32 to index
        %swap3A_543 = arith.index_cast %shift_right_arithmetic3A_301 : i32 to index
        %swap3A_544 = arith.index_cast %shift_left3A_303 : i32 to index
        %swap3A_545 = tpu.vector_load %arg15[%swap3A_542, %swap3A_543, %swap3A_544] {strides = array<i32>} : memref<32x4x128xf32, #tpu.memory_space<vmem>>, vector<16xf32>,
        tpu.vector_store %arg15[%swap3A_542, %swap3A_543, %swap3A_544], %unpack3A_399 {strides = array<i32>} : memref<32x4x128xf32, #tpu.memory_space<vmem>>, vector<16xf32>,
        %swap3A_546 = arith.constant 25 : i32
        %swap3A_547 = arith.index_cast %swap3A_546 : i32 to index
        %swap3A_548 = arith.index_cast %shift_right_arithmetic3A_301 : i32 to index
        %swap3A_549 = arith.index_cast %shift_left3A_303 : i32 to index
        %swap3A_550 = tpu.vector_load %arg15[%swap3A_547, %swap3A_548, %swap3A_549] {strides = array<i32>} : memref<32x4x128xf32, #tpu.memory_space<vmem>>, vector<16xf32>,
        tpu.vector_store %arg15[%swap3A_547, %swap3A_548, %swap3A_549], %unpack3A_400 {strides = array<i32>} : memref<32x4x128xf32, #tpu.memory_space<vmem>>, vector<16xf32>,
        %swap3A_551 = arith.constant 26 : i32
        %swap3A_552 = arith.index_cast %swap3A_551 : i32 to index
        %swap3A_553 = arith.index_cast %shift_right_arithmetic3A_301 : i32 to index
        %swap3A_554 = arith.index_cast %shift_left3A_303 : i32 to index
        %swap3A_555 = tpu.vector_load %arg15[%swap3A_552, %swap3A_553, %swap3A_554] {strides = array<i32>} : memref<32x4x128xf32, #tpu.memory_space<vmem>>, vector<16xf32>,
        tpu.vector_store %arg15[%swap3A_552, %swap3A_553, %swap3A_554], %unpack3A_406 {strides = array<i32>} : memref<32x4x128xf32, #tpu.memory_space<vmem>>, vector<16xf32>,
        %swap3A_556 = arith.constant 27 : i32
        %swap3A_557 = arith.index_cast %swap3A_556 : i32 to index
        %swap3A_558 = arith.index_cast %shift_right_arithmetic3A_301 : i32 to index
        %swap3A_559 = arith.index_cast %shift_left3A_303 : i32 to index
        %swap3A_560 = tpu.vector_load %arg15[%swap3A_557, %swap3A_558, %swap3A_559] {strides = array<i32>} : memref<32x4x128xf32, #tpu.memory_space<vmem>>, vector<16xf32>,
        tpu.vector_store %arg15[%swap3A_557, %swap3A_558, %swap3A_559], %unpack3A_407 {strides = array<i32>} : memref<32x4x128xf32, #tpu.memory_space<vmem>>, vector<16xf32>,
        %swap3A_561 = arith.constant 28 : i32
        %swap3A_562 = arith.index_cast %swap3A_561 : i32 to index
        %swap3A_563 = arith.index_cast %shift_right_arithmetic3A_301 : i32 to index
        %swap3A_564 = arith.index_cast %shift_left3A_303 : i32 to index
        %swap3A_565 = tpu.vector_load %arg15[%swap3A_562, %swap3A_563, %swap3A_564] {strides = array<i32>} : memref<32x4x128xf32, #tpu.memory_space<vmem>>, vector<16xf32>,
        tpu.vector_store %arg15[%swap3A_562, %swap3A_563, %swap3A_564], %unpack3A_413 {strides = array<i32>} : memref<32x4x128xf32, #tpu.memory_space<vmem>>, vector<16xf32>,
        %swap3A_566 = arith.constant 29 : i32
        %swap3A_567 = arith.index_cast %swap3A_566 : i32 to index
        %swap3A_568 = arith.index_cast %shift_right_arithmetic3A_301 : i32 to index
        %swap3A_569 = arith.index_cast %shift_left3A_303 : i32 to index
        %swap3A_570 = tpu.vector_load %arg15[%swap3A_567, %swap3A_568, %swap3A_569] {strides = array<i32>} : memref<32x4x128xf32, #tpu.memory_space<vmem>>, vector<16xf32>,
        tpu.vector_store %arg15[%swap3A_567, %swap3A_568, %swap3A_569], %unpack3A_414 {strides = array<i32>} : memref<32x4x128xf32, #tpu.memory_space<vmem>>, vector<16xf32>,
        %swap3A_571 = arith.constant 30 : i32
        %swap3A_572 = arith.index_cast %swap3A_571 : i32 to index
        %swap3A_573 = arith.index_cast %shift_right_arithmetic3A_301 : i32 to index
        %swap3A_574 = arith.index_cast %shift_left3A_303 : i32 to index
        %swap3A_575 = tpu.vector_load %arg15[%swap3A_572, %swap3A_573, %swap3A_574] {strides = array<i32>} : memref<32x4x128xf32, #tpu.memory_space<vmem>>, vector<16xf32>,
        tpu.vector_store %arg15[%swap3A_572, %swap3A_573, %swap3A_574], %unpack3A_420 {strides = array<i32>} : memref<32x4x128xf32, #tpu.memory_space<vmem>>, vector<16xf32>,
        %swap3A_576 = arith.constant 31 : i32
        %swap3A_577 = arith.index_cast %swap3A_576 : i32 to index
        %swap3A_578 = arith.index_cast %shift_right_arithmetic3A_301 : i32 to index
        %swap3A_579 = arith.index_cast %shift_left3A_303 : i32 to index
        %swap3A_580 = tpu.vector_load %arg15[%swap3A_577, %swap3A_578, %swap3A_579] {strides = array<i32>} : memref<32x4x128xf32, #tpu.memory_space<vmem>>, vector<16xf32>,
        tpu.vector_store %arg15[%swap3A_577, %swap3A_578, %swap3A_579], %unpack3A_421 {strides = array<i32>} : memref<32x4x128xf32, #tpu.memory_space<vmem>>, vector<16xf32>,
      }
      %scan3A_289 = arith.constant 32 : i32
      %add3A_290 = arith.constant 4 : i32
      %add3A_291 = arith.addi %mul3A_245, %add3A_290 : i32
      %dma_start3A_292 = arith.constant 0 : i32
      %dma_start3A_293 = arith.constant 0 : i32
      %dma_start3A_294 = tpu.memref_slice %arg6[%add3A_196, %dma_start3A_292, %add3A_291, %dma_start3A_293] : memref<128x32x128x128xf32, #tpu.memory_space<hbm>> -> memref<1x32x4x128xf32, #tpu.memory_space<hbm>>
      %dma_start3A_295 = tpu.memref_squeeze %dma_start3A_294 : memref<1x32x4x128xf32, #tpu.memory_space<hbm>> -> memref<32x4x128xf32, #tpu.memory_space<hbm>>
      %dma_start3A_296 = arith.constant 0 : i32
      %dma_start3A_297 = arith.constant 0 : i32
      %dma_start3A_298 = tpu.memref_slice %arg6[%add3A_196, %dma_start3A_296, %add3A_291, %dma_start3A_297] : memref<128x32x128x128xf32, #tpu.memory_space<hbm>> -> memref<1x32x4x128xf32, #tpu.memory_space<hbm>>
      %dma_start3A_299 = tpu.memref_squeeze %dma_start3A_298 : memref<1x32x4x128xf32, #tpu.memory_space<hbm>> -> memref<32x4x128xf32, #tpu.memory_space<hbm>>
      tpu.enqueue_dma source(%arg15 : memref<32x4x128xf32, #tpu.memory_space<vmem>>) target(%dma_start3A_299 : memref<32x4x128xf32, #tpu.memory_space<hbm>>) target_semaphore(%arg17 : memref<!tpu.dma_semaphore, #tpu.memory_space<semaphore_mem>>)
    }
    %scan3A_220 = arith.constant 16 : i32
    %dma_wait3A_221 = arith.constant 0 : i32
    %dma_wait3A_222 = arith.constant 0 : i32
    %dma_wait3A_223 = arith.constant 0 : i32
    %dma_wait3A_224 = arith.constant 0 : i32
    %dma_wait3A_225 = tpu.memref_slice %arg6[%dma_wait3A_221, %dma_wait3A_222, %dma_wait3A_223, %dma_wait3A_224] : memref<128x32x128x128xf32, #tpu.memory_space<hbm>> -> memref<1x32x4x128xf32, #tpu.memory_space<hbm>>
    %dma_wait3A_226 = tpu.memref_squeeze %dma_wait3A_225 : memref<1x32x4x128xf32, #tpu.memory_space<hbm>> -> memref<32x4x128xf32, #tpu.memory_space<hbm>>
    %dma_wait3A_227 = arith.constant 0 : i32
    %dma_wait3A_228 = arith.constant 0 : i32
    %dma_wait3A_229 = arith.constant 0 : i32
    %dma_wait3A_230 = tpu.memref_slice %arg6[%dma_wait3A_221, %dma_wait3A_227, %dma_wait3A_228, %dma_wait3A_229] : memref<128x32x128x128xf32, #tpu.memory_space<hbm>> -> memref<1x32x4x128xf32, #tpu.memory_space<hbm>>
    %dma_wait3A_231 = tpu.memref_squeeze %dma_wait3A_230 : memref<1x32x4x128xf32, #tpu.memory_space<hbm>> -> memref<32x4x128xf32, #tpu.memory_space<hbm>>
    tpu.wait_dma2 semaphore(%arg16 : memref<!tpu.dma_semaphore, #tpu.memory_space<semaphore_mem>>) src(%arg14 : memref<32x4x128xf32, #tpu.memory_space<vmem>>) dst(%dma_wait3A_231 : memref<32x4x128xf32, #tpu.memory_space<hbm>>)
    %dma_wait3A_232 = arith.constant 0 : i32
    %dma_wait3A_233 = arith.constant 0 : i32
    %dma_wait3A_234 = arith.constant 0 : i32
    %dma_wait3A_235 = arith.constant 0 : i32
    %dma_wait3A_236 = tpu.memref_slice %arg6[%dma_wait3A_232, %dma_wait3A_233, %dma_wait3A_234, %dma_wait3A_235] : memref<128x32x128x128xf32, #tpu.memory_space<hbm>> -> memref<1x32x4x128xf32, #tpu.memory_space<hbm>>
    %dma_wait3A_237 = tpu.memref_squeeze %dma_wait3A_236 : memref<1x32x4x128xf32, #tpu.memory_space<hbm>> -> memref<32x4x128xf32, #tpu.memory_space<hbm>>
    %dma_wait3A_238 = arith.constant 0 : i32
    %dma_wait3A_239 = arith.constant 0 : i32
    %dma_wait3A_240 = arith.constant 0 : i32
    %dma_wait3A_241 = tpu.memref_slice %arg6[%dma_wait3A_232, %dma_wait3A_238, %dma_wait3A_239, %dma_wait3A_240] : memref<128x32x128x128xf32, #tpu.memory_space<hbm>> -> memref<1x32x4x128xf32, #tpu.memory_space<hbm>>
    %dma_wait3A_242 = tpu.memref_squeeze %dma_wait3A_241 : memref<1x32x4x128xf32, #tpu.memory_space<hbm>> -> memref<32x4x128xf32, #tpu.memory_space<hbm>>
    tpu.wait_dma2 semaphore(%arg17 : memref<!tpu.dma_semaphore, #tpu.memory_space<semaphore_mem>>) src(%arg15 : memref<32x4x128xf32, #tpu.memory_space<vmem>>) dst(%dma_wait3A_242 : memref<32x4x128xf32, #tpu.memory_space<hbm>>)
    return
  }
}

</mosaic_0001>

<sc_bundles>
// kernel: kernel.3.cloned.1.call-start
scs
__scs_entry_jumppad:
0x0: {  	(pc) =	sbr.rel $0x88, $3  }
0x1: {  	(tag) =	ssettag $0x0;
	lr =	simm.s32 $0x1  }
0x2: {  	[smem:$0x3F9D] =	sst lr;
	_ =	strace $0xD0000000  }
0x3: {  	_ = 	snop  }
0x4: {  	_ = 	snop  }
0x5: {  	_ = 	snop  }
0x6: {  	_ = 	snop  }
0x7: {  	_ = 	snop  }
__scs_overlays_trampoline_lowered:
0x8: {  	[smem:$0x3FAC] =	sst s0  }
0x9: {  	[smem:$0x3FAD] =	sst s1  }
0xa: {  	[smem:$0x3FAE] =	sst s2  }
0xb: {  	[smem:$0x3FAF] =	sst s3  }
0xc: {  	[smem:$0x3FB0] =	sst s4  }
0xd: {  	[smem:$0x3FB1] =	sst s5  }
0xe: {  	[smem:$0x3FB2] =	sst s6  }
0xf: {  	[smem:$0x3FB3] =	sst s7  }
0x10: {  	[smem:$0x3FB4] =	sst s8  }
0x11: {  	[smem:$0x3FB5] =	sst s9;
	s0 =	simm.s32 @!p0 $0x0  }
0x12: {  	s1 =	sld [smem:$0x3F9B];
	s0 =	simm.s32 @p0 $0x1  }
0x13: {  	[smem:$0x3FB6] =	sst s0;
	s0 =	simm.s32 @!p1 $0x0  }
0x14: {  	s2 =	sld [smem:$0x3F9A];
	s0 =	simm.s32 @p1 $0x1  }
0x15: {  	[smem:$0x3FB7] =	sst s0;
	s0 =	simm.s32 @!p2 $0x0  }
0x16: {  	s3 =	sld [smem:$0x3FDB];
	s0 =	simm.s32 @p2 $0x1  }
0x17: {  	s4 =	simm.s32 $0x1BF5;
	[smem:$0x3FB9] =	sst s0  }
0x18: {  	s0 =	sld [smem:$0x3F9C];
	_ =	swait.ge [sflag:s4], $0x0  }
0x19: {  	s7 =	sld [smem:$0x3F9D]  }
0x1a: {  	s8 =	sadd.s32 $0xFFFFE003, lr  }
0x1b: {  	s9 =	sadd.s32 $0xFFFFFEF7, lr;
	s5 =	simm.s32 $0xFFFFFFFF;
	p2 =	slt.u32 s8, $0xFFFFF086  }
0x1c: {  	p1 =	slt.u32 s9, $0xF7A;
	s5 =	simm.s32 @!p2 $0x0  }
0x1d: {  	s5 =	simm.s32 @p1 $0x1;
	p0 =	seq.s32 s7, s2  }
0x1e: {  	s7 =	smul.u32 @!p0 $0xF7A, s2;
	p2 =	seq.s32 @!p0 s5, $0x0  }
0x1f: {  	s9 =	smul.u32 $0xF7A, s1;
	s8 =	simm.s32 @!p0 $0x1BF5;
	p2 =	por !p2, p0  }
0x20: {  	[sflag:s8] =	ssyncset.s32 @!p0 $0xFFFFF086;
	s6 =	sadd.s32 @!p0 s3, s7;
	s7 =	simm.s32 @!p0 $0x108  }
0x21: {  	s3 =	sadd.s32 s3, s9;
	s6 =	sadd.s32 @!p0 $0x88, s6;
	s7 =	simm.s32 @p2 $0x1082  }
0x22: {  	[simem:s7], [sflag:s8] =	dma.local @!p0 [hbm:s6], $0xF7A  }
0x23: {  	s9 =	sor.u32 $0xD0000000, s2;
	s6 =	simm.s32 $0x108;
	_ =	swait.ge @!p0 [sflag:s8], $0x0  }
0x24: {  	s3 =	sadd.s32 $0x88, s3;
	s6 =	simm.s32 @!p1 $0x1082;
	[sflag:s4] =	ssyncset.s32 $0xFFFFF086  }
0x25: {  	[simem:s6], [sflag:s4] =	dma.local [hbm:s3], $0xF7A  }
0x26: {  	[smem:$0x3F9D] =	sst s1;
	(tag) =	ssettag s2;
	_ =	strace s9  }
0x27: {  	s1 =	sld [smem:$0x3FAD]  }
0x28: {  	s2 =	sld [smem:$0x3FAE]  }
0x29: {  	s4 =	sld [smem:$0x3FB0]  }
0x2a: {  	p0 =	seq.s32 s5, $0x0;
	s5 =	sld [smem:$0x3FB1]  }
0x2b: {  	s6 =	sld [smem:$0x3FB2]  }
0x2c: {  	s7 =	sld [smem:$0x3FB3]  }
0x2d: {  	s3 =	simm.s32 $0x108;
	s8 =	sld [smem:$0x3FB4]  }
0x2e: {  	s3 =	simm.s32 @!p0 $0x1082;
	s9 =	sld [smem:$0x3FB5]  }
0x2f: {  	lr =	sadd.s32 s0, s3;
	s0 =	sld [smem:$0x3FAC]  }
0x30: {  	s3 =	sld [smem:$0x3FAF]  }
0x31: {  	[smem:$0x3FB8] =	sst s10  }
0x32: {  	s10 =	sld [smem:$0x3FB6];
	_ =	sdelay $0x3  }
0x33: {  	p0 =	seq.s32 s10, $0x1;
	s10 =	sld [smem:$0x3FB8];
	_ =	sdelay $0x3  }
0x34: {  	[smem:$0x3FB8] =	sst s10  }
0x35: {  	s10 =	sld [smem:$0x3FB7];
	_ =	sdelay $0x3  }
0x36: {  	p1 =	seq.s32 s10, $0x1;
	s10 =	sld [smem:$0x3FB8];
	_ =	sdelay $0x3  }
0x37: {  	[smem:$0x3FB8] =	sst s10  }
0x38: {  	s10 =	sld [smem:$0x3FB9]  }
0x39: {  	_ = 	snop;
	(pc) =	sbr.ind lr, $3  }
0x3a: {  	_ = 	snop  }
0x3b: {  	_ = 	snop  }
0x3c: {  	p2 =	seq.s32 s10, $0x1;
	s10 =	sld [smem:$0x3FB8]  }
0x3d: {  	_ =	shalt  }
0x3e: {  	_ =	shalt  }
0x3f: {  	_ =	shalt  }
0x40: {  	_ =	shalt  }
0x41: {  	_ =	shalt  }
0x42: {  	_ =	shalt  }
0x43: {  	_ =	shalt  }
0x44: {  	_ =	shalt  }
0x45: {  	_ =	shalt  }
0x46: {  	_ =	shalt  }
0x47: {  	_ =	shalt  }
0x48: {  	_ =	shalt  }
0x49: {  	_ =	shalt  }
0x4a: {  	_ =	shalt  }
0x4b: {  	_ =	shalt  }
0x4c: {  	_ =	shalt  }
0x4d: {  	_ =	shalt  }
0x4e: {  	_ =	shalt  }
0x4f: {  	_ =	shalt  }
0x50: {  	_ =	shalt  }
0x51: {  	_ =	shalt  }
0x52: {  	_ =	shalt  }
0x53: {  	_ =	shalt  }
0x54: {  	_ =	shalt  }
0x55: {  	_ =	shalt  }
0x56: {  	_ =	shalt  }
0x57: {  	_ =	shalt  }
0x58: {  	_ =	shalt  }
0x59: {  	_ =	shalt  }
0x5a: {  	_ =	shalt  }
0x5b: {  	_ =	shalt  }
0x5c: {  	_ =	shalt  }
0x5d: {  	_ =	shalt  }
0x5e: {  	_ =	shalt  }
0x5f: {  	_ =	shalt  }
0x60: {  	_ =	shalt  }
0x61: {  	_ =	shalt  }
0x62: {  	_ =	shalt  }
0x63: {  	_ =	shalt  }
0x64: {  	_ =	shalt  }
0x65: {  	_ =	shalt  }
0x66: {  	_ =	shalt  }
0x67: {  	_ =	shalt  }
0x68: {  	_ =	shalt  }
0x69: {  	_ =	shalt  }
0x6a: {  	_ =	shalt  }
0x6b: {  	_ =	shalt  }
0x6c: {  	_ =	shalt  }
0x6d: {  	_ =	shalt  }
0x6e: {  	_ =	shalt  }
0x6f: {  	_ =	shalt  }
0x70: {  	_ =	shalt  }
0x71: {  	_ =	shalt  }
0x72: {  	_ =	shalt  }
0x73: {  	_ =	shalt  }
0x74: {  	_ =	shalt  }
0x75: {  	_ =	shalt  }
0x76: {  	_ =	shalt  }
0x77: {  	_ =	shalt  }
0x78: {  	_ =	shalt  }
0x79: {  	_ =	shalt  }
0x7a: {  	_ =	shalt  }
0x7b: {  	_ =	shalt  }
0x7c: {  	_ =	shalt  }
0x7d: {  	_ =	shalt  }
0x7e: {  	_ =	shalt  }
0x7f: {  	_ =	shalt  }
0x80: {  	_ =	shalt  }
0x81: {  	_ =	shalt  }
0x82: {  	_ =	shalt  }
0x83: {  	_ =	shalt  }
0x84: {  	_ =	shalt  }
0x85: {  	_ =	shalt  }
0x86: {  	_ =	shalt  }
0x87: {  	_ =	shalt  }
.Lfunc_end0:
.L_simem_size_0:
called_computation_lowered:
.L_overlay_start_0:
0x88: {  	s2 =	sld [smem:$0x3FD9]  }
0x89: {  	s3 =	sld [smem:$0x3FFE];
	_ =	sdelay $0x1  }
0x8a: {  	s1 =	srdreg.scid  }
0x8b: {  	s0 =	sand.u32 $0x1, s1  }
0x8c: {  	s17 =	sshll.u32 s0, $0xA;
	s2 =	sadd.s32 s3, s2  }
0x8d: {  	s2 =	sadd.s32 s2, s17  }
0x8e: {  	[smem:$0x3FC4] =	sst s2  }
0x8f: {  	_ = 	snop  }
0x90: {  	s2 =	sld [smem:$0x3FC9]  }
0x91: {  	s18 =	sld [smem:$0x3FC8]  }
0x92: {  	s4 =	sld [smem:$0x3FD0];
	(tm) =	ssettm $0x1  }
0x93: {  	s5 =	sld [smem:$0x3FFB];
	_ =	sdelay $0x3  }
0x94: {  	_ =	strace s5  }
0x95: {  	s5 =	sld [smem:$0x3FFC];
	_ =	sdelay $0x3  }
0x96: {  	_ =	strace s5  }
0x97: {  	s5 =	sld [smem:$0x3FFD];
	_ =	sdelay $0x3  }
0x98: {  	_ =	strace s5  }
0x99: {  	_ =	strace $0x8FFFFFFF  }
0x9a: {  	s19 =	sld [smem:$0x3FDB];
	_ =	sdelay $0x1  }
0x9b: {  	s6 =	simm.s32 $_scs_section_size  }
0x9c: {  	s7 =	simm.s32 $_size__tile_overlayer_lowered;
	s8 =	simm.s32 $_tile_overlayer_lowered  }
0x9d: {  	s22 =	simm.s32 $0x1BFF;
	s21 =	sshll.u32 s8, $0x1;
	s5 =	sadd.s32 s6, s19  }
0x9e: {  	s9 =	simm.s32 $0x0;
	s20 =	sshll.u32 s7, $0x1;
	s7 =	sadd.s32 s21, s5  }
0x9f: {  	[timem:s9], [sflag:s22] =	dma.local [hbm:s7], s20  }
0xa0: {  	_ =	swait.ge [sflag:s22], s20  }
0xa1: {  	s6 =	ssub.s32 $0x0, s20;
	[sflag:s22] =	ssyncset.done $0x0  }
0xa2: {  	[sflag:s22] =	ssyncadd.s32 s6;
	_ =	sdelay $0x1  }
0xa3: {  	s23 =	simm.s32 $0x1B8B  }
0xa4: {  	_ =	swait.ge [sflag:s23], $0x1  }
0xa5: {  	[sflag:s23] =	ssyncset.done $0x0  }
0xa6: {  	s25 =	simm.s32 $0x1B8E;
	s24 =	sld [smem:$0x3FFE];
	[sflag:s23] =	ssyncadd.s32 $0xFFFFFFFF  }
0xa7: {  	s26 =	simm.s32 $execute0_lowered;
	[smem:$0x3FD2] =	sst s25  }
0xa8: {  	s7 =	sshll.u32 s26, $0x1;
	_ =	strace $0x80000046;
	[dreg:$0x1] =	wrdreg $0xFFFFFFFF  }
0xa9: {  	s28 =	simm.s32 $_size_execute0_lowered;
	s5 =	sadd.s32 s5, s7;
	[dreg:$0x0] =	wrdreg $0x0  }
0xaa: {  	s7 =	sshll.u32 s28, $0x1;
	[dreg:$0x2] =	wrdreg s5  }
0xab: {  	[dreg:$0x3] =	wrdreg s7  }
0xac: {  	[dreg:$0x4] =	wrdreg $0xC0  }
0xad: {  	_ =	task [dreg:s9], $0x5FFFF  }
0xae: {  	[dreg:$0x1] =	wrdreg $0xFFFFFFFF  }
0xaf: {  	[dreg:$0x0] =	wrdreg $0x60  }
0xb0: {  	[dreg:$0x2] =	wrdreg s24  }
0xb1: {  	[dreg:$0x3] =	wrdreg s2  }
0xb2: {  	[dreg:$0x4] =	wrdreg s18  }
0xb3: {  	[dreg:$0x5] =	wrdreg s4  }
0xb4: {  	[dreg:$0x6] =	wrdreg $0x9  }
0xb5: {  	_ =	task.clear_ibuf [dreg:s9], $0x7FFFF;
	_ =	strace $0x90000046  }
0xb6: {  	s29 =	simm.s32 $0x9;
	_ =	strace $0x80000048  }
0xb7: {  	_ =	swait.ge [sflag:s29], $0x1  }
0xb8: {  	[sflag:s29] =	ssyncadd.s32 $0xFFFFFFFF  }
0xb9: {  	_ =	strace $0x90000048  }
0xba: {  	_ =	sfence  }
0xbb: {  	s30 =	sld [smem:$0x0];
	_ =	sdelay $0x2  }
0xbc: {  	s31 =	sshll.u32 s1, $0xD;
	s1 =	sshrl.u32 s1, $0x2  }
0xbd: {  	s3 =	sand.u32 $0x4000, s31;
	s1 =	sadd.s32 s1, s30  }
0xbe: {  	s0 =	sor.u32 s3, s0;
	s1 =	sshll.u32 s1, $0x11  }
0xbf: {  	s0 =	sor.u32 s1, s0  }
0xc0: {  	s0 =	sadd.s32 $0x8F2B, s0  }
0xc1: {  	[sflag:s0] =	ssyncadd.remote.s32 $0x1  }
0xc2: {  	_ =	sfence.sel $0xFFFF  }
0xc3: {  	[dreg:$0x0] =	wrdreg $0xFFFFFFFF;
	(pc) =	sbr.abs _section_cstart, $3  }
0xc4: {  	[dreg:$0x1] =	wrdreg $0xFFFFFFFF  }
0xc5: {  	_ =	task.clear_ibuf [dreg:s9], $0x2FFFF;
	_ =	strace $0x9FFFFFFF  }
0xc6: {  	(tm) =	ssettm $0x7FFFFFFF  }
0xc7: {  	_ =	shalt  }
tec
execute0_lowered:
.L_overlay_start_1:
0x0: {  	(tag) =	ssettag $0x1  }
0x1: {  	s0 =	rddreg [dreg:$0x0]  }
0x2: {  	s1 =	rddreg [dreg:$0x1]  }
0x3: {  	s4 =	rddreg [dreg:$0x2]  }
0x4: {  	s2 =	rddreg [dreg:$0x3]  }
0x5: {  	s3 =	simm.s32 $0x0;
	s5 =	srdreg.scid;
	s6 =	stileid.u32  }
0x6: {  	s29 =	simm.s32 $0x200;
	s30 =	simm.s32 $0x4000;
	s31 =	simm.s32 $0x10F00  }
0x7: {  	[smem:$0x7FF] =	sst s3;
	s5 =	sand.u32 $0x1, s5;
	s6 =	sshll.u32 s6, $0x1  }
0x8: {  	s7 =	sadd.s32 $0x400, s0;
	s0 =	sadd.s32 $0x600, s0;
	s11 =	sadd.s32 $0x40, s2  }
0x9: {  	_ =	strace $0x80000047;
	s6 =	sor.u32 s5, s6;
	[dreg:$0x5] =	wrdreg s7  }
0xa: {  	s5 =	ssub.s32 $0x2, s5;
	[dreg:$0x6] =	wrdreg s0;
	s20 =	sshll.u32 s6, $0x2  }
0xb: {  	s21 =	sshrl.u32 s5, $0x1;
	s22 =	sshll.u32 s6, $0xD;
	s8 =	sor.u32 $0x1, s20  }
0xc: {  	s0 =	ssub.s32 s5, s21;
	s10 =	sadd.s32 s1, s22;
	s5 =	sadd.s32 s4, s22  }
0xd: {  	s25 =	sor.u32 $0x2, s20;
	s20 =	simm.s32 $0x4;
	s21 =	simm.s32 $0x80  }
0xe: {  	s22 =	simm.s32 $0x580;
	s9 =	sshll.u32 s8, $0xB;
	[dreg:$0x7] =	wrdreg s10  }
0xf: {  	[dreg:$0x8] =	wrdreg s5;
	s10 =	sshll.u32 s6, $0x12;
	s7 =	sshll.u32 s25, $0xB  }
0x10: {  	s6 =	sshllo.u32 s6, $0x2;
	s14 =	sshll.u32 s8, $0x10;
	s17 =	sshll.u32 s25, $0x10  }
0x11: {  	v8 =	vlaneseq.u32;
	s19 =	smax.u32 s0, $0x1;
	s25 =	simm.s32 $0x3;
	s23 =	sadd.s32 s1, s9  }
0x12: {  	v0 =	vmul.u32 $0x2, v8;
	s0 =	simm.s32 $0x14F00;
	s24 =	sadd.s32 s4, s9;
	[dreg:$0x9] =	wrdreg s23  }
0x13: {  	s26 =	sadd.s32 s1, s7;
	s7 =	sadd.s32 s4, s7;
	[dreg:$0xa] =	wrdreg s24  }
0x14: {  	v8 =	vmul.u32 $0x94, v8;
	v1 =	vor.u32 $0x20, v0;
	s28 =	sshll.u32 s6, $0xB;
	s18 =	sshll.u32 s6, $0x10;
	[dreg:$0xb] =	wrdreg s26  }
0x15: {  	v2 =	vor.u32 $0x40, v0;
	v3 =	vor.u32 $0x60, v0;
	v4 =	vor.u32 $0x21, v0;
	[dreg:$0xc] =	wrdreg s7;
	s15 =	sadd.s32 s1, s28;
	s16 =	sadd.s32 s4, s28  }
0x16: {  	v5 =	vor.u32 $0x41, v0;
	v6 =	vor.u32 $0x61, v0;
	v7 =	vor.u32 $0x1, v0;
	s1 =	simm.s32 $0x1;
	s23 =	simm.s32 $0x2;
	s24 =	simm.s32 $0x0  }
.LBB2_1:
0x17: {  	s4 =	rddreg [dreg:$0x5]  }
0x18: {  	[tilespmem:s3], [sflag:$0x4] =	stream.linear.gather [hbm4b:s4+s3], $0x80, $0x38;
	[tilespmem:$0x18F00] =	vst v63  }
0x19: {  	_ =	swait.ge [sflag:s20], $0x80  }
0x1a: {  	[sflag:s20] =	ssyncset.done $0x0  }
0x1b: {  	s12 =	rddreg [dreg:$0x6];
	[sflag:s20] =	ssyncadd.s32 $0xFFFFFF80  }
0x1c: {  	[tilespmem:s21], [sflag:$0x4] =	stream.linear.gather [hbm4b:s12+s3], $0x500, $0x38;
	[tilespmem:$0x18F00] =	vst v63  }
0x1d: {  	_ =	swait.ge [sflag:s20], $0x500  }
0x1e: {  	[sflag:s20] =	ssyncset.done $0x0  }
0x1f: {  	v12 =	vor.u32 s3, v0;
	[sflag:s20] =	ssyncadd.s32 $0xFFFFFB00  }
0x20: {  	v13 =	vor.u32 s3, v7;
	v9 =	vld.idx.msk [tilespmem:v1+s3+$0x0], $0xffff  }
0x21: {  	v14 =	vld.idx.msk [tilespmem:v2+s3+$0x0], $0xffff  }
0x22: {  	v10 =	vld.idx.msk [tilespmem:v3+s3+$0x0], $0xffff  }
0x23: {  	v11 =	vld.idx.msk [tilespmem:v4+s3+$0x0], $0xffff  }
0x24: {  	v15 =	vld.idx.msk [tilespmem:v12+s21+$0x0], $0xffff  }
0x25: {  	v16 =	vld.idx.msk [tilespmem:v13+s21+$0x0], $0xffff  }
0x26: {  	s13 =	simm.s32 $0x0;
	v12 =	vld.idx.msk [tilespmem:v5+s3+$0x0], $0xffff  }
0x27: {  	s26 =	simm.s32 $0x1;
	v17 =	vadd.s32 s13, v8;
	v13 =	vld.idx.msk [tilespmem:v6+s3+$0x0], $0xffff  }
0x28: {  	v18 =	vadd.s32 s26, v8  }
0x29: {  	s28 =	simm.s32 $0x2;
	v19 =	vadd.f32 v15, v14  }
0x2a: {  	v20 =	vadd.s32 s28, v8;
	v21 =	vadd.f32 v15, v9;
	v22 =	vadd.f32 v16, v11  }
0x2b: {  	v23 =	vadd.f32 v15, v10;
	v15 =	vpack.i.f32.bf16 v16, v15;
	v24 =	vadd.f32 v16, v12  }
0x2c: {  	s5 =	simm.s32 $0x20;
	v25 =	vadd.f32 v16, v13;
	[tilespmem:v17+s22+$0x0] =	vst.idx.msk $0xffff, v15;
	v15 =	vadd.s32 s25, v8;
	v16 =	vpack.i.f32.bf16 v22, v21  }
0x2d: {  	[tilespmem:v18+s22+$0x0] =	vst.idx.msk $0xffff, v16;
	v16 =	vor.u32 s5, v0  }
0x2e: {  	v17 =	vor.u32 s5, v7  }
0x2f: {  	v19 =	vpack.i.f32.bf16 v24, v19  }
0x30: {  	s6 =	simm.s32 $0xB;
	s4 =	simm.s32 $0x7;
	v18 =	vpack.i.f32.bf16 v25, v23;
	[tilespmem:v20+s22+$0x0] =	vst.idx.msk $0xffff, v19  }
.LBB2_2:
0x31: {  	p0 =	sne.s32 s6, $0x93;
	[tilespmem:v15+s22+$0x0] =	vst.idx.msk $0xffff, v18;
	s7 =	smov.u32 s6;
	s6 =	sadd.s32 $0x4, s6  }
0x32: {  	v16 =	vld.idx.msk [tilespmem:v16+s21+$0x0], $0xffff  }
0x33: {  	v17 =	vld.idx.msk [tilespmem:v17+s21+$0x0], $0xffff  }
0x34: {  	s8 =	sadd.s32 $0xFFFFFFFD, s4  }
0x35: {  	v18 =	vadd.s32 s8, v8  }
0x36: {  	s8 =	sadd.s32 $0xFFFFFFFE, s4  }
0x37: {  	v15 =	vadd.s32 s4, v8;
	v19 =	vadd.s32 s8, v8;
	s8 =	sadd.s32 $0xFFFFFFFF, s4;
	s4 =	smov.u32 s7  }
0x38: {  	v21 =	vadd.s32 s8, v8;
	v20 =	vadd.f32 v16, v14;
	v22 =	vadd.f32 v16, v10  }
.Ltmp0:
0x39: {  	s5 =	sadd.s32 $0x20, s5;
	v24 =	vadd.f32 v16, v9;
	v23 =	vpack.i.f32.bf16 v17, v16;
	v25 =	vadd.f32 v17, v11;
	(pc) =	sbr.rel @p0 .LBB2_2-.Ltmp0, $4  }
0x3a: {  	v16 =	vor.u32 s5, v0;
	[tilespmem:v18+s22+$0x0] =	vst.idx.msk $0xffff, v23;
	v18 =	vadd.f32 v17, v12;
	v23 =	vadd.f32 v17, v13  }
0x3b: {  	v17 =	vor.u32 s5, v7;
	v24 =	vpack.i.f32.bf16 v25, v24  }
0x3c: {  	[tilespmem:v19+s22+$0x0] =	vst.idx.msk $0xffff, v24;
	v19 =	vpack.i.f32.bf16 v18, v20;
	v18 =	vpack.i.f32.bf16 v23, v22  }
0x3d: {  	[tilespmem:v21+s22+$0x0] =	vst.idx.msk $0xffff, v19  }
0x3e: {  	_ =	sdelay $0x3  }
0x3f: {  	[tilespmem:v15+s22+$0x0] =	vst.idx.msk $0xffff, v18  }
0x40: {  	v15 =	vld.idx.msk [tilespmem:v16+s21+$0x0], $0xffff  }
0x41: {  	v61 =	vld.idx.msk [tilespmem:v17+s21+$0x0], $0xffff  }
0x42: {  	s5 =	sadd.s32 $0xFFFFFFFD, s4  }
0x43: {  	s8 =	sadd.s32 $0xFFFFFFFE, s4;
	v62 =	vadd.s32 s5, v8  }
0x44: {  	s9 =	sadd.s32 $0xFFFFFFFF, s4;
	v63 =	vadd.s32 s8, v8  }
0x45: {  	v19 =	vadd.s32 s9, v8;
	v14 =	vadd.f32 v15, v14  }
0x46: {  	v20 =	vadd.s32 s4, v8;
	v9 =	vadd.f32 v15, v9;
	v11 =	vadd.f32 v61, v11  }
0x47: {  	v10 =	vadd.f32 v15, v10;
	v15 =	vpack.i.f32.bf16 v61, v15;
	v12 =	vadd.f32 v61, v12  }
0x48: {  	v13 =	vadd.f32 v61, v13;
	[tilespmem:v62+s22+$0x0] =	vst.idx.msk $0xffff, v15;
	v9 =	vpack.i.f32.bf16 v11, v9  }
0x49: {  	[tilespmem:v63+s22+$0x0] =	vst.idx.msk $0xffff, v9;
	v9 =	vpack.i.f32.bf16 v12, v14  }
0x4a: {  	v10 =	vpack.i.f32.bf16 v13, v10;
	[tilespmem:v19+s22+$0x0] =	vst.idx.msk $0xffff, v9  }
0x4b: {  	s26 =	simm.s32 $0x0;
	s12 =	rddreg [dreg:$0x7];
	s13 =	simm.s32 $0xF00;
	[tilespmem:v20+s22+$0x0] =	vst.idx.msk $0xffff, v10  }
0x4c: {  	[tilespmem:s13], [sflag:$0x3] =	stream.linear.gather [hbm4b:s12+s26], $0x4000, $0x38;
	[tilespmem:$0x18F00] =	vst v63  }
0x4d: {  	s6 =	rddreg [dreg:$0x8];
	s7 =	simm.s32 $0x4F00  }
0x4e: {  	[tilespmem:s7], [sflag:$0x3] =	stream.linear.gather [hbm4b:s6+s26], $0x4000, $0x38;
	[tilespmem:$0x18F00] =	vst v63  }
0x4f: {  	_ =	swait.ge [sflag:s25], $0x4000  }
0x50: {  	[sflag:s25] =	ssyncset.done $0x0  }
0x51: {  	[sflag:s25] =	ssyncadd.s32 $0xFFFFC000  }
0x52: {  	_ =	swait.ge [sflag:s25], $0x4000  }
0x53: {  	[sflag:s25] =	ssyncset.done $0x0  }
0x54: {  	s9 =	simm.s32 $0x8F00;
	s8 =	rddreg [dreg:$0x9];
	[sflag:s25] =	ssyncadd.s32 $0xFFFFC000  }
0x55: {  	[tilespmem:s9], [sflag:$0x3] =	stream.linear.gather [hbm4b:s8+s26], $0x4000, $0x38;
	[tilespmem:$0x18F00] =	vst v63  }
0x56: {  	s28 =	simm.s32 $0x0;
	s13 =	simm.s32 $0xCF00;
	s12 =	rddreg [dreg:$0xa]  }
0x57: {  	[tilespmem:s13], [sflag:$0x3] =	stream.linear.gather [hbm4b:s12+s26], $0x4000, $0x38;
	[tilespmem:$0x18F00] =	vst v63  }
.LBB2_4:
0x58: {  	p0 =	seq.s32 s28, $0x0  }
0x59: {  	s4 =	sshll.u32 s28, $0x3;
	s5 =	simm.s32 @!p0 $0x1  }
0x5a: {  	s6 =	sadd.s32 $0x0, s4;
	_ =	swait.ge @!p0 [sflag:s5], $0x4000  }
0x5b: {  	s8 =	sand.u32 $0x70, s26;
	s6 =	sshll.u32 s6, $0x7;
	[sflag:s5] =	ssyncset.done @!p0 $0x0  }
0x5c: {  	s13 =	sor.u32 s8, s6;
	[sflag:s5] =	ssyncadd.s32 @!p0 $0xFFFFC000  }
0x5d: {  	v9 =	vld [tilespmem:s13+$0xF00]  }
0x5e: {  	v10 =	vld [tilespmem:s13+$0x4F00];
	_ =	sdelay $0x3  }
0x5f: {  	v9 =	vshll.u32 v9, $0x2  }
0x60: {  	v9 =	vadd.s32 v10, v9  }
0x61: {  	v10 =	vadd.s32 $0x8AC, v9  }
0x62: {  	v11 =	vadd.s32 $0x784, v9  }
0x63: {  	v12 =	vadd.s32 $0x40C, v9  }
0x64: {  	v14 =	vadd.s32 $0x128, v9  }
0x65: {  	v16 =	vadd.s32 $0x818, v9;
	v17 =	vld.idx.msk [tilespmem:v9+s22+$0x0], $0xffff  }
0x66: {  	v20 =	vadd.s32 $0x65C, v9;
	v27 =	vld.idx.msk [tilespmem:v10+s22+$0x0], $0xffff  }
0x67: {  	v10 =	vadd.s32 $0x2E4, v9;
	v24 =	vld.idx.msk [tilespmem:v11+s22+$0x0], $0xffff  }
0x68: {  	v15 =	vld.idx.msk [tilespmem:v12+s22+$0x0], $0xffff  }
0x69: {  	v13 =	vadd.s32 $0x94, v9;
	v18 =	vadd.s32 $0x1BC, v9;
	v25 =	vadd.s32 $0x250, v9;
	v12 =	vld.idx.msk [tilespmem:v14+s22+$0x0], $0xffff  }
0x6a: {  	v23 =	vadd.s32 $0x4A0, v9;
	v22 =	vadd.s32 $0x6F0, v9;
	v26 =	vadd.s32 $0x5C8, v9;
	v19 =	vld.idx.msk [tilespmem:v16+s22+$0x0], $0xffff  }
0x6b: {  	v11 =	vadd.s32 $0x378, v9;
	v14 =	vadd.s32 $0x534, v9;
	v20 =	vld.idx.msk [tilespmem:v20+s22+$0x0], $0xffff;
	v16 =	vunpack.i.u.bf16.f32 v17  }
0x6c: {  	s7 =	simm.s32 $0x0;
	s6 =	simm.s32 $0x1;
	s5 =	simm.s32 $0x0;
	v9 =	vunpack.i.l.bf16.f32 v17;
	v10 =	vld.idx.msk [tilespmem:v10+s22+$0x0], $0xffff;
	v21 =	vunpack.i.u.bf16.f32 v27;
	v17 =	vunpack.i.l.bf16.f32 v27  }
.LBB2_5:
0x6d: {  	p1 =	sne.s32 s6, $0x1F  }
0x6e: {  	v25 =	vld.idx.msk [tilespmem:v25+s22+$0x0], $0xffff;
	v27 =	vunpack.i.u.bf16.f32 v24;
	v24 =	vunpack.i.l.bf16.f32 v24;
	s7 =	sadd.s32 $0x10, s7;
	s9 =	smov.u32 s6;
	s6 =	sadd.s32 $0x1, s6  }
0x6f: {  	v28 =	vunpack.i.u.bf16.f32 v15;
	v26 =	vld.idx.msk [tilespmem:v26+s22+$0x0], $0xffff  }
0x70: {  	v15 =	vunpack.i.l.bf16.f32 v15;
	v18 =	vld.idx.msk [tilespmem:v18+s22+$0x0], $0xffff  }
0x71: {  	v13 =	vld.idx.msk [tilespmem:v13+s22+$0x0], $0xffff  }
0x72: {  	v29 =	vunpack.i.u.bf16.f32 v19;
	v23 =	vld.idx.msk [tilespmem:v23+s22+$0x0], $0xffff  }
0x73: {  	s12 =	sshll.u32 s5, $0x4;
	v30 =	vunpack.i.u.bf16.f32 v12;
	v12 =	vunpack.i.l.bf16.f32 v12;
	s5 =	smov.u32 s9;
	v31 =	vunpack.i.u.bf16.f32 v20;
	v22 =	vld.idx.msk [tilespmem:v22+s22+$0x0], $0xffff  }
0x74: {  	s9 =	sand.u32 $0x3FFFFF80, s12;
	v19 =	vunpack.i.l.bf16.f32 v19;
	v20 =	vunpack.i.l.bf16.f32 v20;
	v32 =	vunpack.i.u.bf16.f32 v25;
	v14 =	vld.idx.msk [tilespmem:v14+s22+$0x0], $0xffff  }
0x75: {  	s9 =	sor.u32 s8, s9;
	v33 =	vunpack.i.u.bf16.f32 v10;
	v10 =	vunpack.i.l.bf16.f32 v10;
	v25 =	vunpack.i.l.bf16.f32 v25;
	v11 =	vld.idx.msk [tilespmem:v11+s22+$0x0], $0xffff  }
0x76: {  	v35 =	vunpack.i.l.bf16.f32 v26;
	v34 =	vunpack.i.u.bf16.f32 v18;
	v18 =	vunpack.i.l.bf16.f32 v18;
	[tilespmem:s9+$0x11100] =	vst v16  }
0x77: {  	v26 =	vunpack.i.u.bf16.f32 v26;
	v16 =	vunpack.i.u.bf16.f32 v13;
	v13 =	vunpack.i.l.bf16.f32 v13;
	[tilespmem:s9+$0x14D00] =	vst v21  }
0x78: {  	v21 =	vunpack.i.u.bf16.f32 v23;
	v23 =	vunpack.i.l.bf16.f32 v23;
	[tilespmem:s9+$0x14B00] =	vst v17  }
0x79: {  	v17 =	vunpack.i.u.bf16.f32 v22;
	v22 =	vunpack.i.l.bf16.f32 v22;
	[tilespmem:s9+$0x14900] =	vst v29  }
0x7a: {  	v29 =	vunpack.i.u.bf16.f32 v14;
	[tilespmem:s9+$0x14700] =	vst v19  }
0x7b: {  	v14 =	vunpack.i.l.bf16.f32 v14;
	v19 =	vunpack.i.u.bf16.f32 v11;
	v11 =	vunpack.i.l.bf16.f32 v11;
	[tilespmem:s9+$0x14500] =	vst v27  }
0x7c: {  	[tilespmem:s9+$0x14300] =	vst v24  }
0x7d: {  	[tilespmem:s9+$0x13D00] =	vst v31  }
0x7e: {  	[tilespmem:s9+$0x13B00] =	vst v20  }
0x7f: {  	[tilespmem:s9+$0x12D00] =	vst v28  }
0x80: {  	[tilespmem:s9+$0x12B00] =	vst v15  }
0x81: {  	[tilespmem:s9+$0x12100] =	vst v32  }
0x82: {  	[tilespmem:s9+$0x11F00] =	vst v25  }
0x83: {  	[tilespmem:s9+$0x11900] =	vst v30  }
0x84: {  	[tilespmem:s9+$0x11700] =	vst v12  }
0x85: {  	[tilespmem:s9+$0x10F00] =	vst v9  }
0x86: {  	[tilespmem:s9+$0x13700] =	vst v35  }
0x87: {  	[tilespmem:s9+$0x11300] =	vst v13  }
0x88: {  	[tilespmem:s9+$0x11D00] =	vst v34  }
0x89: {  	[tilespmem:s9+$0x12500] =	vst v33  }
0x8a: {  	[tilespmem:s9+$0x13900] =	vst v26  }
0x8b: {  	[tilespmem:s9+$0x11500] =	vst v16  }
0x8c: {  	[tilespmem:s9+$0x12300] =	vst v10  }
0x8d: {  	[tilespmem:s9+$0x12F00] =	vst v23  }
0x8e: {  	[tilespmem:s9+$0x11B00] =	vst v18  }
0x8f: {  	[tilespmem:s9+$0x13100] =	vst v21  }
0x90: {  	[tilespmem:s9+$0x12900] =	vst v19  }
0x91: {  	[tilespmem:s9+$0x13300] =	vst v14  }
0x92: {  	s8 =	sshrl.u32 s5, $0x3;
	[tilespmem:s9+$0x14100] =	vst v17  }
0x93: {  	s12 =	sadd.s32 s4, s8;
	[tilespmem:s9+$0x13500] =	vst v29  }
0x94: {  	s8 =	sand.u32 $0x70, s7;
	s12 =	sshll.u32 s12, $0x7;
	[tilespmem:s9+$0x13F00] =	vst v22  }
0x95: {  	s12 =	sor.u32 s8, s12;
	[tilespmem:s9+$0x12700] =	vst v11  }
0x96: {  	v9 =	vld [tilespmem:s12+$0xF00]  }
0x97: {  	v10 =	vld [tilespmem:s12+$0x4F00];
	_ =	sdelay $0x3  }
0x98: {  	v9 =	vshll.u32 v9, $0x2  }
0x99: {  	v9 =	vadd.s32 v10, v9  }
0x9a: {  	v13 =	vadd.s32 $0x94, v9;
	v10 =	vadd.s32 $0x128, v9;
	v12 =	vadd.s32 $0x8AC, v9  }
0x9b: {  	v18 =	vadd.s32 $0x1BC, v9;
	v25 =	vadd.s32 $0x250, v9;
	v15 =	vadd.s32 $0x784, v9  }
0x9c: {  	v11 =	vadd.s32 $0x378, v9;
	v16 =	vadd.s32 $0x40C, v9;
	v23 =	vadd.s32 $0x4A0, v9  }
0x9d: {  	v14 =	vadd.s32 $0x534, v9;
	v22 =	vadd.s32 $0x6F0, v9;
	v17 =	vadd.s32 $0x818, v9  }
0x9e: {  	v21 =	vadd.s32 $0x2E4, v9;
	v26 =	vadd.s32 $0x5C8, v9;
	v27 =	vadd.s32 $0x65C, v9;
	v20 =	vld.idx.msk [tilespmem:v9+s22+$0x0], $0xffff  }
0x9f: {  	v28 =	vld.idx.msk [tilespmem:v12+s22+$0x0], $0xffff  }
0xa0: {  	v24 =	vld.idx.msk [tilespmem:v15+s22+$0x0], $0xffff  }
.Ltmp1:
0xa1: {  	v15 =	vld.idx.msk [tilespmem:v16+s22+$0x0], $0xffff;
	(pc) =	sbr.rel @p1 .LBB2_5-.Ltmp1, $4  }
0xa2: {  	v12 =	vld.idx.msk [tilespmem:v10+s22+$0x0], $0xffff  }
0xa3: {  	v19 =	vld.idx.msk [tilespmem:v17+s22+$0x0], $0xffff  }
0xa4: {  	v16 =	vunpack.i.u.bf16.f32 v20;
	v9 =	vunpack.i.l.bf16.f32 v20;
	v20 =	vld.idx.msk [tilespmem:v27+s22+$0x0], $0xffff  }
0xa5: {  	v17 =	vunpack.i.l.bf16.f32 v28;
	v10 =	vld.idx.msk [tilespmem:v21+s22+$0x0], $0xffff;
	v21 =	vunpack.i.u.bf16.f32 v28  }
0xa6: {  	_ =	sdelay $0x3  }
0xa7: {  	v25 =	vld.idx.msk [tilespmem:v25+s22+$0x0], $0xffff  }
0xa8: {  	v26 =	vld.idx.msk [tilespmem:v26+s22+$0x0], $0xffff  }
0xa9: {  	v18 =	vld.idx.msk [tilespmem:v18+s22+$0x0], $0xffff  }
0xaa: {  	v13 =	vld.idx.msk [tilespmem:v13+s22+$0x0], $0xffff  }
0xab: {  	v23 =	vld.idx.msk [tilespmem:v23+s22+$0x0], $0xffff;
	s5 =	sshll.u32 s5, $0x4  }
0xac: {  	v22 =	vld.idx.msk [tilespmem:v22+s22+$0x0], $0xffff;
	s5 =	sand.u32 $0x3FFFFF80, s5  }
0xad: {  	v14 =	vld.idx.msk [tilespmem:v14+s22+$0x0], $0xffff;
	s6 =	sor.u32 s8, s5  }
0xae: {  	v11 =	vld.idx.msk [tilespmem:v11+s22+$0x0], $0xffff;
	[tilespmem:s6+$0x11100] =	vst v16  }
0xaf: {  	[tilespmem:s6+$0x14D00] =	vst v21  }
0xb0: {  	[tilespmem:s6+$0x14B00] =	vst v17  }
0xb1: {  	v16 =	vunpack.i.u.bf16.f32 v19;
	[tilespmem:s6+$0x10F00] =	vst v9  }
0xb2: {  	v17 =	vunpack.i.l.bf16.f32 v19;
	[tilespmem:s6+$0x14900] =	vst v16  }
0xb3: {  	v16 =	vunpack.i.u.bf16.f32 v24;
	[tilespmem:s6+$0x14700] =	vst v17  }
0xb4: {  	v17 =	vunpack.i.l.bf16.f32 v24;
	[tilespmem:s6+$0x14500] =	vst v16  }
0xb5: {  	v16 =	vunpack.i.u.bf16.f32 v20;
	[tilespmem:s6+$0x14300] =	vst v17  }
0xb6: {  	v17 =	vunpack.i.l.bf16.f32 v20;
	[tilespmem:s6+$0x13D00] =	vst v16  }
0xb7: {  	v9 =	vunpack.i.l.bf16.f32 v13;
	[tilespmem:s6+$0x13B00] =	vst v17  }
0xb8: {  	v16 =	vunpack.i.u.bf16.f32 v15;
	[tilespmem:s6+$0x11300] =	vst v9  }
0xb9: {  	v15 =	vunpack.i.l.bf16.f32 v15;
	[tilespmem:s6+$0x12D00] =	vst v16  }
0xba: {  	v9 =	vunpack.i.u.bf16.f32 v10;
	[tilespmem:s6+$0x12B00] =	vst v15  }
0xbb: {  	v10 =	vunpack.i.l.bf16.f32 v10;
	[tilespmem:s6+$0x12500] =	vst v9  }
0xbc: {  	v16 =	vunpack.i.u.bf16.f32 v25;
	[tilespmem:s6+$0x12300] =	vst v10  }
0xbd: {  	v15 =	vunpack.i.l.bf16.f32 v25;
	[tilespmem:s6+$0x12100] =	vst v16  }
0xbe: {  	v9 =	vunpack.i.u.bf16.f32 v13;
	[tilespmem:s6+$0x11F00] =	vst v15  }
0xbf: {  	v10 =	vunpack.i.l.bf16.f32 v18;
	[tilespmem:s6+$0x11500] =	vst v9  }
0xc0: {  	v16 =	vunpack.i.u.bf16.f32 v12;
	[tilespmem:s6+$0x11B00] =	vst v10  }
0xc1: {  	v12 =	vunpack.i.l.bf16.f32 v12;
	[tilespmem:s6+$0x11900] =	vst v16  }
0xc2: {  	v9 =	vunpack.i.l.bf16.f32 v23;
	[tilespmem:s6+$0x11700] =	vst v12  }
0xc3: {  	v10 =	vunpack.i.u.bf16.f32 v11;
	[tilespmem:s6+$0x12F00] =	vst v9  }
0xc4: {  	v12 =	vunpack.i.l.bf16.f32 v26;
	[tilespmem:s6+$0x12900] =	vst v10  }
0xc5: {  	v9 =	vunpack.i.u.bf16.f32 v23;
	[tilespmem:s6+$0x13700] =	vst v12  }
0xc6: {  	v10 =	vunpack.i.u.bf16.f32 v22;
	[tilespmem:s6+$0x13100] =	vst v9  }
0xc7: {  	v12 =	vunpack.i.u.bf16.f32 v18;
	[tilespmem:s6+$0x14100] =	vst v10  }
0xc8: {  	v9 =	vunpack.i.l.bf16.f32 v14;
	[tilespmem:s6+$0x11D00] =	vst v12  }
0xc9: {  	v10 =	vunpack.i.l.bf16.f32 v22;
	[tilespmem:s6+$0x13300] =	vst v9  }
0xca: {  	v12 =	vunpack.i.u.bf16.f32 v26;
	[tilespmem:s6+$0x13F00] =	vst v10  }
0xcb: {  	s8 =	sshll.u32 s28, $0x7;
	v9 =	vunpack.i.u.bf16.f32 v14;
	[tilespmem:s6+$0x13900] =	vst v12  }
0xcc: {  	s5 =	sadd.s32 s10, s8;
	[tilespmem:s6+$0x13500] =	vst v9;
	v9 =	vunpack.i.l.bf16.f32 v11  }
0xcd: {  	s7 =	simm.s32 @!p0 $0x2;
	s9 =	sadd.s32 s2, s5;
	[tilespmem:s6+$0x12700] =	vst v9  }
0xce: {  	[hbm4b:s9+s29] =	stream.strided.scatter [tilespmem:s31], [sflag:$0x1], $0x4000, s30, s29, $0x38;
	[tilespmem:$0x18F00] =	vst v63  }
0xcf: {  	s12 =	sadd.s32 $0x0, s4;
	s6 =	simm.s32 $0x0;
	_ =	swait.ge @!p0 [sflag:s7], $0x4000  }
0xd0: {  	s8 =	sshll.u32 s12, $0x7;
	s9 =	sand.u32 $0x70, s6;
	[sflag:s7] =	ssyncset.done @!p0 $0x0  }
0xd1: {  	s13 =	sor.u32 s9, s8;
	[sflag:s7] =	ssyncadd.s32 @!p0 $0xFFFFC000  }
0xd2: {  	v9 =	vld [tilespmem:s13+$0x1100]  }
0xd3: {  	v10 =	vld [tilespmem:s13+$0x5100];
	_ =	sdelay $0x3  }
0xd4: {  	v9 =	vshll.u32 v9, $0x2  }
0xd5: {  	v9 =	vadd.s32 v10, v9  }
0xd6: {  	v10 =	vadd.s32 $0x8AC, v9  }
0xd7: {  	v11 =	vadd.s32 $0x784, v9  }
0xd8: {  	v12 =	vadd.s32 $0x40C, v9  }
0xd9: {  	v14 =	vadd.s32 $0x128, v9  }
0xda: {  	v16 =	vadd.s32 $0x818, v9;
	v17 =	vld.idx.msk [tilespmem:v9+s22+$0x0], $0xffff  }
0xdb: {  	v20 =	vadd.s32 $0x65C, v9;
	v27 =	vld.idx.msk [tilespmem:v10+s22+$0x0], $0xffff  }
0xdc: {  	v10 =	vadd.s32 $0x2E4, v9;
	v24 =	vld.idx.msk [tilespmem:v11+s22+$0x0], $0xffff  }
0xdd: {  	v15 =	vld.idx.msk [tilespmem:v12+s22+$0x0], $0xffff  }
0xde: {  	v13 =	vadd.s32 $0x94, v9;
	v18 =	vadd.s32 $0x1BC, v9;
	v25 =	vadd.s32 $0x250, v9;
	v12 =	vld.idx.msk [tilespmem:v14+s22+$0x0], $0xffff  }
0xdf: {  	v23 =	vadd.s32 $0x4A0, v9;
	v22 =	vadd.s32 $0x6F0, v9;
	v26 =	vadd.s32 $0x5C8, v9;
	v19 =	vld.idx.msk [tilespmem:v16+s22+$0x0], $0xffff  }
0xe0: {  	v11 =	vadd.s32 $0x378, v9;
	v14 =	vadd.s32 $0x534, v9;
	v20 =	vld.idx.msk [tilespmem:v20+s22+$0x0], $0xffff;
	v16 =	vunpack.i.u.bf16.f32 v17  }
0xe1: {  	s8 =	simm.s32 $0x1;
	s7 =	simm.s32 $0x0;
	v9 =	vunpack.i.l.bf16.f32 v17;
	v10 =	vld.idx.msk [tilespmem:v10+s22+$0x0], $0xffff;
	v21 =	vunpack.i.u.bf16.f32 v27;
	v17 =	vunpack.i.l.bf16.f32 v27  }
.LBB2_7:
0xe2: {  	p0 =	sne.s32 s8, $0x1F  }
0xe3: {  	v25 =	vld.idx.msk [tilespmem:v25+s22+$0x0], $0xffff;
	v27 =	vunpack.i.u.bf16.f32 v24;
	v24 =	vunpack.i.l.bf16.f32 v24;
	s6 =	sadd.s32 $0x10, s6;
	s12 =	smov.u32 s8;
	s8 =	sadd.s32 $0x1, s8  }
0xe4: {  	v28 =	vunpack.i.u.bf16.f32 v15;
	v26 =	vld.idx.msk [tilespmem:v26+s22+$0x0], $0xffff  }
0xe5: {  	v15 =	vunpack.i.l.bf16.f32 v15;
	v18 =	vld.idx.msk [tilespmem:v18+s22+$0x0], $0xffff  }
0xe6: {  	v13 =	vld.idx.msk [tilespmem:v13+s22+$0x0], $0xffff  }
0xe7: {  	v29 =	vunpack.i.u.bf16.f32 v19;
	v23 =	vld.idx.msk [tilespmem:v23+s22+$0x0], $0xffff  }
0xe8: {  	s13 =	sshll.u32 s7, $0x4;
	v30 =	vunpack.i.u.bf16.f32 v12;
	v12 =	vunpack.i.l.bf16.f32 v12;
	s7 =	smov.u32 s12;
	v31 =	vunpack.i.u.bf16.f32 v20;
	v22 =	vld.idx.msk [tilespmem:v22+s22+$0x0], $0xffff  }
0xe9: {  	s12 =	sand.u32 $0x3FFFFF80, s13;
	v19 =	vunpack.i.l.bf16.f32 v19;
	v20 =	vunpack.i.l.bf16.f32 v20;
	v32 =	vunpack.i.u.bf16.f32 v25;
	v14 =	vld.idx.msk [tilespmem:v14+s22+$0x0], $0xffff  }
0xea: {  	s12 =	sor.u32 s9, s12;
	v33 =	vunpack.i.u.bf16.f32 v10;
	v10 =	vunpack.i.l.bf16.f32 v10;
	v25 =	vunpack.i.l.bf16.f32 v25;
	v11 =	vld.idx.msk [tilespmem:v11+s22+$0x0], $0xffff  }
0xeb: {  	v35 =	vunpack.i.l.bf16.f32 v26;
	v34 =	vunpack.i.u.bf16.f32 v18;
	v18 =	vunpack.i.l.bf16.f32 v18;
	[tilespmem:s12+$0x15100] =	vst v16  }
0xec: {  	v26 =	vunpack.i.u.bf16.f32 v26;
	v16 =	vunpack.i.u.bf16.f32 v13;
	v13 =	vunpack.i.l.bf16.f32 v13;
	[tilespmem:s12+$0x18D00] =	vst v21  }
0xed: {  	v21 =	vunpack.i.u.bf16.f32 v23;
	v23 =	vunpack.i.l.bf16.f32 v23;
	[tilespmem:s12+$0x18B00] =	vst v17  }
0xee: {  	v17 =	vunpack.i.u.bf16.f32 v22;
	v22 =	vunpack.i.l.bf16.f32 v22;
	[tilespmem:s12+$0x18900] =	vst v29  }
0xef: {  	v29 =	vunpack.i.u.bf16.f32 v14;
	[tilespmem:s12+$0x18700] =	vst v19  }
0xf0: {  	v14 =	vunpack.i.l.bf16.f32 v14;
	v19 =	vunpack.i.u.bf16.f32 v11;
	v11 =	vunpack.i.l.bf16.f32 v11;
	[tilespmem:s12+$0x18500] =	vst v27  }
0xf1: {  	[tilespmem:s12+$0x18300] =	vst v24  }
0xf2: {  	[tilespmem:s12+$0x17D00] =	vst v31  }
0xf3: {  	[tilespmem:s12+$0x17B00] =	vst v20  }
0xf4: {  	[tilespmem:s12+$0x16D00] =	vst v28  }
0xf5: {  	[tilespmem:s12+$0x16B00] =	vst v15  }
0xf6: {  	[tilespmem:s12+$0x16100] =	vst v32  }
0xf7: {  	[tilespmem:s12+$0x15F00] =	vst v25  }
0xf8: {  	[tilespmem:s12+$0x15900] =	vst v30  }
0xf9: {  	[tilespmem:s12+$0x15700] =	vst v12  }
0xfa: {  	[tilespmem:s12+$0x14F00] =	vst v9  }
0xfb: {  	[tilespmem:s12+$0x17700] =	vst v35  }
0xfc: {  	[tilespmem:s12+$0x15300] =	vst v13  }
0xfd: {  	[tilespmem:s12+$0x15D00] =	vst v34  }
0xfe: {  	[tilespmem:s12+$0x16500] =	vst v33  }
0xff: {  	[tilespmem:s12+$0x17900] =	vst v26  }
0x100: {  	[tilespmem:s12+$0x15500] =	vst v16  }
0x101: {  	[tilespmem:s12+$0x16300] =	vst v10  }
0x102: {  	[tilespmem:s12+$0x16F00] =	vst v23  }
0x103: {  	[tilespmem:s12+$0x15B00] =	vst v18  }
0x104: {  	[tilespmem:s12+$0x17100] =	vst v21  }
0x105: {  	[tilespmem:s12+$0x16900] =	vst v19  }
0x106: {  	[tilespmem:s12+$0x17300] =	vst v14  }
0x107: {  	s9 =	sshrl.u32 s7, $0x3;
	[tilespmem:s12+$0x18100] =	vst v17  }
0x108: {  	s13 =	sadd.s32 s4, s9;
	[tilespmem:s12+$0x17500] =	vst v29  }
0x109: {  	s9 =	sand.u32 $0x70, s6;
	s13 =	sshll.u32 s13, $0x7;
	[tilespmem:s12+$0x17F00] =	vst v22  }
0x10a: {  	s13 =	sor.u32 s9, s13;
	[tilespmem:s12+$0x16700] =	vst v11  }
0x10b: {  	v9 =	vld [tilespmem:s13+$0x1100]  }
0x10c: {  	v10 =	vld [tilespmem:s13+$0x5100];
	_ =	sdelay $0x3  }
0x10d: {  	v9 =	vshll.u32 v9, $0x2  }
0x10e: {  	v9 =	vadd.s32 v10, v9  }
0x10f: {  	v13 =	vadd.s32 $0x94, v9;
	v10 =	vadd.s32 $0x128, v9;
	v12 =	vadd.s32 $0x8AC, v9  }
0x110: {  	v18 =	vadd.s32 $0x1BC, v9;
	v25 =	vadd.s32 $0x250, v9;
	v15 =	vadd.s32 $0x784, v9  }
0x111: {  	v11 =	vadd.s32 $0x378, v9;
	v16 =	vadd.s32 $0x40C, v9;
	v23 =	vadd.s32 $0x4A0, v9  }
0x112: {  	v14 =	vadd.s32 $0x534, v9;
	v22 =	vadd.s32 $0x6F0, v9;
	v17 =	vadd.s32 $0x818, v9  }
0x113: {  	v21 =	vadd.s32 $0x2E4, v9;
	v26 =	vadd.s32 $0x5C8, v9;
	v27 =	vadd.s32 $0x65C, v9;
	v20 =	vld.idx.msk [tilespmem:v9+s22+$0x0], $0xffff  }
0x114: {  	v28 =	vld.idx.msk [tilespmem:v12+s22+$0x0], $0xffff  }
0x115: {  	v24 =	vld.idx.msk [tilespmem:v15+s22+$0x0], $0xffff  }
.Ltmp2:
0x116: {  	v15 =	vld.idx.msk [tilespmem:v16+s22+$0x0], $0xffff;
	(pc) =	sbr.rel @p0 .LBB2_7-.Ltmp2, $4  }
0x117: {  	v12 =	vld.idx.msk [tilespmem:v10+s22+$0x0], $0xffff  }
0x118: {  	v19 =	vld.idx.msk [tilespmem:v17+s22+$0x0], $0xffff  }
0x119: {  	v16 =	vunpack.i.u.bf16.f32 v20;
	v9 =	vunpack.i.l.bf16.f32 v20;
	v20 =	vld.idx.msk [tilespmem:v27+s22+$0x0], $0xffff  }
0x11a: {  	v17 =	vunpack.i.l.bf16.f32 v28;
	v10 =	vld.idx.msk [tilespmem:v21+s22+$0x0], $0xffff;
	v21 =	vunpack.i.u.bf16.f32 v28  }
0x11b: {  	_ =	sdelay $0x3  }
0x11c: {  	v25 =	vld.idx.msk [tilespmem:v25+s22+$0x0], $0xffff  }
0x11d: {  	v26 =	vld.idx.msk [tilespmem:v26+s22+$0x0], $0xffff  }
0x11e: {  	v18 =	vld.idx.msk [tilespmem:v18+s22+$0x0], $0xffff  }
0x11f: {  	v13 =	vld.idx.msk [tilespmem:v13+s22+$0x0], $0xffff  }
0x120: {  	v23 =	vld.idx.msk [tilespmem:v23+s22+$0x0], $0xffff;
	s4 =	sshll.u32 s7, $0x4  }
0x121: {  	v22 =	vld.idx.msk [tilespmem:v22+s22+$0x0], $0xffff;
	s4 =	sand.u32 $0x3FFFFF80, s4  }
0x122: {  	v14 =	vld.idx.msk [tilespmem:v14+s22+$0x0], $0xffff;
	s4 =	sor.u32 s9, s4  }
0x123: {  	v11 =	vld.idx.msk [tilespmem:v11+s22+$0x0], $0xffff;
	[tilespmem:s4+$0x15100] =	vst v16  }
0x124: {  	[tilespmem:s4+$0x18D00] =	vst v21  }
0x125: {  	v49 =	vunpack.i.u.bf16.f32 v19;
	[tilespmem:s4+$0x18B00] =	vst v17  }
0x126: {  	v50 =	vunpack.i.l.bf16.f32 v19;
	[tilespmem:s4+$0x18900] =	vst v49  }
0x127: {  	v51 =	vunpack.i.u.bf16.f32 v24;
	[tilespmem:s4+$0x18700] =	vst v50  }
0x128: {  	v52 =	vunpack.i.l.bf16.f32 v24;
	[tilespmem:s4+$0x18500] =	vst v51  }
0x129: {  	v55 =	vunpack.i.u.bf16.f32 v15;
	[tilespmem:s4+$0x18300] =	vst v52  }
0x12a: {  	v56 =	vunpack.i.l.bf16.f32 v15;
	[tilespmem:s4+$0x16D00] =	vst v55  }
0x12b: {  	v59 =	vunpack.i.u.bf16.f32 v12;
	[tilespmem:s4+$0x16B00] =	vst v56  }
0x12c: {  	v60 =	vunpack.i.l.bf16.f32 v12;
	[tilespmem:s4+$0x15900] =	vst v59  }
0x12d: {  	[tilespmem:s4+$0x15700] =	vst v60  }
0x12e: {  	v53 =	vunpack.i.u.bf16.f32 v20;
	[tilespmem:s4+$0x14F00] =	vst v9  }
0x12f: {  	v54 =	vunpack.i.l.bf16.f32 v20;
	[tilespmem:s4+$0x17D00] =	vst v53  }
0x130: {  	[tilespmem:s4+$0x17B00] =	vst v54;
	v57 =	vunpack.i.u.bf16.f32 v25  }
0x131: {  	v58 =	vunpack.i.l.bf16.f32 v25;
	[tilespmem:s4+$0x16100] =	vst v57  }
0x132: {  	v61 =	vunpack.i.l.bf16.f32 v26;
	[tilespmem:s4+$0x15F00] =	vst v58  }
0x133: {  	v9 =	vunpack.i.l.bf16.f32 v13;
	[tilespmem:s4+$0x17700] =	vst v61  }
0x134: {  	v62 =	vunpack.i.u.bf16.f32 v18;
	[tilespmem:s4+$0x15300] =	vst v9  }
0x135: {  	v63 =	vunpack.i.u.bf16.f32 v26;
	[tilespmem:s4+$0x15D00] =	vst v62  }
0x136: {  	v9 =	vunpack.i.u.bf16.f32 v10;
	[tilespmem:s4+$0x17900] =	vst v63  }
0x137: {  	v10 =	vunpack.i.l.bf16.f32 v10;
	[tilespmem:s4+$0x16500] =	vst v9  }
0x138: {  	v9 =	vunpack.i.u.bf16.f32 v13;
	[tilespmem:s4+$0x16300] =	vst v10  }
0x139: {  	v10 =	vunpack.i.l.bf16.f32 v18;
	[tilespmem:s4+$0x15500] =	vst v9  }
0x13a: {  	v9 =	vunpack.i.l.bf16.f32 v23;
	[tilespmem:s4+$0x15B00] =	vst v10  }
0x13b: {  	v10 =	vunpack.i.u.bf16.f32 v11;
	[tilespmem:s4+$0x16F00] =	vst v9  }
0x13c: {  	v9 =	vunpack.i.u.bf16.f32 v23;
	[tilespmem:s4+$0x16900] =	vst v10  }
0x13d: {  	s28 =	sadd.s32 $0x1, s28;
	v10 =	vunpack.i.u.bf16.f32 v22;
	[tilespmem:s4+$0x17100] =	vst v9  }
0x13e: {  	p0 =	sne.s32 s28, $0x10;
	v9 =	vunpack.i.l.bf16.f32 v14;
	[tilespmem:s4+$0x18100] =	vst v10  }
.Ltmp3:
0x13f: {  	v10 =	vunpack.i.l.bf16.f32 v22;
	[tilespmem:s4+$0x17300] =	vst v9;
	(pc) =	sbr.rel @p0 .LBB2_4-.Ltmp3, $4  }
0x140: {  	v9 =	vunpack.i.u.bf16.f32 v14;
	[tilespmem:s4+$0x17F00] =	vst v10  }
0x141: {  	[tilespmem:s4+$0x17500] =	vst v9;
	v9 =	vunpack.i.l.bf16.f32 v11  }
0x142: {  	s13 =	sadd.s32 s5, s11;
	[tilespmem:s4+$0x16700] =	vst v9  }
0x143: {  	[hbm4b:s13+s29] =	stream.strided.scatter [tilespmem:s0], [sflag:$0x2], $0x4000, s30, s29, $0x38;
	[tilespmem:$0x18F00] =	vst v63  }
0x144: {  	_ =	swait.ge [sflag:s25], $0x4000  }
0x145: {  	[sflag:s25] =	ssyncset.done $0x0  }
0x146: {  	[sflag:s25] =	ssyncadd.s32 $0xFFFFC000  }
0x147: {  	_ =	swait.ge [sflag:s25], $0x4000  }
0x148: {  	s26 =	simm.s32 $0x0;
	[sflag:s25] =	ssyncset.done $0x0  }
0x149: {  	s5 =	simm.s32 $0xF00;
	s4 =	rddreg [dreg:$0xb];
	[sflag:s25] =	ssyncadd.s32 $0xFFFFC000  }
0x14a: {  	[tilespmem:s5], [sflag:$0x3] =	stream.linear.gather [hbm4b:s4+s26], $0x4000, $0x38;
	[tilespmem:$0x18F00] =	vst v63  }
0x14b: {  	s13 =	simm.s32 $0x4F00;
	s28 =	simm.s32 $0x0;
	s12 =	rddreg [dreg:$0xc]  }
0x14c: {  	[tilespmem:s13], [sflag:$0x3] =	stream.linear.gather [hbm4b:s12+s26], $0x4000, $0x38;
	[tilespmem:$0x18F00] =	vst v63  }
.LBB2_10:
0x14d: {  	s4 =	sshll.u32 s28, $0x3  }
0x14e: {  	_ =	swait.ge [sflag:s1], $0x4000;
	s5 =	sadd.s32 $0x0, s4  }
0x14f: {  	s8 =	sand.u32 $0x70, s26;
	[sflag:s1] =	ssyncset.done $0x0;
	s5 =	sshll.u32 s5, $0x7  }
0x150: {  	[sflag:s1] =	ssyncadd.s32 $0xFFFFC000;
	s5 =	sor.u32 s8, s5  }
0x151: {  	v9 =	vld [tilespmem:s5+$0x8F00]  }
0x152: {  	v10 =	vld [tilespmem:s5+$0xCF00];
	_ =	sdelay $0x3  }
0x153: {  	v9 =	vshll.u32 v9, $0x2  }
0x154: {  	v9 =	vadd.s32 v10, v9  }
0x155: {  	v10 =	vadd.s32 $0x8AC, v9  }
0x156: {  	v11 =	vadd.s32 $0x784, v9  }
0x157: {  	v12 =	vadd.s32 $0x40C, v9  }
0x158: {  	v14 =	vadd.s32 $0x128, v9  }
0x159: {  	v16 =	vadd.s32 $0x818, v9;
	v17 =	vld.idx.msk [tilespmem:v9+s22+$0x0], $0xffff  }
0x15a: {  	v20 =	vadd.s32 $0x65C, v9;
	v27 =	vld.idx.msk [tilespmem:v10+s22+$0x0], $0xffff  }
0x15b: {  	v10 =	vadd.s32 $0x2E4, v9;
	v24 =	vld.idx.msk [tilespmem:v11+s22+$0x0], $0xffff  }
0x15c: {  	v15 =	vld.idx.msk [tilespmem:v12+s22+$0x0], $0xffff  }
0x15d: {  	v13 =	vadd.s32 $0x94, v9;
	v18 =	vadd.s32 $0x1BC, v9;
	v25 =	vadd.s32 $0x250, v9;
	v12 =	vld.idx.msk [tilespmem:v14+s22+$0x0], $0xffff  }
0x15e: {  	v23 =	vadd.s32 $0x4A0, v9;
	v22 =	vadd.s32 $0x6F0, v9;
	v26 =	vadd.s32 $0x5C8, v9;
	v19 =	vld.idx.msk [tilespmem:v16+s22+$0x0], $0xffff  }
0x15f: {  	v11 =	vadd.s32 $0x378, v9;
	v14 =	vadd.s32 $0x534, v9;
	v20 =	vld.idx.msk [tilespmem:v20+s22+$0x0], $0xffff;
	v16 =	vunpack.i.u.bf16.f32 v17  }
0x160: {  	s6 =	simm.s32 $0x1;
	s7 =	simm.s32 $0x0;
	s5 =	simm.s32 $0x0;
	v9 =	vunpack.i.l.bf16.f32 v17;
	v10 =	vld.idx.msk [tilespmem:v10+s22+$0x0], $0xffff;
	v21 =	vunpack.i.u.bf16.f32 v27;
	v17 =	vunpack.i.l.bf16.f32 v27  }
.LBB2_11:
0x161: {  	p0 =	sne.s32 s6, $0x1F  }
0x162: {  	v25 =	vld.idx.msk [tilespmem:v25+s22+$0x0], $0xffff;
	v27 =	vunpack.i.u.bf16.f32 v24;
	v24 =	vunpack.i.l.bf16.f32 v24;
	s7 =	sadd.s32 $0x10, s7;
	s9 =	smov.u32 s6;
	s6 =	sadd.s32 $0x1, s6  }
0x163: {  	v28 =	vunpack.i.u.bf16.f32 v15;
	v26 =	vld.idx.msk [tilespmem:v26+s22+$0x0], $0xffff  }
0x164: {  	v15 =	vunpack.i.l.bf16.f32 v15;
	v18 =	vld.idx.msk [tilespmem:v18+s22+$0x0], $0xffff  }
0x165: {  	v13 =	vld.idx.msk [tilespmem:v13+s22+$0x0], $0xffff  }
0x166: {  	v29 =	vunpack.i.u.bf16.f32 v19;
	v23 =	vld.idx.msk [tilespmem:v23+s22+$0x0], $0xffff  }
0x167: {  	s12 =	sshll.u32 s5, $0x4;
	v30 =	vunpack.i.u.bf16.f32 v12;
	v12 =	vunpack.i.l.bf16.f32 v12;
	s5 =	smov.u32 s9;
	v31 =	vunpack.i.u.bf16.f32 v20;
	v22 =	vld.idx.msk [tilespmem:v22+s22+$0x0], $0xffff  }
0x168: {  	s9 =	sand.u32 $0x3FFFFF80, s12;
	v19 =	vunpack.i.l.bf16.f32 v19;
	v20 =	vunpack.i.l.bf16.f32 v20;
	v32 =	vunpack.i.u.bf16.f32 v25;
	v14 =	vld.idx.msk [tilespmem:v14+s22+$0x0], $0xffff  }
0x169: {  	s9 =	sor.u32 s8, s9;
	v33 =	vunpack.i.u.bf16.f32 v10;
	v10 =	vunpack.i.l.bf16.f32 v10;
	v25 =	vunpack.i.l.bf16.f32 v25;
	v11 =	vld.idx.msk [tilespmem:v11+s22+$0x0], $0xffff  }
0x16a: {  	v35 =	vunpack.i.l.bf16.f32 v26;
	v34 =	vunpack.i.u.bf16.f32 v18;
	v18 =	vunpack.i.l.bf16.f32 v18;
	[tilespmem:s9+$0x11100] =	vst v16  }
0x16b: {  	v26 =	vunpack.i.u.bf16.f32 v26;
	v16 =	vunpack.i.u.bf16.f32 v13;
	v13 =	vunpack.i.l.bf16.f32 v13;
	[tilespmem:s9+$0x14D00] =	vst v21  }
0x16c: {  	v21 =	vunpack.i.u.bf16.f32 v23;
	v23 =	vunpack.i.l.bf16.f32 v23;
	[tilespmem:s9+$0x14B00] =	vst v17  }
0x16d: {  	v17 =	vunpack.i.u.bf16.f32 v22;
	v22 =	vunpack.i.l.bf16.f32 v22;
	[tilespmem:s9+$0x14900] =	vst v29  }
0x16e: {  	v29 =	vunpack.i.u.bf16.f32 v14;
	[tilespmem:s9+$0x14700] =	vst v19  }
0x16f: {  	v14 =	vunpack.i.l.bf16.f32 v14;
	v19 =	vunpack.i.u.bf16.f32 v11;
	v11 =	vunpack.i.l.bf16.f32 v11;
	[tilespmem:s9+$0x14500] =	vst v27  }
0x170: {  	[tilespmem:s9+$0x14300] =	vst v24  }
0x171: {  	[tilespmem:s9+$0x13D00] =	vst v31  }
0x172: {  	[tilespmem:s9+$0x13B00] =	vst v20  }
0x173: {  	[tilespmem:s9+$0x12D00] =	vst v28  }
0x174: {  	[tilespmem:s9+$0x12B00] =	vst v15  }
0x175: {  	[tilespmem:s9+$0x12100] =	vst v32  }
0x176: {  	[tilespmem:s9+$0x11F00] =	vst v25  }
0x177: {  	[tilespmem:s9+$0x11900] =	vst v30  }
0x178: {  	[tilespmem:s9+$0x11700] =	vst v12  }
0x179: {  	[tilespmem:s9+$0x10F00] =	vst v9  }
0x17a: {  	[tilespmem:s9+$0x13700] =	vst v35  }
0x17b: {  	[tilespmem:s9+$0x11300] =	vst v13  }
0x17c: {  	[tilespmem:s9+$0x11D00] =	vst v34  }
0x17d: {  	[tilespmem:s9+$0x12500] =	vst v33  }
0x17e: {  	[tilespmem:s9+$0x13900] =	vst v26  }
0x17f: {  	[tilespmem:s9+$0x11500] =	vst v16  }
0x180: {  	[tilespmem:s9+$0x12300] =	vst v10  }
0x181: {  	[tilespmem:s9+$0x12F00] =	vst v23  }
0x182: {  	[tilespmem:s9+$0x11B00] =	vst v18  }
0x183: {  	[tilespmem:s9+$0x13100] =	vst v21  }
0x184: {  	[tilespmem:s9+$0x12900] =	vst v19  }
0x185: {  	[tilespmem:s9+$0x13300] =	vst v14  }
0x186: {  	s8 =	sshrl.u32 s5, $0x3;
	[tilespmem:s9+$0x14100] =	vst v17  }
0x187: {  	s12 =	sadd.s32 s4, s8;
	[tilespmem:s9+$0x13500] =	vst v29  }
0x188: {  	s8 =	sand.u32 $0x70, s7;
	s12 =	sshll.u32 s12, $0x7;
	[tilespmem:s9+$0x13F00] =	vst v22  }
0x189: {  	s12 =	sor.u32 s8, s12;
	[tilespmem:s9+$0x12700] =	vst v11  }
0x18a: {  	v9 =	vld [tilespmem:s12+$0x8F00]  }
0x18b: {  	v10 =	vld [tilespmem:s12+$0xCF00];
	_ =	sdelay $0x3  }
0x18c: {  	v9 =	vshll.u32 v9, $0x2  }
0x18d: {  	v9 =	vadd.s32 v10, v9  }
0x18e: {  	v13 =	vadd.s32 $0x94, v9;
	v10 =	vadd.s32 $0x128, v9;
	v12 =	vadd.s32 $0x8AC, v9  }
0x18f: {  	v18 =	vadd.s32 $0x1BC, v9;
	v25 =	vadd.s32 $0x250, v9;
	v15 =	vadd.s32 $0x784, v9  }
0x190: {  	v11 =	vadd.s32 $0x378, v9;
	v16 =	vadd.s32 $0x40C, v9;
	v23 =	vadd.s32 $0x4A0, v9  }
0x191: {  	v14 =	vadd.s32 $0x534, v9;
	v22 =	vadd.s32 $0x6F0, v9;
	v17 =	vadd.s32 $0x818, v9  }
0x192: {  	v21 =	vadd.s32 $0x2E4, v9;
	v26 =	vadd.s32 $0x5C8, v9;
	v27 =	vadd.s32 $0x65C, v9;
	v20 =	vld.idx.msk [tilespmem:v9+s22+$0x0], $0xffff  }
0x193: {  	v28 =	vld.idx.msk [tilespmem:v12+s22+$0x0], $0xffff  }
0x194: {  	v24 =	vld.idx.msk [tilespmem:v15+s22+$0x0], $0xffff  }
.Ltmp4:
0x195: {  	v15 =	vld.idx.msk [tilespmem:v16+s22+$0x0], $0xffff;
	(pc) =	sbr.rel @p0 .LBB2_11-.Ltmp4, $4  }
0x196: {  	v12 =	vld.idx.msk [tilespmem:v10+s22+$0x0], $0xffff  }
0x197: {  	v19 =	vld.idx.msk [tilespmem:v17+s22+$0x0], $0xffff  }
0x198: {  	v16 =	vunpack.i.u.bf16.f32 v20;
	v9 =	vunpack.i.l.bf16.f32 v20;
	v20 =	vld.idx.msk [tilespmem:v27+s22+$0x0], $0xffff  }
0x199: {  	v17 =	vunpack.i.l.bf16.f32 v28;
	v10 =	vld.idx.msk [tilespmem:v21+s22+$0x0], $0xffff;
	v21 =	vunpack.i.u.bf16.f32 v28  }
0x19a: {  	_ =	sdelay $0x3  }
0x19b: {  	v25 =	vld.idx.msk [tilespmem:v25+s22+$0x0], $0xffff  }
0x19c: {  	v26 =	vld.idx.msk [tilespmem:v26+s22+$0x0], $0xffff  }
0x19d: {  	v18 =	vld.idx.msk [tilespmem:v18+s22+$0x0], $0xffff  }
0x19e: {  	v13 =	vld.idx.msk [tilespmem:v13+s22+$0x0], $0xffff  }
0x19f: {  	v23 =	vld.idx.msk [tilespmem:v23+s22+$0x0], $0xffff;
	s5 =	sshll.u32 s5, $0x4  }
0x1a0: {  	v22 =	vld.idx.msk [tilespmem:v22+s22+$0x0], $0xffff;
	s5 =	sand.u32 $0x3FFFFF80, s5  }
0x1a1: {  	v14 =	vld.idx.msk [tilespmem:v14+s22+$0x0], $0xffff;
	s6 =	sor.u32 s8, s5  }
0x1a2: {  	v11 =	vld.idx.msk [tilespmem:v11+s22+$0x0], $0xffff;
	[tilespmem:s6+$0x11100] =	vst v16  }
0x1a3: {  	[tilespmem:s6+$0x14D00] =	vst v21  }
0x1a4: {  	[tilespmem:s6+$0x14B00] =	vst v17  }
0x1a5: {  	v16 =	vunpack.i.u.bf16.f32 v19;
	[tilespmem:s6+$0x10F00] =	vst v9  }
0x1a6: {  	v17 =	vunpack.i.l.bf16.f32 v19;
	[tilespmem:s6+$0x14900] =	vst v16  }
0x1a7: {  	v16 =	vunpack.i.u.bf16.f32 v24;
	[tilespmem:s6+$0x14700] =	vst v17  }
0x1a8: {  	v17 =	vunpack.i.l.bf16.f32 v24;
	[tilespmem:s6+$0x14500] =	vst v16  }
0x1a9: {  	v16 =	vunpack.i.u.bf16.f32 v20;
	[tilespmem:s6+$0x14300] =	vst v17  }
0x1aa: {  	v17 =	vunpack.i.l.bf16.f32 v20;
	[tilespmem:s6+$0x13D00] =	vst v16  }
0x1ab: {  	v9 =	vunpack.i.l.bf16.f32 v13;
	[tilespmem:s6+$0x13B00] =	vst v17  }
0x1ac: {  	v16 =	vunpack.i.u.bf16.f32 v15;
	[tilespmem:s6+$0x11300] =	vst v9  }
0x1ad: {  	v15 =	vunpack.i.l.bf16.f32 v15;
	[tilespmem:s6+$0x12D00] =	vst v16  }
0x1ae: {  	v9 =	vunpack.i.u.bf16.f32 v10;
	[tilespmem:s6+$0x12B00] =	vst v15  }
0x1af: {  	v10 =	vunpack.i.l.bf16.f32 v10;
	[tilespmem:s6+$0x12500] =	vst v9  }
0x1b0: {  	v16 =	vunpack.i.u.bf16.f32 v25;
	[tilespmem:s6+$0x12300] =	vst v10  }
0x1b1: {  	v15 =	vunpack.i.l.bf16.f32 v25;
	[tilespmem:s6+$0x12100] =	vst v16  }
0x1b2: {  	v9 =	vunpack.i.u.bf16.f32 v13;
	[tilespmem:s6+$0x11F00] =	vst v15  }
0x1b3: {  	v10 =	vunpack.i.l.bf16.f32 v18;
	[tilespmem:s6+$0x11500] =	vst v9  }
0x1b4: {  	v16 =	vunpack.i.u.bf16.f32 v12;
	[tilespmem:s6+$0x11B00] =	vst v10  }
0x1b5: {  	v12 =	vunpack.i.l.bf16.f32 v12;
	[tilespmem:s6+$0x11900] =	vst v16  }
0x1b6: {  	v9 =	vunpack.i.l.bf16.f32 v23;
	[tilespmem:s6+$0x11700] =	vst v12  }
0x1b7: {  	v10 =	vunpack.i.u.bf16.f32 v11;
	[tilespmem:s6+$0x12F00] =	vst v9  }
0x1b8: {  	v12 =	vunpack.i.l.bf16.f32 v26;
	[tilespmem:s6+$0x12900] =	vst v10  }
0x1b9: {  	v9 =	vunpack.i.u.bf16.f32 v23;
	[tilespmem:s6+$0x13700] =	vst v12  }
0x1ba: {  	v10 =	vunpack.i.u.bf16.f32 v22;
	[tilespmem:s6+$0x13100] =	vst v9  }
0x1bb: {  	v12 =	vunpack.i.u.bf16.f32 v18;
	[tilespmem:s6+$0x14100] =	vst v10  }
0x1bc: {  	v9 =	vunpack.i.l.bf16.f32 v14;
	[tilespmem:s6+$0x11D00] =	vst v12  }
0x1bd: {  	v10 =	vunpack.i.l.bf16.f32 v22;
	[tilespmem:s6+$0x13300] =	vst v9  }
0x1be: {  	v12 =	vunpack.i.u.bf16.f32 v26;
	[tilespmem:s6+$0x13F00] =	vst v10  }
0x1bf: {  	s12 =	sshll.u32 s28, $0x7;
	v9 =	vunpack.i.u.bf16.f32 v14;
	[tilespmem:s6+$0x13900] =	vst v12  }
0x1c0: {  	s5 =	sadd.s32 s14, s12;
	[tilespmem:s6+$0x13500] =	vst v9;
	v9 =	vunpack.i.l.bf16.f32 v11  }
0x1c1: {  	s13 =	sadd.s32 s2, s5;
	[tilespmem:s6+$0x12700] =	vst v9  }
0x1c2: {  	[hbm4b:s13+s29] =	stream.strided.scatter [tilespmem:s31], [sflag:$0x1], $0x4000, s30, s29, $0x38;
	[tilespmem:$0x18F00] =	vst v63  }
0x1c3: {  	s7 =	sadd.s32 $0x0, s4;
	s6 =	simm.s32 $0x0;
	_ =	swait.ge [sflag:s23], $0x4000  }
0x1c4: {  	s7 =	sshll.u32 s7, $0x7;
	s9 =	sand.u32 $0x70, s6;
	[sflag:s23] =	ssyncset.done $0x0  }
0x1c5: {  	s7 =	sor.u32 s9, s7;
	[sflag:s23] =	ssyncadd.s32 $0xFFFFC000  }
0x1c6: {  	v9 =	vld [tilespmem:s7+$0x9100]  }
0x1c7: {  	v10 =	vld [tilespmem:s7+$0xD100];
	_ =	sdelay $0x3  }
0x1c8: {  	v9 =	vshll.u32 v9, $0x2  }
0x1c9: {  	v9 =	vadd.s32 v10, v9  }
0x1ca: {  	v10 =	vadd.s32 $0x8AC, v9  }
0x1cb: {  	v11 =	vadd.s32 $0x784, v9  }
0x1cc: {  	v12 =	vadd.s32 $0x40C, v9  }
0x1cd: {  	v14 =	vadd.s32 $0x128, v9  }
0x1ce: {  	v16 =	vadd.s32 $0x818, v9;
	v17 =	vld.idx.msk [tilespmem:v9+s22+$0x0], $0xffff  }
0x1cf: {  	v20 =	vadd.s32 $0x65C, v9;
	v27 =	vld.idx.msk [tilespmem:v10+s22+$0x0], $0xffff  }
0x1d0: {  	v10 =	vadd.s32 $0x2E4, v9;
	v24 =	vld.idx.msk [tilespmem:v11+s22+$0x0], $0xffff  }
0x1d1: {  	v15 =	vld.idx.msk [tilespmem:v12+s22+$0x0], $0xffff  }
0x1d2: {  	v13 =	vadd.s32 $0x94, v9;
	v18 =	vadd.s32 $0x1BC, v9;
	v25 =	vadd.s32 $0x250, v9;
	v12 =	vld.idx.msk [tilespmem:v14+s22+$0x0], $0xffff  }
0x1d3: {  	v23 =	vadd.s32 $0x4A0, v9;
	v22 =	vadd.s32 $0x6F0, v9;
	v26 =	vadd.s32 $0x5C8, v9;
	v19 =	vld.idx.msk [tilespmem:v16+s22+$0x0], $0xffff  }
0x1d4: {  	v11 =	vadd.s32 $0x378, v9;
	v14 =	vadd.s32 $0x534, v9;
	v20 =	vld.idx.msk [tilespmem:v20+s22+$0x0], $0xffff;
	v16 =	vunpack.i.u.bf16.f32 v17  }
0x1d5: {  	s8 =	simm.s32 $0x1;
	s7 =	simm.s32 $0x0;
	v9 =	vunpack.i.l.bf16.f32 v17;
	v10 =	vld.idx.msk [tilespmem:v10+s22+$0x0], $0xffff;
	v21 =	vunpack.i.u.bf16.f32 v27;
	v17 =	vunpack.i.l.bf16.f32 v27  }
.LBB2_13:
0x1d6: {  	p0 =	sne.s32 s8, $0x1F  }
0x1d7: {  	v25 =	vld.idx.msk [tilespmem:v25+s22+$0x0], $0xffff;
	v27 =	vunpack.i.u.bf16.f32 v24;
	v24 =	vunpack.i.l.bf16.f32 v24;
	s6 =	sadd.s32 $0x10, s6;
	s12 =	smov.u32 s8;
	s8 =	sadd.s32 $0x1, s8  }
0x1d8: {  	v28 =	vunpack.i.u.bf16.f32 v15;
	v26 =	vld.idx.msk [tilespmem:v26+s22+$0x0], $0xffff  }
0x1d9: {  	v15 =	vunpack.i.l.bf16.f32 v15;
	v18 =	vld.idx.msk [tilespmem:v18+s22+$0x0], $0xffff  }
0x1da: {  	v13 =	vld.idx.msk [tilespmem:v13+s22+$0x0], $0xffff  }
0x1db: {  	v29 =	vunpack.i.u.bf16.f32 v19;
	v23 =	vld.idx.msk [tilespmem:v23+s22+$0x0], $0xffff  }
0x1dc: {  	s13 =	sshll.u32 s7, $0x4;
	v30 =	vunpack.i.u.bf16.f32 v12;
	v12 =	vunpack.i.l.bf16.f32 v12;
	s7 =	smov.u32 s12;
	v31 =	vunpack.i.u.bf16.f32 v20;
	v22 =	vld.idx.msk [tilespmem:v22+s22+$0x0], $0xffff  }
0x1dd: {  	s12 =	sand.u32 $0x3FFFFF80, s13;
	v19 =	vunpack.i.l.bf16.f32 v19;
	v20 =	vunpack.i.l.bf16.f32 v20;
	v32 =	vunpack.i.u.bf16.f32 v25;
	v14 =	vld.idx.msk [tilespmem:v14+s22+$0x0], $0xffff  }
0x1de: {  	s12 =	sor.u32 s9, s12;
	v33 =	vunpack.i.u.bf16.f32 v10;
	v10 =	vunpack.i.l.bf16.f32 v10;
	v25 =	vunpack.i.l.bf16.f32 v25;
	v11 =	vld.idx.msk [tilespmem:v11+s22+$0x0], $0xffff  }
0x1df: {  	v35 =	vunpack.i.l.bf16.f32 v26;
	v34 =	vunpack.i.u.bf16.f32 v18;
	v18 =	vunpack.i.l.bf16.f32 v18;
	[tilespmem:s12+$0x15100] =	vst v16  }
0x1e0: {  	v26 =	vunpack.i.u.bf16.f32 v26;
	v16 =	vunpack.i.u.bf16.f32 v13;
	v13 =	vunpack.i.l.bf16.f32 v13;
	[tilespmem:s12+$0x18D00] =	vst v21  }
0x1e1: {  	v21 =	vunpack.i.u.bf16.f32 v23;
	v23 =	vunpack.i.l.bf16.f32 v23;
	[tilespmem:s12+$0x18B00] =	vst v17  }
0x1e2: {  	v17 =	vunpack.i.u.bf16.f32 v22;
	v22 =	vunpack.i.l.bf16.f32 v22;
	[tilespmem:s12+$0x18900] =	vst v29  }
0x1e3: {  	v29 =	vunpack.i.u.bf16.f32 v14;
	[tilespmem:s12+$0x18700] =	vst v19  }
0x1e4: {  	v14 =	vunpack.i.l.bf16.f32 v14;
	v19 =	vunpack.i.u.bf16.f32 v11;
	v11 =	vunpack.i.l.bf16.f32 v11;
	[tilespmem:s12+$0x18500] =	vst v27  }
0x1e5: {  	[tilespmem:s12+$0x18300] =	vst v24  }
0x1e6: {  	[tilespmem:s12+$0x17D00] =	vst v31  }
0x1e7: {  	[tilespmem:s12+$0x17B00] =	vst v20  }
0x1e8: {  	[tilespmem:s12+$0x16D00] =	vst v28  }
0x1e9: {  	[tilespmem:s12+$0x16B00] =	vst v15  }
0x1ea: {  	[tilespmem:s12+$0x16100] =	vst v32  }
0x1eb: {  	[tilespmem:s12+$0x15F00] =	vst v25  }
0x1ec: {  	[tilespmem:s12+$0x15900] =	vst v30  }
0x1ed: {  	[tilespmem:s12+$0x15700] =	vst v12  }
0x1ee: {  	[tilespmem:s12+$0x14F00] =	vst v9  }
0x1ef: {  	[tilespmem:s12+$0x17700] =	vst v35  }
0x1f0: {  	[tilespmem:s12+$0x15300] =	vst v13  }
0x1f1: {  	[tilespmem:s12+$0x15D00] =	vst v34  }
0x1f2: {  	[tilespmem:s12+$0x16500] =	vst v33  }
0x1f3: {  	[tilespmem:s12+$0x17900] =	vst v26  }
0x1f4: {  	[tilespmem:s12+$0x15500] =	vst v16  }
0x1f5: {  	[tilespmem:s12+$0x16300] =	vst v10  }
0x1f6: {  	[tilespmem:s12+$0x16F00] =	vst v23  }
0x1f7: {  	[tilespmem:s12+$0x15B00] =	vst v18  }
0x1f8: {  	[tilespmem:s12+$0x17100] =	vst v21  }
0x1f9: {  	[tilespmem:s12+$0x16900] =	vst v19  }
0x1fa: {  	[tilespmem:s12+$0x17300] =	vst v14  }
0x1fb: {  	s9 =	sshrl.u32 s7, $0x3;
	[tilespmem:s12+$0x18100] =	vst v17  }
0x1fc: {  	s13 =	sadd.s32 s4, s9;
	[tilespmem:s12+$0x17500] =	vst v29  }
0x1fd: {  	s9 =	sand.u32 $0x70, s6;
	s13 =	sshll.u32 s13, $0x7;
	[tilespmem:s12+$0x17F00] =	vst v22  }
0x1fe: {  	s13 =	sor.u32 s9, s13;
	[tilespmem:s12+$0x16700] =	vst v11  }
0x1ff: {  	v9 =	vld [tilespmem:s13+$0x9100]  }
0x200: {  	v10 =	vld [tilespmem:s13+$0xD100];
	_ =	sdelay $0x3  }
0x201: {  	v9 =	vshll.u32 v9, $0x2  }
0x202: {  	v9 =	vadd.s32 v10, v9  }
0x203: {  	v13 =	vadd.s32 $0x94, v9;
	v10 =	vadd.s32 $0x128, v9;
	v12 =	vadd.s32 $0x8AC, v9  }
0x204: {  	v18 =	vadd.s32 $0x1BC, v9;
	v25 =	vadd.s32 $0x250, v9;
	v15 =	vadd.s32 $0x784, v9  }
0x205: {  	v11 =	vadd.s32 $0x378, v9;
	v16 =	vadd.s32 $0x40C, v9;
	v23 =	vadd.s32 $0x4A0, v9  }
0x206: {  	v14 =	vadd.s32 $0x534, v9;
	v22 =	vadd.s32 $0x6F0, v9;
	v17 =	vadd.s32 $0x818, v9  }
0x207: {  	v21 =	vadd.s32 $0x2E4, v9;
	v26 =	vadd.s32 $0x5C8, v9;
	v27 =	vadd.s32 $0x65C, v9;
	v20 =	vld.idx.msk [tilespmem:v9+s22+$0x0], $0xffff  }
0x208: {  	v28 =	vld.idx.msk [tilespmem:v12+s22+$0x0], $0xffff  }
0x209: {  	v24 =	vld.idx.msk [tilespmem:v15+s22+$0x0], $0xffff  }
.Ltmp5:
0x20a: {  	v15 =	vld.idx.msk [tilespmem:v16+s22+$0x0], $0xffff;
	(pc) =	sbr.rel @p0 .LBB2_13-.Ltmp5, $4  }
0x20b: {  	v12 =	vld.idx.msk [tilespmem:v10+s22+$0x0], $0xffff  }
0x20c: {  	v19 =	vld.idx.msk [tilespmem:v17+s22+$0x0], $0xffff  }
0x20d: {  	v16 =	vunpack.i.u.bf16.f32 v20;
	v9 =	vunpack.i.l.bf16.f32 v20;
	v20 =	vld.idx.msk [tilespmem:v27+s22+$0x0], $0xffff  }
0x20e: {  	v17 =	vunpack.i.l.bf16.f32 v28;
	v10 =	vld.idx.msk [tilespmem:v21+s22+$0x0], $0xffff;
	v21 =	vunpack.i.u.bf16.f32 v28  }
0x20f: {  	_ =	sdelay $0x3  }
0x210: {  	v25 =	vld.idx.msk [tilespmem:v25+s22+$0x0], $0xffff  }
0x211: {  	v26 =	vld.idx.msk [tilespmem:v26+s22+$0x0], $0xffff  }
0x212: {  	v18 =	vld.idx.msk [tilespmem:v18+s22+$0x0], $0xffff  }
0x213: {  	v13 =	vld.idx.msk [tilespmem:v13+s22+$0x0], $0xffff  }
0x214: {  	v23 =	vld.idx.msk [tilespmem:v23+s22+$0x0], $0xffff;
	s4 =	sshll.u32 s7, $0x4  }
0x215: {  	v22 =	vld.idx.msk [tilespmem:v22+s22+$0x0], $0xffff;
	s4 =	sand.u32 $0x3FFFFF80, s4  }
0x216: {  	v14 =	vld.idx.msk [tilespmem:v14+s22+$0x0], $0xffff;
	s4 =	sor.u32 s9, s4  }
0x217: {  	v11 =	vld.idx.msk [tilespmem:v11+s22+$0x0], $0xffff;
	[tilespmem:s4+$0x15100] =	vst v16  }
0x218: {  	[tilespmem:s4+$0x18D00] =	vst v21  }
0x219: {  	v49 =	vunpack.i.u.bf16.f32 v19;
	[tilespmem:s4+$0x18B00] =	vst v17  }
0x21a: {  	v50 =	vunpack.i.l.bf16.f32 v19;
	[tilespmem:s4+$0x18900] =	vst v49  }
0x21b: {  	v51 =	vunpack.i.u.bf16.f32 v24;
	[tilespmem:s4+$0x18700] =	vst v50  }
0x21c: {  	v52 =	vunpack.i.l.bf16.f32 v24;
	[tilespmem:s4+$0x18500] =	vst v51  }
0x21d: {  	v55 =	vunpack.i.u.bf16.f32 v15;
	[tilespmem:s4+$0x18300] =	vst v52  }
0x21e: {  	v56 =	vunpack.i.l.bf16.f32 v15;
	[tilespmem:s4+$0x16D00] =	vst v55  }
0x21f: {  	v59 =	vunpack.i.u.bf16.f32 v12;
	[tilespmem:s4+$0x16B00] =	vst v56  }
0x220: {  	v60 =	vunpack.i.l.bf16.f32 v12;
	[tilespmem:s4+$0x15900] =	vst v59  }
0x221: {  	[tilespmem:s4+$0x15700] =	vst v60  }
0x222: {  	v53 =	vunpack.i.u.bf16.f32 v20;
	[tilespmem:s4+$0x14F00] =	vst v9  }
0x223: {  	v54 =	vunpack.i.l.bf16.f32 v20;
	[tilespmem:s4+$0x17D00] =	vst v53  }
0x224: {  	[tilespmem:s4+$0x17B00] =	vst v54;
	v57 =	vunpack.i.u.bf16.f32 v25  }
0x225: {  	v58 =	vunpack.i.l.bf16.f32 v25;
	[tilespmem:s4+$0x16100] =	vst v57  }
0x226: {  	v61 =	vunpack.i.l.bf16.f32 v26;
	[tilespmem:s4+$0x15F00] =	vst v58  }
0x227: {  	v9 =	vunpack.i.l.bf16.f32 v13;
	[tilespmem:s4+$0x17700] =	vst v61  }
0x228: {  	v62 =	vunpack.i.u.bf16.f32 v18;
	[tilespmem:s4+$0x15300] =	vst v9  }
0x229: {  	v63 =	vunpack.i.u.bf16.f32 v26;
	[tilespmem:s4+$0x15D00] =	vst v62  }
0x22a: {  	v9 =	vunpack.i.u.bf16.f32 v10;
	[tilespmem:s4+$0x17900] =	vst v63  }
0x22b: {  	v10 =	vunpack.i.l.bf16.f32 v10;
	[tilespmem:s4+$0x16500] =	vst v9  }
0x22c: {  	v9 =	vunpack.i.u.bf16.f32 v13;
	[tilespmem:s4+$0x16300] =	vst v10  }
0x22d: {  	v10 =	vunpack.i.l.bf16.f32 v18;
	[tilespmem:s4+$0x15500] =	vst v9  }
0x22e: {  	v9 =	vunpack.i.l.bf16.f32 v23;
	[tilespmem:s4+$0x15B00] =	vst v10  }
0x22f: {  	v10 =	vunpack.i.u.bf16.f32 v11;
	[tilespmem:s4+$0x16F00] =	vst v9  }
0x230: {  	v9 =	vunpack.i.u.bf16.f32 v23;
	[tilespmem:s4+$0x16900] =	vst v10  }
0x231: {  	s28 =	sadd.s32 $0x1, s28;
	v10 =	vunpack.i.u.bf16.f32 v22;
	[tilespmem:s4+$0x17100] =	vst v9  }
0x232: {  	p0 =	sne.s32 s28, $0x10;
	v9 =	vunpack.i.l.bf16.f32 v14;
	[tilespmem:s4+$0x18100] =	vst v10  }
.Ltmp6:
0x233: {  	v10 =	vunpack.i.l.bf16.f32 v22;
	[tilespmem:s4+$0x17300] =	vst v9;
	(pc) =	sbr.rel @p0 .LBB2_10-.Ltmp6, $4  }
0x234: {  	v9 =	vunpack.i.u.bf16.f32 v14;
	[tilespmem:s4+$0x17F00] =	vst v10  }
0x235: {  	[tilespmem:s4+$0x17500] =	vst v9;
	v9 =	vunpack.i.l.bf16.f32 v11  }
0x236: {  	s13 =	sadd.s32 s5, s11;
	[tilespmem:s4+$0x16700] =	vst v9  }
0x237: {  	[hbm4b:s13+s29] =	stream.strided.scatter [tilespmem:s0], [sflag:$0x2], $0x4000, s30, s29, $0x38;
	[tilespmem:$0x18F00] =	vst v63  }
0x238: {  	_ =	swait.ge [sflag:s25], $0x4000  }
0x239: {  	[sflag:s25] =	ssyncset.done $0x0  }
0x23a: {  	[sflag:s25] =	ssyncadd.s32 $0xFFFFC000  }
0x23b: {  	_ =	swait.ge [sflag:s25], $0x4000  }
0x23c: {  	[sflag:s25] =	ssyncset.done $0x0  }
0x23d: {  	s26 =	simm.s32 $0x0;
	s4 =	simm.s32 $0x8F00;
	[sflag:s25] =	ssyncadd.s32 $0xFFFFC000  }
0x23e: {  	[tilespmem:s4], [sflag:$0x3] =	stream.linear.gather [hbm4b:s15+s26], $0x4000, $0x38;
	[tilespmem:$0x18F00] =	vst v63  }
0x23f: {  	s13 =	simm.s32 $0xCF00;
	s28 =	simm.s32 $0x0  }
0x240: {  	[tilespmem:s13], [sflag:$0x3] =	stream.linear.gather [hbm4b:s16+s26], $0x4000, $0x38;
	[tilespmem:$0x18F00] =	vst v63  }
.LBB2_16:
0x241: {  	s4 =	sshll.u32 s28, $0x3  }
0x242: {  	_ =	swait.ge [sflag:s1], $0x4000;
	s5 =	sadd.s32 $0x0, s4  }
0x243: {  	s8 =	sand.u32 $0x70, s26;
	[sflag:s1] =	ssyncset.done $0x0;
	s5 =	sshll.u32 s5, $0x7  }
0x244: {  	[sflag:s1] =	ssyncadd.s32 $0xFFFFC000;
	s5 =	sor.u32 s8, s5  }
0x245: {  	v9 =	vld [tilespmem:s5+$0xF00]  }
0x246: {  	v10 =	vld [tilespmem:s5+$0x4F00];
	_ =	sdelay $0x3  }
0x247: {  	v9 =	vshll.u32 v9, $0x2  }
0x248: {  	v9 =	vadd.s32 v10, v9  }
0x249: {  	v10 =	vadd.s32 $0x8AC, v9  }
0x24a: {  	v11 =	vadd.s32 $0x784, v9  }
0x24b: {  	v12 =	vadd.s32 $0x40C, v9  }
0x24c: {  	v14 =	vadd.s32 $0x128, v9  }
0x24d: {  	v16 =	vadd.s32 $0x818, v9;
	v17 =	vld.idx.msk [tilespmem:v9+s22+$0x0], $0xffff  }
0x24e: {  	v20 =	vadd.s32 $0x65C, v9;
	v27 =	vld.idx.msk [tilespmem:v10+s22+$0x0], $0xffff  }
0x24f: {  	v10 =	vadd.s32 $0x2E4, v9;
	v24 =	vld.idx.msk [tilespmem:v11+s22+$0x0], $0xffff  }
0x250: {  	v15 =	vld.idx.msk [tilespmem:v12+s22+$0x0], $0xffff  }
0x251: {  	v13 =	vadd.s32 $0x94, v9;
	v18 =	vadd.s32 $0x1BC, v9;
	v25 =	vadd.s32 $0x250, v9;
	v12 =	vld.idx.msk [tilespmem:v14+s22+$0x0], $0xffff  }
0x252: {  	v23 =	vadd.s32 $0x4A0, v9;
	v22 =	vadd.s32 $0x6F0, v9;
	v26 =	vadd.s32 $0x5C8, v9;
	v19 =	vld.idx.msk [tilespmem:v16+s22+$0x0], $0xffff  }
0x253: {  	v11 =	vadd.s32 $0x378, v9;
	v14 =	vadd.s32 $0x534, v9;
	v20 =	vld.idx.msk [tilespmem:v20+s22+$0x0], $0xffff;
	v16 =	vunpack.i.u.bf16.f32 v17  }
0x254: {  	s6 =	simm.s32 $0x1;
	s7 =	simm.s32 $0x0;
	s5 =	simm.s32 $0x0;
	v9 =	vunpack.i.l.bf16.f32 v17;
	v10 =	vld.idx.msk [tilespmem:v10+s22+$0x0], $0xffff;
	v21 =	vunpack.i.u.bf16.f32 v27;
	v17 =	vunpack.i.l.bf16.f32 v27  }
.LBB2_17:
0x255: {  	p0 =	sne.s32 s6, $0x1F  }
0x256: {  	v25 =	vld.idx.msk [tilespmem:v25+s22+$0x0], $0xffff;
	v27 =	vunpack.i.u.bf16.f32 v24;
	v24 =	vunpack.i.l.bf16.f32 v24;
	s7 =	sadd.s32 $0x10, s7;
	s9 =	smov.u32 s6;
	s6 =	sadd.s32 $0x1, s6  }
0x257: {  	v28 =	vunpack.i.u.bf16.f32 v15;
	v26 =	vld.idx.msk [tilespmem:v26+s22+$0x0], $0xffff  }
0x258: {  	v15 =	vunpack.i.l.bf16.f32 v15;
	v18 =	vld.idx.msk [tilespmem:v18+s22+$0x0], $0xffff  }
0x259: {  	v13 =	vld.idx.msk [tilespmem:v13+s22+$0x0], $0xffff  }
0x25a: {  	v29 =	vunpack.i.u.bf16.f32 v19;
	v23 =	vld.idx.msk [tilespmem:v23+s22+$0x0], $0xffff  }
0x25b: {  	s12 =	sshll.u32 s5, $0x4;
	v30 =	vunpack.i.u.bf16.f32 v12;
	v12 =	vunpack.i.l.bf16.f32 v12;
	s5 =	smov.u32 s9;
	v31 =	vunpack.i.u.bf16.f32 v20;
	v22 =	vld.idx.msk [tilespmem:v22+s22+$0x0], $0xffff  }
0x25c: {  	s9 =	sand.u32 $0x3FFFFF80, s12;
	v19 =	vunpack.i.l.bf16.f32 v19;
	v20 =	vunpack.i.l.bf16.f32 v20;
	v32 =	vunpack.i.u.bf16.f32 v25;
	v14 =	vld.idx.msk [tilespmem:v14+s22+$0x0], $0xffff  }
0x25d: {  	s9 =	sor.u32 s8, s9;
	v33 =	vunpack.i.u.bf16.f32 v10;
	v10 =	vunpack.i.l.bf16.f32 v10;
	v25 =	vunpack.i.l.bf16.f32 v25;
	v11 =	vld.idx.msk [tilespmem:v11+s22+$0x0], $0xffff  }
0x25e: {  	v35 =	vunpack.i.l.bf16.f32 v26;
	v34 =	vunpack.i.u.bf16.f32 v18;
	v18 =	vunpack.i.l.bf16.f32 v18;
	[tilespmem:s9+$0x11100] =	vst v16  }
0x25f: {  	v26 =	vunpack.i.u.bf16.f32 v26;
	v16 =	vunpack.i.u.bf16.f32 v13;
	v13 =	vunpack.i.l.bf16.f32 v13;
	[tilespmem:s9+$0x14D00] =	vst v21  }
0x260: {  	v21 =	vunpack.i.u.bf16.f32 v23;
	v23 =	vunpack.i.l.bf16.f32 v23;
	[tilespmem:s9+$0x14B00] =	vst v17  }
0x261: {  	v17 =	vunpack.i.u.bf16.f32 v22;
	v22 =	vunpack.i.l.bf16.f32 v22;
	[tilespmem:s9+$0x14900] =	vst v29  }
0x262: {  	v29 =	vunpack.i.u.bf16.f32 v14;
	[tilespmem:s9+$0x14700] =	vst v19  }
0x263: {  	v14 =	vunpack.i.l.bf16.f32 v14;
	v19 =	vunpack.i.u.bf16.f32 v11;
	v11 =	vunpack.i.l.bf16.f32 v11;
	[tilespmem:s9+$0x14500] =	vst v27  }
0x264: {  	[tilespmem:s9+$0x14300] =	vst v24  }
0x265: {  	[tilespmem:s9+$0x13D00] =	vst v31  }
0x266: {  	[tilespmem:s9+$0x13B00] =	vst v20  }
0x267: {  	[tilespmem:s9+$0x12D00] =	vst v28  }
0x268: {  	[tilespmem:s9+$0x12B00] =	vst v15  }
0x269: {  	[tilespmem:s9+$0x12100] =	vst v32  }
0x26a: {  	[tilespmem:s9+$0x11F00] =	vst v25  }
0x26b: {  	[tilespmem:s9+$0x11900] =	vst v30  }
0x26c: {  	[tilespmem:s9+$0x11700] =	vst v12  }
0x26d: {  	[tilespmem:s9+$0x10F00] =	vst v9  }
0x26e: {  	[tilespmem:s9+$0x13700] =	vst v35  }
0x26f: {  	[tilespmem:s9+$0x11300] =	vst v13  }
0x270: {  	[tilespmem:s9+$0x11D00] =	vst v34  }
0x271: {  	[tilespmem:s9+$0x12500] =	vst v33  }
0x272: {  	[tilespmem:s9+$0x13900] =	vst v26  }
0x273: {  	[tilespmem:s9+$0x11500] =	vst v16  }
0x274: {  	[tilespmem:s9+$0x12300] =	vst v10  }
0x275: {  	[tilespmem:s9+$0x12F00] =	vst v23  }
0x276: {  	[tilespmem:s9+$0x11B00] =	vst v18  }
0x277: {  	[tilespmem:s9+$0x13100] =	vst v21  }
0x278: {  	[tilespmem:s9+$0x12900] =	vst v19  }
0x279: {  	[tilespmem:s9+$0x13300] =	vst v14  }
0x27a: {  	s8 =	sshrl.u32 s5, $0x3;
	[tilespmem:s9+$0x14100] =	vst v17  }
0x27b: {  	s12 =	sadd.s32 s4, s8;
	[tilespmem:s9+$0x13500] =	vst v29  }
0x27c: {  	s8 =	sand.u32 $0x70, s7;
	s12 =	sshll.u32 s12, $0x7;
	[tilespmem:s9+$0x13F00] =	vst v22  }
0x27d: {  	s12 =	sor.u32 s8, s12;
	[tilespmem:s9+$0x12700] =	vst v11  }
0x27e: {  	v9 =	vld [tilespmem:s12+$0xF00]  }
0x27f: {  	v10 =	vld [tilespmem:s12+$0x4F00];
	_ =	sdelay $0x3  }
0x280: {  	v9 =	vshll.u32 v9, $0x2  }
0x281: {  	v9 =	vadd.s32 v10, v9  }
0x282: {  	v13 =	vadd.s32 $0x94, v9;
	v10 =	vadd.s32 $0x128, v9;
	v12 =	vadd.s32 $0x8AC, v9  }
0x283: {  	v18 =	vadd.s32 $0x1BC, v9;
	v25 =	vadd.s32 $0x250, v9;
	v15 =	vadd.s32 $0x784, v9  }
0x284: {  	v11 =	vadd.s32 $0x378, v9;
	v16 =	vadd.s32 $0x40C, v9;
	v23 =	vadd.s32 $0x4A0, v9  }
0x285: {  	v14 =	vadd.s32 $0x534, v9;
	v22 =	vadd.s32 $0x6F0, v9;
	v17 =	vadd.s32 $0x818, v9  }
0x286: {  	v21 =	vadd.s32 $0x2E4, v9;
	v26 =	vadd.s32 $0x5C8, v9;
	v27 =	vadd.s32 $0x65C, v9;
	v20 =	vld.idx.msk [tilespmem:v9+s22+$0x0], $0xffff  }
0x287: {  	v28 =	vld.idx.msk [tilespmem:v12+s22+$0x0], $0xffff  }
0x288: {  	v24 =	vld.idx.msk [tilespmem:v15+s22+$0x0], $0xffff  }
.Ltmp7:
0x289: {  	v15 =	vld.idx.msk [tilespmem:v16+s22+$0x0], $0xffff;
	(pc) =	sbr.rel @p0 .LBB2_17-.Ltmp7, $4  }
0x28a: {  	v12 =	vld.idx.msk [tilespmem:v10+s22+$0x0], $0xffff  }
0x28b: {  	v19 =	vld.idx.msk [tilespmem:v17+s22+$0x0], $0xffff  }
0x28c: {  	v16 =	vunpack.i.u.bf16.f32 v20;
	v9 =	vunpack.i.l.bf16.f32 v20;
	v20 =	vld.idx.msk [tilespmem:v27+s22+$0x0], $0xffff  }
0x28d: {  	v17 =	vunpack.i.l.bf16.f32 v28;
	v10 =	vld.idx.msk [tilespmem:v21+s22+$0x0], $0xffff;
	v21 =	vunpack.i.u.bf16.f32 v28  }
0x28e: {  	_ =	sdelay $0x3  }
0x28f: {  	v25 =	vld.idx.msk [tilespmem:v25+s22+$0x0], $0xffff  }
0x290: {  	v26 =	vld.idx.msk [tilespmem:v26+s22+$0x0], $0xffff  }
0x291: {  	v18 =	vld.idx.msk [tilespmem:v18+s22+$0x0], $0xffff  }
0x292: {  	v13 =	vld.idx.msk [tilespmem:v13+s22+$0x0], $0xffff  }
0x293: {  	v23 =	vld.idx.msk [tilespmem:v23+s22+$0x0], $0xffff;
	s5 =	sshll.u32 s5, $0x4  }
0x294: {  	v22 =	vld.idx.msk [tilespmem:v22+s22+$0x0], $0xffff;
	s5 =	sand.u32 $0x3FFFFF80, s5  }
0x295: {  	v14 =	vld.idx.msk [tilespmem:v14+s22+$0x0], $0xffff;
	s6 =	sor.u32 s8, s5  }
0x296: {  	v11 =	vld.idx.msk [tilespmem:v11+s22+$0x0], $0xffff;
	[tilespmem:s6+$0x11100] =	vst v16  }
0x297: {  	[tilespmem:s6+$0x14D00] =	vst v21  }
0x298: {  	[tilespmem:s6+$0x14B00] =	vst v17  }
0x299: {  	v16 =	vunpack.i.u.bf16.f32 v19;
	[tilespmem:s6+$0x10F00] =	vst v9  }
0x29a: {  	v17 =	vunpack.i.l.bf16.f32 v19;
	[tilespmem:s6+$0x14900] =	vst v16  }
0x29b: {  	v16 =	vunpack.i.u.bf16.f32 v24;
	[tilespmem:s6+$0x14700] =	vst v17  }
0x29c: {  	v17 =	vunpack.i.l.bf16.f32 v24;
	[tilespmem:s6+$0x14500] =	vst v16  }
0x29d: {  	v16 =	vunpack.i.u.bf16.f32 v20;
	[tilespmem:s6+$0x14300] =	vst v17  }
0x29e: {  	v17 =	vunpack.i.l.bf16.f32 v20;
	[tilespmem:s6+$0x13D00] =	vst v16  }
0x29f: {  	v9 =	vunpack.i.l.bf16.f32 v13;
	[tilespmem:s6+$0x13B00] =	vst v17  }
0x2a0: {  	v16 =	vunpack.i.u.bf16.f32 v15;
	[tilespmem:s6+$0x11300] =	vst v9  }
0x2a1: {  	v15 =	vunpack.i.l.bf16.f32 v15;
	[tilespmem:s6+$0x12D00] =	vst v16  }
0x2a2: {  	v9 =	vunpack.i.u.bf16.f32 v10;
	[tilespmem:s6+$0x12B00] =	vst v15  }
0x2a3: {  	v10 =	vunpack.i.l.bf16.f32 v10;
	[tilespmem:s6+$0x12500] =	vst v9  }
0x2a4: {  	v16 =	vunpack.i.u.bf16.f32 v25;
	[tilespmem:s6+$0x12300] =	vst v10  }
0x2a5: {  	v15 =	vunpack.i.l.bf16.f32 v25;
	[tilespmem:s6+$0x12100] =	vst v16  }
0x2a6: {  	v9 =	vunpack.i.u.bf16.f32 v13;
	[tilespmem:s6+$0x11F00] =	vst v15  }
0x2a7: {  	v10 =	vunpack.i.l.bf16.f32 v18;
	[tilespmem:s6+$0x11500] =	vst v9  }
0x2a8: {  	v16 =	vunpack.i.u.bf16.f32 v12;
	[tilespmem:s6+$0x11B00] =	vst v10  }
0x2a9: {  	v12 =	vunpack.i.l.bf16.f32 v12;
	[tilespmem:s6+$0x11900] =	vst v16  }
0x2aa: {  	v9 =	vunpack.i.l.bf16.f32 v23;
	[tilespmem:s6+$0x11700] =	vst v12  }
0x2ab: {  	v10 =	vunpack.i.u.bf16.f32 v11;
	[tilespmem:s6+$0x12F00] =	vst v9  }
0x2ac: {  	v12 =	vunpack.i.l.bf16.f32 v26;
	[tilespmem:s6+$0x12900] =	vst v10  }
0x2ad: {  	v9 =	vunpack.i.u.bf16.f32 v23;
	[tilespmem:s6+$0x13700] =	vst v12  }
0x2ae: {  	v10 =	vunpack.i.u.bf16.f32 v22;
	[tilespmem:s6+$0x13100] =	vst v9  }
0x2af: {  	v12 =	vunpack.i.u.bf16.f32 v18;
	[tilespmem:s6+$0x14100] =	vst v10  }
0x2b0: {  	v9 =	vunpack.i.l.bf16.f32 v14;
	[tilespmem:s6+$0x11D00] =	vst v12  }
0x2b1: {  	v10 =	vunpack.i.l.bf16.f32 v22;
	[tilespmem:s6+$0x13300] =	vst v9  }
0x2b2: {  	v12 =	vunpack.i.u.bf16.f32 v26;
	[tilespmem:s6+$0x13F00] =	vst v10  }
0x2b3: {  	s12 =	sshll.u32 s28, $0x7;
	v9 =	vunpack.i.u.bf16.f32 v14;
	[tilespmem:s6+$0x13900] =	vst v12  }
0x2b4: {  	s5 =	sadd.s32 s17, s12;
	[tilespmem:s6+$0x13500] =	vst v9;
	v9 =	vunpack.i.l.bf16.f32 v11  }
0x2b5: {  	s13 =	sadd.s32 s2, s5;
	[tilespmem:s6+$0x12700] =	vst v9  }
0x2b6: {  	[hbm4b:s13+s29] =	stream.strided.scatter [tilespmem:s31], [sflag:$0x1], $0x4000, s30, s29, $0x38;
	[tilespmem:$0x18F00] =	vst v63  }
0x2b7: {  	s7 =	sadd.s32 $0x0, s4;
	s6 =	simm.s32 $0x0;
	_ =	swait.ge [sflag:s23], $0x4000  }
0x2b8: {  	s7 =	sshll.u32 s7, $0x7;
	s9 =	sand.u32 $0x70, s6;
	[sflag:s23] =	ssyncset.done $0x0  }
0x2b9: {  	s7 =	sor.u32 s9, s7;
	[sflag:s23] =	ssyncadd.s32 $0xFFFFC000  }
0x2ba: {  	v9 =	vld [tilespmem:s7+$0x1100]  }
0x2bb: {  	v10 =	vld [tilespmem:s7+$0x5100];
	_ =	sdelay $0x3  }
0x2bc: {  	v9 =	vshll.u32 v9, $0x2  }
0x2bd: {  	v9 =	vadd.s32 v10, v9  }
0x2be: {  	v10 =	vadd.s32 $0x8AC, v9  }
0x2bf: {  	v11 =	vadd.s32 $0x784, v9  }
0x2c0: {  	v12 =	vadd.s32 $0x40C, v9  }
0x2c1: {  	v14 =	vadd.s32 $0x128, v9  }
0x2c2: {  	v16 =	vadd.s32 $0x818, v9;
	v17 =	vld.idx.msk [tilespmem:v9+s22+$0x0], $0xffff  }
0x2c3: {  	v20 =	vadd.s32 $0x65C, v9;
	v27 =	vld.idx.msk [tilespmem:v10+s22+$0x0], $0xffff  }
0x2c4: {  	v10 =	vadd.s32 $0x2E4, v9;
	v24 =	vld.idx.msk [tilespmem:v11+s22+$0x0], $0xffff  }
0x2c5: {  	v15 =	vld.idx.msk [tilespmem:v12+s22+$0x0], $0xffff  }
0x2c6: {  	v13 =	vadd.s32 $0x94, v9;
	v18 =	vadd.s32 $0x1BC, v9;
	v25 =	vadd.s32 $0x250, v9;
	v12 =	vld.idx.msk [tilespmem:v14+s22+$0x0], $0xffff  }
0x2c7: {  	v23 =	vadd.s32 $0x4A0, v9;
	v22 =	vadd.s32 $0x6F0, v9;
	v26 =	vadd.s32 $0x5C8, v9;
	v19 =	vld.idx.msk [tilespmem:v16+s22+$0x0], $0xffff  }
0x2c8: {  	v11 =	vadd.s32 $0x378, v9;
	v14 =	vadd.s32 $0x534, v9;
	v20 =	vld.idx.msk [tilespmem:v20+s22+$0x0], $0xffff;
	v16 =	vunpack.i.u.bf16.f32 v17  }
0x2c9: {  	s8 =	simm.s32 $0x1;
	s7 =	simm.s32 $0x0;
	v9 =	vunpack.i.l.bf16.f32 v17;
	v10 =	vld.idx.msk [tilespmem:v10+s22+$0x0], $0xffff;
	v21 =	vunpack.i.u.bf16.f32 v27;
	v17 =	vunpack.i.l.bf16.f32 v27  }
.LBB2_19:
0x2ca: {  	p0 =	sne.s32 s8, $0x1F  }
0x2cb: {  	v25 =	vld.idx.msk [tilespmem:v25+s22+$0x0], $0xffff;
	v27 =	vunpack.i.u.bf16.f32 v24;
	v24 =	vunpack.i.l.bf16.f32 v24;
	s6 =	sadd.s32 $0x10, s6;
	s12 =	smov.u32 s8;
	s8 =	sadd.s32 $0x1, s8  }
0x2cc: {  	v28 =	vunpack.i.u.bf16.f32 v15;
	v26 =	vld.idx.msk [tilespmem:v26+s22+$0x0], $0xffff  }
0x2cd: {  	v15 =	vunpack.i.l.bf16.f32 v15;
	v18 =	vld.idx.msk [tilespmem:v18+s22+$0x0], $0xffff  }
0x2ce: {  	v13 =	vld.idx.msk [tilespmem:v13+s22+$0x0], $0xffff  }
0x2cf: {  	v29 =	vunpack.i.u.bf16.f32 v19;
	v23 =	vld.idx.msk [tilespmem:v23+s22+$0x0], $0xffff  }
0x2d0: {  	s13 =	sshll.u32 s7, $0x4;
	v30 =	vunpack.i.u.bf16.f32 v12;
	v12 =	vunpack.i.l.bf16.f32 v12;
	s7 =	smov.u32 s12;
	v31 =	vunpack.i.u.bf16.f32 v20;
	v22 =	vld.idx.msk [tilespmem:v22+s22+$0x0], $0xffff  }
0x2d1: {  	s12 =	sand.u32 $0x3FFFFF80, s13;
	v19 =	vunpack.i.l.bf16.f32 v19;
	v20 =	vunpack.i.l.bf16.f32 v20;
	v32 =	vunpack.i.u.bf16.f32 v25;
	v14 =	vld.idx.msk [tilespmem:v14+s22+$0x0], $0xffff  }
0x2d2: {  	s12 =	sor.u32 s9, s12;
	v33 =	vunpack.i.u.bf16.f32 v10;
	v10 =	vunpack.i.l.bf16.f32 v10;
	v25 =	vunpack.i.l.bf16.f32 v25;
	v11 =	vld.idx.msk [tilespmem:v11+s22+$0x0], $0xffff  }
0x2d3: {  	v35 =	vunpack.i.l.bf16.f32 v26;
	v34 =	vunpack.i.u.bf16.f32 v18;
	v18 =	vunpack.i.l.bf16.f32 v18;
	[tilespmem:s12+$0x15100] =	vst v16  }
0x2d4: {  	v26 =	vunpack.i.u.bf16.f32 v26;
	v16 =	vunpack.i.u.bf16.f32 v13;
	v13 =	vunpack.i.l.bf16.f32 v13;
	[tilespmem:s12+$0x18D00] =	vst v21  }
0x2d5: {  	v21 =	vunpack.i.u.bf16.f32 v23;
	v23 =	vunpack.i.l.bf16.f32 v23;
	[tilespmem:s12+$0x18B00] =	vst v17  }
0x2d6: {  	v17 =	vunpack.i.u.bf16.f32 v22;
	v22 =	vunpack.i.l.bf16.f32 v22;
	[tilespmem:s12+$0x18900] =	vst v29  }
0x2d7: {  	v29 =	vunpack.i.u.bf16.f32 v14;
	[tilespmem:s12+$0x18700] =	vst v19  }
0x2d8: {  	v14 =	vunpack.i.l.bf16.f32 v14;
	v19 =	vunpack.i.u.bf16.f32 v11;
	v11 =	vunpack.i.l.bf16.f32 v11;
	[tilespmem:s12+$0x18500] =	vst v27  }
0x2d9: {  	[tilespmem:s12+$0x18300] =	vst v24  }
0x2da: {  	[tilespmem:s12+$0x17D00] =	vst v31  }
0x2db: {  	[tilespmem:s12+$0x17B00] =	vst v20  }
0x2dc: {  	[tilespmem:s12+$0x16D00] =	vst v28  }
0x2dd: {  	[tilespmem:s12+$0x16B00] =	vst v15  }
0x2de: {  	[tilespmem:s12+$0x16100] =	vst v32  }
0x2df: {  	[tilespmem:s12+$0x15F00] =	vst v25  }
0x2e0: {  	[tilespmem:s12+$0x15900] =	vst v30  }
0x2e1: {  	[tilespmem:s12+$0x15700] =	vst v12  }
0x2e2: {  	[tilespmem:s12+$0x14F00] =	vst v9  }
0x2e3: {  	[tilespmem:s12+$0x17700] =	vst v35  }
0x2e4: {  	[tilespmem:s12+$0x15300] =	vst v13  }
0x2e5: {  	[tilespmem:s12+$0x15D00] =	vst v34  }
0x2e6: {  	[tilespmem:s12+$0x16500] =	vst v33  }
0x2e7: {  	[tilespmem:s12+$0x17900] =	vst v26  }
0x2e8: {  	[tilespmem:s12+$0x15500] =	vst v16  }
0x2e9: {  	[tilespmem:s12+$0x16300] =	vst v10  }
0x2ea: {  	[tilespmem:s12+$0x16F00] =	vst v23  }
0x2eb: {  	[tilespmem:s12+$0x15B00] =	vst v18  }
0x2ec: {  	[tilespmem:s12+$0x17100] =	vst v21  }
0x2ed: {  	[tilespmem:s12+$0x16900] =	vst v19  }
0x2ee: {  	[tilespmem:s12+$0x17300] =	vst v14  }
0x2ef: {  	s9 =	sshrl.u32 s7, $0x3;
	[tilespmem:s12+$0x18100] =	vst v17  }
0x2f0: {  	s13 =	sadd.s32 s4, s9;
	[tilespmem:s12+$0x17500] =	vst v29  }
0x2f1: {  	s9 =	sand.u32 $0x70, s6;
	s13 =	sshll.u32 s13, $0x7;
	[tilespmem:s12+$0x17F00] =	vst v22  }
0x2f2: {  	s13 =	sor.u32 s9, s13;
	[tilespmem:s12+$0x16700] =	vst v11  }
0x2f3: {  	v9 =	vld [tilespmem:s13+$0x1100]  }
0x2f4: {  	v10 =	vld [tilespmem:s13+$0x5100];
	_ =	sdelay $0x3  }
0x2f5: {  	v9 =	vshll.u32 v9, $0x2  }
0x2f6: {  	v9 =	vadd.s32 v10, v9  }
0x2f7: {  	v13 =	vadd.s32 $0x94, v9;
	v10 =	vadd.s32 $0x128, v9;
	v12 =	vadd.s32 $0x8AC, v9  }
0x2f8: {  	v18 =	vadd.s32 $0x1BC, v9;
	v25 =	vadd.s32 $0x250, v9;
	v15 =	vadd.s32 $0x784, v9  }
0x2f9: {  	v11 =	vadd.s32 $0x378, v9;
	v16 =	vadd.s32 $0x40C, v9;
	v23 =	vadd.s32 $0x4A0, v9  }
0x2fa: {  	v14 =	vadd.s32 $0x534, v9;
	v22 =	vadd.s32 $0x6F0, v9;
	v17 =	vadd.s32 $0x818, v9  }
0x2fb: {  	v21 =	vadd.s32 $0x2E4, v9;
	v26 =	vadd.s32 $0x5C8, v9;
	v27 =	vadd.s32 $0x65C, v9;
	v20 =	vld.idx.msk [tilespmem:v9+s22+$0x0], $0xffff  }
0x2fc: {  	v28 =	vld.idx.msk [tilespmem:v12+s22+$0x0], $0xffff  }
0x2fd: {  	v24 =	vld.idx.msk [tilespmem:v15+s22+$0x0], $0xffff  }
.Ltmp8:
0x2fe: {  	v15 =	vld.idx.msk [tilespmem:v16+s22+$0x0], $0xffff;
	(pc) =	sbr.rel @p0 .LBB2_19-.Ltmp8, $4  }
0x2ff: {  	v12 =	vld.idx.msk [tilespmem:v10+s22+$0x0], $0xffff  }
0x300: {  	v19 =	vld.idx.msk [tilespmem:v17+s22+$0x0], $0xffff  }
0x301: {  	v16 =	vunpack.i.u.bf16.f32 v20;
	v9 =	vunpack.i.l.bf16.f32 v20;
	v20 =	vld.idx.msk [tilespmem:v27+s22+$0x0], $0xffff  }
0x302: {  	v17 =	vunpack.i.l.bf16.f32 v28;
	v10 =	vld.idx.msk [tilespmem:v21+s22+$0x0], $0xffff;
	v21 =	vunpack.i.u.bf16.f32 v28  }
0x303: {  	_ =	sdelay $0x3  }
0x304: {  	v25 =	vld.idx.msk [tilespmem:v25+s22+$0x0], $0xffff  }
0x305: {  	v26 =	vld.idx.msk [tilespmem:v26+s22+$0x0], $0xffff  }
0x306: {  	v18 =	vld.idx.msk [tilespmem:v18+s22+$0x0], $0xffff  }
0x307: {  	v13 =	vld.idx.msk [tilespmem:v13+s22+$0x0], $0xffff  }
0x308: {  	v23 =	vld.idx.msk [tilespmem:v23+s22+$0x0], $0xffff;
	s4 =	sshll.u32 s7, $0x4  }
0x309: {  	v22 =	vld.idx.msk [tilespmem:v22+s22+$0x0], $0xffff;
	s4 =	sand.u32 $0x3FFFFF80, s4  }
0x30a: {  	v14 =	vld.idx.msk [tilespmem:v14+s22+$0x0], $0xffff;
	s4 =	sor.u32 s9, s4  }
0x30b: {  	v11 =	vld.idx.msk [tilespmem:v11+s22+$0x0], $0xffff;
	[tilespmem:s4+$0x15100] =	vst v16  }
0x30c: {  	[tilespmem:s4+$0x18D00] =	vst v21  }
0x30d: {  	v49 =	vunpack.i.u.bf16.f32 v19;
	[tilespmem:s4+$0x18B00] =	vst v17  }
0x30e: {  	v50 =	vunpack.i.l.bf16.f32 v19;
	[tilespmem:s4+$0x18900] =	vst v49  }
0x30f: {  	v51 =	vunpack.i.u.bf16.f32 v24;
	[tilespmem:s4+$0x18700] =	vst v50  }
0x310: {  	v52 =	vunpack.i.l.bf16.f32 v24;
	[tilespmem:s4+$0x18500] =	vst v51  }
0x311: {  	v55 =	vunpack.i.u.bf16.f32 v15;
	[tilespmem:s4+$0x18300] =	vst v52  }
0x312: {  	v56 =	vunpack.i.l.bf16.f32 v15;
	[tilespmem:s4+$0x16D00] =	vst v55  }
0x313: {  	v59 =	vunpack.i.u.bf16.f32 v12;
	[tilespmem:s4+$0x16B00] =	vst v56  }
0x314: {  	v60 =	vunpack.i.l.bf16.f32 v12;
	[tilespmem:s4+$0x15900] =	vst v59  }
0x315: {  	[tilespmem:s4+$0x15700] =	vst v60  }
0x316: {  	v53 =	vunpack.i.u.bf16.f32 v20;
	[tilespmem:s4+$0x14F00] =	vst v9  }
0x317: {  	v54 =	vunpack.i.l.bf16.f32 v20;
	[tilespmem:s4+$0x17D00] =	vst v53  }
0x318: {  	[tilespmem:s4+$0x17B00] =	vst v54;
	v57 =	vunpack.i.u.bf16.f32 v25  }
0x319: {  	v58 =	vunpack.i.l.bf16.f32 v25;
	[tilespmem:s4+$0x16100] =	vst v57  }
0x31a: {  	v61 =	vunpack.i.l.bf16.f32 v26;
	[tilespmem:s4+$0x15F00] =	vst v58  }
0x31b: {  	v9 =	vunpack.i.l.bf16.f32 v13;
	[tilespmem:s4+$0x17700] =	vst v61  }
0x31c: {  	v62 =	vunpack.i.u.bf16.f32 v18;
	[tilespmem:s4+$0x15300] =	vst v9  }
0x31d: {  	v63 =	vunpack.i.u.bf16.f32 v26;
	[tilespmem:s4+$0x15D00] =	vst v62  }
0x31e: {  	v9 =	vunpack.i.u.bf16.f32 v10;
	[tilespmem:s4+$0x17900] =	vst v63  }
0x31f: {  	v10 =	vunpack.i.l.bf16.f32 v10;
	[tilespmem:s4+$0x16500] =	vst v9  }
0x320: {  	v9 =	vunpack.i.u.bf16.f32 v13;
	[tilespmem:s4+$0x16300] =	vst v10  }
0x321: {  	v10 =	vunpack.i.l.bf16.f32 v18;
	[tilespmem:s4+$0x15500] =	vst v9  }
0x322: {  	v9 =	vunpack.i.l.bf16.f32 v23;
	[tilespmem:s4+$0x15B00] =	vst v10  }
0x323: {  	v10 =	vunpack.i.u.bf16.f32 v11;
	[tilespmem:s4+$0x16F00] =	vst v9  }
0x324: {  	v9 =	vunpack.i.u.bf16.f32 v23;
	[tilespmem:s4+$0x16900] =	vst v10  }
0x325: {  	s28 =	sadd.s32 $0x1, s28;
	v10 =	vunpack.i.u.bf16.f32 v22;
	[tilespmem:s4+$0x17100] =	vst v9  }
0x326: {  	p0 =	sne.s32 s28, $0x10;
	v9 =	vunpack.i.l.bf16.f32 v14;
	[tilespmem:s4+$0x18100] =	vst v10  }
.Ltmp9:
0x327: {  	v10 =	vunpack.i.l.bf16.f32 v22;
	[tilespmem:s4+$0x17300] =	vst v9;
	(pc) =	sbr.rel @p0 .LBB2_16-.Ltmp9, $4  }
0x328: {  	v9 =	vunpack.i.u.bf16.f32 v14;
	[tilespmem:s4+$0x17F00] =	vst v10  }
0x329: {  	[tilespmem:s4+$0x17500] =	vst v9;
	v9 =	vunpack.i.l.bf16.f32 v11  }
0x32a: {  	s13 =	sadd.s32 s5, s11;
	[tilespmem:s4+$0x16700] =	vst v9  }
0x32b: {  	[hbm4b:s13+s29] =	stream.strided.scatter [tilespmem:s0], [sflag:$0x2], $0x4000, s30, s29, $0x38;
	[tilespmem:$0x18F00] =	vst v63  }
0x32c: {  	_ =	swait.ge [sflag:s25], $0x4000  }
0x32d: {  	[sflag:s25] =	ssyncset.done $0x0  }
0x32e: {  	[sflag:s25] =	ssyncadd.s32 $0xFFFFC000  }
0x32f: {  	_ =	swait.ge [sflag:s25], $0x4000  }
0x330: {  	[sflag:s25] =	ssyncset.done $0x0  }
0x331: {  	s26 =	simm.s32 $0x0;
	s28 =	simm.s32 $0x0;
	[sflag:s25] =	ssyncadd.s32 $0xFFFFC000  }
.LBB2_22:
0x332: {  	s4 =	sshll.u32 s28, $0x3  }
0x333: {  	_ =	swait.ge [sflag:s1], $0x4000;
	s5 =	sadd.s32 $0x0, s4  }
0x334: {  	s8 =	sand.u32 $0x70, s26;
	[sflag:s1] =	ssyncset.done $0x0;
	s5 =	sshll.u32 s5, $0x7  }
0x335: {  	[sflag:s1] =	ssyncadd.s32 $0xFFFFC000;
	s5 =	sor.u32 s8, s5  }
0x336: {  	v9 =	vld [tilespmem:s5+$0x8F00]  }
0x337: {  	v10 =	vld [tilespmem:s5+$0xCF00];
	_ =	sdelay $0x3  }
0x338: {  	v9 =	vshll.u32 v9, $0x2  }
0x339: {  	v9 =	vadd.s32 v10, v9  }
0x33a: {  	v10 =	vadd.s32 $0x8AC, v9  }
0x33b: {  	v11 =	vadd.s32 $0x784, v9  }
0x33c: {  	v12 =	vadd.s32 $0x40C, v9  }
0x33d: {  	v14 =	vadd.s32 $0x128, v9  }
0x33e: {  	v16 =	vadd.s32 $0x818, v9;
	v17 =	vld.idx.msk [tilespmem:v9+s22+$0x0], $0xffff  }
0x33f: {  	v20 =	vadd.s32 $0x65C, v9;
	v27 =	vld.idx.msk [tilespmem:v10+s22+$0x0], $0xffff  }
0x340: {  	v10 =	vadd.s32 $0x2E4, v9;
	v24 =	vld.idx.msk [tilespmem:v11+s22+$0x0], $0xffff  }
0x341: {  	v15 =	vld.idx.msk [tilespmem:v12+s22+$0x0], $0xffff  }
0x342: {  	v13 =	vadd.s32 $0x94, v9;
	v18 =	vadd.s32 $0x1BC, v9;
	v25 =	vadd.s32 $0x250, v9;
	v12 =	vld.idx.msk [tilespmem:v14+s22+$0x0], $0xffff  }
0x343: {  	v23 =	vadd.s32 $0x4A0, v9;
	v22 =	vadd.s32 $0x6F0, v9;
	v26 =	vadd.s32 $0x5C8, v9;
	v19 =	vld.idx.msk [tilespmem:v16+s22+$0x0], $0xffff  }
0x344: {  	v11 =	vadd.s32 $0x378, v9;
	v14 =	vadd.s32 $0x534, v9;
	v20 =	vld.idx.msk [tilespmem:v20+s22+$0x0], $0xffff;
	v16 =	vunpack.i.u.bf16.f32 v17  }
0x345: {  	s6 =	simm.s32 $0x1;
	s7 =	simm.s32 $0x0;
	s5 =	simm.s32 $0x0;
	v9 =	vunpack.i.l.bf16.f32 v17;
	v10 =	vld.idx.msk [tilespmem:v10+s22+$0x0], $0xffff;
	v21 =	vunpack.i.u.bf16.f32 v27;
	v17 =	vunpack.i.l.bf16.f32 v27  }
.LBB2_23:
0x346: {  	p0 =	sne.s32 s6, $0x1F  }
0x347: {  	v25 =	vld.idx.msk [tilespmem:v25+s22+$0x0], $0xffff;
	v27 =	vunpack.i.u.bf16.f32 v24;
	v24 =	vunpack.i.l.bf16.f32 v24;
	s7 =	sadd.s32 $0x10, s7;
	s9 =	smov.u32 s6;
	s6 =	sadd.s32 $0x1, s6  }
0x348: {  	v28 =	vunpack.i.u.bf16.f32 v15;
	v26 =	vld.idx.msk [tilespmem:v26+s22+$0x0], $0xffff  }
0x349: {  	v15 =	vunpack.i.l.bf16.f32 v15;
	v18 =	vld.idx.msk [tilespmem:v18+s22+$0x0], $0xffff  }
0x34a: {  	v13 =	vld.idx.msk [tilespmem:v13+s22+$0x0], $0xffff  }
0x34b: {  	v29 =	vunpack.i.u.bf16.f32 v19;
	v23 =	vld.idx.msk [tilespmem:v23+s22+$0x0], $0xffff  }
0x34c: {  	s12 =	sshll.u32 s5, $0x4;
	v30 =	vunpack.i.u.bf16.f32 v12;
	v12 =	vunpack.i.l.bf16.f32 v12;
	s5 =	smov.u32 s9;
	v31 =	vunpack.i.u.bf16.f32 v20;
	v22 =	vld.idx.msk [tilespmem:v22+s22+$0x0], $0xffff  }
0x34d: {  	s9 =	sand.u32 $0x3FFFFF80, s12;
	v19 =	vunpack.i.l.bf16.f32 v19;
	v20 =	vunpack.i.l.bf16.f32 v20;
	v32 =	vunpack.i.u.bf16.f32 v25;
	v14 =	vld.idx.msk [tilespmem:v14+s22+$0x0], $0xffff  }
0x34e: {  	s9 =	sor.u32 s8, s9;
	v33 =	vunpack.i.u.bf16.f32 v10;
	v10 =	vunpack.i.l.bf16.f32 v10;
	v25 =	vunpack.i.l.bf16.f32 v25;
	v11 =	vld.idx.msk [tilespmem:v11+s22+$0x0], $0xffff  }
0x34f: {  	v35 =	vunpack.i.l.bf16.f32 v26;
	v34 =	vunpack.i.u.bf16.f32 v18;
	v18 =	vunpack.i.l.bf16.f32 v18;
	[tilespmem:s9+$0x11100] =	vst v16  }
0x350: {  	v26 =	vunpack.i.u.bf16.f32 v26;
	v16 =	vunpack.i.u.bf16.f32 v13;
	v13 =	vunpack.i.l.bf16.f32 v13;
	[tilespmem:s9+$0x14D00] =	vst v21  }
0x351: {  	v21 =	vunpack.i.u.bf16.f32 v23;
	v23 =	vunpack.i.l.bf16.f32 v23;
	[tilespmem:s9+$0x14B00] =	vst v17  }
0x352: {  	v17 =	vunpack.i.u.bf16.f32 v22;
	v22 =	vunpack.i.l.bf16.f32 v22;
	[tilespmem:s9+$0x14900] =	vst v29  }
0x353: {  	v29 =	vunpack.i.u.bf16.f32 v14;
	[tilespmem:s9+$0x14700] =	vst v19  }
0x354: {  	v14 =	vunpack.i.l.bf16.f32 v14;
	v19 =	vunpack.i.u.bf16.f32 v11;
	v11 =	vunpack.i.l.bf16.f32 v11;
	[tilespmem:s9+$0x14500] =	vst v27  }
0x355: {  	[tilespmem:s9+$0x14300] =	vst v24  }
0x356: {  	[tilespmem:s9+$0x13D00] =	vst v31  }
0x357: {  	[tilespmem:s9+$0x13B00] =	vst v20  }
0x358: {  	[tilespmem:s9+$0x12D00] =	vst v28  }
0x359: {  	[tilespmem:s9+$0x12B00] =	vst v15  }
0x35a: {  	[tilespmem:s9+$0x12100] =	vst v32  }
0x35b: {  	[tilespmem:s9+$0x11F00] =	vst v25  }
0x35c: {  	[tilespmem:s9+$0x11900] =	vst v30  }
0x35d: {  	[tilespmem:s9+$0x11700] =	vst v12  }
0x35e: {  	[tilespmem:s9+$0x10F00] =	vst v9  }
0x35f: {  	[tilespmem:s9+$0x13700] =	vst v35  }
0x360: {  	[tilespmem:s9+$0x11300] =	vst v13  }
0x361: {  	[tilespmem:s9+$0x11D00] =	vst v34  }
0x362: {  	[tilespmem:s9+$0x12500] =	vst v33  }
0x363: {  	[tilespmem:s9+$0x13900] =	vst v26  }
0x364: {  	[tilespmem:s9+$0x11500] =	vst v16  }
0x365: {  	[tilespmem:s9+$0x12300] =	vst v10  }
0x366: {  	[tilespmem:s9+$0x12F00] =	vst v23  }
0x367: {  	[tilespmem:s9+$0x11B00] =	vst v18  }
0x368: {  	[tilespmem:s9+$0x13100] =	vst v21  }
0x369: {  	[tilespmem:s9+$0x12900] =	vst v19  }
0x36a: {  	[tilespmem:s9+$0x13300] =	vst v14  }
0x36b: {  	s8 =	sshrl.u32 s5, $0x3;
	[tilespmem:s9+$0x14100] =	vst v17  }
0x36c: {  	s12 =	sadd.s32 s4, s8;
	[tilespmem:s9+$0x13500] =	vst v29  }
0x36d: {  	s8 =	sand.u32 $0x70, s7;
	s12 =	sshll.u32 s12, $0x7;
	[tilespmem:s9+$0x13F00] =	vst v22  }
0x36e: {  	s12 =	sor.u32 s8, s12;
	[tilespmem:s9+$0x12700] =	vst v11  }
0x36f: {  	v9 =	vld [tilespmem:s12+$0x8F00]  }
0x370: {  	v10 =	vld [tilespmem:s12+$0xCF00];
	_ =	sdelay $0x3  }
0x371: {  	v9 =	vshll.u32 v9, $0x2  }
0x372: {  	v9 =	vadd.s32 v10, v9  }
0x373: {  	v13 =	vadd.s32 $0x94, v9;
	v10 =	vadd.s32 $0x128, v9;
	v12 =	vadd.s32 $0x8AC, v9  }
0x374: {  	v18 =	vadd.s32 $0x1BC, v9;
	v25 =	vadd.s32 $0x250, v9;
	v15 =	vadd.s32 $0x784, v9  }
0x375: {  	v11 =	vadd.s32 $0x378, v9;
	v16 =	vadd.s32 $0x40C, v9;
	v23 =	vadd.s32 $0x4A0, v9  }
0x376: {  	v14 =	vadd.s32 $0x534, v9;
	v22 =	vadd.s32 $0x6F0, v9;
	v17 =	vadd.s32 $0x818, v9  }
0x377: {  	v21 =	vadd.s32 $0x2E4, v9;
	v26 =	vadd.s32 $0x5C8, v9;
	v27 =	vadd.s32 $0x65C, v9;
	v20 =	vld.idx.msk [tilespmem:v9+s22+$0x0], $0xffff  }
0x378: {  	v28 =	vld.idx.msk [tilespmem:v12+s22+$0x0], $0xffff  }
0x379: {  	v24 =	vld.idx.msk [tilespmem:v15+s22+$0x0], $0xffff  }
.Ltmp10:
0x37a: {  	v15 =	vld.idx.msk [tilespmem:v16+s22+$0x0], $0xffff;
	(pc) =	sbr.rel @p0 .LBB2_23-.Ltmp10, $4  }
0x37b: {  	v12 =	vld.idx.msk [tilespmem:v10+s22+$0x0], $0xffff  }
0x37c: {  	v19 =	vld.idx.msk [tilespmem:v17+s22+$0x0], $0xffff  }
0x37d: {  	v16 =	vunpack.i.u.bf16.f32 v20;
	v9 =	vunpack.i.l.bf16.f32 v20;
	v20 =	vld.idx.msk [tilespmem:v27+s22+$0x0], $0xffff  }
0x37e: {  	v17 =	vunpack.i.l.bf16.f32 v28;
	v10 =	vld.idx.msk [tilespmem:v21+s22+$0x0], $0xffff;
	v21 =	vunpack.i.u.bf16.f32 v28  }
0x37f: {  	_ =	sdelay $0x3  }
0x380: {  	v25 =	vld.idx.msk [tilespmem:v25+s22+$0x0], $0xffff  }
0x381: {  	v26 =	vld.idx.msk [tilespmem:v26+s22+$0x0], $0xffff  }
0x382: {  	v18 =	vld.idx.msk [tilespmem:v18+s22+$0x0], $0xffff  }
0x383: {  	v13 =	vld.idx.msk [tilespmem:v13+s22+$0x0], $0xffff  }
0x384: {  	v23 =	vld.idx.msk [tilespmem:v23+s22+$0x0], $0xffff;
	s5 =	sshll.u32 s5, $0x4  }
0x385: {  	v22 =	vld.idx.msk [tilespmem:v22+s22+$0x0], $0xffff;
	s5 =	sand.u32 $0x3FFFFF80, s5  }
0x386: {  	v14 =	vld.idx.msk [tilespmem:v14+s22+$0x0], $0xffff;
	s6 =	sor.u32 s8, s5  }
0x387: {  	v11 =	vld.idx.msk [tilespmem:v11+s22+$0x0], $0xffff;
	[tilespmem:s6+$0x11100] =	vst v16  }
0x388: {  	[tilespmem:s6+$0x14D00] =	vst v21  }
0x389: {  	[tilespmem:s6+$0x14B00] =	vst v17  }
0x38a: {  	v16 =	vunpack.i.u.bf16.f32 v19;
	[tilespmem:s6+$0x10F00] =	vst v9  }
0x38b: {  	v17 =	vunpack.i.l.bf16.f32 v19;
	[tilespmem:s6+$0x14900] =	vst v16  }
0x38c: {  	v16 =	vunpack.i.u.bf16.f32 v24;
	[tilespmem:s6+$0x14700] =	vst v17  }
0x38d: {  	v17 =	vunpack.i.l.bf16.f32 v24;
	[tilespmem:s6+$0x14500] =	vst v16  }
0x38e: {  	v16 =	vunpack.i.u.bf16.f32 v20;
	[tilespmem:s6+$0x14300] =	vst v17  }
0x38f: {  	v17 =	vunpack.i.l.bf16.f32 v20;
	[tilespmem:s6+$0x13D00] =	vst v16  }
0x390: {  	v9 =	vunpack.i.l.bf16.f32 v13;
	[tilespmem:s6+$0x13B00] =	vst v17  }
0x391: {  	v16 =	vunpack.i.u.bf16.f32 v15;
	[tilespmem:s6+$0x11300] =	vst v9  }
0x392: {  	v15 =	vunpack.i.l.bf16.f32 v15;
	[tilespmem:s6+$0x12D00] =	vst v16  }
0x393: {  	v9 =	vunpack.i.u.bf16.f32 v10;
	[tilespmem:s6+$0x12B00] =	vst v15  }
0x394: {  	v10 =	vunpack.i.l.bf16.f32 v10;
	[tilespmem:s6+$0x12500] =	vst v9  }
0x395: {  	v16 =	vunpack.i.u.bf16.f32 v25;
	[tilespmem:s6+$0x12300] =	vst v10  }
0x396: {  	v15 =	vunpack.i.l.bf16.f32 v25;
	[tilespmem:s6+$0x12100] =	vst v16  }
0x397: {  	v9 =	vunpack.i.u.bf16.f32 v13;
	[tilespmem:s6+$0x11F00] =	vst v15  }
0x398: {  	v10 =	vunpack.i.l.bf16.f32 v18;
	[tilespmem:s6+$0x11500] =	vst v9  }
0x399: {  	v16 =	vunpack.i.u.bf16.f32 v12;
	[tilespmem:s6+$0x11B00] =	vst v10  }
0x39a: {  	v12 =	vunpack.i.l.bf16.f32 v12;
	[tilespmem:s6+$0x11900] =	vst v16  }
0x39b: {  	v9 =	vunpack.i.l.bf16.f32 v23;
	[tilespmem:s6+$0x11700] =	vst v12  }
0x39c: {  	v10 =	vunpack.i.u.bf16.f32 v11;
	[tilespmem:s6+$0x12F00] =	vst v9  }
0x39d: {  	v12 =	vunpack.i.l.bf16.f32 v26;
	[tilespmem:s6+$0x12900] =	vst v10  }
0x39e: {  	v9 =	vunpack.i.u.bf16.f32 v23;
	[tilespmem:s6+$0x13700] =	vst v12  }
0x39f: {  	v10 =	vunpack.i.u.bf16.f32 v22;
	[tilespmem:s6+$0x13100] =	vst v9  }
0x3a0: {  	v12 =	vunpack.i.u.bf16.f32 v18;
	[tilespmem:s6+$0x14100] =	vst v10  }
0x3a1: {  	v9 =	vunpack.i.l.bf16.f32 v14;
	[tilespmem:s6+$0x11D00] =	vst v12  }
0x3a2: {  	v10 =	vunpack.i.l.bf16.f32 v22;
	[tilespmem:s6+$0x13300] =	vst v9  }
0x3a3: {  	v12 =	vunpack.i.u.bf16.f32 v26;
	[tilespmem:s6+$0x13F00] =	vst v10  }
0x3a4: {  	s12 =	sshll.u32 s28, $0x7;
	v9 =	vunpack.i.u.bf16.f32 v14;
	[tilespmem:s6+$0x13900] =	vst v12  }
0x3a5: {  	s5 =	sadd.s32 s18, s12;
	[tilespmem:s6+$0x13500] =	vst v9;
	v9 =	vunpack.i.l.bf16.f32 v11  }
0x3a6: {  	s13 =	sadd.s32 s2, s5;
	[tilespmem:s6+$0x12700] =	vst v9  }
0x3a7: {  	[hbm4b:s13+s29] =	stream.strided.scatter [tilespmem:s31], [sflag:$0x1], $0x4000, s30, s29, $0x38;
	[tilespmem:$0x18F00] =	vst v63  }
0x3a8: {  	s7 =	sadd.s32 $0x0, s4;
	s6 =	simm.s32 $0x0;
	_ =	swait.ge [sflag:s23], $0x4000  }
0x3a9: {  	s7 =	sshll.u32 s7, $0x7;
	s9 =	sand.u32 $0x70, s6;
	[sflag:s23] =	ssyncset.done $0x0  }
0x3aa: {  	s7 =	sor.u32 s9, s7;
	[sflag:s23] =	ssyncadd.s32 $0xFFFFC000  }
0x3ab: {  	v9 =	vld [tilespmem:s7+$0x9100]  }
0x3ac: {  	v10 =	vld [tilespmem:s7+$0xD100];
	_ =	sdelay $0x3  }
0x3ad: {  	v9 =	vshll.u32 v9, $0x2  }
0x3ae: {  	v9 =	vadd.s32 v10, v9  }
0x3af: {  	v10 =	vadd.s32 $0x8AC, v9  }
0x3b0: {  	v11 =	vadd.s32 $0x784, v9  }
0x3b1: {  	v12 =	vadd.s32 $0x40C, v9  }
0x3b2: {  	v14 =	vadd.s32 $0x128, v9  }
0x3b3: {  	v16 =	vadd.s32 $0x818, v9;
	v17 =	vld.idx.msk [tilespmem:v9+s22+$0x0], $0xffff  }
0x3b4: {  	v20 =	vadd.s32 $0x65C, v9;
	v27 =	vld.idx.msk [tilespmem:v10+s22+$0x0], $0xffff  }
0x3b5: {  	v10 =	vadd.s32 $0x2E4, v9;
	v24 =	vld.idx.msk [tilespmem:v11+s22+$0x0], $0xffff  }
0x3b6: {  	v15 =	vld.idx.msk [tilespmem:v12+s22+$0x0], $0xffff  }
0x3b7: {  	v13 =	vadd.s32 $0x94, v9;
	v18 =	vadd.s32 $0x1BC, v9;
	v25 =	vadd.s32 $0x250, v9;
	v12 =	vld.idx.msk [tilespmem:v14+s22+$0x0], $0xffff  }
0x3b8: {  	v23 =	vadd.s32 $0x4A0, v9;
	v22 =	vadd.s32 $0x6F0, v9;
	v26 =	vadd.s32 $0x5C8, v9;
	v19 =	vld.idx.msk [tilespmem:v16+s22+$0x0], $0xffff  }
0x3b9: {  	v11 =	vadd.s32 $0x378, v9;
	v14 =	vadd.s32 $0x534, v9;
	v20 =	vld.idx.msk [tilespmem:v20+s22+$0x0], $0xffff;
	v16 =	vunpack.i.u.bf16.f32 v17  }
0x3ba: {  	s8 =	simm.s32 $0x1;
	s7 =	simm.s32 $0x0;
	v9 =	vunpack.i.l.bf16.f32 v17;
	v10 =	vld.idx.msk [tilespmem:v10+s22+$0x0], $0xffff;
	v21 =	vunpack.i.u.bf16.f32 v27;
	v17 =	vunpack.i.l.bf16.f32 v27  }
.LBB2_25:
0x3bb: {  	p0 =	sne.s32 s8, $0x1F  }
0x3bc: {  	v25 =	vld.idx.msk [tilespmem:v25+s22+$0x0], $0xffff;
	v27 =	vunpack.i.u.bf16.f32 v24;
	v24 =	vunpack.i.l.bf16.f32 v24;
	s6 =	sadd.s32 $0x10, s6;
	s12 =	smov.u32 s8;
	s8 =	sadd.s32 $0x1, s8  }
0x3bd: {  	v28 =	vunpack.i.u.bf16.f32 v15;
	v26 =	vld.idx.msk [tilespmem:v26+s22+$0x0], $0xffff  }
0x3be: {  	v15 =	vunpack.i.l.bf16.f32 v15;
	v18 =	vld.idx.msk [tilespmem:v18+s22+$0x0], $0xffff  }
0x3bf: {  	v13 =	vld.idx.msk [tilespmem:v13+s22+$0x0], $0xffff  }
0x3c0: {  	v29 =	vunpack.i.u.bf16.f32 v19;
	v23 =	vld.idx.msk [tilespmem:v23+s22+$0x0], $0xffff  }
0x3c1: {  	s13 =	sshll.u32 s7, $0x4;
	v30 =	vunpack.i.u.bf16.f32 v12;
	v12 =	vunpack.i.l.bf16.f32 v12;
	s7 =	smov.u32 s12;
	v31 =	vunpack.i.u.bf16.f32 v20;
	v22 =	vld.idx.msk [tilespmem:v22+s22+$0x0], $0xffff  }
0x3c2: {  	s12 =	sand.u32 $0x3FFFFF80, s13;
	v19 =	vunpack.i.l.bf16.f32 v19;
	v20 =	vunpack.i.l.bf16.f32 v20;
	v32 =	vunpack.i.u.bf16.f32 v25;
	v14 =	vld.idx.msk [tilespmem:v14+s22+$0x0], $0xffff  }
0x3c3: {  	s12 =	sor.u32 s9, s12;
	v33 =	vunpack.i.u.bf16.f32 v10;
	v10 =	vunpack.i.l.bf16.f32 v10;
	v25 =	vunpack.i.l.bf16.f32 v25;
	v11 =	vld.idx.msk [tilespmem:v11+s22+$0x0], $0xffff  }
0x3c4: {  	v35 =	vunpack.i.l.bf16.f32 v26;
	v34 =	vunpack.i.u.bf16.f32 v18;
	v18 =	vunpack.i.l.bf16.f32 v18;
	[tilespmem:s12+$0x15100] =	vst v16  }
0x3c5: {  	v26 =	vunpack.i.u.bf16.f32 v26;
	v16 =	vunpack.i.u.bf16.f32 v13;
	v13 =	vunpack.i.l.bf16.f32 v13;
	[tilespmem:s12+$0x18D00] =	vst v21  }
0x3c6: {  	v21 =	vunpack.i.u.bf16.f32 v23;
	v23 =	vunpack.i.l.bf16.f32 v23;
	[tilespmem:s12+$0x18B00] =	vst v17  }
0x3c7: {  	v17 =	vunpack.i.u.bf16.f32 v22;
	v22 =	vunpack.i.l.bf16.f32 v22;
	[tilespmem:s12+$0x18900] =	vst v29  }
0x3c8: {  	v29 =	vunpack.i.u.bf16.f32 v14;
	[tilespmem:s12+$0x18700] =	vst v19  }
0x3c9: {  	v14 =	vunpack.i.l.bf16.f32 v14;
	v19 =	vunpack.i.u.bf16.f32 v11;
	v11 =	vunpack.i.l.bf16.f32 v11;
	[tilespmem:s12+$0x18500] =	vst v27  }
0x3ca: {  	[tilespmem:s12+$0x18300] =	vst v24  }
0x3cb: {  	[tilespmem:s12+$0x17D00] =	vst v31  }
0x3cc: {  	[tilespmem:s12+$0x17B00] =	vst v20  }
0x3cd: {  	[tilespmem:s12+$0x16D00] =	vst v28  }
0x3ce: {  	[tilespmem:s12+$0x16B00] =	vst v15  }
0x3cf: {  	[tilespmem:s12+$0x16100] =	vst v32  }
0x3d0: {  	[tilespmem:s12+$0x15F00] =	vst v25  }
0x3d1: {  	[tilespmem:s12+$0x15900] =	vst v30  }
0x3d2: {  	[tilespmem:s12+$0x15700] =	vst v12  }
0x3d3: {  	[tilespmem:s12+$0x14F00] =	vst v9  }
0x3d4: {  	[tilespmem:s12+$0x17700] =	vst v35  }
0x3d5: {  	[tilespmem:s12+$0x15300] =	vst v13  }
0x3d6: {  	[tilespmem:s12+$0x15D00] =	vst v34  }
0x3d7: {  	[tilespmem:s12+$0x16500] =	vst v33  }
0x3d8: {  	[tilespmem:s12+$0x17900] =	vst v26  }
0x3d9: {  	[tilespmem:s12+$0x15500] =	vst v16  }
0x3da: {  	[tilespmem:s12+$0x16300] =	vst v10  }
0x3db: {  	[tilespmem:s12+$0x16F00] =	vst v23  }
0x3dc: {  	[tilespmem:s12+$0x15B00] =	vst v18  }
0x3dd: {  	[tilespmem:s12+$0x17100] =	vst v21  }
0x3de: {  	[tilespmem:s12+$0x16900] =	vst v19  }
0x3df: {  	[tilespmem:s12+$0x17300] =	vst v14  }
0x3e0: {  	s9 =	sshrl.u32 s7, $0x3;
	[tilespmem:s12+$0x18100] =	vst v17  }
0x3e1: {  	s13 =	sadd.s32 s4, s9;
	[tilespmem:s12+$0x17500] =	vst v29  }
0x3e2: {  	s9 =	sand.u32 $0x70, s6;
	s13 =	sshll.u32 s13, $0x7;
	[tilespmem:s12+$0x17F00] =	vst v22  }
0x3e3: {  	s13 =	sor.u32 s9, s13;
	[tilespmem:s12+$0x16700] =	vst v11  }
0x3e4: {  	v9 =	vld [tilespmem:s13+$0x9100]  }
0x3e5: {  	v10 =	vld [tilespmem:s13+$0xD100];
	_ =	sdelay $0x3  }
0x3e6: {  	v9 =	vshll.u32 v9, $0x2  }
0x3e7: {  	v9 =	vadd.s32 v10, v9  }
0x3e8: {  	v13 =	vadd.s32 $0x94, v9;
	v10 =	vadd.s32 $0x128, v9;
	v12 =	vadd.s32 $0x8AC, v9  }
0x3e9: {  	v18 =	vadd.s32 $0x1BC, v9;
	v25 =	vadd.s32 $0x250, v9;
	v15 =	vadd.s32 $0x784, v9  }
0x3ea: {  	v11 =	vadd.s32 $0x378, v9;
	v16 =	vadd.s32 $0x40C, v9;
	v23 =	vadd.s32 $0x4A0, v9  }
0x3eb: {  	v14 =	vadd.s32 $0x534, v9;
	v22 =	vadd.s32 $0x6F0, v9;
	v17 =	vadd.s32 $0x818, v9  }
0x3ec: {  	v21 =	vadd.s32 $0x2E4, v9;
	v26 =	vadd.s32 $0x5C8, v9;
	v27 =	vadd.s32 $0x65C, v9;
	v20 =	vld.idx.msk [tilespmem:v9+s22+$0x0], $0xffff  }
0x3ed: {  	v28 =	vld.idx.msk [tilespmem:v12+s22+$0x0], $0xffff  }
0x3ee: {  	v24 =	vld.idx.msk [tilespmem:v15+s22+$0x0], $0xffff  }
.Ltmp11:
0x3ef: {  	v15 =	vld.idx.msk [tilespmem:v16+s22+$0x0], $0xffff;
	(pc) =	sbr.rel @p0 .LBB2_25-.Ltmp11, $4  }
0x3f0: {  	v12 =	vld.idx.msk [tilespmem:v10+s22+$0x0], $0xffff  }
0x3f1: {  	v19 =	vld.idx.msk [tilespmem:v17+s22+$0x0], $0xffff  }
0x3f2: {  	v16 =	vunpack.i.u.bf16.f32 v20;
	v9 =	vunpack.i.l.bf16.f32 v20;
	v20 =	vld.idx.msk [tilespmem:v27+s22+$0x0], $0xffff  }
0x3f3: {  	v17 =	vunpack.i.l.bf16.f32 v28;
	v10 =	vld.idx.msk [tilespmem:v21+s22+$0x0], $0xffff;
	v21 =	vunpack.i.u.bf16.f32 v28  }
0x3f4: {  	_ =	sdelay $0x3  }
0x3f5: {  	v25 =	vld.idx.msk [tilespmem:v25+s22+$0x0], $0xffff  }
0x3f6: {  	v26 =	vld.idx.msk [tilespmem:v26+s22+$0x0], $0xffff  }
0x3f7: {  	v18 =	vld.idx.msk [tilespmem:v18+s22+$0x0], $0xffff  }
0x3f8: {  	v13 =	vld.idx.msk [tilespmem:v13+s22+$0x0], $0xffff  }
0x3f9: {  	v23 =	vld.idx.msk [tilespmem:v23+s22+$0x0], $0xffff;
	s4 =	sshll.u32 s7, $0x4  }
0x3fa: {  	v22 =	vld.idx.msk [tilespmem:v22+s22+$0x0], $0xffff;
	s4 =	sand.u32 $0x3FFFFF80, s4  }
0x3fb: {  	v14 =	vld.idx.msk [tilespmem:v14+s22+$0x0], $0xffff;
	s4 =	sor.u32 s9, s4  }
0x3fc: {  	v11 =	vld.idx.msk [tilespmem:v11+s22+$0x0], $0xffff;
	[tilespmem:s4+$0x15100] =	vst v16  }
0x3fd: {  	[tilespmem:s4+$0x18D00] =	vst v21  }
0x3fe: {  	v49 =	vunpack.i.u.bf16.f32 v19;
	[tilespmem:s4+$0x18B00] =	vst v17  }
0x3ff: {  	v50 =	vunpack.i.l.bf16.f32 v19;
	[tilespmem:s4+$0x18900] =	vst v49  }
0x400: {  	v51 =	vunpack.i.u.bf16.f32 v24;
	[tilespmem:s4+$0x18700] =	vst v50  }
0x401: {  	v52 =	vunpack.i.l.bf16.f32 v24;
	[tilespmem:s4+$0x18500] =	vst v51  }
0x402: {  	v55 =	vunpack.i.u.bf16.f32 v15;
	[tilespmem:s4+$0x18300] =	vst v52  }
0x403: {  	v56 =	vunpack.i.l.bf16.f32 v15;
	[tilespmem:s4+$0x16D00] =	vst v55  }
0x404: {  	v59 =	vunpack.i.u.bf16.f32 v12;
	[tilespmem:s4+$0x16B00] =	vst v56  }
0x405: {  	v60 =	vunpack.i.l.bf16.f32 v12;
	[tilespmem:s4+$0x15900] =	vst v59  }
0x406: {  	[tilespmem:s4+$0x15700] =	vst v60  }
0x407: {  	v53 =	vunpack.i.u.bf16.f32 v20;
	[tilespmem:s4+$0x14F00] =	vst v9  }
0x408: {  	v54 =	vunpack.i.l.bf16.f32 v20;
	[tilespmem:s4+$0x17D00] =	vst v53  }
0x409: {  	[tilespmem:s4+$0x17B00] =	vst v54;
	v57 =	vunpack.i.u.bf16.f32 v25  }
0x40a: {  	v58 =	vunpack.i.l.bf16.f32 v25;
	[tilespmem:s4+$0x16100] =	vst v57  }
0x40b: {  	v61 =	vunpack.i.l.bf16.f32 v26;
	[tilespmem:s4+$0x15F00] =	vst v58  }
0x40c: {  	v9 =	vunpack.i.l.bf16.f32 v13;
	[tilespmem:s4+$0x17700] =	vst v61  }
0x40d: {  	v62 =	vunpack.i.u.bf16.f32 v18;
	[tilespmem:s4+$0x15300] =	vst v9  }
0x40e: {  	v63 =	vunpack.i.u.bf16.f32 v26;
	[tilespmem:s4+$0x15D00] =	vst v62  }
0x40f: {  	v9 =	vunpack.i.u.bf16.f32 v10;
	[tilespmem:s4+$0x17900] =	vst v63  }
0x410: {  	v10 =	vunpack.i.l.bf16.f32 v10;
	[tilespmem:s4+$0x16500] =	vst v9  }
0x411: {  	v9 =	vunpack.i.u.bf16.f32 v13;
	[tilespmem:s4+$0x16300] =	vst v10  }
0x412: {  	v10 =	vunpack.i.l.bf16.f32 v18;
	[tilespmem:s4+$0x15500] =	vst v9  }
0x413: {  	v9 =	vunpack.i.l.bf16.f32 v23;
	[tilespmem:s4+$0x15B00] =	vst v10  }
0x414: {  	v10 =	vunpack.i.u.bf16.f32 v11;
	[tilespmem:s4+$0x16F00] =	vst v9  }
0x415: {  	v9 =	vunpack.i.u.bf16.f32 v23;
	[tilespmem:s4+$0x16900] =	vst v10  }
0x416: {  	s28 =	sadd.s32 $0x1, s28;
	v10 =	vunpack.i.u.bf16.f32 v22;
	[tilespmem:s4+$0x17100] =	vst v9  }
0x417: {  	p0 =	sne.s32 s28, $0x10;
	v9 =	vunpack.i.l.bf16.f32 v14;
	[tilespmem:s4+$0x18100] =	vst v10  }
.Ltmp12:
0x418: {  	v10 =	vunpack.i.l.bf16.f32 v22;
	[tilespmem:s4+$0x17300] =	vst v9;
	(pc) =	sbr.rel @p0 .LBB2_22-.Ltmp12, $4  }
0x419: {  	v9 =	vunpack.i.u.bf16.f32 v14;
	[tilespmem:s4+$0x17F00] =	vst v10  }
0x41a: {  	[tilespmem:s4+$0x17500] =	vst v9;
	v9 =	vunpack.i.l.bf16.f32 v11  }
0x41b: {  	s13 =	sadd.s32 s5, s11;
	[tilespmem:s4+$0x16700] =	vst v9  }
0x41c: {  	[hbm4b:s13+s29] =	stream.strided.scatter [tilespmem:s0], [sflag:$0x2], $0x4000, s30, s29, $0x38;
	[tilespmem:$0x18F00] =	vst v63  }
0x41d: {  	s24 =	sadd.s32 $0x1, s24  }
0x41e: {  	_ =	swait.ge [sflag:s1], $0x4000;
	p0 =	sne.s32 s24, s19  }
.Ltmp13:
0x41f: {  	[sflag:s1] =	ssyncset.done $0x0;
	(pc) =	sbr.rel @p0 .LBB2_1-.Ltmp13, $4  }
0x420: {  	[sflag:s1] =	ssyncadd.s32 $0xFFFFC000  }
0x421: {  	_ =	swait.ge [sflag:s23], $0x4000  }
0x422: {  	[sflag:s23] =	ssyncset.done $0x0  }
0x423: {  	[sflag:s23] =	ssyncadd.s32 $0xFFFFC000  }
0x424: {  	_ =	sfence.sel $0x180000  }
0x425: {  	[bflag:$0x0] =	sbarrier.arrive $0xFFFF  }
0x426: {  	_ =	strace $0x90000047  }
0x427: {  	s0 =	stileid.u32;
	[bflag:$0x2] =	sbarrier.arrive $0xFFFF  }
0x428: {  	p0 =	sne.s32 s0, $0x0;
	s0 =	rddreg [dreg:$0x4]  }
0x429: {  	s0 =	sadd.s32 @!p0 $0x100000, s0  }
0x42a: {  	[sflag:s0] =	ssyncadd.tile.s32 @!p0 $0x1;
	_ =	shalt  }
.Lfunc_end2:
_tile_overlayer_lowered:
.L_overlay_start_2:
0x42b: {  	(tag) =	ssettag $0x2  }
0x42c: {  	s0 =	rddreg [dreg:$0x0];
	s2 =	stileid.u32  }
0x42d: {  	s1 =	rddreg [dreg:$0x1];
	p0 =	sne.s32 s2, $0x0  }
0x42e: {  	s3 =	rddreg [dreg:$0x2];
	[bflag:$0x3] =	sbarrier.arrive $0xFFFF;
	s2 =	simm.s32 @!p0 $0x1C04  }
0x42f: {  	[timem:s3], [sflag:s2] =	dma.local @!p0 [hbm:s0], s1  }
0x430: {  	s0 =	simm.s32 @!p0 $0x4  }
0x431: {  	_ =	swait.ge @!p0 [sflag:s0], s1  }
0x432: {  	s1 =	ssub.s32 @!p0 $0x0, s1;
	[sflag:s0] =	ssyncset.done @!p0 $0x0  }
0x433: {  	[sflag:s0] =	ssyncadd.s32 @!p0 s1  }
0x434: {  	[bflag:$0x3] =	sbarrier.arrive $0xFFFF  }
0x435: {  	_ =	shalt  }

</sc_bundles>
